<compile_context>
chip_gen: v7x
topology: tpu7x:2x2x1
jax: 0.10.2.dev20260603
libtpu: 0.0.44.dev20260713+nightly
codegen_flags: <defaults>
</compile_context>

<pallas_src>
import functools

import jax
import jax.numpy as jnp
from jax import lax
from jax.experimental import pallas as pl
from jax.experimental.pallas import tpu as pltpu
from jax.experimental.pallas import tpu_sc as plsc

NC = 2
NS = 16
NW = NC * NS
CHW = 1024
HCAP = 2064


def _emb_body(ids_hbm, tab_t_hbm, out_hbm,
              idsv, chva, chvb, hid, hb, cid, cb,
              sema, semb, sem2, *tmps, B, V, D):
  sid = lax.axis_index("s")
  c = lax.axis_index("c")
  wid = sid * NC + c
  ncols_pad = ((V + 127) // 128) * 128
  nch = (V + CHW - 1) // CHW
  cpt = (nch + NW - 1) // NW
  smax = ncols_pad - CHW
  rows16 = lax.iota(jnp.int32, 16)

  lo_w = wid * cpt * CHW
  hi_w = jnp.minimum(lo_w + cpt * CHW, V)

  pltpu.sync_copy(ids_hbm, idsv)

  def pf(i, p):
    v = idsv[pl.ds(i * 16, 16)]
    v = jnp.where(v == -1, V - 1, v)
    m = (v >= lo_w) & (v < hi_w)
    plsc.store_compressed(hid.at[pl.ds(p, 16)], v, mask=m)
    plsc.store_compressed(hb.at[pl.ds(p, 16)], rows16 + i * 16, mask=m)
    return p + plsc.all_reduce_population_count(m)[0]

  nh = lax.fori_loop(0, B // 16, pf, 0)

  def start_of(t):
    k_c = jnp.minimum(wid * cpt + t, nch - 1)
    return k_c, pl.multiple_of(jnp.minimum(k_c * CHW, smax), 128)

  def fire(t, dst, sem):
    _, s_k = start_of(t)
    pltpu.async_copy(tab_t_hbm.at[:, pl.ds(s_k, CHW)], dst, sem)

  def drain(dst, sem):
    pltpu.make_async_copy(tab_t_hbm.at[:, pl.ds(0, CHW)], dst, sem).wait()

  def process(t, buf):
    k_c, s_k = start_of(t)
    lo_k = k_c * CHW
    hi_k = jnp.minimum(lo_k + CHW, V)

    def cscan(i, cptr):
      v = hid[pl.ds(i * 16, 16)]
      b = hb[pl.ds(i * 16, 16)]
      live = (rows16 + i * 16) < nh
      m = live & (v >= lo_k) & (v < hi_k)
      plsc.store_compressed(cid.at[pl.ds(cptr, 16)], v, mask=m)
      plsc.store_compressed(cb.at[pl.ds(cptr, 16)], b, mask=m)
      return cptr + plsc.all_reduce_population_count(m)[0]

    cn = lax.fori_loop(0, (nh + 15) // 16, cscan, 0)

    def proc(g, inner):
      idv = cid[pl.ds(g * 16, 16)]
      bv = cb[pl.ds(g * 16, 16)]
      m = (rows16 + g * 16) < cn
      idv = jnp.where(m, idv, jnp.full((16,), idv[0], jnp.int32))
      bv = jnp.where(m, bv, jnp.full((16,), bv[0], jnp.int32))
      lv = idv - s_k
      copies = []
      for j in range(16):
        lane = jnp.full((16,), lv[j], jnp.int32)
        lo16 = plsc.load_gather(buf, [rows16, lane])
        hi16 = plsc.load_gather(buf, [rows16 + 16, lane])
        tmps[j][pl.ds(0, 16)] = lo16
        tmps[j][pl.ds(16, 16)] = hi16
        copies.append(
            pltpu.async_copy(tmps[j], out_hbm.at[pl.ds(bv[j] * D, D)], sem2))
      for cpy in copies:
        cpy.wait()
      return inner

    lax.fori_loop(0, (cn + 15) // 16, proc, 0)

  fire(0, chva, sema)

  def pair(p, carry):
    fire(2 * p + 1, chvb, semb)
    drain(chva, sema)
    process(2 * p, chva)
    fire(2 * p + 2, chva, sema)
    drain(chvb, semb)
    process(2 * p + 1, chvb)
    return carry

  lax.fori_loop(0, (cpt + 1) // 2, pair, 0)
  drain(chva, sema)


@jax.jit
def kernel(class_ids, table):
  B = class_ids.shape[0]
  V, D = table.shape

  ids = class_ids.astype(jnp.int32)
  tab_t = table.T

  body = functools.partial(_emb_body, B=B, V=V, D=D)
  k = pl.kernel(
      body,
      out_type=jax.ShapeDtypeStruct((B * D,), jnp.float32),
      mesh=plsc.VectorSubcoreMesh(core_axis_name="c", subcore_axis_name="s"),
      compiler_params=pltpu.CompilerParams(needs_layout_passes=False),
      scratch_types=[
          pltpu.VMEM((B,), jnp.int32),
          pltpu.VMEM((D, CHW), jnp.float32),
          pltpu.VMEM((D, CHW), jnp.float32),
          pltpu.VMEM((HCAP,), jnp.int32),
          pltpu.VMEM((HCAP,), jnp.int32),
          pltpu.VMEM((HCAP,), jnp.int32),
          pltpu.VMEM((HCAP,), jnp.int32),
          pltpu.SemaphoreType.DMA,
          pltpu.SemaphoreType.DMA,
          pltpu.SemaphoreType.DMA,
      ] + [pltpu.VMEM((D,), jnp.float32) for _ in range(16)],
  )
  out1d = k(ids, tab_t)
  return out1d.reshape(B, D)

# --- scband reference (transcript-rebuilt; emitter-appended) ---
"""Pipeline reference for scband-class-embedding-31009663877673 (READ-ONLY COPY).

The authoritative reference and input builder live on the scoring server;
editing this copy changes nothing except your own understanding.
"""

import jax, jax.numpy as jnp
import numpy as np

NUM_CLASSES = 1000000
EMBED_DIM = 32
BATCH = 16384

def setup_inputs(seed: int = 0) -> dict:
    key = jax.random.key(seed)
    k1, k2 = jax.random.split(key)
    class_ids = jax.random.randint(k1, (BATCH,), 0, NUM_CLASSES, dtype=jnp.int64 if jax.config.jax_enable_x64 else jnp.int32)
    # Embedding table: num_classes + 1 rows (last row reserved for class_id == -1)
    table = jax.random.normal(k2, (NUM_CLASSES + 1, EMBED_DIM), dtype=jnp.float32)
    return {"class_ids": class_ids, "table": table}

def reference(class_ids, table):
    num_embeddings = table.shape[0]
    ids = jnp.where(class_ids == -1, num_embeddings - 1, class_ids)
    return jnp.take(table, ids, axis=0)

if __name__ == "__main__":
    import jax
    _d = setup_inputs()
    print(jax.jit(kernel)(*tuple(_d.values())))

</pallas_src>

<mosaic_0001>
#map = affine_map<(d0, d1) -> (0)>
#map1 = affine_map<(d0, d1) -> (0, 0)>
module attributes {stable_mosaic.version = 14 : i64} {
  func.func @_emb_body(%arg0: i32, %arg1: i32, %arg2: memref<16384xi32, #tpu.memory_space<hbm>>, %arg3: memref<32x1000001xf32, #tpu.memory_space<hbm>>, %arg4: memref<524288xf32, #tpu.memory_space<hbm>>, %arg5: memref<16384xi32, #tpu.memory_space<vmem>>, %arg6: memref<32x1024xf32, #tpu.memory_space<vmem>>, %arg7: memref<32x1024xf32, #tpu.memory_space<vmem>>, %arg8: memref<2064xi32, #tpu.memory_space<vmem>>, %arg9: memref<2064xi32, #tpu.memory_space<vmem>>, %arg10: memref<2064xi32, #tpu.memory_space<vmem>>, %arg11: memref<2064xi32, #tpu.memory_space<vmem>>, %arg12: memref<!tpu.dma_semaphore, #tpu.memory_space<semaphore_mem>>, %arg13: memref<!tpu.dma_semaphore, #tpu.memory_space<semaphore_mem>>, %arg14: memref<!tpu.dma_semaphore, #tpu.memory_space<semaphore_mem>>, %arg15: memref<32xf32, #tpu.memory_space<vmem>>, %arg16: memref<32xf32, #tpu.memory_space<vmem>>, %arg17: memref<32xf32, #tpu.memory_space<vmem>>, %arg18: memref<32xf32, #tpu.memory_space<vmem>>, %arg19: memref<32xf32, #tpu.memory_space<vmem>>, %arg20: memref<32xf32, #tpu.memory_space<vmem>>, %arg21: memref<32xf32, #tpu.memory_space<vmem>>, %arg22: memref<32xf32, #tpu.memory_space<vmem>>, %arg23: memref<32xf32, #tpu.memory_space<vmem>>, %arg24: memref<32xf32, #tpu.memory_space<vmem>>, %arg25: memref<32xf32, #tpu.memory_space<vmem>>, %arg26: memref<32xf32, #tpu.memory_space<vmem>>, %arg27: memref<32xf32, #tpu.memory_space<vmem>>, %arg28: memref<32xf32, #tpu.memory_space<vmem>>, %arg29: memref<32xf32, #tpu.memory_space<vmem>>, %arg30: memref<32xf32, #tpu.memory_space<vmem>>) attributes {dimension_semantics = [#tpu.dimension_semantics<core_parallel>, #tpu.dimension_semantics<subcore_parallel>], iteration_bounds = array<i64: 2, 16>, scalar_prefetch = 0 : i64, scratch_operands = 26 : i64, tpu.core_type = #tpu.core_type<sc_vector_subcore>, window_params = [{transform_indices = #map}, {transform_indices = #map1}, {transform_indices = #map}]} {
    %mul3A = arith.constant 2 : i32
    %mul3A_0 = arith.muli %arg1, %mul3A : i32
    %add3A = arith.addi %mul3A_0, %arg0 : i32
    %iota3A = tpu.iota {dimensions = array<i32: 0>} : vector<16xi32>
    %mul3A_1 = arith.constant 31 : i32
    %mul3A_2 = arith.muli %add3A, %mul3A_1 : i32
    %mul3A_3 = arith.constant 1024 : i32
    %mul3A_4 = arith.muli %mul3A_2, %mul3A_3 : i32
    %add3A_5 = arith.constant 31744 : i32
    %add3A_6 = arith.addi %mul3A_4, %add3A_5 : i32
    %min3A = arith.constant 1000001 : i32
    %min3A_7 = arith.minsi %add3A_6, %min3A : i32
    "tpu.region"() ({
      %run_scoped3A = tpu.sem_alloc : memref<!tpu.dma_semaphore, #tpu.memory_space<semaphore_mem>>
      tpu.enqueue_dma source(%arg2 : memref<16384xi32, #tpu.memory_space<hbm>>) target(%arg5 : memref<16384xi32, #tpu.memory_space<vmem>>) target_semaphore(%run_scoped3A : memref<!tpu.dma_semaphore, #tpu.memory_space<semaphore_mem>>)
      tpu.wait_dma2 semaphore(%run_scoped3A : memref<!tpu.dma_semaphore, #tpu.memory_space<semaphore_mem>>) src(%arg2 : memref<16384xi32, #tpu.memory_space<hbm>>) dst(%arg5 : memref<16384xi32, #tpu.memory_space<vmem>>)
      tpu.yield
    }) : () -> ()
    %scan3A = arith.constant 0 : i32
    %scan3A_8 = arith.constant 0 : i32
    %scan3A_9 = arith.constant 1024 : i32
    %scan3A_10 = arith.addi %scan3A_8, %scan3A_9 : i32
    %scan3A_11 = arith.constant 1 : i32
    %scan3A_12 = scf.for %scan3A_38 = %scan3A_8 to %scan3A_10 step %scan3A_11 iter_args(%scan3A_39 = %scan3A) -> (i32)  : i32 {
      %mul3A_40 = arith.constant 16 : i32
      %mul3A_41 = arith.muli %scan3A_38, %mul3A_40 : i32
      %get3A = arith.index_cast %mul3A_41 : i32 to index
      %get3A_42 = tpu.vector_load %arg5[%get3A] {strides = array<i32>} : memref<16384xi32, #tpu.memory_space<vmem>>, vector<16xi32>,
      %eq3A = arith.constant -1 : i32
      %eq3A_43 = vector.broadcast %eq3A : i32 to vector<16xi32>
      %eq3A_44 = arith.cmpi eq, %get3A_42, %eq3A_43 : vector<16xi32>
      %jit3A = arith.constant 1000000 : i32
      %broadcast_in_dim3A = vector.broadcast %jit3A : i32 to vector<16xi32>
      %select_n3A = arith.select %eq3A_44, %broadcast_in_dim3A, %get3A_42 : vector<16xi1>, vector<16xi32>
      %ge3A = vector.broadcast %mul3A_4 : i32 to vector<16xi32>
      %ge3A_45 = arith.cmpi sge, %select_n3A, %ge3A : vector<16xi32>
      %lt3A = vector.broadcast %min3A_7 : i32 to vector<16xi32>
      %lt3A_46 = arith.cmpi slt, %select_n3A, %lt3A : vector<16xi32>
      %and3A = arith.andi %ge3A_45, %lt3A_46 : vector<16xi1>
      %swap3A = arith.index_cast %scan3A_39 : i32 to index
      %swap3A_47 = tpu.vector_load %arg8[%swap3A] masked %and3A {strides = array<i32>} : memref<2064xi32, #tpu.memory_space<vmem>>, vector<16xi32>, vector<16xi1>
      tpu.vector_store %arg8[%swap3A], %select_n3A masked %and3A {strides = array<i32>} : memref<2064xi32, #tpu.memory_space<vmem>>, vector<16xi32>, vector<16xi1>
      %mul3A_48 = arith.constant 16 : i32
      %mul3A_49 = arith.muli %scan3A_38, %mul3A_48 : i32
      %add3A_50 = vector.broadcast %mul3A_49 : i32 to vector<16xi32>
      %add3A_51 = arith.addi %iota3A, %add3A_50 : vector<16xi32>
      %swap3A_52 = arith.index_cast %scan3A_39 : i32 to index
      %swap3A_53 = tpu.vector_load %arg9[%swap3A_52] masked %and3A {strides = array<i32>} : memref<2064xi32, #tpu.memory_space<vmem>>, vector<16xi32>, vector<16xi1>
      tpu.vector_store %arg9[%swap3A_52], %add3A_51 masked %and3A {strides = array<i32>} : memref<2064xi32, #tpu.memory_space<vmem>>, vector<16xi32>, vector<16xi1>
      %all_reduce_population_count3A = tpu.all_reduce %and3A {dim = 0 : i64, kind = #tpu.reduction_kind<sum>} : vector<16xi1> -> vector<16xi32>
      %slice3A = vector.extract_strided_slice %all_reduce_population_count3A {offsets = [0], sizes = [1], strides = [1]} : vector<16xi32> to vector<1xi32>
      %squeeze3A = vector.extract %slice3A[0] : i32 from vector<1xi32>
      %add3A_54 = arith.addi %scan3A_39, %squeeze3A : i32
      scf.yield %add3A_54 : i32
    }
    %scan3A_13 = arith.constant 1024 : i32
    %mul3A_14 = arith.constant 31 : i32
    %mul3A_15 = arith.muli %add3A, %mul3A_14 : i32
    %add3A_16 = arith.constant 0 : i32
    %add3A_17 = arith.addi %mul3A_15, %add3A_16 : i32
    %min3A_18 = arith.constant 976 : i32
    %min3A_19 = arith.minsi %add3A_17, %min3A_18 : i32
    %mul3A_20 = arith.constant 1024 : i32
    %mul3A_21 = arith.muli %min3A_19, %mul3A_20 : i32
    %min3A_22 = arith.constant 999040 : i32
    %min3A_23 = arith.minsi %mul3A_21, %min3A_22 : i32
    %multiple_of3A = tpu.assume_multiple %min3A_23, 128 : i32
    %dma_start3A = arith.constant 0 : i32
    %dma_start3A_24 = tpu.memref_slice %arg3[%dma_start3A, %multiple_of3A] : memref<32x1000001xf32, #tpu.memory_space<hbm>> -> memref<32x1024xf32, #tpu.memory_space<hbm>>
    %dma_start3A_25 = arith.constant 0 : i32
    %dma_start3A_26 = tpu.memref_slice %arg3[%dma_start3A_25, %multiple_of3A] : memref<32x1000001xf32, #tpu.memory_space<hbm>> -> memref<32x1024xf32, #tpu.memory_space<hbm>>
    tpu.enqueue_dma source(%dma_start3A_26 : memref<32x1024xf32, #tpu.memory_space<hbm>>) target(%arg6 : memref<32x1024xf32, #tpu.memory_space<vmem>>) target_semaphore(%arg12 : memref<!tpu.dma_semaphore, #tpu.memory_space<semaphore_mem>>)
    %scan3A_27 = arith.constant 0 : i32
    %scan3A_28 = arith.constant 0 : i32
    %scan3A_29 = arith.constant 16 : i32
    %scan3A_30 = arith.addi %scan3A_28, %scan3A_29 : i32
    %scan3A_31 = arith.constant 1 : i32
    scf.for %scan3A_38 = %scan3A_28 to %scan3A_30 step %scan3A_31  : i32 {
      %mul3A_39 = arith.constant 2 : i32
      %mul3A_40 = arith.muli %mul3A_39, %scan3A_38 : i32
      %add3A_41 = arith.constant 1 : i32
      %add3A_42 = arith.addi %mul3A_40, %add3A_41 : i32
      %mul3A_43 = arith.constant 31 : i32
      %mul3A_44 = arith.muli %add3A, %mul3A_43 : i32
      %add3A_45 = arith.addi %mul3A_44, %add3A_42 : i32
      %min3A_46 = arith.constant 976 : i32
      %min3A_47 = arith.minsi %add3A_45, %min3A_46 : i32
      %mul3A_48 = arith.constant 1024 : i32
      %mul3A_49 = arith.muli %min3A_47, %mul3A_48 : i32
      %min3A_50 = arith.constant 999040 : i32
      %min3A_51 = arith.minsi %mul3A_49, %min3A_50 : i32
      %multiple_of3A_52 = tpu.assume_multiple %min3A_51, 128 : i32
      %dma_start3A_53 = arith.constant 0 : i32
      %dma_start3A_54 = tpu.memref_slice %arg3[%dma_start3A_53, %multiple_of3A_52] : memref<32x1000001xf32, #tpu.memory_space<hbm>> -> memref<32x1024xf32, #tpu.memory_space<hbm>>
      %dma_start3A_55 = arith.constant 0 : i32
      %dma_start3A_56 = tpu.memref_slice %arg3[%dma_start3A_55, %multiple_of3A_52] : memref<32x1000001xf32, #tpu.memory_space<hbm>> -> memref<32x1024xf32, #tpu.memory_space<hbm>>
      tpu.enqueue_dma source(%dma_start3A_56 : memref<32x1024xf32, #tpu.memory_space<hbm>>) target(%arg7 : memref<32x1024xf32, #tpu.memory_space<vmem>>) target_semaphore(%arg13 : memref<!tpu.dma_semaphore, #tpu.memory_space<semaphore_mem>>)
      %dma_wait3A_57 = arith.constant 0 : i32
      %dma_wait3A_58 = arith.constant 0 : i32
      %dma_wait3A_59 = tpu.memref_slice %arg3[%dma_wait3A_57, %dma_wait3A_58] : memref<32x1000001xf32, #tpu.memory_space<hbm>> -> memref<32x1024xf32, #tpu.memory_space<hbm>>
      %dma_wait3A_60 = arith.constant 0 : i32
      %dma_wait3A_61 = arith.constant 0 : i32
      %dma_wait3A_62 = tpu.memref_slice %arg3[%dma_wait3A_60, %dma_wait3A_61] : memref<32x1000001xf32, #tpu.memory_space<hbm>> -> memref<32x1024xf32, #tpu.memory_space<hbm>>
      tpu.wait_dma2 semaphore(%arg12 : memref<!tpu.dma_semaphore, #tpu.memory_space<semaphore_mem>>) src(%dma_wait3A_62 : memref<32x1024xf32, #tpu.memory_space<hbm>>) dst(%arg6 : memref<32x1024xf32, #tpu.memory_space<vmem>>)
      %mul3A_63 = arith.constant 2 : i32
      %mul3A_64 = arith.muli %mul3A_63, %scan3A_38 : i32
      %mul3A_65 = arith.constant 31 : i32
      %mul3A_66 = arith.muli %add3A, %mul3A_65 : i32
      %add3A_67 = arith.addi %mul3A_66, %mul3A_64 : i32
      %min3A_68 = arith.constant 976 : i32
      %min3A_69 = arith.minsi %add3A_67, %min3A_68 : i32
      %mul3A_70 = arith.constant 1024 : i32
      %mul3A_71 = arith.muli %min3A_69, %mul3A_70 : i32
      %min3A_72 = arith.constant 999040 : i32
      %min3A_73 = arith.minsi %mul3A_71, %min3A_72 : i32
      %multiple_of3A_74 = tpu.assume_multiple %min3A_73, 128 : i32
      %mul3A_75 = arith.constant 1024 : i32
      %mul3A_76 = arith.muli %min3A_69, %mul3A_75 : i32
      %add3A_77 = arith.constant 1024 : i32
      %add3A_78 = arith.addi %mul3A_76, %add3A_77 : i32
      %min3A_79 = arith.constant 1000001 : i32
      %min3A_80 = arith.minsi %add3A_78, %min3A_79 : i32
      %add3A_81 = arith.constant 15 : i32
      %add3A_82 = arith.addi %scan3A_12, %add3A_81 : i32
      %jit3A = arith.constant 16 : i32
      %div3A = arith.divsi %add3A_82, %jit3A : i32
      %sign3A = arith.constant 0 : i32
      %sign3A_83 = arith.cmpi sgt, %add3A_82, %sign3A : i32
      %sign3A_84 = arith.extui %sign3A_83 : i1 to i32
      %sign3A_85 = arith.constant 0 : i32
      %sign3A_86 = arith.cmpi slt, %add3A_82, %sign3A_85 : i32
      %sign3A_87 = arith.extui %sign3A_86 : i1 to i32
      %sign3A_88 = arith.subi %sign3A_84, %sign3A_87 : i32
      %sign3A_89 = arith.constant 0 : i32
      %sign3A_90 = arith.cmpi sgt, %jit3A, %sign3A_89 : i32
      %sign3A_91 = arith.extui %sign3A_90 : i1 to i32
      %sign3A_92 = arith.constant 0 : i32
      %sign3A_93 = arith.cmpi slt, %jit3A, %sign3A_92 : i32
      %sign3A_94 = arith.extui %sign3A_93 : i1 to i32
      %sign3A_95 = arith.subi %sign3A_91, %sign3A_94 : i32
      %ne3A = arith.cmpi ne, %sign3A_88, %sign3A_95 : i32
      %rem3A = arith.remsi %add3A_82, %jit3A : i32
      %ne3A_96 = arith.constant 0 : i32
      %ne3A_97 = arith.cmpi ne, %rem3A, %ne3A_96 : i32
      %and3A = arith.andi %ne3A, %ne3A_97 : i1
      %sub3A = arith.constant 1 : i32
      %sub3A_98 = arith.subi %div3A, %sub3A : i32
      %select_n3A = arith.select %and3A, %sub3A_98, %div3A : i32
      %while3A = arith.constant 0 : i32
      %while3A_99 = arith.constant 0 : i32
      %while3A_100 = arith.subi %select_n3A, %while3A : i32
      %while3A_101 = arith.addi %while3A, %while3A_100 : i32
      %while3A_102 = arith.constant 1 : i32
      %while3A_103 = arith.divsi %while3A_100, %while3A_102 : i32
      %while3A_104 = arith.muli %while3A_103, %while3A_102 : i32
      %while3A_105 = arith.addi %while3A, %while3A_104 : i32
      %while3A_106 = arith.constant 1 : i32
      %while3A_107 = scf.for %while3A_264 = %while3A to %while3A_105 step %while3A_106 iter_args(%while3A_265 = %while3A_99) -> (i32)  : i32 {
        %mul3A_266 = arith.constant 16 : i32
        %mul3A_267 = arith.muli %while3A_264, %mul3A_266 : i32
        %get3A = arith.index_cast %mul3A_267 : i32 to index
        %get3A_268 = tpu.vector_load %arg8[%get3A] {strides = array<i32>} : memref<2064xi32, #tpu.memory_space<vmem>>, vector<16xi32>,
        %mul3A_269 = arith.constant 16 : i32
        %mul3A_270 = arith.muli %while3A_264, %mul3A_269 : i32
        %get3A_271 = arith.index_cast %mul3A_270 : i32 to index
        %get3A_272 = tpu.vector_load %arg9[%get3A_271] {strides = array<i32>} : memref<2064xi32, #tpu.memory_space<vmem>>, vector<16xi32>,
        %mul3A_273 = arith.constant 16 : i32
        %mul3A_274 = arith.muli %while3A_264, %mul3A_273 : i32
        %add3A_275 = vector.broadcast %mul3A_274 : i32 to vector<16xi32>
        %add3A_276 = arith.addi %iota3A, %add3A_275 : vector<16xi32>
        %lt3A = vector.broadcast %scan3A_12 : i32 to vector<16xi32>
        %lt3A_277 = arith.cmpi slt, %add3A_276, %lt3A : vector<16xi32>
        %ge3A = vector.broadcast %mul3A_76 : i32 to vector<16xi32>
        %ge3A_278 = arith.cmpi sge, %get3A_268, %ge3A : vector<16xi32>
        %and3A_279 = arith.andi %lt3A_277, %ge3A_278 : vector<16xi1>
        %lt3A_280 = vector.broadcast %min3A_80 : i32 to vector<16xi32>
        %lt3A_281 = arith.cmpi slt, %get3A_268, %lt3A_280 : vector<16xi32>
        %and3A_282 = arith.andi %and3A_279, %lt3A_281 : vector<16xi1>
        %swap3A = arith.index_cast %while3A_265 : i32 to index
        %swap3A_283 = tpu.vector_load %arg10[%swap3A] masked %and3A_282 {strides = array<i32>} : memref<2064xi32, #tpu.memory_space<vmem>>, vector<16xi32>, vector<16xi1>
        tpu.vector_store %arg10[%swap3A], %get3A_268 masked %and3A_282 {strides = array<i32>} : memref<2064xi32, #tpu.memory_space<vmem>>, vector<16xi32>, vector<16xi1>
        %swap3A_284 = arith.index_cast %while3A_265 : i32 to index
        %swap3A_285 = tpu.vector_load %arg11[%swap3A_284] masked %and3A_282 {strides = array<i32>} : memref<2064xi32, #tpu.memory_space<vmem>>, vector<16xi32>, vector<16xi1>
        tpu.vector_store %arg11[%swap3A_284], %get3A_272 masked %and3A_282 {strides = array<i32>} : memref<2064xi32, #tpu.memory_space<vmem>>, vector<16xi32>, vector<16xi1>
        %all_reduce_population_count3A = tpu.all_reduce %and3A_282 {dim = 0 : i64, kind = #tpu.reduction_kind<sum>} : vector<16xi1> -> vector<16xi32>
        %slice3A = vector.extract_strided_slice %all_reduce_population_count3A {offsets = [0], sizes = [1], strides = [1]} : vector<16xi32> to vector<1xi32>
        %squeeze3A = vector.extract %slice3A[0] : i32 from vector<1xi32>
        %add3A_286 = arith.addi %while3A_265, %squeeze3A : i32
        scf.yield %add3A_286 : i32
      }
      %while3A_108 = arith.constant 1 : i32
      %while3A_109 = scf.for %while3A_264 = %while3A_105 to %while3A_101 step %while3A_108 iter_args(%while3A_265 = %while3A_107) -> (i32)  : i32 {
        %mul3A_266 = arith.constant 16 : i32
        %mul3A_267 = arith.muli %while3A_264, %mul3A_266 : i32
        %get3A = arith.index_cast %mul3A_267 : i32 to index
        %get3A_268 = tpu.vector_load %arg8[%get3A] {strides = array<i32>} : memref<2064xi32, #tpu.memory_space<vmem>>, vector<16xi32>,
        %mul3A_269 = arith.constant 16 : i32
        %mul3A_270 = arith.muli %while3A_264, %mul3A_269 : i32
        %get3A_271 = arith.index_cast %mul3A_270 : i32 to index
        %get3A_272 = tpu.vector_load %arg9[%get3A_271] {strides = array<i32>} : memref<2064xi32, #tpu.memory_space<vmem>>, vector<16xi32>,
        %mul3A_273 = arith.constant 16 : i32
        %mul3A_274 = arith.muli %while3A_264, %mul3A_273 : i32
        %add3A_275 = vector.broadcast %mul3A_274 : i32 to vector<16xi32>
        %add3A_276 = arith.addi %iota3A, %add3A_275 : vector<16xi32>
        %lt3A = vector.broadcast %scan3A_12 : i32 to vector<16xi32>
        %lt3A_277 = arith.cmpi slt, %add3A_276, %lt3A : vector<16xi32>
        %ge3A = vector.broadcast %mul3A_76 : i32 to vector<16xi32>
        %ge3A_278 = arith.cmpi sge, %get3A_268, %ge3A : vector<16xi32>
        %and3A_279 = arith.andi %lt3A_277, %ge3A_278 : vector<16xi1>
        %lt3A_280 = vector.broadcast %min3A_80 : i32 to vector<16xi32>
        %lt3A_281 = arith.cmpi slt, %get3A_268, %lt3A_280 : vector<16xi32>
        %and3A_282 = arith.andi %and3A_279, %lt3A_281 : vector<16xi1>
        %swap3A = arith.index_cast %while3A_265 : i32 to index
        %swap3A_283 = tpu.vector_load %arg10[%swap3A] masked %and3A_282 {strides = array<i32>} : memref<2064xi32, #tpu.memory_space<vmem>>, vector<16xi32>, vector<16xi1>
        tpu.vector_store %arg10[%swap3A], %get3A_268 masked %and3A_282 {strides = array<i32>} : memref<2064xi32, #tpu.memory_space<vmem>>, vector<16xi32>, vector<16xi1>
        %swap3A_284 = arith.index_cast %while3A_265 : i32 to index
        %swap3A_285 = tpu.vector_load %arg11[%swap3A_284] masked %and3A_282 {strides = array<i32>} : memref<2064xi32, #tpu.memory_space<vmem>>, vector<16xi32>, vector<16xi1>
        tpu.vector_store %arg11[%swap3A_284], %get3A_272 masked %and3A_282 {strides = array<i32>} : memref<2064xi32, #tpu.memory_space<vmem>>, vector<16xi32>, vector<16xi1>
        %all_reduce_population_count3A = tpu.all_reduce %and3A_282 {dim = 0 : i64, kind = #tpu.reduction_kind<sum>} : vector<16xi1> -> vector<16xi32>
        %slice3A = vector.extract_strided_slice %all_reduce_population_count3A {offsets = [0], sizes = [1], strides = [1]} : vector<16xi32> to vector<1xi32>
        %squeeze3A = vector.extract %slice3A[0] : i32 from vector<1xi32>
        %add3A_286 = arith.addi %while3A_265, %squeeze3A : i32
        scf.yield %add3A_286 : i32
      }
      %add3A_110 = arith.constant 15 : i32
      %add3A_111 = arith.addi %while3A_109, %add3A_110 : i32
      %jit3A_112 = arith.constant 16 : i32
      %div3A_113 = arith.divsi %add3A_111, %jit3A_112 : i32
      %sign3A_114 = arith.constant 0 : i32
      %sign3A_115 = arith.cmpi sgt, %add3A_111, %sign3A_114 : i32
      %sign3A_116 = arith.extui %sign3A_115 : i1 to i32
      %sign3A_117 = arith.constant 0 : i32
      %sign3A_118 = arith.cmpi slt, %add3A_111, %sign3A_117 : i32
      %sign3A_119 = arith.extui %sign3A_118 : i1 to i32
      %sign3A_120 = arith.subi %sign3A_116, %sign3A_119 : i32
      %sign3A_121 = arith.constant 0 : i32
      %sign3A_122 = arith.cmpi sgt, %jit3A_112, %sign3A_121 : i32
      %sign3A_123 = arith.extui %sign3A_122 : i1 to i32
      %sign3A_124 = arith.constant 0 : i32
      %sign3A_125 = arith.cmpi slt, %jit3A_112, %sign3A_124 : i32
      %sign3A_126 = arith.extui %sign3A_125 : i1 to i32
      %sign3A_127 = arith.subi %sign3A_123, %sign3A_126 : i32
      %ne3A_128 = arith.cmpi ne, %sign3A_120, %sign3A_127 : i32
      %rem3A_129 = arith.remsi %add3A_111, %jit3A_112 : i32
      %ne3A_130 = arith.constant 0 : i32
      %ne3A_131 = arith.cmpi ne, %rem3A_129, %ne3A_130 : i32
      %and3A_132 = arith.andi %ne3A_128, %ne3A_131 : i1
      %sub3A_133 = arith.constant 1 : i32
      %sub3A_134 = arith.subi %div3A_113, %sub3A_133 : i32
      %select_n3A_135 = arith.select %and3A_132, %sub3A_134, %div3A_113 : i32
      %while3A_136 = arith.constant 0 : i32
      %while3A_137 = arith.constant 0 : i32
      %while3A_138 = arith.subi %select_n3A_135, %while3A_137 : i32
      %while3A_139 = arith.addi %while3A_137, %while3A_138 : i32
      %while3A_140 = arith.constant 1 : i32
      %while3A_141 = arith.divsi %while3A_138, %while3A_140 : i32
      %while3A_142 = arith.muli %while3A_141, %while3A_140 : i32
      %while3A_143 = arith.addi %while3A_137, %while3A_142 : i32
      %while3A_144 = arith.constant 1 : i32
      scf.for %while3A_264 = %while3A_137 to %while3A_143 step %while3A_144  : i32 {
        %mul3A_265 = arith.constant 16 : i32
        %mul3A_266 = arith.muli %while3A_264, %mul3A_265 : i32
        %get3A = arith.index_cast %mul3A_266 : i32 to index
        %get3A_267 = tpu.vector_load %arg10[%get3A] {strides = array<i32>} : memref<2064xi32, #tpu.memory_space<vmem>>, vector<16xi32>,
        %mul3A_268 = arith.constant 16 : i32
        %mul3A_269 = arith.muli %while3A_264, %mul3A_268 : i32
        %get3A_270 = arith.index_cast %mul3A_269 : i32 to index
        %get3A_271 = tpu.vector_load %arg11[%get3A_270] {strides = array<i32>} : memref<2064xi32, #tpu.memory_space<vmem>>, vector<16xi32>,
        %mul3A_272 = arith.constant 16 : i32
        %mul3A_273 = arith.muli %while3A_264, %mul3A_272 : i32
        %add3A_274 = vector.broadcast %mul3A_273 : i32 to vector<16xi32>
        %add3A_275 = arith.addi %iota3A, %add3A_274 : vector<16xi32>
        %lt3A = vector.broadcast %while3A_109 : i32 to vector<16xi32>
        %lt3A_276 = arith.cmpi slt, %add3A_275, %lt3A : vector<16xi32>
        %slice3A = vector.extract_strided_slice %get3A_267 {offsets = [0], sizes = [1], strides = [1]} : vector<16xi32> to vector<1xi32>
        %squeeze3A = vector.extract %slice3A[0] : i32 from vector<1xi32>
        %broadcast_in_dim3A = vector.broadcast %squeeze3A : i32 to vector<16xi32>
        %select_n3A_277 = arith.select %lt3A_276, %get3A_267, %broadcast_in_dim3A : vector<16xi1>, vector<16xi32>
        %slice3A_278 = vector.extract_strided_slice %get3A_271 {offsets = [0], sizes = [1], strides = [1]} : vector<16xi32> to vector<1xi32>
        %squeeze3A_279 = vector.extract %slice3A_278[0] : i32 from vector<1xi32>
        %broadcast_in_dim3A_280 = vector.broadcast %squeeze3A_279 : i32 to vector<16xi32>
        %select_n3A_281 = arith.select %lt3A_276, %get3A_271, %broadcast_in_dim3A_280 : vector<16xi1>, vector<16xi32>
        %sub3A_282 = vector.broadcast %multiple_of3A_74 : i32 to vector<16xi32>
        %sub3A_283 = arith.subi %select_n3A_277, %sub3A_282 : vector<16xi32>
        %slice3A_284 = vector.extract_strided_slice %sub3A_283 {offsets = [0], sizes = [1], strides = [1]} : vector<16xi32> to vector<1xi32>
        %squeeze3A_285 = vector.extract %slice3A_284[0] : i32 from vector<1xi32>
        %broadcast_in_dim3A_286 = vector.broadcast %squeeze3A_285 : i32 to vector<16xi32>
        %gather3A = tpu.vector_load_idx %arg6[%iota3A, %broadcast_in_dim3A_286] : memref<32x1024xf32, #tpu.memory_space<vmem>>[vector<16xi32>, vector<16xi32>], vector<16xf32>,
        %add3A_287 = arith.constant 16 : i32
        %add3A_288 = vector.broadcast %add3A_287 : i32 to vector<16xi32>
        %add3A_289 = arith.addi %iota3A, %add3A_288 : vector<16xi32>
        %gather3A_290 = tpu.vector_load_idx %arg6[%add3A_289, %broadcast_in_dim3A_286] : memref<32x1024xf32, #tpu.memory_space<vmem>>[vector<16xi32>, vector<16xi32>], vector<16xf32>,
        %swap3A = arith.constant 0 : index
        %swap3A_291 = tpu.vector_load %arg15[%swap3A] {strides = array<i32>} : memref<32xf32, #tpu.memory_space<vmem>>, vector<16xf32>,
        tpu.vector_store %arg15[%swap3A], %gather3A {strides = array<i32>} : memref<32xf32, #tpu.memory_space<vmem>>, vector<16xf32>,
        %swap3A_292 = arith.constant 16 : index
        %swap3A_293 = tpu.vector_load %arg15[%swap3A_292] {strides = array<i32>} : memref<32xf32, #tpu.memory_space<vmem>>, vector<16xf32>,
        tpu.vector_store %arg15[%swap3A_292], %gather3A_290 {strides = array<i32>} : memref<32xf32, #tpu.memory_space<vmem>>, vector<16xf32>,
        %slice3A_294 = vector.extract_strided_slice %select_n3A_281 {offsets = [0], sizes = [1], strides = [1]} : vector<16xi32> to vector<1xi32>
        %squeeze3A_295 = vector.extract %slice3A_294[0] : i32 from vector<1xi32>
        %mul3A_296 = arith.constant 32 : i32
        %mul3A_297 = arith.muli %squeeze3A_295, %mul3A_296 : i32
        %dma_start3A_298 = tpu.memref_slice %arg4[%mul3A_297] : memref<524288xf32, #tpu.memory_space<hbm>> -> memref<32xf32, #tpu.memory_space<hbm>>
        %dma_start3A_299 = tpu.memref_slice %arg4[%mul3A_297] : memref<524288xf32, #tpu.memory_space<hbm>> -> memref<32xf32, #tpu.memory_space<hbm>>
        tpu.enqueue_dma source(%arg15 : memref<32xf32, #tpu.memory_space<vmem>>) target(%dma_start3A_299 : memref<32xf32, #tpu.memory_space<hbm>>) target_semaphore(%arg14 : memref<!tpu.dma_semaphore, #tpu.memory_space<semaphore_mem>>)
        %slice3A_300 = vector.extract_strided_slice %sub3A_283 {offsets = [1], sizes = [1], strides = [1]} : vector<16xi32> to vector<1xi32>
        %squeeze3A_301 = vector.extract %slice3A_300[0] : i32 from vector<1xi32>
        %broadcast_in_dim3A_302 = vector.broadcast %squeeze3A_301 : i32 to vector<16xi32>
        %gather3A_303 = tpu.vector_load_idx %arg6[%iota3A, %broadcast_in_dim3A_302] : memref<32x1024xf32, #tpu.memory_space<vmem>>[vector<16xi32>, vector<16xi32>], vector<16xf32>,
        %add3A_304 = arith.constant 16 : i32
        %add3A_305 = vector.broadcast %add3A_304 : i32 to vector<16xi32>
        %add3A_306 = arith.addi %iota3A, %add3A_305 : vector<16xi32>
        %gather3A_307 = tpu.vector_load_idx %arg6[%add3A_306, %broadcast_in_dim3A_302] : memref<32x1024xf32, #tpu.memory_space<vmem>>[vector<16xi32>, vector<16xi32>], vector<16xf32>,
        %swap3A_308 = arith.constant 0 : index
        %swap3A_309 = tpu.vector_load %arg16[%swap3A_308] {strides = array<i32>} : memref<32xf32, #tpu.memory_space<vmem>>, vector<16xf32>,
        tpu.vector_store %arg16[%swap3A_308], %gather3A_303 {strides = array<i32>} : memref<32xf32, #tpu.memory_space<vmem>>, vector<16xf32>,
        %swap3A_310 = arith.constant 16 : index
        %swap3A_311 = tpu.vector_load %arg16[%swap3A_310] {strides = array<i32>} : memref<32xf32, #tpu.memory_space<vmem>>, vector<16xf32>,
        tpu.vector_store %arg16[%swap3A_310], %gather3A_307 {strides = array<i32>} : memref<32xf32, #tpu.memory_space<vmem>>, vector<16xf32>,
        %slice3A_312 = vector.extract_strided_slice %select_n3A_281 {offsets = [1], sizes = [1], strides = [1]} : vector<16xi32> to vector<1xi32>
        %squeeze3A_313 = vector.extract %slice3A_312[0] : i32 from vector<1xi32>
        %mul3A_314 = arith.constant 32 : i32
        %mul3A_315 = arith.muli %squeeze3A_313, %mul3A_314 : i32
        %dma_start3A_316 = tpu.memref_slice %arg4[%mul3A_315] : memref<524288xf32, #tpu.memory_space<hbm>> -> memref<32xf32, #tpu.memory_space<hbm>>
        %dma_start3A_317 = tpu.memref_slice %arg4[%mul3A_315] : memref<524288xf32, #tpu.memory_space<hbm>> -> memref<32xf32, #tpu.memory_space<hbm>>
        tpu.enqueue_dma source(%arg16 : memref<32xf32, #tpu.memory_space<vmem>>) target(%dma_start3A_317 : memref<32xf32, #tpu.memory_space<hbm>>) target_semaphore(%arg14 : memref<!tpu.dma_semaphore, #tpu.memory_space<semaphore_mem>>)
        %slice3A_318 = vector.extract_strided_slice %sub3A_283 {offsets = [2], sizes = [1], strides = [1]} : vector<16xi32> to vector<1xi32>
        %squeeze3A_319 = vector.extract %slice3A_318[0] : i32 from vector<1xi32>
        %broadcast_in_dim3A_320 = vector.broadcast %squeeze3A_319 : i32 to vector<16xi32>
        %gather3A_321 = tpu.vector_load_idx %arg6[%iota3A, %broadcast_in_dim3A_320] : memref<32x1024xf32, #tpu.memory_space<vmem>>[vector<16xi32>, vector<16xi32>], vector<16xf32>,
        %add3A_322 = arith.constant 16 : i32
        %add3A_323 = vector.broadcast %add3A_322 : i32 to vector<16xi32>
        %add3A_324 = arith.addi %iota3A, %add3A_323 : vector<16xi32>
        %gather3A_325 = tpu.vector_load_idx %arg6[%add3A_324, %broadcast_in_dim3A_320] : memref<32x1024xf32, #tpu.memory_space<vmem>>[vector<16xi32>, vector<16xi32>], vector<16xf32>,
        %swap3A_326 = arith.constant 0 : index
        %swap3A_327 = tpu.vector_load %arg17[%swap3A_326] {strides = array<i32>} : memref<32xf32, #tpu.memory_space<vmem>>, vector<16xf32>,
        tpu.vector_store %arg17[%swap3A_326], %gather3A_321 {strides = array<i32>} : memref<32xf32, #tpu.memory_space<vmem>>, vector<16xf32>,
        %swap3A_328 = arith.constant 16 : index
        %swap3A_329 = tpu.vector_load %arg17[%swap3A_328] {strides = array<i32>} : memref<32xf32, #tpu.memory_space<vmem>>, vector<16xf32>,
        tpu.vector_store %arg17[%swap3A_328], %gather3A_325 {strides = array<i32>} : memref<32xf32, #tpu.memory_space<vmem>>, vector<16xf32>,
        %slice3A_330 = vector.extract_strided_slice %select_n3A_281 {offsets = [2], sizes = [1], strides = [1]} : vector<16xi32> to vector<1xi32>
        %squeeze3A_331 = vector.extract %slice3A_330[0] : i32 from vector<1xi32>
        %mul3A_332 = arith.constant 32 : i32
        %mul3A_333 = arith.muli %squeeze3A_331, %mul3A_332 : i32
        %dma_start3A_334 = tpu.memref_slice %arg4[%mul3A_333] : memref<524288xf32, #tpu.memory_space<hbm>> -> memref<32xf32, #tpu.memory_space<hbm>>
        %dma_start3A_335 = tpu.memref_slice %arg4[%mul3A_333] : memref<524288xf32, #tpu.memory_space<hbm>> -> memref<32xf32, #tpu.memory_space<hbm>>
        tpu.enqueue_dma source(%arg17 : memref<32xf32, #tpu.memory_space<vmem>>) target(%dma_start3A_335 : memref<32xf32, #tpu.memory_space<hbm>>) target_semaphore(%arg14 : memref<!tpu.dma_semaphore, #tpu.memory_space<semaphore_mem>>)
        %slice3A_336 = vector.extract_strided_slice %sub3A_283 {offsets = [3], sizes = [1], strides = [1]} : vector<16xi32> to vector<1xi32>
        %squeeze3A_337 = vector.extract %slice3A_336[0] : i32 from vector<1xi32>
        %broadcast_in_dim3A_338 = vector.broadcast %squeeze3A_337 : i32 to vector<16xi32>
        %gather3A_339 = tpu.vector_load_idx %arg6[%iota3A, %broadcast_in_dim3A_338] : memref<32x1024xf32, #tpu.memory_space<vmem>>[vector<16xi32>, vector<16xi32>], vector<16xf32>,
        %add3A_340 = arith.constant 16 : i32
        %add3A_341 = vector.broadcast %add3A_340 : i32 to vector<16xi32>
        %add3A_342 = arith.addi %iota3A, %add3A_341 : vector<16xi32>
        %gather3A_343 = tpu.vector_load_idx %arg6[%add3A_342, %broadcast_in_dim3A_338] : memref<32x1024xf32, #tpu.memory_space<vmem>>[vector<16xi32>, vector<16xi32>], vector<16xf32>,
        %swap3A_344 = arith.constant 0 : index
        %swap3A_345 = tpu.vector_load %arg18[%swap3A_344] {strides = array<i32>} : memref<32xf32, #tpu.memory_space<vmem>>, vector<16xf32>,
        tpu.vector_store %arg18[%swap3A_344], %gather3A_339 {strides = array<i32>} : memref<32xf32, #tpu.memory_space<vmem>>, vector<16xf32>,
        %swap3A_346 = arith.constant 16 : index
        %swap3A_347 = tpu.vector_load %arg18[%swap3A_346] {strides = array<i32>} : memref<32xf32, #tpu.memory_space<vmem>>, vector<16xf32>,
        tpu.vector_store %arg18[%swap3A_346], %gather3A_343 {strides = array<i32>} : memref<32xf32, #tpu.memory_space<vmem>>, vector<16xf32>,
        %slice3A_348 = vector.extract_strided_slice %select_n3A_281 {offsets = [3], sizes = [1], strides = [1]} : vector<16xi32> to vector<1xi32>
        %squeeze3A_349 = vector.extract %slice3A_348[0] : i32 from vector<1xi32>
        %mul3A_350 = arith.constant 32 : i32
        %mul3A_351 = arith.muli %squeeze3A_349, %mul3A_350 : i32
        %dma_start3A_352 = tpu.memref_slice %arg4[%mul3A_351] : memref<524288xf32, #tpu.memory_space<hbm>> -> memref<32xf32, #tpu.memory_space<hbm>>
        %dma_start3A_353 = tpu.memref_slice %arg4[%mul3A_351] : memref<524288xf32, #tpu.memory_space<hbm>> -> memref<32xf32, #tpu.memory_space<hbm>>
        tpu.enqueue_dma source(%arg18 : memref<32xf32, #tpu.memory_space<vmem>>) target(%dma_start3A_353 : memref<32xf32, #tpu.memory_space<hbm>>) target_semaphore(%arg14 : memref<!tpu.dma_semaphore, #tpu.memory_space<semaphore_mem>>)
        %slice3A_354 = vector.extract_strided_slice %sub3A_283 {offsets = [4], sizes = [1], strides = [1]} : vector<16xi32> to vector<1xi32>
        %squeeze3A_355 = vector.extract %slice3A_354[0] : i32 from vector<1xi32>
        %broadcast_in_dim3A_356 = vector.broadcast %squeeze3A_355 : i32 to vector<16xi32>
        %gather3A_357 = tpu.vector_load_idx %arg6[%iota3A, %broadcast_in_dim3A_356] : memref<32x1024xf32, #tpu.memory_space<vmem>>[vector<16xi32>, vector<16xi32>], vector<16xf32>,
        %add3A_358 = arith.constant 16 : i32
        %add3A_359 = vector.broadcast %add3A_358 : i32 to vector<16xi32>
        %add3A_360 = arith.addi %iota3A, %add3A_359 : vector<16xi32>
        %gather3A_361 = tpu.vector_load_idx %arg6[%add3A_360, %broadcast_in_dim3A_356] : memref<32x1024xf32, #tpu.memory_space<vmem>>[vector<16xi32>, vector<16xi32>], vector<16xf32>,
        %swap3A_362 = arith.constant 0 : index
        %swap3A_363 = tpu.vector_load %arg19[%swap3A_362] {strides = array<i32>} : memref<32xf32, #tpu.memory_space<vmem>>, vector<16xf32>,
        tpu.vector_store %arg19[%swap3A_362], %gather3A_357 {strides = array<i32>} : memref<32xf32, #tpu.memory_space<vmem>>, vector<16xf32>,
        %swap3A_364 = arith.constant 16 : index
        %swap3A_365 = tpu.vector_load %arg19[%swap3A_364] {strides = array<i32>} : memref<32xf32, #tpu.memory_space<vmem>>, vector<16xf32>,
        tpu.vector_store %arg19[%swap3A_364], %gather3A_361 {strides = array<i32>} : memref<32xf32, #tpu.memory_space<vmem>>, vector<16xf32>,
        %slice3A_366 = vector.extract_strided_slice %select_n3A_281 {offsets = [4], sizes = [1], strides = [1]} : vector<16xi32> to vector<1xi32>
        %squeeze3A_367 = vector.extract %slice3A_366[0] : i32 from vector<1xi32>
        %mul3A_368 = arith.constant 32 : i32
        %mul3A_369 = arith.muli %squeeze3A_367, %mul3A_368 : i32
        %dma_start3A_370 = tpu.memref_slice %arg4[%mul3A_369] : memref<524288xf32, #tpu.memory_space<hbm>> -> memref<32xf32, #tpu.memory_space<hbm>>
        %dma_start3A_371 = tpu.memref_slice %arg4[%mul3A_369] : memref<524288xf32, #tpu.memory_space<hbm>> -> memref<32xf32, #tpu.memory_space<hbm>>
        tpu.enqueue_dma source(%arg19 : memref<32xf32, #tpu.memory_space<vmem>>) target(%dma_start3A_371 : memref<32xf32, #tpu.memory_space<hbm>>) target_semaphore(%arg14 : memref<!tpu.dma_semaphore, #tpu.memory_space<semaphore_mem>>)
        %slice3A_372 = vector.extract_strided_slice %sub3A_283 {offsets = [5], sizes = [1], strides = [1]} : vector<16xi32> to vector<1xi32>
        %squeeze3A_373 = vector.extract %slice3A_372[0] : i32 from vector<1xi32>
        %broadcast_in_dim3A_374 = vector.broadcast %squeeze3A_373 : i32 to vector<16xi32>
        %gather3A_375 = tpu.vector_load_idx %arg6[%iota3A, %broadcast_in_dim3A_374] : memref<32x1024xf32, #tpu.memory_space<vmem>>[vector<16xi32>, vector<16xi32>], vector<16xf32>,
        %add3A_376 = arith.constant 16 : i32
        %add3A_377 = vector.broadcast %add3A_376 : i32 to vector<16xi32>
        %add3A_378 = arith.addi %iota3A, %add3A_377 : vector<16xi32>
        %gather3A_379 = tpu.vector_load_idx %arg6[%add3A_378, %broadcast_in_dim3A_374] : memref<32x1024xf32, #tpu.memory_space<vmem>>[vector<16xi32>, vector<16xi32>], vector<16xf32>,
        %swap3A_380 = arith.constant 0 : index
        %swap3A_381 = tpu.vector_load %arg20[%swap3A_380] {strides = array<i32>} : memref<32xf32, #tpu.memory_space<vmem>>, vector<16xf32>,
        tpu.vector_store %arg20[%swap3A_380], %gather3A_375 {strides = array<i32>} : memref<32xf32, #tpu.memory_space<vmem>>, vector<16xf32>,
        %swap3A_382 = arith.constant 16 : index
        %swap3A_383 = tpu.vector_load %arg20[%swap3A_382] {strides = array<i32>} : memref<32xf32, #tpu.memory_space<vmem>>, vector<16xf32>,
        tpu.vector_store %arg20[%swap3A_382], %gather3A_379 {strides = array<i32>} : memref<32xf32, #tpu.memory_space<vmem>>, vector<16xf32>,
        %slice3A_384 = vector.extract_strided_slice %select_n3A_281 {offsets = [5], sizes = [1], strides = [1]} : vector<16xi32> to vector<1xi32>
        %squeeze3A_385 = vector.extract %slice3A_384[0] : i32 from vector<1xi32>
        %mul3A_386 = arith.constant 32 : i32
        %mul3A_387 = arith.muli %squeeze3A_385, %mul3A_386 : i32
        %dma_start3A_388 = tpu.memref_slice %arg4[%mul3A_387] : memref<524288xf32, #tpu.memory_space<hbm>> -> memref<32xf32, #tpu.memory_space<hbm>>
        %dma_start3A_389 = tpu.memref_slice %arg4[%mul3A_387] : memref<524288xf32, #tpu.memory_space<hbm>> -> memref<32xf32, #tpu.memory_space<hbm>>
        tpu.enqueue_dma source(%arg20 : memref<32xf32, #tpu.memory_space<vmem>>) target(%dma_start3A_389 : memref<32xf32, #tpu.memory_space<hbm>>) target_semaphore(%arg14 : memref<!tpu.dma_semaphore, #tpu.memory_space<semaphore_mem>>)
        %slice3A_390 = vector.extract_strided_slice %sub3A_283 {offsets = [6], sizes = [1], strides = [1]} : vector<16xi32> to vector<1xi32>
        %squeeze3A_391 = vector.extract %slice3A_390[0] : i32 from vector<1xi32>
        %broadcast_in_dim3A_392 = vector.broadcast %squeeze3A_391 : i32 to vector<16xi32>
        %gather3A_393 = tpu.vector_load_idx %arg6[%iota3A, %broadcast_in_dim3A_392] : memref<32x1024xf32, #tpu.memory_space<vmem>>[vector<16xi32>, vector<16xi32>], vector<16xf32>,
        %add3A_394 = arith.constant 16 : i32
        %add3A_395 = vector.broadcast %add3A_394 : i32 to vector<16xi32>
        %add3A_396 = arith.addi %iota3A, %add3A_395 : vector<16xi32>
        %gather3A_397 = tpu.vector_load_idx %arg6[%add3A_396, %broadcast_in_dim3A_392] : memref<32x1024xf32, #tpu.memory_space<vmem>>[vector<16xi32>, vector<16xi32>], vector<16xf32>,
        %swap3A_398 = arith.constant 0 : index
        %swap3A_399 = tpu.vector_load %arg21[%swap3A_398] {strides = array<i32>} : memref<32xf32, #tpu.memory_space<vmem>>, vector<16xf32>,
        tpu.vector_store %arg21[%swap3A_398], %gather3A_393 {strides = array<i32>} : memref<32xf32, #tpu.memory_space<vmem>>, vector<16xf32>,
        %swap3A_400 = arith.constant 16 : index
        %swap3A_401 = tpu.vector_load %arg21[%swap3A_400] {strides = array<i32>} : memref<32xf32, #tpu.memory_space<vmem>>, vector<16xf32>,
        tpu.vector_store %arg21[%swap3A_400], %gather3A_397 {strides = array<i32>} : memref<32xf32, #tpu.memory_space<vmem>>, vector<16xf32>,
        %slice3A_402 = vector.extract_strided_slice %select_n3A_281 {offsets = [6], sizes = [1], strides = [1]} : vector<16xi32> to vector<1xi32>
        %squeeze3A_403 = vector.extract %slice3A_402[0] : i32 from vector<1xi32>
        %mul3A_404 = arith.constant 32 : i32
        %mul3A_405 = arith.muli %squeeze3A_403, %mul3A_404 : i32
        %dma_start3A_406 = tpu.memref_slice %arg4[%mul3A_405] : memref<524288xf32, #tpu.memory_space<hbm>> -> memref<32xf32, #tpu.memory_space<hbm>>
        %dma_start3A_407 = tpu.memref_slice %arg4[%mul3A_405] : memref<524288xf32, #tpu.memory_space<hbm>> -> memref<32xf32, #tpu.memory_space<hbm>>
        tpu.enqueue_dma source(%arg21 : memref<32xf32, #tpu.memory_space<vmem>>) target(%dma_start3A_407 : memref<32xf32, #tpu.memory_space<hbm>>) target_semaphore(%arg14 : memref<!tpu.dma_semaphore, #tpu.memory_space<semaphore_mem>>)
        %slice3A_408 = vector.extract_strided_slice %sub3A_283 {offsets = [7], sizes = [1], strides = [1]} : vector<16xi32> to vector<1xi32>
        %squeeze3A_409 = vector.extract %slice3A_408[0] : i32 from vector<1xi32>
        %broadcast_in_dim3A_410 = vector.broadcast %squeeze3A_409 : i32 to vector<16xi32>
        %gather3A_411 = tpu.vector_load_idx %arg6[%iota3A, %broadcast_in_dim3A_410] : memref<32x1024xf32, #tpu.memory_space<vmem>>[vector<16xi32>, vector<16xi32>], vector<16xf32>,
        %add3A_412 = arith.constant 16 : i32
        %add3A_413 = vector.broadcast %add3A_412 : i32 to vector<16xi32>
        %add3A_414 = arith.addi %iota3A, %add3A_413 : vector<16xi32>
        %gather3A_415 = tpu.vector_load_idx %arg6[%add3A_414, %broadcast_in_dim3A_410] : memref<32x1024xf32, #tpu.memory_space<vmem>>[vector<16xi32>, vector<16xi32>], vector<16xf32>,
        %swap3A_416 = arith.constant 0 : index
        %swap3A_417 = tpu.vector_load %arg22[%swap3A_416] {strides = array<i32>} : memref<32xf32, #tpu.memory_space<vmem>>, vector<16xf32>,
        tpu.vector_store %arg22[%swap3A_416], %gather3A_411 {strides = array<i32>} : memref<32xf32, #tpu.memory_space<vmem>>, vector<16xf32>,
        %swap3A_418 = arith.constant 16 : index
        %swap3A_419 = tpu.vector_load %arg22[%swap3A_418] {strides = array<i32>} : memref<32xf32, #tpu.memory_space<vmem>>, vector<16xf32>,
        tpu.vector_store %arg22[%swap3A_418], %gather3A_415 {strides = array<i32>} : memref<32xf32, #tpu.memory_space<vmem>>, vector<16xf32>,
        %slice3A_420 = vector.extract_strided_slice %select_n3A_281 {offsets = [7], sizes = [1], strides = [1]} : vector<16xi32> to vector<1xi32>
        %squeeze3A_421 = vector.extract %slice3A_420[0] : i32 from vector<1xi32>
        %mul3A_422 = arith.constant 32 : i32
        %mul3A_423 = arith.muli %squeeze3A_421, %mul3A_422 : i32
        %dma_start3A_424 = tpu.memref_slice %arg4[%mul3A_423] : memref<524288xf32, #tpu.memory_space<hbm>> -> memref<32xf32, #tpu.memory_space<hbm>>
        %dma_start3A_425 = tpu.memref_slice %arg4[%mul3A_423] : memref<524288xf32, #tpu.memory_space<hbm>> -> memref<32xf32, #tpu.memory_space<hbm>>
        tpu.enqueue_dma source(%arg22 : memref<32xf32, #tpu.memory_space<vmem>>) target(%dma_start3A_425 : memref<32xf32, #tpu.memory_space<hbm>>) target_semaphore(%arg14 : memref<!tpu.dma_semaphore, #tpu.memory_space<semaphore_mem>>)
        %slice3A_426 = vector.extract_strided_slice %sub3A_283 {offsets = [8], sizes = [1], strides = [1]} : vector<16xi32> to vector<1xi32>
        %squeeze3A_427 = vector.extract %slice3A_426[0] : i32 from vector<1xi32>
        %broadcast_in_dim3A_428 = vector.broadcast %squeeze3A_427 : i32 to vector<16xi32>
        %gather3A_429 = tpu.vector_load_idx %arg6[%iota3A, %broadcast_in_dim3A_428] : memref<32x1024xf32, #tpu.memory_space<vmem>>[vector<16xi32>, vector<16xi32>], vector<16xf32>,
        %add3A_430 = arith.constant 16 : i32
        %add3A_431 = vector.broadcast %add3A_430 : i32 to vector<16xi32>
        %add3A_432 = arith.addi %iota3A, %add3A_431 : vector<16xi32>
        %gather3A_433 = tpu.vector_load_idx %arg6[%add3A_432, %broadcast_in_dim3A_428] : memref<32x1024xf32, #tpu.memory_space<vmem>>[vector<16xi32>, vector<16xi32>], vector<16xf32>,
        %swap3A_434 = arith.constant 0 : index
        %swap3A_435 = tpu.vector_load %arg23[%swap3A_434] {strides = array<i32>} : memref<32xf32, #tpu.memory_space<vmem>>, vector<16xf32>,
        tpu.vector_store %arg23[%swap3A_434], %gather3A_429 {strides = array<i32>} : memref<32xf32, #tpu.memory_space<vmem>>, vector<16xf32>,
        %swap3A_436 = arith.constant 16 : index
        %swap3A_437 = tpu.vector_load %arg23[%swap3A_436] {strides = array<i32>} : memref<32xf32, #tpu.memory_space<vmem>>, vector<16xf32>,
        tpu.vector_store %arg23[%swap3A_436], %gather3A_433 {strides = array<i32>} : memref<32xf32, #tpu.memory_space<vmem>>, vector<16xf32>,
        %slice3A_438 = vector.extract_strided_slice %select_n3A_281 {offsets = [8], sizes = [1], strides = [1]} : vector<16xi32> to vector<1xi32>
        %squeeze3A_439 = vector.extract %slice3A_438[0] : i32 from vector<1xi32>
        %mul3A_440 = arith.constant 32 : i32
        %mul3A_441 = arith.muli %squeeze3A_439, %mul3A_440 : i32
        %dma_start3A_442 = tpu.memref_slice %arg4[%mul3A_441] : memref<524288xf32, #tpu.memory_space<hbm>> -> memref<32xf32, #tpu.memory_space<hbm>>
        %dma_start3A_443 = tpu.memref_slice %arg4[%mul3A_441] : memref<524288xf32, #tpu.memory_space<hbm>> -> memref<32xf32, #tpu.memory_space<hbm>>
        tpu.enqueue_dma source(%arg23 : memref<32xf32, #tpu.memory_space<vmem>>) target(%dma_start3A_443 : memref<32xf32, #tpu.memory_space<hbm>>) target_semaphore(%arg14 : memref<!tpu.dma_semaphore, #tpu.memory_space<semaphore_mem>>)
        %slice3A_444 = vector.extract_strided_slice %sub3A_283 {offsets = [9], sizes = [1], strides = [1]} : vector<16xi32> to vector<1xi32>
        %squeeze3A_445 = vector.extract %slice3A_444[0] : i32 from vector<1xi32>
        %broadcast_in_dim3A_446 = vector.broadcast %squeeze3A_445 : i32 to vector<16xi32>
        %gather3A_447 = tpu.vector_load_idx %arg6[%iota3A, %broadcast_in_dim3A_446] : memref<32x1024xf32, #tpu.memory_space<vmem>>[vector<16xi32>, vector<16xi32>], vector<16xf32>,
        %add3A_448 = arith.constant 16 : i32
        %add3A_449 = vector.broadcast %add3A_448 : i32 to vector<16xi32>
        %add3A_450 = arith.addi %iota3A, %add3A_449 : vector<16xi32>
        %gather3A_451 = tpu.vector_load_idx %arg6[%add3A_450, %broadcast_in_dim3A_446] : memref<32x1024xf32, #tpu.memory_space<vmem>>[vector<16xi32>, vector<16xi32>], vector<16xf32>,
        %swap3A_452 = arith.constant 0 : index
        %swap3A_453 = tpu.vector_load %arg24[%swap3A_452] {strides = array<i32>} : memref<32xf32, #tpu.memory_space<vmem>>, vector<16xf32>,
        tpu.vector_store %arg24[%swap3A_452], %gather3A_447 {strides = array<i32>} : memref<32xf32, #tpu.memory_space<vmem>>, vector<16xf32>,
        %swap3A_454 = arith.constant 16 : index
        %swap3A_455 = tpu.vector_load %arg24[%swap3A_454] {strides = array<i32>} : memref<32xf32, #tpu.memory_space<vmem>>, vector<16xf32>,
        tpu.vector_store %arg24[%swap3A_454], %gather3A_451 {strides = array<i32>} : memref<32xf32, #tpu.memory_space<vmem>>, vector<16xf32>,
        %slice3A_456 = vector.extract_strided_slice %select_n3A_281 {offsets = [9], sizes = [1], strides = [1]} : vector<16xi32> to vector<1xi32>
        %squeeze3A_457 = vector.extract %slice3A_456[0] : i32 from vector<1xi32>
        %mul3A_458 = arith.constant 32 : i32
        %mul3A_459 = arith.muli %squeeze3A_457, %mul3A_458 : i32
        %dma_start3A_460 = tpu.memref_slice %arg4[%mul3A_459] : memref<524288xf32, #tpu.memory_space<hbm>> -> memref<32xf32, #tpu.memory_space<hbm>>
        %dma_start3A_461 = tpu.memref_slice %arg4[%mul3A_459] : memref<524288xf32, #tpu.memory_space<hbm>> -> memref<32xf32, #tpu.memory_space<hbm>>
        tpu.enqueue_dma source(%arg24 : memref<32xf32, #tpu.memory_space<vmem>>) target(%dma_start3A_461 : memref<32xf32, #tpu.memory_space<hbm>>) target_semaphore(%arg14 : memref<!tpu.dma_semaphore, #tpu.memory_space<semaphore_mem>>)
        %slice3A_462 = vector.extract_strided_slice %sub3A_283 {offsets = [10], sizes = [1], strides = [1]} : vector<16xi32> to vector<1xi32>
        %squeeze3A_463 = vector.extract %slice3A_462[0] : i32 from vector<1xi32>
        %broadcast_in_dim3A_464 = vector.broadcast %squeeze3A_463 : i32 to vector<16xi32>
        %gather3A_465 = tpu.vector_load_idx %arg6[%iota3A, %broadcast_in_dim3A_464] : memref<32x1024xf32, #tpu.memory_space<vmem>>[vector<16xi32>, vector<16xi32>], vector<16xf32>,
        %add3A_466 = arith.constant 16 : i32
        %add3A_467 = vector.broadcast %add3A_466 : i32 to vector<16xi32>
        %add3A_468 = arith.addi %iota3A, %add3A_467 : vector<16xi32>
        %gather3A_469 = tpu.vector_load_idx %arg6[%add3A_468, %broadcast_in_dim3A_464] : memref<32x1024xf32, #tpu.memory_space<vmem>>[vector<16xi32>, vector<16xi32>], vector<16xf32>,
        %swap3A_470 = arith.constant 0 : index
        %swap3A_471 = tpu.vector_load %arg25[%swap3A_470] {strides = array<i32>} : memref<32xf32, #tpu.memory_space<vmem>>, vector<16xf32>,
        tpu.vector_store %arg25[%swap3A_470], %gather3A_465 {strides = array<i32>} : memref<32xf32, #tpu.memory_space<vmem>>, vector<16xf32>,
        %swap3A_472 = arith.constant 16 : index
        %swap3A_473 = tpu.vector_load %arg25[%swap3A_472] {strides = array<i32>} : memref<32xf32, #tpu.memory_space<vmem>>, vector<16xf32>,
        tpu.vector_store %arg25[%swap3A_472], %gather3A_469 {strides = array<i32>} : memref<32xf32, #tpu.memory_space<vmem>>, vector<16xf32>,
        %slice3A_474 = vector.extract_strided_slice %select_n3A_281 {offsets = [10], sizes = [1], strides = [1]} : vector<16xi32> to vector<1xi32>
        %squeeze3A_475 = vector.extract %slice3A_474[0] : i32 from vector<1xi32>
        %mul3A_476 = arith.constant 32 : i32
        %mul3A_477 = arith.muli %squeeze3A_475, %mul3A_476 : i32
        %dma_start3A_478 = tpu.memref_slice %arg4[%mul3A_477] : memref<524288xf32, #tpu.memory_space<hbm>> -> memref<32xf32, #tpu.memory_space<hbm>>
        %dma_start3A_479 = tpu.memref_slice %arg4[%mul3A_477] : memref<524288xf32, #tpu.memory_space<hbm>> -> memref<32xf32, #tpu.memory_space<hbm>>
        tpu.enqueue_dma source(%arg25 : memref<32xf32, #tpu.memory_space<vmem>>) target(%dma_start3A_479 : memref<32xf32, #tpu.memory_space<hbm>>) target_semaphore(%arg14 : memref<!tpu.dma_semaphore, #tpu.memory_space<semaphore_mem>>)
        %slice3A_480 = vector.extract_strided_slice %sub3A_283 {offsets = [11], sizes = [1], strides = [1]} : vector<16xi32> to vector<1xi32>
        %squeeze3A_481 = vector.extract %slice3A_480[0] : i32 from vector<1xi32>
        %broadcast_in_dim3A_482 = vector.broadcast %squeeze3A_481 : i32 to vector<16xi32>
        %gather3A_483 = tpu.vector_load_idx %arg6[%iota3A, %broadcast_in_dim3A_482] : memref<32x1024xf32, #tpu.memory_space<vmem>>[vector<16xi32>, vector<16xi32>], vector<16xf32>,
        %add3A_484 = arith.constant 16 : i32
        %add3A_485 = vector.broadcast %add3A_484 : i32 to vector<16xi32>
        %add3A_486 = arith.addi %iota3A, %add3A_485 : vector<16xi32>
        %gather3A_487 = tpu.vector_load_idx %arg6[%add3A_486, %broadcast_in_dim3A_482] : memref<32x1024xf32, #tpu.memory_space<vmem>>[vector<16xi32>, vector<16xi32>], vector<16xf32>,
        %swap3A_488 = arith.constant 0 : index
        %swap3A_489 = tpu.vector_load %arg26[%swap3A_488] {strides = array<i32>} : memref<32xf32, #tpu.memory_space<vmem>>, vector<16xf32>,
        tpu.vector_store %arg26[%swap3A_488], %gather3A_483 {strides = array<i32>} : memref<32xf32, #tpu.memory_space<vmem>>, vector<16xf32>,
        %swap3A_490 = arith.constant 16 : index
        %swap3A_491 = tpu.vector_load %arg26[%swap3A_490] {strides = array<i32>} : memref<32xf32, #tpu.memory_space<vmem>>, vector<16xf32>,
        tpu.vector_store %arg26[%swap3A_490], %gather3A_487 {strides = array<i32>} : memref<32xf32, #tpu.memory_space<vmem>>, vector<16xf32>,
        %slice3A_492 = vector.extract_strided_slice %select_n3A_281 {offsets = [11], sizes = [1], strides = [1]} : vector<16xi32> to vector<1xi32>
        %squeeze3A_493 = vector.extract %slice3A_492[0] : i32 from vector<1xi32>
        %mul3A_494 = arith.constant 32 : i32
        %mul3A_495 = arith.muli %squeeze3A_493, %mul3A_494 : i32
        %dma_start3A_496 = tpu.memref_slice %arg4[%mul3A_495] : memref<524288xf32, #tpu.memory_space<hbm>> -> memref<32xf32, #tpu.memory_space<hbm>>
        %dma_start3A_497 = tpu.memref_slice %arg4[%mul3A_495] : memref<524288xf32, #tpu.memory_space<hbm>> -> memref<32xf32, #tpu.memory_space<hbm>>
        tpu.enqueue_dma source(%arg26 : memref<32xf32, #tpu.memory_space<vmem>>) target(%dma_start3A_497 : memref<32xf32, #tpu.memory_space<hbm>>) target_semaphore(%arg14 : memref<!tpu.dma_semaphore, #tpu.memory_space<semaphore_mem>>)
        %slice3A_498 = vector.extract_strided_slice %sub3A_283 {offsets = [12], sizes = [1], strides = [1]} : vector<16xi32> to vector<1xi32>
        %squeeze3A_499 = vector.extract %slice3A_498[0] : i32 from vector<1xi32>
        %broadcast_in_dim3A_500 = vector.broadcast %squeeze3A_499 : i32 to vector<16xi32>
        %gather3A_501 = tpu.vector_load_idx %arg6[%iota3A, %broadcast_in_dim3A_500] : memref<32x1024xf32, #tpu.memory_space<vmem>>[vector<16xi32>, vector<16xi32>], vector<16xf32>,
        %add3A_502 = arith.constant 16 : i32
        %add3A_503 = vector.broadcast %add3A_502 : i32 to vector<16xi32>
        %add3A_504 = arith.addi %iota3A, %add3A_503 : vector<16xi32>
        %gather3A_505 = tpu.vector_load_idx %arg6[%add3A_504, %broadcast_in_dim3A_500] : memref<32x1024xf32, #tpu.memory_space<vmem>>[vector<16xi32>, vector<16xi32>], vector<16xf32>,
        %swap3A_506 = arith.constant 0 : index
        %swap3A_507 = tpu.vector_load %arg27[%swap3A_506] {strides = array<i32>} : memref<32xf32, #tpu.memory_space<vmem>>, vector<16xf32>,
        tpu.vector_store %arg27[%swap3A_506], %gather3A_501 {strides = array<i32>} : memref<32xf32, #tpu.memory_space<vmem>>, vector<16xf32>,
        %swap3A_508 = arith.constant 16 : index
        %swap3A_509 = tpu.vector_load %arg27[%swap3A_508] {strides = array<i32>} : memref<32xf32, #tpu.memory_space<vmem>>, vector<16xf32>,
        tpu.vector_store %arg27[%swap3A_508], %gather3A_505 {strides = array<i32>} : memref<32xf32, #tpu.memory_space<vmem>>, vector<16xf32>,
        %slice3A_510 = vector.extract_strided_slice %select_n3A_281 {offsets = [12], sizes = [1], strides = [1]} : vector<16xi32> to vector<1xi32>
        %squeeze3A_511 = vector.extract %slice3A_510[0] : i32 from vector<1xi32>
        %mul3A_512 = arith.constant 32 : i32
        %mul3A_513 = arith.muli %squeeze3A_511, %mul3A_512 : i32
        %dma_start3A_514 = tpu.memref_slice %arg4[%mul3A_513] : memref<524288xf32, #tpu.memory_space<hbm>> -> memref<32xf32, #tpu.memory_space<hbm>>
        %dma_start3A_515 = tpu.memref_slice %arg4[%mul3A_513] : memref<524288xf32, #tpu.memory_space<hbm>> -> memref<32xf32, #tpu.memory_space<hbm>>
        tpu.enqueue_dma source(%arg27 : memref<32xf32, #tpu.memory_space<vmem>>) target(%dma_start3A_515 : memref<32xf32, #tpu.memory_space<hbm>>) target_semaphore(%arg14 : memref<!tpu.dma_semaphore, #tpu.memory_space<semaphore_mem>>)
        %slice3A_516 = vector.extract_strided_slice %sub3A_283 {offsets = [13], sizes = [1], strides = [1]} : vector<16xi32> to vector<1xi32>
        %squeeze3A_517 = vector.extract %slice3A_516[0] : i32 from vector<1xi32>
        %broadcast_in_dim3A_518 = vector.broadcast %squeeze3A_517 : i32 to vector<16xi32>
        %gather3A_519 = tpu.vector_load_idx %arg6[%iota3A, %broadcast_in_dim3A_518] : memref<32x1024xf32, #tpu.memory_space<vmem>>[vector<16xi32>, vector<16xi32>], vector<16xf32>,
        %add3A_520 = arith.constant 16 : i32
        %add3A_521 = vector.broadcast %add3A_520 : i32 to vector<16xi32>
        %add3A_522 = arith.addi %iota3A, %add3A_521 : vector<16xi32>
        %gather3A_523 = tpu.vector_load_idx %arg6[%add3A_522, %broadcast_in_dim3A_518] : memref<32x1024xf32, #tpu.memory_space<vmem>>[vector<16xi32>, vector<16xi32>], vector<16xf32>,
        %swap3A_524 = arith.constant 0 : index
        %swap3A_525 = tpu.vector_load %arg28[%swap3A_524] {strides = array<i32>} : memref<32xf32, #tpu.memory_space<vmem>>, vector<16xf32>,
        tpu.vector_store %arg28[%swap3A_524], %gather3A_519 {strides = array<i32>} : memref<32xf32, #tpu.memory_space<vmem>>, vector<16xf32>,
        %swap3A_526 = arith.constant 16 : index
        %swap3A_527 = tpu.vector_load %arg28[%swap3A_526] {strides = array<i32>} : memref<32xf32, #tpu.memory_space<vmem>>, vector<16xf32>,
        tpu.vector_store %arg28[%swap3A_526], %gather3A_523 {strides = array<i32>} : memref<32xf32, #tpu.memory_space<vmem>>, vector<16xf32>,
        %slice3A_528 = vector.extract_strided_slice %select_n3A_281 {offsets = [13], sizes = [1], strides = [1]} : vector<16xi32> to vector<1xi32>
        %squeeze3A_529 = vector.extract %slice3A_528[0] : i32 from vector<1xi32>
        %mul3A_530 = arith.constant 32 : i32
        %mul3A_531 = arith.muli %squeeze3A_529, %mul3A_530 : i32
        %dma_start3A_532 = tpu.memref_slice %arg4[%mul3A_531] : memref<524288xf32, #tpu.memory_space<hbm>> -> memref<32xf32, #tpu.memory_space<hbm>>
        %dma_start3A_533 = tpu.memref_slice %arg4[%mul3A_531] : memref<524288xf32, #tpu.memory_space<hbm>> -> memref<32xf32, #tpu.memory_space<hbm>>
        tpu.enqueue_dma source(%arg28 : memref<32xf32, #tpu.memory_space<vmem>>) target(%dma_start3A_533 : memref<32xf32, #tpu.memory_space<hbm>>) target_semaphore(%arg14 : memref<!tpu.dma_semaphore, #tpu.memory_space<semaphore_mem>>)
        %slice3A_534 = vector.extract_strided_slice %sub3A_283 {offsets = [14], sizes = [1], strides = [1]} : vector<16xi32> to vector<1xi32>
        %squeeze3A_535 = vector.extract %slice3A_534[0] : i32 from vector<1xi32>
        %broadcast_in_dim3A_536 = vector.broadcast %squeeze3A_535 : i32 to vector<16xi32>
        %gather3A_537 = tpu.vector_load_idx %arg6[%iota3A, %broadcast_in_dim3A_536] : memref<32x1024xf32, #tpu.memory_space<vmem>>[vector<16xi32>, vector<16xi32>], vector<16xf32>,
        %add3A_538 = arith.constant 16 : i32
        %add3A_539 = vector.broadcast %add3A_538 : i32 to vector<16xi32>
        %add3A_540 = arith.addi %iota3A, %add3A_539 : vector<16xi32>
        %gather3A_541 = tpu.vector_load_idx %arg6[%add3A_540, %broadcast_in_dim3A_536] : memref<32x1024xf32, #tpu.memory_space<vmem>>[vector<16xi32>, vector<16xi32>], vector<16xf32>,
        %swap3A_542 = arith.constant 0 : index
        %swap3A_543 = tpu.vector_load %arg29[%swap3A_542] {strides = array<i32>} : memref<32xf32, #tpu.memory_space<vmem>>, vector<16xf32>,
        tpu.vector_store %arg29[%swap3A_542], %gather3A_537 {strides = array<i32>} : memref<32xf32, #tpu.memory_space<vmem>>, vector<16xf32>,
        %swap3A_544 = arith.constant 16 : index
        %swap3A_545 = tpu.vector_load %arg29[%swap3A_544] {strides = array<i32>} : memref<32xf32, #tpu.memory_space<vmem>>, vector<16xf32>,
        tpu.vector_store %arg29[%swap3A_544], %gather3A_541 {strides = array<i32>} : memref<32xf32, #tpu.memory_space<vmem>>, vector<16xf32>,
        %slice3A_546 = vector.extract_strided_slice %select_n3A_281 {offsets = [14], sizes = [1], strides = [1]} : vector<16xi32> to vector<1xi32>
        %squeeze3A_547 = vector.extract %slice3A_546[0] : i32 from vector<1xi32>
        %mul3A_548 = arith.constant 32 : i32
        %mul3A_549 = arith.muli %squeeze3A_547, %mul3A_548 : i32
        %dma_start3A_550 = tpu.memref_slice %arg4[%mul3A_549] : memref<524288xf32, #tpu.memory_space<hbm>> -> memref<32xf32, #tpu.memory_space<hbm>>
        %dma_start3A_551 = tpu.memref_slice %arg4[%mul3A_549] : memref<524288xf32, #tpu.memory_space<hbm>> -> memref<32xf32, #tpu.memory_space<hbm>>
        tpu.enqueue_dma source(%arg29 : memref<32xf32, #tpu.memory_space<vmem>>) target(%dma_start3A_551 : memref<32xf32, #tpu.memory_space<hbm>>) target_semaphore(%arg14 : memref<!tpu.dma_semaphore, #tpu.memory_space<semaphore_mem>>)
        %slice3A_552 = vector.extract_strided_slice %sub3A_283 {offsets = [15], sizes = [1], strides = [1]} : vector<16xi32> to vector<1xi32>
        %squeeze3A_553 = vector.extract %slice3A_552[0] : i32 from vector<1xi32>
        %broadcast_in_dim3A_554 = vector.broadcast %squeeze3A_553 : i32 to vector<16xi32>
        %gather3A_555 = tpu.vector_load_idx %arg6[%iota3A, %broadcast_in_dim3A_554] : memref<32x1024xf32, #tpu.memory_space<vmem>>[vector<16xi32>, vector<16xi32>], vector<16xf32>,
        %add3A_556 = arith.constant 16 : i32
        %add3A_557 = vector.broadcast %add3A_556 : i32 to vector<16xi32>
        %add3A_558 = arith.addi %iota3A, %add3A_557 : vector<16xi32>
        %gather3A_559 = tpu.vector_load_idx %arg6[%add3A_558, %broadcast_in_dim3A_554] : memref<32x1024xf32, #tpu.memory_space<vmem>>[vector<16xi32>, vector<16xi32>], vector<16xf32>,
        %swap3A_560 = arith.constant 0 : index
        %swap3A_561 = tpu.vector_load %arg30[%swap3A_560] {strides = array<i32>} : memref<32xf32, #tpu.memory_space<vmem>>, vector<16xf32>,
        tpu.vector_store %arg30[%swap3A_560], %gather3A_555 {strides = array<i32>} : memref<32xf32, #tpu.memory_space<vmem>>, vector<16xf32>,
        %swap3A_562 = arith.constant 16 : index
        %swap3A_563 = tpu.vector_load %arg30[%swap3A_562] {strides = array<i32>} : memref<32xf32, #tpu.memory_space<vmem>>, vector<16xf32>,
        tpu.vector_store %arg30[%swap3A_562], %gather3A_559 {strides = array<i32>} : memref<32xf32, #tpu.memory_space<vmem>>, vector<16xf32>,
        %slice3A_564 = vector.extract_strided_slice %select_n3A_281 {offsets = [15], sizes = [1], strides = [1]} : vector<16xi32> to vector<1xi32>
        %squeeze3A_565 = vector.extract %slice3A_564[0] : i32 from vector<1xi32>
        %mul3A_566 = arith.constant 32 : i32
        %mul3A_567 = arith.muli %squeeze3A_565, %mul3A_566 : i32
        %dma_start3A_568 = tpu.memref_slice %arg4[%mul3A_567] : memref<524288xf32, #tpu.memory_space<hbm>> -> memref<32xf32, #tpu.memory_space<hbm>>
        %dma_start3A_569 = tpu.memref_slice %arg4[%mul3A_567] : memref<524288xf32, #tpu.memory_space<hbm>> -> memref<32xf32, #tpu.memory_space<hbm>>
        tpu.enqueue_dma source(%arg30 : memref<32xf32, #tpu.memory_space<vmem>>) target(%dma_start3A_569 : memref<32xf32, #tpu.memory_space<hbm>>) target_semaphore(%arg14 : memref<!tpu.dma_semaphore, #tpu.memory_space<semaphore_mem>>)
        %dma_wait3A_570 = tpu.memref_slice %arg4[%mul3A_297] : memref<524288xf32, #tpu.memory_space<hbm>> -> memref<32xf32, #tpu.memory_space<hbm>>
        %dma_wait3A_571 = tpu.memref_slice %arg4[%mul3A_297] : memref<524288xf32, #tpu.memory_space<hbm>> -> memref<32xf32, #tpu.memory_space<hbm>>
        tpu.wait_dma2 semaphore(%arg14 : memref<!tpu.dma_semaphore, #tpu.memory_space<semaphore_mem>>) src(%arg15 : memref<32xf32, #tpu.memory_space<vmem>>) dst(%dma_wait3A_571 : memref<32xf32, #tpu.memory_space<hbm>>)
        %dma_wait3A_572 = tpu.memref_slice %arg4[%mul3A_315] : memref<524288xf32, #tpu.memory_space<hbm>> -> memref<32xf32, #tpu.memory_space<hbm>>
        %dma_wait3A_573 = tpu.memref_slice %arg4[%mul3A_315] : memref<524288xf32, #tpu.memory_space<hbm>> -> memref<32xf32, #tpu.memory_space<hbm>>
        tpu.wait_dma2 semaphore(%arg14 : memref<!tpu.dma_semaphore, #tpu.memory_space<semaphore_mem>>) src(%arg16 : memref<32xf32, #tpu.memory_space<vmem>>) dst(%dma_wait3A_573 : memref<32xf32, #tpu.memory_space<hbm>>)
        %dma_wait3A_574 = tpu.memref_slice %arg4[%mul3A_333] : memref<524288xf32, #tpu.memory_space<hbm>> -> memref<32xf32, #tpu.memory_space<hbm>>
        %dma_wait3A_575 = tpu.memref_slice %arg4[%mul3A_333] : memref<524288xf32, #tpu.memory_space<hbm>> -> memref<32xf32, #tpu.memory_space<hbm>>
        tpu.wait_dma2 semaphore(%arg14 : memref<!tpu.dma_semaphore, #tpu.memory_space<semaphore_mem>>) src(%arg17 : memref<32xf32, #tpu.memory_space<vmem>>) dst(%dma_wait3A_575 : memref<32xf32, #tpu.memory_space<hbm>>)
        %dma_wait3A_576 = tpu.memref_slice %arg4[%mul3A_351] : memref<524288xf32, #tpu.memory_space<hbm>> -> memref<32xf32, #tpu.memory_space<hbm>>
        %dma_wait3A_577 = tpu.memref_slice %arg4[%mul3A_351] : memref<524288xf32, #tpu.memory_space<hbm>> -> memref<32xf32, #tpu.memory_space<hbm>>
        tpu.wait_dma2 semaphore(%arg14 : memref<!tpu.dma_semaphore, #tpu.memory_space<semaphore_mem>>) src(%arg18 : memref<32xf32, #tpu.memory_space<vmem>>) dst(%dma_wait3A_577 : memref<32xf32, #tpu.memory_space<hbm>>)
        %dma_wait3A_578 = tpu.memref_slice %arg4[%mul3A_369] : memref<524288xf32, #tpu.memory_space<hbm>> -> memref<32xf32, #tpu.memory_space<hbm>>
        %dma_wait3A_579 = tpu.memref_slice %arg4[%mul3A_369] : memref<524288xf32, #tpu.memory_space<hbm>> -> memref<32xf32, #tpu.memory_space<hbm>>
        tpu.wait_dma2 semaphore(%arg14 : memref<!tpu.dma_semaphore, #tpu.memory_space<semaphore_mem>>) src(%arg19 : memref<32xf32, #tpu.memory_space<vmem>>) dst(%dma_wait3A_579 : memref<32xf32, #tpu.memory_space<hbm>>)
        %dma_wait3A_580 = tpu.memref_slice %arg4[%mul3A_387] : memref<524288xf32, #tpu.memory_space<hbm>> -> memref<32xf32, #tpu.memory_space<hbm>>
        %dma_wait3A_581 = tpu.memref_slice %arg4[%mul3A_387] : memref<524288xf32, #tpu.memory_space<hbm>> -> memref<32xf32, #tpu.memory_space<hbm>>
        tpu.wait_dma2 semaphore(%arg14 : memref<!tpu.dma_semaphore, #tpu.memory_space<semaphore_mem>>) src(%arg20 : memref<32xf32, #tpu.memory_space<vmem>>) dst(%dma_wait3A_581 : memref<32xf32, #tpu.memory_space<hbm>>)
        %dma_wait3A_582 = tpu.memref_slice %arg4[%mul3A_405] : memref<524288xf32, #tpu.memory_space<hbm>> -> memref<32xf32, #tpu.memory_space<hbm>>
        %dma_wait3A_583 = tpu.memref_slice %arg4[%mul3A_405] : memref<524288xf32, #tpu.memory_space<hbm>> -> memref<32xf32, #tpu.memory_space<hbm>>
        tpu.wait_dma2 semaphore(%arg14 : memref<!tpu.dma_semaphore, #tpu.memory_space<semaphore_mem>>) src(%arg21 : memref<32xf32, #tpu.memory_space<vmem>>) dst(%dma_wait3A_583 : memref<32xf32, #tpu.memory_space<hbm>>)
        %dma_wait3A_584 = tpu.memref_slice %arg4[%mul3A_423] : memref<524288xf32, #tpu.memory_space<hbm>> -> memref<32xf32, #tpu.memory_space<hbm>>
        %dma_wait3A_585 = tpu.memref_slice %arg4[%mul3A_423] : memref<524288xf32, #tpu.memory_space<hbm>> -> memref<32xf32, #tpu.memory_space<hbm>>
        tpu.wait_dma2 semaphore(%arg14 : memref<!tpu.dma_semaphore, #tpu.memory_space<semaphore_mem>>) src(%arg22 : memref<32xf32, #tpu.memory_space<vmem>>) dst(%dma_wait3A_585 : memref<32xf32, #tpu.memory_space<hbm>>)
        %dma_wait3A_586 = tpu.memref_slice %arg4[%mul3A_441] : memref<524288xf32, #tpu.memory_space<hbm>> -> memref<32xf32, #tpu.memory_space<hbm>>
        %dma_wait3A_587 = tpu.memref_slice %arg4[%mul3A_441] : memref<524288xf32, #tpu.memory_space<hbm>> -> memref<32xf32, #tpu.memory_space<hbm>>
        tpu.wait_dma2 semaphore(%arg14 : memref<!tpu.dma_semaphore, #tpu.memory_space<semaphore_mem>>) src(%arg23 : memref<32xf32, #tpu.memory_space<vmem>>) dst(%dma_wait3A_587 : memref<32xf32, #tpu.memory_space<hbm>>)
        %dma_wait3A_588 = tpu.memref_slice %arg4[%mul3A_459] : memref<524288xf32, #tpu.memory_space<hbm>> -> memref<32xf32, #tpu.memory_space<hbm>>
        %dma_wait3A_589 = tpu.memref_slice %arg4[%mul3A_459] : memref<524288xf32, #tpu.memory_space<hbm>> -> memref<32xf32, #tpu.memory_space<hbm>>
        tpu.wait_dma2 semaphore(%arg14 : memref<!tpu.dma_semaphore, #tpu.memory_space<semaphore_mem>>) src(%arg24 : memref<32xf32, #tpu.memory_space<vmem>>) dst(%dma_wait3A_589 : memref<32xf32, #tpu.memory_space<hbm>>)
        %dma_wait3A_590 = tpu.memref_slice %arg4[%mul3A_477] : memref<524288xf32, #tpu.memory_space<hbm>> -> memref<32xf32, #tpu.memory_space<hbm>>
        %dma_wait3A_591 = tpu.memref_slice %arg4[%mul3A_477] : memref<524288xf32, #tpu.memory_space<hbm>> -> memref<32xf32, #tpu.memory_space<hbm>>
        tpu.wait_dma2 semaphore(%arg14 : memref<!tpu.dma_semaphore, #tpu.memory_space<semaphore_mem>>) src(%arg25 : memref<32xf32, #tpu.memory_space<vmem>>) dst(%dma_wait3A_591 : memref<32xf32, #tpu.memory_space<hbm>>)
        %dma_wait3A_592 = tpu.memref_slice %arg4[%mul3A_495] : memref<524288xf32, #tpu.memory_space<hbm>> -> memref<32xf32, #tpu.memory_space<hbm>>
        %dma_wait3A_593 = tpu.memref_slice %arg4[%mul3A_495] : memref<524288xf32, #tpu.memory_space<hbm>> -> memref<32xf32, #tpu.memory_space<hbm>>
        tpu.wait_dma2 semaphore(%arg14 : memref<!tpu.dma_semaphore, #tpu.memory_space<semaphore_mem>>) src(%arg26 : memref<32xf32, #tpu.memory_space<vmem>>) dst(%dma_wait3A_593 : memref<32xf32, #tpu.memory_space<hbm>>)
        %dma_wait3A_594 = tpu.memref_slice %arg4[%mul3A_513] : memref<524288xf32, #tpu.memory_space<hbm>> -> memref<32xf32, #tpu.memory_space<hbm>>
        %dma_wait3A_595 = tpu.memref_slice %arg4[%mul3A_513] : memref<524288xf32, #tpu.memory_space<hbm>> -> memref<32xf32, #tpu.memory_space<hbm>>
        tpu.wait_dma2 semaphore(%arg14 : memref<!tpu.dma_semaphore, #tpu.memory_space<semaphore_mem>>) src(%arg27 : memref<32xf32, #tpu.memory_space<vmem>>) dst(%dma_wait3A_595 : memref<32xf32, #tpu.memory_space<hbm>>)
        %dma_wait3A_596 = tpu.memref_slice %arg4[%mul3A_531] : memref<524288xf32, #tpu.memory_space<hbm>> -> memref<32xf32, #tpu.memory_space<hbm>>
        %dma_wait3A_597 = tpu.memref_slice %arg4[%mul3A_531] : memref<524288xf32, #tpu.memory_space<hbm>> -> memref<32xf32, #tpu.memory_space<hbm>>
        tpu.wait_dma2 semaphore(%arg14 : memref<!tpu.dma_semaphore, #tpu.memory_space<semaphore_mem>>) src(%arg28 : memref<32xf32, #tpu.memory_space<vmem>>) dst(%dma_wait3A_597 : memref<32xf32, #tpu.memory_space<hbm>>)
        %dma_wait3A_598 = tpu.memref_slice %arg4[%mul3A_549] : memref<524288xf32, #tpu.memory_space<hbm>> -> memref<32xf32, #tpu.memory_space<hbm>>
        %dma_wait3A_599 = tpu.memref_slice %arg4[%mul3A_549] : memref<524288xf32, #tpu.memory_space<hbm>> -> memref<32xf32, #tpu.memory_space<hbm>>
        tpu.wait_dma2 semaphore(%arg14 : memref<!tpu.dma_semaphore, #tpu.memory_space<semaphore_mem>>) src(%arg29 : memref<32xf32, #tpu.memory_space<vmem>>) dst(%dma_wait3A_599 : memref<32xf32, #tpu.memory_space<hbm>>)
        %dma_wait3A_600 = tpu.memref_slice %arg4[%mul3A_567] : memref<524288xf32, #tpu.memory_space<hbm>> -> memref<32xf32, #tpu.memory_space<hbm>>
        %dma_wait3A_601 = tpu.memref_slice %arg4[%mul3A_567] : memref<524288xf32, #tpu.memory_space<hbm>> -> memref<32xf32, #tpu.memory_space<hbm>>
        tpu.wait_dma2 semaphore(%arg14 : memref<!tpu.dma_semaphore, #tpu.memory_space<semaphore_mem>>) src(%arg30 : memref<32xf32, #tpu.memory_space<vmem>>) dst(%dma_wait3A_601 : memref<32xf32, #tpu.memory_space<hbm>>)
      }
      %while3A_145 = arith.constant 1 : i32
      scf.for %while3A_264 = %while3A_143 to %while3A_139 step %while3A_145  : i32 {
        %mul3A_265 = arith.constant 16 : i32
        %mul3A_266 = arith.muli %while3A_264, %mul3A_265 : i32
        %get3A = arith.index_cast %mul3A_266 : i32 to index
        %get3A_267 = tpu.vector_load %arg10[%get3A] {strides = array<i32>} : memref<2064xi32, #tpu.memory_space<vmem>>, vector<16xi32>,
        %mul3A_268 = arith.constant 16 : i32
        %mul3A_269 = arith.muli %while3A_264, %mul3A_268 : i32
        %get3A_270 = arith.index_cast %mul3A_269 : i32 to index
        %get3A_271 = tpu.vector_load %arg11[%get3A_270] {strides = array<i32>} : memref<2064xi32, #tpu.memory_space<vmem>>, vector<16xi32>,
        %mul3A_272 = arith.constant 16 : i32
        %mul3A_273 = arith.muli %while3A_264, %mul3A_272 : i32
        %add3A_274 = vector.broadcast %mul3A_273 : i32 to vector<16xi32>
        %add3A_275 = arith.addi %iota3A, %add3A_274 : vector<16xi32>
        %lt3A = vector.broadcast %while3A_109 : i32 to vector<16xi32>
        %lt3A_276 = arith.cmpi slt, %add3A_275, %lt3A : vector<16xi32>
        %slice3A = vector.extract_strided_slice %get3A_267 {offsets = [0], sizes = [1], strides = [1]} : vector<16xi32> to vector<1xi32>
        %squeeze3A = vector.extract %slice3A[0] : i32 from vector<1xi32>
        %broadcast_in_dim3A = vector.broadcast %squeeze3A : i32 to vector<16xi32>
        %select_n3A_277 = arith.select %lt3A_276, %get3A_267, %broadcast_in_dim3A : vector<16xi1>, vector<16xi32>
        %slice3A_278 = vector.extract_strided_slice %get3A_271 {offsets = [0], sizes = [1], strides = [1]} : vector<16xi32> to vector<1xi32>
        %squeeze3A_279 = vector.extract %slice3A_278[0] : i32 from vector<1xi32>
        %broadcast_in_dim3A_280 = vector.broadcast %squeeze3A_279 : i32 to vector<16xi32>
        %select_n3A_281 = arith.select %lt3A_276, %get3A_271, %broadcast_in_dim3A_280 : vector<16xi1>, vector<16xi32>
        %sub3A_282 = vector.broadcast %multiple_of3A_74 : i32 to vector<16xi32>
        %sub3A_283 = arith.subi %select_n3A_277, %sub3A_282 : vector<16xi32>
        %slice3A_284 = vector.extract_strided_slice %sub3A_283 {offsets = [0], sizes = [1], strides = [1]} : vector<16xi32> to vector<1xi32>
        %squeeze3A_285 = vector.extract %slice3A_284[0] : i32 from vector<1xi32>
        %broadcast_in_dim3A_286 = vector.broadcast %squeeze3A_285 : i32 to vector<16xi32>
        %gather3A = tpu.vector_load_idx %arg6[%iota3A, %broadcast_in_dim3A_286] : memref<32x1024xf32, #tpu.memory_space<vmem>>[vector<16xi32>, vector<16xi32>], vector<16xf32>,
        %add3A_287 = arith.constant 16 : i32
        %add3A_288 = vector.broadcast %add3A_287 : i32 to vector<16xi32>
        %add3A_289 = arith.addi %iota3A, %add3A_288 : vector<16xi32>
        %gather3A_290 = tpu.vector_load_idx %arg6[%add3A_289, %broadcast_in_dim3A_286] : memref<32x1024xf32, #tpu.memory_space<vmem>>[vector<16xi32>, vector<16xi32>], vector<16xf32>,
        %swap3A = arith.constant 0 : index
        %swap3A_291 = tpu.vector_load %arg15[%swap3A] {strides = array<i32>} : memref<32xf32, #tpu.memory_space<vmem>>, vector<16xf32>,
        tpu.vector_store %arg15[%swap3A], %gather3A {strides = array<i32>} : memref<32xf32, #tpu.memory_space<vmem>>, vector<16xf32>,
        %swap3A_292 = arith.constant 16 : index
        %swap3A_293 = tpu.vector_load %arg15[%swap3A_292] {strides = array<i32>} : memref<32xf32, #tpu.memory_space<vmem>>, vector<16xf32>,
        tpu.vector_store %arg15[%swap3A_292], %gather3A_290 {strides = array<i32>} : memref<32xf32, #tpu.memory_space<vmem>>, vector<16xf32>,
        %slice3A_294 = vector.extract_strided_slice %select_n3A_281 {offsets = [0], sizes = [1], strides = [1]} : vector<16xi32> to vector<1xi32>
        %squeeze3A_295 = vector.extract %slice3A_294[0] : i32 from vector<1xi32>
        %mul3A_296 = arith.constant 32 : i32
        %mul3A_297 = arith.muli %squeeze3A_295, %mul3A_296 : i32
        %dma_start3A_298 = tpu.memref_slice %arg4[%mul3A_297] : memref<524288xf32, #tpu.memory_space<hbm>> -> memref<32xf32, #tpu.memory_space<hbm>>
        %dma_start3A_299 = tpu.memref_slice %arg4[%mul3A_297] : memref<524288xf32, #tpu.memory_space<hbm>> -> memref<32xf32, #tpu.memory_space<hbm>>
        tpu.enqueue_dma source(%arg15 : memref<32xf32, #tpu.memory_space<vmem>>) target(%dma_start3A_299 : memref<32xf32, #tpu.memory_space<hbm>>) target_semaphore(%arg14 : memref<!tpu.dma_semaphore, #tpu.memory_space<semaphore_mem>>)
        %slice3A_300 = vector.extract_strided_slice %sub3A_283 {offsets = [1], sizes = [1], strides = [1]} : vector<16xi32> to vector<1xi32>
        %squeeze3A_301 = vector.extract %slice3A_300[0] : i32 from vector<1xi32>
        %broadcast_in_dim3A_302 = vector.broadcast %squeeze3A_301 : i32 to vector<16xi32>
        %gather3A_303 = tpu.vector_load_idx %arg6[%iota3A, %broadcast_in_dim3A_302] : memref<32x1024xf32, #tpu.memory_space<vmem>>[vector<16xi32>, vector<16xi32>], vector<16xf32>,
        %add3A_304 = arith.constant 16 : i32
        %add3A_305 = vector.broadcast %add3A_304 : i32 to vector<16xi32>
        %add3A_306 = arith.addi %iota3A, %add3A_305 : vector<16xi32>
        %gather3A_307 = tpu.vector_load_idx %arg6[%add3A_306, %broadcast_in_dim3A_302] : memref<32x1024xf32, #tpu.memory_space<vmem>>[vector<16xi32>, vector<16xi32>], vector<16xf32>,
        %swap3A_308 = arith.constant 0 : index
        %swap3A_309 = tpu.vector_load %arg16[%swap3A_308] {strides = array<i32>} : memref<32xf32, #tpu.memory_space<vmem>>, vector<16xf32>,
        tpu.vector_store %arg16[%swap3A_308], %gather3A_303 {strides = array<i32>} : memref<32xf32, #tpu.memory_space<vmem>>, vector<16xf32>,
        %swap3A_310 = arith.constant 16 : index
        %swap3A_311 = tpu.vector_load %arg16[%swap3A_310] {strides = array<i32>} : memref<32xf32, #tpu.memory_space<vmem>>, vector<16xf32>,
        tpu.vector_store %arg16[%swap3A_310], %gather3A_307 {strides = array<i32>} : memref<32xf32, #tpu.memory_space<vmem>>, vector<16xf32>,
        %slice3A_312 = vector.extract_strided_slice %select_n3A_281 {offsets = [1], sizes = [1], strides = [1]} : vector<16xi32> to vector<1xi32>
        %squeeze3A_313 = vector.extract %slice3A_312[0] : i32 from vector<1xi32>
        %mul3A_314 = arith.constant 32 : i32
        %mul3A_315 = arith.muli %squeeze3A_313, %mul3A_314 : i32
        %dma_start3A_316 = tpu.memref_slice %arg4[%mul3A_315] : memref<524288xf32, #tpu.memory_space<hbm>> -> memref<32xf32, #tpu.memory_space<hbm>>
        %dma_start3A_317 = tpu.memref_slice %arg4[%mul3A_315] : memref<524288xf32, #tpu.memory_space<hbm>> -> memref<32xf32, #tpu.memory_space<hbm>>
        tpu.enqueue_dma source(%arg16 : memref<32xf32, #tpu.memory_space<vmem>>) target(%dma_start3A_317 : memref<32xf32, #tpu.memory_space<hbm>>) target_semaphore(%arg14 : memref<!tpu.dma_semaphore, #tpu.memory_space<semaphore_mem>>)
        %slice3A_318 = vector.extract_strided_slice %sub3A_283 {offsets = [2], sizes = [1], strides = [1]} : vector<16xi32> to vector<1xi32>
        %squeeze3A_319 = vector.extract %slice3A_318[0] : i32 from vector<1xi32>
        %broadcast_in_dim3A_320 = vector.broadcast %squeeze3A_319 : i32 to vector<16xi32>
        %gather3A_321 = tpu.vector_load_idx %arg6[%iota3A, %broadcast_in_dim3A_320] : memref<32x1024xf32, #tpu.memory_space<vmem>>[vector<16xi32>, vector<16xi32>], vector<16xf32>,
        %add3A_322 = arith.constant 16 : i32
        %add3A_323 = vector.broadcast %add3A_322 : i32 to vector<16xi32>
        %add3A_324 = arith.addi %iota3A, %add3A_323 : vector<16xi32>
        %gather3A_325 = tpu.vector_load_idx %arg6[%add3A_324, %broadcast_in_dim3A_320] : memref<32x1024xf32, #tpu.memory_space<vmem>>[vector<16xi32>, vector<16xi32>], vector<16xf32>,
        %swap3A_326 = arith.constant 0 : index
        %swap3A_327 = tpu.vector_load %arg17[%swap3A_326] {strides = array<i32>} : memref<32xf32, #tpu.memory_space<vmem>>, vector<16xf32>,
        tpu.vector_store %arg17[%swap3A_326], %gather3A_321 {strides = array<i32>} : memref<32xf32, #tpu.memory_space<vmem>>, vector<16xf32>,
        %swap3A_328 = arith.constant 16 : index
        %swap3A_329 = tpu.vector_load %arg17[%swap3A_328] {strides = array<i32>} : memref<32xf32, #tpu.memory_space<vmem>>, vector<16xf32>,
        tpu.vector_store %arg17[%swap3A_328], %gather3A_325 {strides = array<i32>} : memref<32xf32, #tpu.memory_space<vmem>>, vector<16xf32>,
        %slice3A_330 = vector.extract_strided_slice %select_n3A_281 {offsets = [2], sizes = [1], strides = [1]} : vector<16xi32> to vector<1xi32>
        %squeeze3A_331 = vector.extract %slice3A_330[0] : i32 from vector<1xi32>
        %mul3A_332 = arith.constant 32 : i32
        %mul3A_333 = arith.muli %squeeze3A_331, %mul3A_332 : i32
        %dma_start3A_334 = tpu.memref_slice %arg4[%mul3A_333] : memref<524288xf32, #tpu.memory_space<hbm>> -> memref<32xf32, #tpu.memory_space<hbm>>
        %dma_start3A_335 = tpu.memref_slice %arg4[%mul3A_333] : memref<524288xf32, #tpu.memory_space<hbm>> -> memref<32xf32, #tpu.memory_space<hbm>>
        tpu.enqueue_dma source(%arg17 : memref<32xf32, #tpu.memory_space<vmem>>) target(%dma_start3A_335 : memref<32xf32, #tpu.memory_space<hbm>>) target_semaphore(%arg14 : memref<!tpu.dma_semaphore, #tpu.memory_space<semaphore_mem>>)
        %slice3A_336 = vector.extract_strided_slice %sub3A_283 {offsets = [3], sizes = [1], strides = [1]} : vector<16xi32> to vector<1xi32>
        %squeeze3A_337 = vector.extract %slice3A_336[0] : i32 from vector<1xi32>
        %broadcast_in_dim3A_338 = vector.broadcast %squeeze3A_337 : i32 to vector<16xi32>
        %gather3A_339 = tpu.vector_load_idx %arg6[%iota3A, %broadcast_in_dim3A_338] : memref<32x1024xf32, #tpu.memory_space<vmem>>[vector<16xi32>, vector<16xi32>], vector<16xf32>,
        %add3A_340 = arith.constant 16 : i32
        %add3A_341 = vector.broadcast %add3A_340 : i32 to vector<16xi32>
        %add3A_342 = arith.addi %iota3A, %add3A_341 : vector<16xi32>
        %gather3A_343 = tpu.vector_load_idx %arg6[%add3A_342, %broadcast_in_dim3A_338] : memref<32x1024xf32, #tpu.memory_space<vmem>>[vector<16xi32>, vector<16xi32>], vector<16xf32>,
        %swap3A_344 = arith.constant 0 : index
        %swap3A_345 = tpu.vector_load %arg18[%swap3A_344] {strides = array<i32>} : memref<32xf32, #tpu.memory_space<vmem>>, vector<16xf32>,
        tpu.vector_store %arg18[%swap3A_344], %gather3A_339 {strides = array<i32>} : memref<32xf32, #tpu.memory_space<vmem>>, vector<16xf32>,
        %swap3A_346 = arith.constant 16 : index
        %swap3A_347 = tpu.vector_load %arg18[%swap3A_346] {strides = array<i32>} : memref<32xf32, #tpu.memory_space<vmem>>, vector<16xf32>,
        tpu.vector_store %arg18[%swap3A_346], %gather3A_343 {strides = array<i32>} : memref<32xf32, #tpu.memory_space<vmem>>, vector<16xf32>,
        %slice3A_348 = vector.extract_strided_slice %select_n3A_281 {offsets = [3], sizes = [1], strides = [1]} : vector<16xi32> to vector<1xi32>
        %squeeze3A_349 = vector.extract %slice3A_348[0] : i32 from vector<1xi32>
        %mul3A_350 = arith.constant 32 : i32
        %mul3A_351 = arith.muli %squeeze3A_349, %mul3A_350 : i32
        %dma_start3A_352 = tpu.memref_slice %arg4[%mul3A_351] : memref<524288xf32, #tpu.memory_space<hbm>> -> memref<32xf32, #tpu.memory_space<hbm>>
        %dma_start3A_353 = tpu.memref_slice %arg4[%mul3A_351] : memref<524288xf32, #tpu.memory_space<hbm>> -> memref<32xf32, #tpu.memory_space<hbm>>
        tpu.enqueue_dma source(%arg18 : memref<32xf32, #tpu.memory_space<vmem>>) target(%dma_start3A_353 : memref<32xf32, #tpu.memory_space<hbm>>) target_semaphore(%arg14 : memref<!tpu.dma_semaphore, #tpu.memory_space<semaphore_mem>>)
        %slice3A_354 = vector.extract_strided_slice %sub3A_283 {offsets = [4], sizes = [1], strides = [1]} : vector<16xi32> to vector<1xi32>
        %squeeze3A_355 = vector.extract %slice3A_354[0] : i32 from vector<1xi32>
        %broadcast_in_dim3A_356 = vector.broadcast %squeeze3A_355 : i32 to vector<16xi32>
        %gather3A_357 = tpu.vector_load_idx %arg6[%iota3A, %broadcast_in_dim3A_356] : memref<32x1024xf32, #tpu.memory_space<vmem>>[vector<16xi32>, vector<16xi32>], vector<16xf32>,
        %add3A_358 = arith.constant 16 : i32
        %add3A_359 = vector.broadcast %add3A_358 : i32 to vector<16xi32>
        %add3A_360 = arith.addi %iota3A, %add3A_359 : vector<16xi32>
        %gather3A_361 = tpu.vector_load_idx %arg6[%add3A_360, %broadcast_in_dim3A_356] : memref<32x1024xf32, #tpu.memory_space<vmem>>[vector<16xi32>, vector<16xi32>], vector<16xf32>,
        %swap3A_362 = arith.constant 0 : index
        %swap3A_363 = tpu.vector_load %arg19[%swap3A_362] {strides = array<i32>} : memref<32xf32, #tpu.memory_space<vmem>>, vector<16xf32>,
        tpu.vector_store %arg19[%swap3A_362], %gather3A_357 {strides = array<i32>} : memref<32xf32, #tpu.memory_space<vmem>>, vector<16xf32>,
        %swap3A_364 = arith.constant 16 : index
        %swap3A_365 = tpu.vector_load %arg19[%swap3A_364] {strides = array<i32>} : memref<32xf32, #tpu.memory_space<vmem>>, vector<16xf32>,
        tpu.vector_store %arg19[%swap3A_364], %gather3A_361 {strides = array<i32>} : memref<32xf32, #tpu.memory_space<vmem>>, vector<16xf32>,
        %slice3A_366 = vector.extract_strided_slice %select_n3A_281 {offsets = [4], sizes = [1], strides = [1]} : vector<16xi32> to vector<1xi32>
        %squeeze3A_367 = vector.extract %slice3A_366[0] : i32 from vector<1xi32>
        %mul3A_368 = arith.constant 32 : i32
        %mul3A_369 = arith.muli %squeeze3A_367, %mul3A_368 : i32
        %dma_start3A_370 = tpu.memref_slice %arg4[%mul3A_369] : memref<524288xf32, #tpu.memory_space<hbm>> -> memref<32xf32, #tpu.memory_space<hbm>>
        %dma_start3A_371 = tpu.memref_slice %arg4[%mul3A_369] : memref<524288xf32, #tpu.memory_space<hbm>> -> memref<32xf32, #tpu.memory_space<hbm>>
        tpu.enqueue_dma source(%arg19 : memref<32xf32, #tpu.memory_space<vmem>>) target(%dma_start3A_371 : memref<32xf32, #tpu.memory_space<hbm>>) target_semaphore(%arg14 : memref<!tpu.dma_semaphore, #tpu.memory_space<semaphore_mem>>)
        %slice3A_372 = vector.extract_strided_slice %sub3A_283 {offsets = [5], sizes = [1], strides = [1]} : vector<16xi32> to vector<1xi32>
        %squeeze3A_373 = vector.extract %slice3A_372[0] : i32 from vector<1xi32>
        %broadcast_in_dim3A_374 = vector.broadcast %squeeze3A_373 : i32 to vector<16xi32>
        %gather3A_375 = tpu.vector_load_idx %arg6[%iota3A, %broadcast_in_dim3A_374] : memref<32x1024xf32, #tpu.memory_space<vmem>>[vector<16xi32>, vector<16xi32>], vector<16xf32>,
        %add3A_376 = arith.constant 16 : i32
        %add3A_377 = vector.broadcast %add3A_376 : i32 to vector<16xi32>
        %add3A_378 = arith.addi %iota3A, %add3A_377 : vector<16xi32>
        %gather3A_379 = tpu.vector_load_idx %arg6[%add3A_378, %broadcast_in_dim3A_374] : memref<32x1024xf32, #tpu.memory_space<vmem>>[vector<16xi32>, vector<16xi32>], vector<16xf32>,
        %swap3A_380 = arith.constant 0 : index
        %swap3A_381 = tpu.vector_load %arg20[%swap3A_380] {strides = array<i32>} : memref<32xf32, #tpu.memory_space<vmem>>, vector<16xf32>,
        tpu.vector_store %arg20[%swap3A_380], %gather3A_375 {strides = array<i32>} : memref<32xf32, #tpu.memory_space<vmem>>, vector<16xf32>,
        %swap3A_382 = arith.constant 16 : index
        %swap3A_383 = tpu.vector_load %arg20[%swap3A_382] {strides = array<i32>} : memref<32xf32, #tpu.memory_space<vmem>>, vector<16xf32>,
        tpu.vector_store %arg20[%swap3A_382], %gather3A_379 {strides = array<i32>} : memref<32xf32, #tpu.memory_space<vmem>>, vector<16xf32>,
        %slice3A_384 = vector.extract_strided_slice %select_n3A_281 {offsets = [5], sizes = [1], strides = [1]} : vector<16xi32> to vector<1xi32>
        %squeeze3A_385 = vector.extract %slice3A_384[0] : i32 from vector<1xi32>
        %mul3A_386 = arith.constant 32 : i32
        %mul3A_387 = arith.muli %squeeze3A_385, %mul3A_386 : i32
        %dma_start3A_388 = tpu.memref_slice %arg4[%mul3A_387] : memref<524288xf32, #tpu.memory_space<hbm>> -> memref<32xf32, #tpu.memory_space<hbm>>
        %dma_start3A_389 = tpu.memref_slice %arg4[%mul3A_387] : memref<524288xf32, #tpu.memory_space<hbm>> -> memref<32xf32, #tpu.memory_space<hbm>>
        tpu.enqueue_dma source(%arg20 : memref<32xf32, #tpu.memory_space<vmem>>) target(%dma_start3A_389 : memref<32xf32, #tpu.memory_space<hbm>>) target_semaphore(%arg14 : memref<!tpu.dma_semaphore, #tpu.memory_space<semaphore_mem>>)
        %slice3A_390 = vector.extract_strided_slice %sub3A_283 {offsets = [6], sizes = [1], strides = [1]} : vector<16xi32> to vector<1xi32>
        %squeeze3A_391 = vector.extract %slice3A_390[0] : i32 from vector<1xi32>
        %broadcast_in_dim3A_392 = vector.broadcast %squeeze3A_391 : i32 to vector<16xi32>
        %gather3A_393 = tpu.vector_load_idx %arg6[%iota3A, %broadcast_in_dim3A_392] : memref<32x1024xf32, #tpu.memory_space<vmem>>[vector<16xi32>, vector<16xi32>], vector<16xf32>,
        %add3A_394 = arith.constant 16 : i32
        %add3A_395 = vector.broadcast %add3A_394 : i32 to vector<16xi32>
        %add3A_396 = arith.addi %iota3A, %add3A_395 : vector<16xi32>
        %gather3A_397 = tpu.vector_load_idx %arg6[%add3A_396, %broadcast_in_dim3A_392] : memref<32x1024xf32, #tpu.memory_space<vmem>>[vector<16xi32>, vector<16xi32>], vector<16xf32>,
        %swap3A_398 = arith.constant 0 : index
        %swap3A_399 = tpu.vector_load %arg21[%swap3A_398] {strides = array<i32>} : memref<32xf32, #tpu.memory_space<vmem>>, vector<16xf32>,
        tpu.vector_store %arg21[%swap3A_398], %gather3A_393 {strides = array<i32>} : memref<32xf32, #tpu.memory_space<vmem>>, vector<16xf32>,
        %swap3A_400 = arith.constant 16 : index
        %swap3A_401 = tpu.vector_load %arg21[%swap3A_400] {strides = array<i32>} : memref<32xf32, #tpu.memory_space<vmem>>, vector<16xf32>,
        tpu.vector_store %arg21[%swap3A_400], %gather3A_397 {strides = array<i32>} : memref<32xf32, #tpu.memory_space<vmem>>, vector<16xf32>,
        %slice3A_402 = vector.extract_strided_slice %select_n3A_281 {offsets = [6], sizes = [1], strides = [1]} : vector<16xi32> to vector<1xi32>
        %squeeze3A_403 = vector.extract %slice3A_402[0] : i32 from vector<1xi32>
        %mul3A_404 = arith.constant 32 : i32
        %mul3A_405 = arith.muli %squeeze3A_403, %mul3A_404 : i32
        %dma_start3A_406 = tpu.memref_slice %arg4[%mul3A_405] : memref<524288xf32, #tpu.memory_space<hbm>> -> memref<32xf32, #tpu.memory_space<hbm>>
        %dma_start3A_407 = tpu.memref_slice %arg4[%mul3A_405] : memref<524288xf32, #tpu.memory_space<hbm>> -> memref<32xf32, #tpu.memory_space<hbm>>
        tpu.enqueue_dma source(%arg21 : memref<32xf32, #tpu.memory_space<vmem>>) target(%dma_start3A_407 : memref<32xf32, #tpu.memory_space<hbm>>) target_semaphore(%arg14 : memref<!tpu.dma_semaphore, #tpu.memory_space<semaphore_mem>>)
        %slice3A_408 = vector.extract_strided_slice %sub3A_283 {offsets = [7], sizes = [1], strides = [1]} : vector<16xi32> to vector<1xi32>
        %squeeze3A_409 = vector.extract %slice3A_408[0] : i32 from vector<1xi32>
        %broadcast_in_dim3A_410 = vector.broadcast %squeeze3A_409 : i32 to vector<16xi32>
        %gather3A_411 = tpu.vector_load_idx %arg6[%iota3A, %broadcast_in_dim3A_410] : memref<32x1024xf32, #tpu.memory_space<vmem>>[vector<16xi32>, vector<16xi32>], vector<16xf32>,
        %add3A_412 = arith.constant 16 : i32
        %add3A_413 = vector.broadcast %add3A_412 : i32 to vector<16xi32>
        %add3A_414 = arith.addi %iota3A, %add3A_413 : vector<16xi32>
        %gather3A_415 = tpu.vector_load_idx %arg6[%add3A_414, %broadcast_in_dim3A_410] : memref<32x1024xf32, #tpu.memory_space<vmem>>[vector<16xi32>, vector<16xi32>], vector<16xf32>,
        %swap3A_416 = arith.constant 0 : index
        %swap3A_417 = tpu.vector_load %arg22[%swap3A_416] {strides = array<i32>} : memref<32xf32, #tpu.memory_space<vmem>>, vector<16xf32>,
        tpu.vector_store %arg22[%swap3A_416], %gather3A_411 {strides = array<i32>} : memref<32xf32, #tpu.memory_space<vmem>>, vector<16xf32>,
        %swap3A_418 = arith.constant 16 : index
        %swap3A_419 = tpu.vector_load %arg22[%swap3A_418] {strides = array<i32>} : memref<32xf32, #tpu.memory_space<vmem>>, vector<16xf32>,
        tpu.vector_store %arg22[%swap3A_418], %gather3A_415 {strides = array<i32>} : memref<32xf32, #tpu.memory_space<vmem>>, vector<16xf32>,
        %slice3A_420 = vector.extract_strided_slice %select_n3A_281 {offsets = [7], sizes = [1], strides = [1]} : vector<16xi32> to vector<1xi32>
        %squeeze3A_421 = vector.extract %slice3A_420[0] : i32 from vector<1xi32>
        %mul3A_422 = arith.constant 32 : i32
        %mul3A_423 = arith.muli %squeeze3A_421, %mul3A_422 : i32
        %dma_start3A_424 = tpu.memref_slice %arg4[%mul3A_423] : memref<524288xf32, #tpu.memory_space<hbm>> -> memref<32xf32, #tpu.memory_space<hbm>>
        %dma_start3A_425 = tpu.memref_slice %arg4[%mul3A_423] : memref<524288xf32, #tpu.memory_space<hbm>> -> memref<32xf32, #tpu.memory_space<hbm>>
        tpu.enqueue_dma source(%arg22 : memref<32xf32, #tpu.memory_space<vmem>>) target(%dma_start3A_425 : memref<32xf32, #tpu.memory_space<hbm>>) target_semaphore(%arg14 : memref<!tpu.dma_semaphore, #tpu.memory_space<semaphore_mem>>)
        %slice3A_426 = vector.extract_strided_slice %sub3A_283 {offsets = [8], sizes = [1], strides = [1]} : vector<16xi32> to vector<1xi32>
        %squeeze3A_427 = vector.extract %slice3A_426[0] : i32 from vector<1xi32>
        %broadcast_in_dim3A_428 = vector.broadcast %squeeze3A_427 : i32 to vector<16xi32>
        %gather3A_429 = tpu.vector_load_idx %arg6[%iota3A, %broadcast_in_dim3A_428] : memref<32x1024xf32, #tpu.memory_space<vmem>>[vector<16xi32>, vector<16xi32>], vector<16xf32>,
        %add3A_430 = arith.constant 16 : i32
        %add3A_431 = vector.broadcast %add3A_430 : i32 to vector<16xi32>
        %add3A_432 = arith.addi %iota3A, %add3A_431 : vector<16xi32>
        %gather3A_433 = tpu.vector_load_idx %arg6[%add3A_432, %broadcast_in_dim3A_428] : memref<32x1024xf32, #tpu.memory_space<vmem>>[vector<16xi32>, vector<16xi32>], vector<16xf32>,
        %swap3A_434 = arith.constant 0 : index
        %swap3A_435 = tpu.vector_load %arg23[%swap3A_434] {strides = array<i32>} : memref<32xf32, #tpu.memory_space<vmem>>, vector<16xf32>,
        tpu.vector_store %arg23[%swap3A_434], %gather3A_429 {strides = array<i32>} : memref<32xf32, #tpu.memory_space<vmem>>, vector<16xf32>,
        %swap3A_436 = arith.constant 16 : index
        %swap3A_437 = tpu.vector_load %arg23[%swap3A_436] {strides = array<i32>} : memref<32xf32, #tpu.memory_space<vmem>>, vector<16xf32>,
        tpu.vector_store %arg23[%swap3A_436], %gather3A_433 {strides = array<i32>} : memref<32xf32, #tpu.memory_space<vmem>>, vector<16xf32>,
        %slice3A_438 = vector.extract_strided_slice %select_n3A_281 {offsets = [8], sizes = [1], strides = [1]} : vector<16xi32> to vector<1xi32>
        %squeeze3A_439 = vector.extract %slice3A_438[0] : i32 from vector<1xi32>
        %mul3A_440 = arith.constant 32 : i32
        %mul3A_441 = arith.muli %squeeze3A_439, %mul3A_440 : i32
        %dma_start3A_442 = tpu.memref_slice %arg4[%mul3A_441] : memref<524288xf32, #tpu.memory_space<hbm>> -> memref<32xf32, #tpu.memory_space<hbm>>
        %dma_start3A_443 = tpu.memref_slice %arg4[%mul3A_441] : memref<524288xf32, #tpu.memory_space<hbm>> -> memref<32xf32, #tpu.memory_space<hbm>>
        tpu.enqueue_dma source(%arg23 : memref<32xf32, #tpu.memory_space<vmem>>) target(%dma_start3A_443 : memref<32xf32, #tpu.memory_space<hbm>>) target_semaphore(%arg14 : memref<!tpu.dma_semaphore, #tpu.memory_space<semaphore_mem>>)
        %slice3A_444 = vector.extract_strided_slice %sub3A_283 {offsets = [9], sizes = [1], strides = [1]} : vector<16xi32> to vector<1xi32>
        %squeeze3A_445 = vector.extract %slice3A_444[0] : i32 from vector<1xi32>
        %broadcast_in_dim3A_446 = vector.broadcast %squeeze3A_445 : i32 to vector<16xi32>
        %gather3A_447 = tpu.vector_load_idx %arg6[%iota3A, %broadcast_in_dim3A_446] : memref<32x1024xf32, #tpu.memory_space<vmem>>[vector<16xi32>, vector<16xi32>], vector<16xf32>,
        %add3A_448 = arith.constant 16 : i32
        %add3A_449 = vector.broadcast %add3A_448 : i32 to vector<16xi32>
        %add3A_450 = arith.addi %iota3A, %add3A_449 : vector<16xi32>
        %gather3A_451 = tpu.vector_load_idx %arg6[%add3A_450, %broadcast_in_dim3A_446] : memref<32x1024xf32, #tpu.memory_space<vmem>>[vector<16xi32>, vector<16xi32>], vector<16xf32>,
        %swap3A_452 = arith.constant 0 : index
        %swap3A_453 = tpu.vector_load %arg24[%swap3A_452] {strides = array<i32>} : memref<32xf32, #tpu.memory_space<vmem>>, vector<16xf32>,
        tpu.vector_store %arg24[%swap3A_452], %gather3A_447 {strides = array<i32>} : memref<32xf32, #tpu.memory_space<vmem>>, vector<16xf32>,
        %swap3A_454 = arith.constant 16 : index
        %swap3A_455 = tpu.vector_load %arg24[%swap3A_454] {strides = array<i32>} : memref<32xf32, #tpu.memory_space<vmem>>, vector<16xf32>,
        tpu.vector_store %arg24[%swap3A_454], %gather3A_451 {strides = array<i32>} : memref<32xf32, #tpu.memory_space<vmem>>, vector<16xf32>,
        %slice3A_456 = vector.extract_strided_slice %select_n3A_281 {offsets = [9], sizes = [1], strides = [1]} : vector<16xi32> to vector<1xi32>
        %squeeze3A_457 = vector.extract %slice3A_456[0] : i32 from vector<1xi32>
        %mul3A_458 = arith.constant 32 : i32
        %mul3A_459 = arith.muli %squeeze3A_457, %mul3A_458 : i32
        %dma_start3A_460 = tpu.memref_slice %arg4[%mul3A_459] : memref<524288xf32, #tpu.memory_space<hbm>> -> memref<32xf32, #tpu.memory_space<hbm>>
        %dma_start3A_461 = tpu.memref_slice %arg4[%mul3A_459] : memref<524288xf32, #tpu.memory_space<hbm>> -> memref<32xf32, #tpu.memory_space<hbm>>
        tpu.enqueue_dma source(%arg24 : memref<32xf32, #tpu.memory_space<vmem>>) target(%dma_start3A_461 : memref<32xf32, #tpu.memory_space<hbm>>) target_semaphore(%arg14 : memref<!tpu.dma_semaphore, #tpu.memory_space<semaphore_mem>>)
        %slice3A_462 = vector.extract_strided_slice %sub3A_283 {offsets = [10], sizes = [1], strides = [1]} : vector<16xi32> to vector<1xi32>
        %squeeze3A_463 = vector.extract %slice3A_462[0] : i32 from vector<1xi32>
        %broadcast_in_dim3A_464 = vector.broadcast %squeeze3A_463 : i32 to vector<16xi32>
        %gather3A_465 = tpu.vector_load_idx %arg6[%iota3A, %broadcast_in_dim3A_464] : memref<32x1024xf32, #tpu.memory_space<vmem>>[vector<16xi32>, vector<16xi32>], vector<16xf32>,
        %add3A_466 = arith.constant 16 : i32
        %add3A_467 = vector.broadcast %add3A_466 : i32 to vector<16xi32>
        %add3A_468 = arith.addi %iota3A, %add3A_467 : vector<16xi32>
        %gather3A_469 = tpu.vector_load_idx %arg6[%add3A_468, %broadcast_in_dim3A_464] : memref<32x1024xf32, #tpu.memory_space<vmem>>[vector<16xi32>, vector<16xi32>], vector<16xf32>,
        %swap3A_470 = arith.constant 0 : index
        %swap3A_471 = tpu.vector_load %arg25[%swap3A_470] {strides = array<i32>} : memref<32xf32, #tpu.memory_space<vmem>>, vector<16xf32>,
        tpu.vector_store %arg25[%swap3A_470], %gather3A_465 {strides = array<i32>} : memref<32xf32, #tpu.memory_space<vmem>>, vector<16xf32>,
        %swap3A_472 = arith.constant 16 : index
        %swap3A_473 = tpu.vector_load %arg25[%swap3A_472] {strides = array<i32>} : memref<32xf32, #tpu.memory_space<vmem>>, vector<16xf32>,
        tpu.vector_store %arg25[%swap3A_472], %gather3A_469 {strides = array<i32>} : memref<32xf32, #tpu.memory_space<vmem>>, vector<16xf32>,
        %slice3A_474 = vector.extract_strided_slice %select_n3A_281 {offsets = [10], sizes = [1], strides = [1]} : vector<16xi32> to vector<1xi32>
        %squeeze3A_475 = vector.extract %slice3A_474[0] : i32 from vector<1xi32>
        %mul3A_476 = arith.constant 32 : i32
        %mul3A_477 = arith.muli %squeeze3A_475, %mul3A_476 : i32
        %dma_start3A_478 = tpu.memref_slice %arg4[%mul3A_477] : memref<524288xf32, #tpu.memory_space<hbm>> -> memref<32xf32, #tpu.memory_space<hbm>>
        %dma_start3A_479 = tpu.memref_slice %arg4[%mul3A_477] : memref<524288xf32, #tpu.memory_space<hbm>> -> memref<32xf32, #tpu.memory_space<hbm>>
        tpu.enqueue_dma source(%arg25 : memref<32xf32, #tpu.memory_space<vmem>>) target(%dma_start3A_479 : memref<32xf32, #tpu.memory_space<hbm>>) target_semaphore(%arg14 : memref<!tpu.dma_semaphore, #tpu.memory_space<semaphore_mem>>)
        %slice3A_480 = vector.extract_strided_slice %sub3A_283 {offsets = [11], sizes = [1], strides = [1]} : vector<16xi32> to vector<1xi32>
        %squeeze3A_481 = vector.extract %slice3A_480[0] : i32 from vector<1xi32>
        %broadcast_in_dim3A_482 = vector.broadcast %squeeze3A_481 : i32 to vector<16xi32>
        %gather3A_483 = tpu.vector_load_idx %arg6[%iota3A, %broadcast_in_dim3A_482] : memref<32x1024xf32, #tpu.memory_space<vmem>>[vector<16xi32>, vector<16xi32>], vector<16xf32>,
        %add3A_484 = arith.constant 16 : i32
        %add3A_485 = vector.broadcast %add3A_484 : i32 to vector<16xi32>
        %add3A_486 = arith.addi %iota3A, %add3A_485 : vector<16xi32>
        %gather3A_487 = tpu.vector_load_idx %arg6[%add3A_486, %broadcast_in_dim3A_482] : memref<32x1024xf32, #tpu.memory_space<vmem>>[vector<16xi32>, vector<16xi32>], vector<16xf32>,
        %swap3A_488 = arith.constant 0 : index
        %swap3A_489 = tpu.vector_load %arg26[%swap3A_488] {strides = array<i32>} : memref<32xf32, #tpu.memory_space<vmem>>, vector<16xf32>,
        tpu.vector_store %arg26[%swap3A_488], %gather3A_483 {strides = array<i32>} : memref<32xf32, #tpu.memory_space<vmem>>, vector<16xf32>,
        %swap3A_490 = arith.constant 16 : index
        %swap3A_491 = tpu.vector_load %arg26[%swap3A_490] {strides = array<i32>} : memref<32xf32, #tpu.memory_space<vmem>>, vector<16xf32>,
        tpu.vector_store %arg26[%swap3A_490], %gather3A_487 {strides = array<i32>} : memref<32xf32, #tpu.memory_space<vmem>>, vector<16xf32>,
        %slice3A_492 = vector.extract_strided_slice %select_n3A_281 {offsets = [11], sizes = [1], strides = [1]} : vector<16xi32> to vector<1xi32>
        %squeeze3A_493 = vector.extract %slice3A_492[0] : i32 from vector<1xi32>
        %mul3A_494 = arith.constant 32 : i32
        %mul3A_495 = arith.muli %squeeze3A_493, %mul3A_494 : i32
        %dma_start3A_496 = tpu.memref_slice %arg4[%mul3A_495] : memref<524288xf32, #tpu.memory_space<hbm>> -> memref<32xf32, #tpu.memory_space<hbm>>
        %dma_start3A_497 = tpu.memref_slice %arg4[%mul3A_495] : memref<524288xf32, #tpu.memory_space<hbm>> -> memref<32xf32, #tpu.memory_space<hbm>>
        tpu.enqueue_dma source(%arg26 : memref<32xf32, #tpu.memory_space<vmem>>) target(%dma_start3A_497 : memref<32xf32, #tpu.memory_space<hbm>>) target_semaphore(%arg14 : memref<!tpu.dma_semaphore, #tpu.memory_space<semaphore_mem>>)
        %slice3A_498 = vector.extract_strided_slice %sub3A_283 {offsets = [12], sizes = [1], strides = [1]} : vector<16xi32> to vector<1xi32>
        %squeeze3A_499 = vector.extract %slice3A_498[0] : i32 from vector<1xi32>
        %broadcast_in_dim3A_500 = vector.broadcast %squeeze3A_499 : i32 to vector<16xi32>
        %gather3A_501 = tpu.vector_load_idx %arg6[%iota3A, %broadcast_in_dim3A_500] : memref<32x1024xf32, #tpu.memory_space<vmem>>[vector<16xi32>, vector<16xi32>], vector<16xf32>,
        %add3A_502 = arith.constant 16 : i32
        %add3A_503 = vector.broadcast %add3A_502 : i32 to vector<16xi32>
        %add3A_504 = arith.addi %iota3A, %add3A_503 : vector<16xi32>
        %gather3A_505 = tpu.vector_load_idx %arg6[%add3A_504, %broadcast_in_dim3A_500] : memref<32x1024xf32, #tpu.memory_space<vmem>>[vector<16xi32>, vector<16xi32>], vector<16xf32>,
        %swap3A_506 = arith.constant 0 : index
        %swap3A_507 = tpu.vector_load %arg27[%swap3A_506] {strides = array<i32>} : memref<32xf32, #tpu.memory_space<vmem>>, vector<16xf32>,
        tpu.vector_store %arg27[%swap3A_506], %gather3A_501 {strides = array<i32>} : memref<32xf32, #tpu.memory_space<vmem>>, vector<16xf32>,
        %swap3A_508 = arith.constant 16 : index
        %swap3A_509 = tpu.vector_load %arg27[%swap3A_508] {strides = array<i32>} : memref<32xf32, #tpu.memory_space<vmem>>, vector<16xf32>,
        tpu.vector_store %arg27[%swap3A_508], %gather3A_505 {strides = array<i32>} : memref<32xf32, #tpu.memory_space<vmem>>, vector<16xf32>,
        %slice3A_510 = vector.extract_strided_slice %select_n3A_281 {offsets = [12], sizes = [1], strides = [1]} : vector<16xi32> to vector<1xi32>
        %squeeze3A_511 = vector.extract %slice3A_510[0] : i32 from vector<1xi32>
        %mul3A_512 = arith.constant 32 : i32
        %mul3A_513 = arith.muli %squeeze3A_511, %mul3A_512 : i32
        %dma_start3A_514 = tpu.memref_slice %arg4[%mul3A_513] : memref<524288xf32, #tpu.memory_space<hbm>> -> memref<32xf32, #tpu.memory_space<hbm>>
        %dma_start3A_515 = tpu.memref_slice %arg4[%mul3A_513] : memref<524288xf32, #tpu.memory_space<hbm>> -> memref<32xf32, #tpu.memory_space<hbm>>
        tpu.enqueue_dma source(%arg27 : memref<32xf32, #tpu.memory_space<vmem>>) target(%dma_start3A_515 : memref<32xf32, #tpu.memory_space<hbm>>) target_semaphore(%arg14 : memref<!tpu.dma_semaphore, #tpu.memory_space<semaphore_mem>>)
        %slice3A_516 = vector.extract_strided_slice %sub3A_283 {offsets = [13], sizes = [1], strides = [1]} : vector<16xi32> to vector<1xi32>
        %squeeze3A_517 = vector.extract %slice3A_516[0] : i32 from vector<1xi32>
        %broadcast_in_dim3A_518 = vector.broadcast %squeeze3A_517 : i32 to vector<16xi32>
        %gather3A_519 = tpu.vector_load_idx %arg6[%iota3A, %broadcast_in_dim3A_518] : memref<32x1024xf32, #tpu.memory_space<vmem>>[vector<16xi32>, vector<16xi32>], vector<16xf32>,
        %add3A_520 = arith.constant 16 : i32
        %add3A_521 = vector.broadcast %add3A_520 : i32 to vector<16xi32>
        %add3A_522 = arith.addi %iota3A, %add3A_521 : vector<16xi32>
        %gather3A_523 = tpu.vector_load_idx %arg6[%add3A_522, %broadcast_in_dim3A_518] : memref<32x1024xf32, #tpu.memory_space<vmem>>[vector<16xi32>, vector<16xi32>], vector<16xf32>,
        %swap3A_524 = arith.constant 0 : index
        %swap3A_525 = tpu.vector_load %arg28[%swap3A_524] {strides = array<i32>} : memref<32xf32, #tpu.memory_space<vmem>>, vector<16xf32>,
        tpu.vector_store %arg28[%swap3A_524], %gather3A_519 {strides = array<i32>} : memref<32xf32, #tpu.memory_space<vmem>>, vector<16xf32>,
        %swap3A_526 = arith.constant 16 : index
        %swap3A_527 = tpu.vector_load %arg28[%swap3A_526] {strides = array<i32>} : memref<32xf32, #tpu.memory_space<vmem>>, vector<16xf32>,
        tpu.vector_store %arg28[%swap3A_526], %gather3A_523 {strides = array<i32>} : memref<32xf32, #tpu.memory_space<vmem>>, vector<16xf32>,
        %slice3A_528 = vector.extract_strided_slice %select_n3A_281 {offsets = [13], sizes = [1], strides = [1]} : vector<16xi32> to vector<1xi32>
        %squeeze3A_529 = vector.extract %slice3A_528[0] : i32 from vector<1xi32>
        %mul3A_530 = arith.constant 32 : i32
        %mul3A_531 = arith.muli %squeeze3A_529, %mul3A_530 : i32
        %dma_start3A_532 = tpu.memref_slice %arg4[%mul3A_531] : memref<524288xf32, #tpu.memory_space<hbm>> -> memref<32xf32, #tpu.memory_space<hbm>>
        %dma_start3A_533 = tpu.memref_slice %arg4[%mul3A_531] : memref<524288xf32, #tpu.memory_space<hbm>> -> memref<32xf32, #tpu.memory_space<hbm>>
        tpu.enqueue_dma source(%arg28 : memref<32xf32, #tpu.memory_space<vmem>>) target(%dma_start3A_533 : memref<32xf32, #tpu.memory_space<hbm>>) target_semaphore(%arg14 : memref<!tpu.dma_semaphore, #tpu.memory_space<semaphore_mem>>)
        %slice3A_534 = vector.extract_strided_slice %sub3A_283 {offsets = [14], sizes = [1], strides = [1]} : vector<16xi32> to vector<1xi32>
        %squeeze3A_535 = vector.extract %slice3A_534[0] : i32 from vector<1xi32>
        %broadcast_in_dim3A_536 = vector.broadcast %squeeze3A_535 : i32 to vector<16xi32>
        %gather3A_537 = tpu.vector_load_idx %arg6[%iota3A, %broadcast_in_dim3A_536] : memref<32x1024xf32, #tpu.memory_space<vmem>>[vector<16xi32>, vector<16xi32>], vector<16xf32>,
        %add3A_538 = arith.constant 16 : i32
        %add3A_539 = vector.broadcast %add3A_538 : i32 to vector<16xi32>
        %add3A_540 = arith.addi %iota3A, %add3A_539 : vector<16xi32>
        %gather3A_541 = tpu.vector_load_idx %arg6[%add3A_540, %broadcast_in_dim3A_536] : memref<32x1024xf32, #tpu.memory_space<vmem>>[vector<16xi32>, vector<16xi32>], vector<16xf32>,
        %swap3A_542 = arith.constant 0 : index
        %swap3A_543 = tpu.vector_load %arg29[%swap3A_542] {strides = array<i32>} : memref<32xf32, #tpu.memory_space<vmem>>, vector<16xf32>,
        tpu.vector_store %arg29[%swap3A_542], %gather3A_537 {strides = array<i32>} : memref<32xf32, #tpu.memory_space<vmem>>, vector<16xf32>,
        %swap3A_544 = arith.constant 16 : index
        %swap3A_545 = tpu.vector_load %arg29[%swap3A_544] {strides = array<i32>} : memref<32xf32, #tpu.memory_space<vmem>>, vector<16xf32>,
        tpu.vector_store %arg29[%swap3A_544], %gather3A_541 {strides = array<i32>} : memref<32xf32, #tpu.memory_space<vmem>>, vector<16xf32>,
        %slice3A_546 = vector.extract_strided_slice %select_n3A_281 {offsets = [14], sizes = [1], strides = [1]} : vector<16xi32> to vector<1xi32>
        %squeeze3A_547 = vector.extract %slice3A_546[0] : i32 from vector<1xi32>
        %mul3A_548 = arith.constant 32 : i32
        %mul3A_549 = arith.muli %squeeze3A_547, %mul3A_548 : i32
        %dma_start3A_550 = tpu.memref_slice %arg4[%mul3A_549] : memref<524288xf32, #tpu.memory_space<hbm>> -> memref<32xf32, #tpu.memory_space<hbm>>
        %dma_start3A_551 = tpu.memref_slice %arg4[%mul3A_549] : memref<524288xf32, #tpu.memory_space<hbm>> -> memref<32xf32, #tpu.memory_space<hbm>>
        tpu.enqueue_dma source(%arg29 : memref<32xf32, #tpu.memory_space<vmem>>) target(%dma_start3A_551 : memref<32xf32, #tpu.memory_space<hbm>>) target_semaphore(%arg14 : memref<!tpu.dma_semaphore, #tpu.memory_space<semaphore_mem>>)
        %slice3A_552 = vector.extract_strided_slice %sub3A_283 {offsets = [15], sizes = [1], strides = [1]} : vector<16xi32> to vector<1xi32>
        %squeeze3A_553 = vector.extract %slice3A_552[0] : i32 from vector<1xi32>
        %broadcast_in_dim3A_554 = vector.broadcast %squeeze3A_553 : i32 to vector<16xi32>
        %gather3A_555 = tpu.vector_load_idx %arg6[%iota3A, %broadcast_in_dim3A_554] : memref<32x1024xf32, #tpu.memory_space<vmem>>[vector<16xi32>, vector<16xi32>], vector<16xf32>,
        %add3A_556 = arith.constant 16 : i32
        %add3A_557 = vector.broadcast %add3A_556 : i32 to vector<16xi32>
        %add3A_558 = arith.addi %iota3A, %add3A_557 : vector<16xi32>
        %gather3A_559 = tpu.vector_load_idx %arg6[%add3A_558, %broadcast_in_dim3A_554] : memref<32x1024xf32, #tpu.memory_space<vmem>>[vector<16xi32>, vector<16xi32>], vector<16xf32>,
        %swap3A_560 = arith.constant 0 : index
        %swap3A_561 = tpu.vector_load %arg30[%swap3A_560] {strides = array<i32>} : memref<32xf32, #tpu.memory_space<vmem>>, vector<16xf32>,
        tpu.vector_store %arg30[%swap3A_560], %gather3A_555 {strides = array<i32>} : memref<32xf32, #tpu.memory_space<vmem>>, vector<16xf32>,
        %swap3A_562 = arith.constant 16 : index
        %swap3A_563 = tpu.vector_load %arg30[%swap3A_562] {strides = array<i32>} : memref<32xf32, #tpu.memory_space<vmem>>, vector<16xf32>,
        tpu.vector_store %arg30[%swap3A_562], %gather3A_559 {strides = array<i32>} : memref<32xf32, #tpu.memory_space<vmem>>, vector<16xf32>,
        %slice3A_564 = vector.extract_strided_slice %select_n3A_281 {offsets = [15], sizes = [1], strides = [1]} : vector<16xi32> to vector<1xi32>
        %squeeze3A_565 = vector.extract %slice3A_564[0] : i32 from vector<1xi32>
        %mul3A_566 = arith.constant 32 : i32
        %mul3A_567 = arith.muli %squeeze3A_565, %mul3A_566 : i32
        %dma_start3A_568 = tpu.memref_slice %arg4[%mul3A_567] : memref<524288xf32, #tpu.memory_space<hbm>> -> memref<32xf32, #tpu.memory_space<hbm>>
        %dma_start3A_569 = tpu.memref_slice %arg4[%mul3A_567] : memref<524288xf32, #tpu.memory_space<hbm>> -> memref<32xf32, #tpu.memory_space<hbm>>
        tpu.enqueue_dma source(%arg30 : memref<32xf32, #tpu.memory_space<vmem>>) target(%dma_start3A_569 : memref<32xf32, #tpu.memory_space<hbm>>) target_semaphore(%arg14 : memref<!tpu.dma_semaphore, #tpu.memory_space<semaphore_mem>>)
        %dma_wait3A_570 = tpu.memref_slice %arg4[%mul3A_297] : memref<524288xf32, #tpu.memory_space<hbm>> -> memref<32xf32, #tpu.memory_space<hbm>>
        %dma_wait3A_571 = tpu.memref_slice %arg4[%mul3A_297] : memref<524288xf32, #tpu.memory_space<hbm>> -> memref<32xf32, #tpu.memory_space<hbm>>
        tpu.wait_dma2 semaphore(%arg14 : memref<!tpu.dma_semaphore, #tpu.memory_space<semaphore_mem>>) src(%arg15 : memref<32xf32, #tpu.memory_space<vmem>>) dst(%dma_wait3A_571 : memref<32xf32, #tpu.memory_space<hbm>>)
        %dma_wait3A_572 = tpu.memref_slice %arg4[%mul3A_315] : memref<524288xf32, #tpu.memory_space<hbm>> -> memref<32xf32, #tpu.memory_space<hbm>>
        %dma_wait3A_573 = tpu.memref_slice %arg4[%mul3A_315] : memref<524288xf32, #tpu.memory_space<hbm>> -> memref<32xf32, #tpu.memory_space<hbm>>
        tpu.wait_dma2 semaphore(%arg14 : memref<!tpu.dma_semaphore, #tpu.memory_space<semaphore_mem>>) src(%arg16 : memref<32xf32, #tpu.memory_space<vmem>>) dst(%dma_wait3A_573 : memref<32xf32, #tpu.memory_space<hbm>>)
        %dma_wait3A_574 = tpu.memref_slice %arg4[%mul3A_333] : memref<524288xf32, #tpu.memory_space<hbm>> -> memref<32xf32, #tpu.memory_space<hbm>>
        %dma_wait3A_575 = tpu.memref_slice %arg4[%mul3A_333] : memref<524288xf32, #tpu.memory_space<hbm>> -> memref<32xf32, #tpu.memory_space<hbm>>
        tpu.wait_dma2 semaphore(%arg14 : memref<!tpu.dma_semaphore, #tpu.memory_space<semaphore_mem>>) src(%arg17 : memref<32xf32, #tpu.memory_space<vmem>>) dst(%dma_wait3A_575 : memref<32xf32, #tpu.memory_space<hbm>>)
        %dma_wait3A_576 = tpu.memref_slice %arg4[%mul3A_351] : memref<524288xf32, #tpu.memory_space<hbm>> -> memref<32xf32, #tpu.memory_space<hbm>>
        %dma_wait3A_577 = tpu.memref_slice %arg4[%mul3A_351] : memref<524288xf32, #tpu.memory_space<hbm>> -> memref<32xf32, #tpu.memory_space<hbm>>
        tpu.wait_dma2 semaphore(%arg14 : memref<!tpu.dma_semaphore, #tpu.memory_space<semaphore_mem>>) src(%arg18 : memref<32xf32, #tpu.memory_space<vmem>>) dst(%dma_wait3A_577 : memref<32xf32, #tpu.memory_space<hbm>>)
        %dma_wait3A_578 = tpu.memref_slice %arg4[%mul3A_369] : memref<524288xf32, #tpu.memory_space<hbm>> -> memref<32xf32, #tpu.memory_space<hbm>>
        %dma_wait3A_579 = tpu.memref_slice %arg4[%mul3A_369] : memref<524288xf32, #tpu.memory_space<hbm>> -> memref<32xf32, #tpu.memory_space<hbm>>
        tpu.wait_dma2 semaphore(%arg14 : memref<!tpu.dma_semaphore, #tpu.memory_space<semaphore_mem>>) src(%arg19 : memref<32xf32, #tpu.memory_space<vmem>>) dst(%dma_wait3A_579 : memref<32xf32, #tpu.memory_space<hbm>>)
        %dma_wait3A_580 = tpu.memref_slice %arg4[%mul3A_387] : memref<524288xf32, #tpu.memory_space<hbm>> -> memref<32xf32, #tpu.memory_space<hbm>>
        %dma_wait3A_581 = tpu.memref_slice %arg4[%mul3A_387] : memref<524288xf32, #tpu.memory_space<hbm>> -> memref<32xf32, #tpu.memory_space<hbm>>
        tpu.wait_dma2 semaphore(%arg14 : memref<!tpu.dma_semaphore, #tpu.memory_space<semaphore_mem>>) src(%arg20 : memref<32xf32, #tpu.memory_space<vmem>>) dst(%dma_wait3A_581 : memref<32xf32, #tpu.memory_space<hbm>>)
        %dma_wait3A_582 = tpu.memref_slice %arg4[%mul3A_405] : memref<524288xf32, #tpu.memory_space<hbm>> -> memref<32xf32, #tpu.memory_space<hbm>>
        %dma_wait3A_583 = tpu.memref_slice %arg4[%mul3A_405] : memref<524288xf32, #tpu.memory_space<hbm>> -> memref<32xf32, #tpu.memory_space<hbm>>
        tpu.wait_dma2 semaphore(%arg14 : memref<!tpu.dma_semaphore, #tpu.memory_space<semaphore_mem>>) src(%arg21 : memref<32xf32, #tpu.memory_space<vmem>>) dst(%dma_wait3A_583 : memref<32xf32, #tpu.memory_space<hbm>>)
        %dma_wait3A_584 = tpu.memref_slice %arg4[%mul3A_423] : memref<524288xf32, #tpu.memory_space<hbm>> -> memref<32xf32, #tpu.memory_space<hbm>>
        %dma_wait3A_585 = tpu.memref_slice %arg4[%mul3A_423] : memref<524288xf32, #tpu.memory_space<hbm>> -> memref<32xf32, #tpu.memory_space<hbm>>
        tpu.wait_dma2 semaphore(%arg14 : memref<!tpu.dma_semaphore, #tpu.memory_space<semaphore_mem>>) src(%arg22 : memref<32xf32, #tpu.memory_space<vmem>>) dst(%dma_wait3A_585 : memref<32xf32, #tpu.memory_space<hbm>>)
        %dma_wait3A_586 = tpu.memref_slice %arg4[%mul3A_441] : memref<524288xf32, #tpu.memory_space<hbm>> -> memref<32xf32, #tpu.memory_space<hbm>>
        %dma_wait3A_587 = tpu.memref_slice %arg4[%mul3A_441] : memref<524288xf32, #tpu.memory_space<hbm>> -> memref<32xf32, #tpu.memory_space<hbm>>
        tpu.wait_dma2 semaphore(%arg14 : memref<!tpu.dma_semaphore, #tpu.memory_space<semaphore_mem>>) src(%arg23 : memref<32xf32, #tpu.memory_space<vmem>>) dst(%dma_wait3A_587 : memref<32xf32, #tpu.memory_space<hbm>>)
        %dma_wait3A_588 = tpu.memref_slice %arg4[%mul3A_459] : memref<524288xf32, #tpu.memory_space<hbm>> -> memref<32xf32, #tpu.memory_space<hbm>>
        %dma_wait3A_589 = tpu.memref_slice %arg4[%mul3A_459] : memref<524288xf32, #tpu.memory_space<hbm>> -> memref<32xf32, #tpu.memory_space<hbm>>
        tpu.wait_dma2 semaphore(%arg14 : memref<!tpu.dma_semaphore, #tpu.memory_space<semaphore_mem>>) src(%arg24 : memref<32xf32, #tpu.memory_space<vmem>>) dst(%dma_wait3A_589 : memref<32xf32, #tpu.memory_space<hbm>>)
        %dma_wait3A_590 = tpu.memref_slice %arg4[%mul3A_477] : memref<524288xf32, #tpu.memory_space<hbm>> -> memref<32xf32, #tpu.memory_space<hbm>>
        %dma_wait3A_591 = tpu.memref_slice %arg4[%mul3A_477] : memref<524288xf32, #tpu.memory_space<hbm>> -> memref<32xf32, #tpu.memory_space<hbm>>
        tpu.wait_dma2 semaphore(%arg14 : memref<!tpu.dma_semaphore, #tpu.memory_space<semaphore_mem>>) src(%arg25 : memref<32xf32, #tpu.memory_space<vmem>>) dst(%dma_wait3A_591 : memref<32xf32, #tpu.memory_space<hbm>>)
        %dma_wait3A_592 = tpu.memref_slice %arg4[%mul3A_495] : memref<524288xf32, #tpu.memory_space<hbm>> -> memref<32xf32, #tpu.memory_space<hbm>>
        %dma_wait3A_593 = tpu.memref_slice %arg4[%mul3A_495] : memref<524288xf32, #tpu.memory_space<hbm>> -> memref<32xf32, #tpu.memory_space<hbm>>
        tpu.wait_dma2 semaphore(%arg14 : memref<!tpu.dma_semaphore, #tpu.memory_space<semaphore_mem>>) src(%arg26 : memref<32xf32, #tpu.memory_space<vmem>>) dst(%dma_wait3A_593 : memref<32xf32, #tpu.memory_space<hbm>>)
        %dma_wait3A_594 = tpu.memref_slice %arg4[%mul3A_513] : memref<524288xf32, #tpu.memory_space<hbm>> -> memref<32xf32, #tpu.memory_space<hbm>>
        %dma_wait3A_595 = tpu.memref_slice %arg4[%mul3A_513] : memref<524288xf32, #tpu.memory_space<hbm>> -> memref<32xf32, #tpu.memory_space<hbm>>
        tpu.wait_dma2 semaphore(%arg14 : memref<!tpu.dma_semaphore, #tpu.memory_space<semaphore_mem>>) src(%arg27 : memref<32xf32, #tpu.memory_space<vmem>>) dst(%dma_wait3A_595 : memref<32xf32, #tpu.memory_space<hbm>>)
        %dma_wait3A_596 = tpu.memref_slice %arg4[%mul3A_531] : memref<524288xf32, #tpu.memory_space<hbm>> -> memref<32xf32, #tpu.memory_space<hbm>>
        %dma_wait3A_597 = tpu.memref_slice %arg4[%mul3A_531] : memref<524288xf32, #tpu.memory_space<hbm>> -> memref<32xf32, #tpu.memory_space<hbm>>
        tpu.wait_dma2 semaphore(%arg14 : memref<!tpu.dma_semaphore, #tpu.memory_space<semaphore_mem>>) src(%arg28 : memref<32xf32, #tpu.memory_space<vmem>>) dst(%dma_wait3A_597 : memref<32xf32, #tpu.memory_space<hbm>>)
        %dma_wait3A_598 = tpu.memref_slice %arg4[%mul3A_549] : memref<524288xf32, #tpu.memory_space<hbm>> -> memref<32xf32, #tpu.memory_space<hbm>>
        %dma_wait3A_599 = tpu.memref_slice %arg4[%mul3A_549] : memref<524288xf32, #tpu.memory_space<hbm>> -> memref<32xf32, #tpu.memory_space<hbm>>
        tpu.wait_dma2 semaphore(%arg14 : memref<!tpu.dma_semaphore, #tpu.memory_space<semaphore_mem>>) src(%arg29 : memref<32xf32, #tpu.memory_space<vmem>>) dst(%dma_wait3A_599 : memref<32xf32, #tpu.memory_space<hbm>>)
        %dma_wait3A_600 = tpu.memref_slice %arg4[%mul3A_567] : memref<524288xf32, #tpu.memory_space<hbm>> -> memref<32xf32, #tpu.memory_space<hbm>>
        %dma_wait3A_601 = tpu.memref_slice %arg4[%mul3A_567] : memref<524288xf32, #tpu.memory_space<hbm>> -> memref<32xf32, #tpu.memory_space<hbm>>
        tpu.wait_dma2 semaphore(%arg14 : memref<!tpu.dma_semaphore, #tpu.memory_space<semaphore_mem>>) src(%arg30 : memref<32xf32, #tpu.memory_space<vmem>>) dst(%dma_wait3A_601 : memref<32xf32, #tpu.memory_space<hbm>>)
      }
      %mul3A_146 = arith.constant 2 : i32
      %mul3A_147 = arith.muli %mul3A_146, %scan3A_38 : i32
      %add3A_148 = arith.constant 2 : i32
      %add3A_149 = arith.addi %mul3A_147, %add3A_148 : i32
      %mul3A_150 = arith.constant 31 : i32
      %mul3A_151 = arith.muli %add3A, %mul3A_150 : i32
      %add3A_152 = arith.addi %mul3A_151, %add3A_149 : i32
      %min3A_153 = arith.constant 976 : i32
      %min3A_154 = arith.minsi %add3A_152, %min3A_153 : i32
      %mul3A_155 = arith.constant 1024 : i32
      %mul3A_156 = arith.muli %min3A_154, %mul3A_155 : i32
      %min3A_157 = arith.constant 999040 : i32
      %min3A_158 = arith.minsi %mul3A_156, %min3A_157 : i32
      %multiple_of3A_159 = tpu.assume_multiple %min3A_158, 128 : i32
      %dma_start3A_160 = arith.constant 0 : i32
      %dma_start3A_161 = tpu.memref_slice %arg3[%dma_start3A_160, %multiple_of3A_159] : memref<32x1000001xf32, #tpu.memory_space<hbm>> -> memref<32x1024xf32, #tpu.memory_space<hbm>>
      %dma_start3A_162 = arith.constant 0 : i32
      %dma_start3A_163 = tpu.memref_slice %arg3[%dma_start3A_162, %multiple_of3A_159] : memref<32x1000001xf32, #tpu.memory_space<hbm>> -> memref<32x1024xf32, #tpu.memory_space<hbm>>
      tpu.enqueue_dma source(%dma_start3A_163 : memref<32x1024xf32, #tpu.memory_space<hbm>>) target(%arg6 : memref<32x1024xf32, #tpu.memory_space<vmem>>) target_semaphore(%arg12 : memref<!tpu.dma_semaphore, #tpu.memory_space<semaphore_mem>>)
      %dma_wait3A_164 = arith.constant 0 : i32
      %dma_wait3A_165 = arith.constant 0 : i32
      %dma_wait3A_166 = tpu.memref_slice %arg3[%dma_wait3A_164, %dma_wait3A_165] : memref<32x1000001xf32, #tpu.memory_space<hbm>> -> memref<32x1024xf32, #tpu.memory_space<hbm>>
      %dma_wait3A_167 = arith.constant 0 : i32
      %dma_wait3A_168 = arith.constant 0 : i32
      %dma_wait3A_169 = tpu.memref_slice %arg3[%dma_wait3A_167, %dma_wait3A_168] : memref<32x1000001xf32, #tpu.memory_space<hbm>> -> memref<32x1024xf32, #tpu.memory_space<hbm>>
      tpu.wait_dma2 semaphore(%arg13 : memref<!tpu.dma_semaphore, #tpu.memory_space<semaphore_mem>>) src(%dma_wait3A_169 : memref<32x1024xf32, #tpu.memory_space<hbm>>) dst(%arg7 : memref<32x1024xf32, #tpu.memory_space<vmem>>)
      %mul3A_170 = arith.constant 2 : i32
      %mul3A_171 = arith.muli %mul3A_170, %scan3A_38 : i32
      %add3A_172 = arith.constant 1 : i32
      %add3A_173 = arith.addi %mul3A_171, %add3A_172 : i32
      %mul3A_174 = arith.constant 31 : i32
      %mul3A_175 = arith.muli %add3A, %mul3A_174 : i32
      %add3A_176 = arith.addi %mul3A_175, %add3A_173 : i32
      %min3A_177 = arith.constant 976 : i32
      %min3A_178 = arith.minsi %add3A_176, %min3A_177 : i32
      %mul3A_179 = arith.constant 1024 : i32
      %mul3A_180 = arith.muli %min3A_178, %mul3A_179 : i32
      %min3A_181 = arith.constant 999040 : i32
      %min3A_182 = arith.minsi %mul3A_180, %min3A_181 : i32
      %multiple_of3A_183 = tpu.assume_multiple %min3A_182, 128 : i32
      %mul3A_184 = arith.constant 1024 : i32
      %mul3A_185 = arith.muli %min3A_178, %mul3A_184 : i32
      %add3A_186 = arith.constant 1024 : i32
      %add3A_187 = arith.addi %mul3A_185, %add3A_186 : i32
      %min3A_188 = arith.constant 1000001 : i32
      %min3A_189 = arith.minsi %add3A_187, %min3A_188 : i32
      %add3A_190 = arith.constant 15 : i32
      %add3A_191 = arith.addi %scan3A_12, %add3A_190 : i32
      %jit3A_192 = arith.constant 16 : i32
      %div3A_193 = arith.divsi %add3A_191, %jit3A_192 : i32
      %sign3A_194 = arith.constant 0 : i32
      %sign3A_195 = arith.cmpi sgt, %add3A_191, %sign3A_194 : i32
      %sign3A_196 = arith.extui %sign3A_195 : i1 to i32
      %sign3A_197 = arith.constant 0 : i32
      %sign3A_198 = arith.cmpi slt, %add3A_191, %sign3A_197 : i32
      %sign3A_199 = arith.extui %sign3A_198 : i1 to i32
      %sign3A_200 = arith.subi %sign3A_196, %sign3A_199 : i32
      %sign3A_201 = arith.constant 0 : i32
      %sign3A_202 = arith.cmpi sgt, %jit3A_192, %sign3A_201 : i32
      %sign3A_203 = arith.extui %sign3A_202 : i1 to i32
      %sign3A_204 = arith.constant 0 : i32
      %sign3A_205 = arith.cmpi slt, %jit3A_192, %sign3A_204 : i32
      %sign3A_206 = arith.extui %sign3A_205 : i1 to i32
      %sign3A_207 = arith.subi %sign3A_203, %sign3A_206 : i32
      %ne3A_208 = arith.cmpi ne, %sign3A_200, %sign3A_207 : i32
      %rem3A_209 = arith.remsi %add3A_191, %jit3A_192 : i32
      %ne3A_210 = arith.constant 0 : i32
      %ne3A_211 = arith.cmpi ne, %rem3A_209, %ne3A_210 : i32
      %and3A_212 = arith.andi %ne3A_208, %ne3A_211 : i1
      %sub3A_213 = arith.constant 1 : i32
      %sub3A_214 = arith.subi %div3A_193, %sub3A_213 : i32
      %select_n3A_215 = arith.select %and3A_212, %sub3A_214, %div3A_193 : i32
      %while3A_216 = arith.constant 0 : i32
      %while3A_217 = arith.constant 0 : i32
      %while3A_218 = arith.subi %select_n3A_215, %while3A_216 : i32
      %while3A_219 = arith.addi %while3A_216, %while3A_218 : i32
      %while3A_220 = arith.constant 1 : i32
      %while3A_221 = arith.divsi %while3A_218, %while3A_220 : i32
      %while3A_222 = arith.muli %while3A_221, %while3A_220 : i32
      %while3A_223 = arith.addi %while3A_216, %while3A_222 : i32
      %while3A_224 = arith.constant 1 : i32
      %while3A_225 = scf.for %while3A_264 = %while3A_216 to %while3A_223 step %while3A_224 iter_args(%while3A_265 = %while3A_217) -> (i32)  : i32 {
        %mul3A_266 = arith.constant 16 : i32
        %mul3A_267 = arith.muli %while3A_264, %mul3A_266 : i32
        %get3A = arith.index_cast %mul3A_267 : i32 to index
        %get3A_268 = tpu.vector_load %arg8[%get3A] {strides = array<i32>} : memref<2064xi32, #tpu.memory_space<vmem>>, vector<16xi32>,
        %mul3A_269 = arith.constant 16 : i32
        %mul3A_270 = arith.muli %while3A_264, %mul3A_269 : i32
        %get3A_271 = arith.index_cast %mul3A_270 : i32 to index
        %get3A_272 = tpu.vector_load %arg9[%get3A_271] {strides = array<i32>} : memref<2064xi32, #tpu.memory_space<vmem>>, vector<16xi32>,
        %mul3A_273 = arith.constant 16 : i32
        %mul3A_274 = arith.muli %while3A_264, %mul3A_273 : i32
        %add3A_275 = vector.broadcast %mul3A_274 : i32 to vector<16xi32>
        %add3A_276 = arith.addi %iota3A, %add3A_275 : vector<16xi32>
        %lt3A = vector.broadcast %scan3A_12 : i32 to vector<16xi32>
        %lt3A_277 = arith.cmpi slt, %add3A_276, %lt3A : vector<16xi32>
        %ge3A = vector.broadcast %mul3A_185 : i32 to vector<16xi32>
        %ge3A_278 = arith.cmpi sge, %get3A_268, %ge3A : vector<16xi32>
        %and3A_279 = arith.andi %lt3A_277, %ge3A_278 : vector<16xi1>
        %lt3A_280 = vector.broadcast %min3A_189 : i32 to vector<16xi32>
        %lt3A_281 = arith.cmpi slt, %get3A_268, %lt3A_280 : vector<16xi32>
        %and3A_282 = arith.andi %and3A_279, %lt3A_281 : vector<16xi1>
        %swap3A = arith.index_cast %while3A_265 : i32 to index
        %swap3A_283 = tpu.vector_load %arg10[%swap3A] masked %and3A_282 {strides = array<i32>} : memref<2064xi32, #tpu.memory_space<vmem>>, vector<16xi32>, vector<16xi1>
        tpu.vector_store %arg10[%swap3A], %get3A_268 masked %and3A_282 {strides = array<i32>} : memref<2064xi32, #tpu.memory_space<vmem>>, vector<16xi32>, vector<16xi1>
        %swap3A_284 = arith.index_cast %while3A_265 : i32 to index
        %swap3A_285 = tpu.vector_load %arg11[%swap3A_284] masked %and3A_282 {strides = array<i32>} : memref<2064xi32, #tpu.memory_space<vmem>>, vector<16xi32>, vector<16xi1>
        tpu.vector_store %arg11[%swap3A_284], %get3A_272 masked %and3A_282 {strides = array<i32>} : memref<2064xi32, #tpu.memory_space<vmem>>, vector<16xi32>, vector<16xi1>
        %all_reduce_population_count3A = tpu.all_reduce %and3A_282 {dim = 0 : i64, kind = #tpu.reduction_kind<sum>} : vector<16xi1> -> vector<16xi32>
        %slice3A = vector.extract_strided_slice %all_reduce_population_count3A {offsets = [0], sizes = [1], strides = [1]} : vector<16xi32> to vector<1xi32>
        %squeeze3A = vector.extract %slice3A[0] : i32 from vector<1xi32>
        %add3A_286 = arith.addi %while3A_265, %squeeze3A : i32
        scf.yield %add3A_286 : i32
      }
      %while3A_226 = arith.constant 1 : i32
      %while3A_227 = scf.for %while3A_264 = %while3A_223 to %while3A_219 step %while3A_226 iter_args(%while3A_265 = %while3A_225) -> (i32)  : i32 {
        %mul3A_266 = arith.constant 16 : i32
        %mul3A_267 = arith.muli %while3A_264, %mul3A_266 : i32
        %get3A = arith.index_cast %mul3A_267 : i32 to index
        %get3A_268 = tpu.vector_load %arg8[%get3A] {strides = array<i32>} : memref<2064xi32, #tpu.memory_space<vmem>>, vector<16xi32>,
        %mul3A_269 = arith.constant 16 : i32
        %mul3A_270 = arith.muli %while3A_264, %mul3A_269 : i32
        %get3A_271 = arith.index_cast %mul3A_270 : i32 to index
        %get3A_272 = tpu.vector_load %arg9[%get3A_271] {strides = array<i32>} : memref<2064xi32, #tpu.memory_space<vmem>>, vector<16xi32>,
        %mul3A_273 = arith.constant 16 : i32
        %mul3A_274 = arith.muli %while3A_264, %mul3A_273 : i32
        %add3A_275 = vector.broadcast %mul3A_274 : i32 to vector<16xi32>
        %add3A_276 = arith.addi %iota3A, %add3A_275 : vector<16xi32>
        %lt3A = vector.broadcast %scan3A_12 : i32 to vector<16xi32>
        %lt3A_277 = arith.cmpi slt, %add3A_276, %lt3A : vector<16xi32>
        %ge3A = vector.broadcast %mul3A_185 : i32 to vector<16xi32>
        %ge3A_278 = arith.cmpi sge, %get3A_268, %ge3A : vector<16xi32>
        %and3A_279 = arith.andi %lt3A_277, %ge3A_278 : vector<16xi1>
        %lt3A_280 = vector.broadcast %min3A_189 : i32 to vector<16xi32>
        %lt3A_281 = arith.cmpi slt, %get3A_268, %lt3A_280 : vector<16xi32>
        %and3A_282 = arith.andi %and3A_279, %lt3A_281 : vector<16xi1>
        %swap3A = arith.index_cast %while3A_265 : i32 to index
        %swap3A_283 = tpu.vector_load %arg10[%swap3A] masked %and3A_282 {strides = array<i32>} : memref<2064xi32, #tpu.memory_space<vmem>>, vector<16xi32>, vector<16xi1>
        tpu.vector_store %arg10[%swap3A], %get3A_268 masked %and3A_282 {strides = array<i32>} : memref<2064xi32, #tpu.memory_space<vmem>>, vector<16xi32>, vector<16xi1>
        %swap3A_284 = arith.index_cast %while3A_265 : i32 to index
        %swap3A_285 = tpu.vector_load %arg11[%swap3A_284] masked %and3A_282 {strides = array<i32>} : memref<2064xi32, #tpu.memory_space<vmem>>, vector<16xi32>, vector<16xi1>
        tpu.vector_store %arg11[%swap3A_284], %get3A_272 masked %and3A_282 {strides = array<i32>} : memref<2064xi32, #tpu.memory_space<vmem>>, vector<16xi32>, vector<16xi1>
        %all_reduce_population_count3A = tpu.all_reduce %and3A_282 {dim = 0 : i64, kind = #tpu.reduction_kind<sum>} : vector<16xi1> -> vector<16xi32>
        %slice3A = vector.extract_strided_slice %all_reduce_population_count3A {offsets = [0], sizes = [1], strides = [1]} : vector<16xi32> to vector<1xi32>
        %squeeze3A = vector.extract %slice3A[0] : i32 from vector<1xi32>
        %add3A_286 = arith.addi %while3A_265, %squeeze3A : i32
        scf.yield %add3A_286 : i32
      }
      %add3A_228 = arith.constant 15 : i32
      %add3A_229 = arith.addi %while3A_227, %add3A_228 : i32
      %jit3A_230 = arith.constant 16 : i32
      %div3A_231 = arith.divsi %add3A_229, %jit3A_230 : i32
      %sign3A_232 = arith.constant 0 : i32
      %sign3A_233 = arith.cmpi sgt, %add3A_229, %sign3A_232 : i32
      %sign3A_234 = arith.extui %sign3A_233 : i1 to i32
      %sign3A_235 = arith.constant 0 : i32
      %sign3A_236 = arith.cmpi slt, %add3A_229, %sign3A_235 : i32
      %sign3A_237 = arith.extui %sign3A_236 : i1 to i32
      %sign3A_238 = arith.subi %sign3A_234, %sign3A_237 : i32
      %sign3A_239 = arith.constant 0 : i32
      %sign3A_240 = arith.cmpi sgt, %jit3A_230, %sign3A_239 : i32
      %sign3A_241 = arith.extui %sign3A_240 : i1 to i32
      %sign3A_242 = arith.constant 0 : i32
      %sign3A_243 = arith.cmpi slt, %jit3A_230, %sign3A_242 : i32
      %sign3A_244 = arith.extui %sign3A_243 : i1 to i32
      %sign3A_245 = arith.subi %sign3A_241, %sign3A_244 : i32
      %ne3A_246 = arith.cmpi ne, %sign3A_238, %sign3A_245 : i32
      %rem3A_247 = arith.remsi %add3A_229, %jit3A_230 : i32
      %ne3A_248 = arith.constant 0 : i32
      %ne3A_249 = arith.cmpi ne, %rem3A_247, %ne3A_248 : i32
      %and3A_250 = arith.andi %ne3A_246, %ne3A_249 : i1
      %sub3A_251 = arith.constant 1 : i32
      %sub3A_252 = arith.subi %div3A_231, %sub3A_251 : i32
      %select_n3A_253 = arith.select %and3A_250, %sub3A_252, %div3A_231 : i32
      %while3A_254 = arith.constant 0 : i32
      %while3A_255 = arith.constant 0 : i32
      %while3A_256 = arith.subi %select_n3A_253, %while3A_255 : i32
      %while3A_257 = arith.addi %while3A_255, %while3A_256 : i32
      %while3A_258 = arith.constant 1 : i32
      %while3A_259 = arith.divsi %while3A_256, %while3A_258 : i32
      %while3A_260 = arith.muli %while3A_259, %while3A_258 : i32
      %while3A_261 = arith.addi %while3A_255, %while3A_260 : i32
      %while3A_262 = arith.constant 1 : i32
      scf.for %while3A_264 = %while3A_255 to %while3A_261 step %while3A_262  : i32 {
        %mul3A_265 = arith.constant 16 : i32
        %mul3A_266 = arith.muli %while3A_264, %mul3A_265 : i32
        %get3A = arith.index_cast %mul3A_266 : i32 to index
        %get3A_267 = tpu.vector_load %arg10[%get3A] {strides = array<i32>} : memref<2064xi32, #tpu.memory_space<vmem>>, vector<16xi32>,
        %mul3A_268 = arith.constant 16 : i32
        %mul3A_269 = arith.muli %while3A_264, %mul3A_268 : i32
        %get3A_270 = arith.index_cast %mul3A_269 : i32 to index
        %get3A_271 = tpu.vector_load %arg11[%get3A_270] {strides = array<i32>} : memref<2064xi32, #tpu.memory_space<vmem>>, vector<16xi32>,
        %mul3A_272 = arith.constant 16 : i32
        %mul3A_273 = arith.muli %while3A_264, %mul3A_272 : i32
        %add3A_274 = vector.broadcast %mul3A_273 : i32 to vector<16xi32>
        %add3A_275 = arith.addi %iota3A, %add3A_274 : vector<16xi32>
        %lt3A = vector.broadcast %while3A_227 : i32 to vector<16xi32>
        %lt3A_276 = arith.cmpi slt, %add3A_275, %lt3A : vector<16xi32>
        %slice3A = vector.extract_strided_slice %get3A_267 {offsets = [0], sizes = [1], strides = [1]} : vector<16xi32> to vector<1xi32>
        %squeeze3A = vector.extract %slice3A[0] : i32 from vector<1xi32>
        %broadcast_in_dim3A = vector.broadcast %squeeze3A : i32 to vector<16xi32>
        %select_n3A_277 = arith.select %lt3A_276, %get3A_267, %broadcast_in_dim3A : vector<16xi1>, vector<16xi32>
        %slice3A_278 = vector.extract_strided_slice %get3A_271 {offsets = [0], sizes = [1], strides = [1]} : vector<16xi32> to vector<1xi32>
        %squeeze3A_279 = vector.extract %slice3A_278[0] : i32 from vector<1xi32>
        %broadcast_in_dim3A_280 = vector.broadcast %squeeze3A_279 : i32 to vector<16xi32>
        %select_n3A_281 = arith.select %lt3A_276, %get3A_271, %broadcast_in_dim3A_280 : vector<16xi1>, vector<16xi32>
        %sub3A_282 = vector.broadcast %multiple_of3A_183 : i32 to vector<16xi32>
        %sub3A_283 = arith.subi %select_n3A_277, %sub3A_282 : vector<16xi32>
        %slice3A_284 = vector.extract_strided_slice %sub3A_283 {offsets = [0], sizes = [1], strides = [1]} : vector<16xi32> to vector<1xi32>
        %squeeze3A_285 = vector.extract %slice3A_284[0] : i32 from vector<1xi32>
        %broadcast_in_dim3A_286 = vector.broadcast %squeeze3A_285 : i32 to vector<16xi32>
        %gather3A = tpu.vector_load_idx %arg7[%iota3A, %broadcast_in_dim3A_286] : memref<32x1024xf32, #tpu.memory_space<vmem>>[vector<16xi32>, vector<16xi32>], vector<16xf32>,
        %add3A_287 = arith.constant 16 : i32
        %add3A_288 = vector.broadcast %add3A_287 : i32 to vector<16xi32>
        %add3A_289 = arith.addi %iota3A, %add3A_288 : vector<16xi32>
        %gather3A_290 = tpu.vector_load_idx %arg7[%add3A_289, %broadcast_in_dim3A_286] : memref<32x1024xf32, #tpu.memory_space<vmem>>[vector<16xi32>, vector<16xi32>], vector<16xf32>,
        %swap3A = arith.constant 0 : index
        %swap3A_291 = tpu.vector_load %arg15[%swap3A] {strides = array<i32>} : memref<32xf32, #tpu.memory_space<vmem>>, vector<16xf32>,
        tpu.vector_store %arg15[%swap3A], %gather3A {strides = array<i32>} : memref<32xf32, #tpu.memory_space<vmem>>, vector<16xf32>,
        %swap3A_292 = arith.constant 16 : index
        %swap3A_293 = tpu.vector_load %arg15[%swap3A_292] {strides = array<i32>} : memref<32xf32, #tpu.memory_space<vmem>>, vector<16xf32>,
        tpu.vector_store %arg15[%swap3A_292], %gather3A_290 {strides = array<i32>} : memref<32xf32, #tpu.memory_space<vmem>>, vector<16xf32>,
        %slice3A_294 = vector.extract_strided_slice %select_n3A_281 {offsets = [0], sizes = [1], strides = [1]} : vector<16xi32> to vector<1xi32>
        %squeeze3A_295 = vector.extract %slice3A_294[0] : i32 from vector<1xi32>
        %mul3A_296 = arith.constant 32 : i32
        %mul3A_297 = arith.muli %squeeze3A_295, %mul3A_296 : i32
        %dma_start3A_298 = tpu.memref_slice %arg4[%mul3A_297] : memref<524288xf32, #tpu.memory_space<hbm>> -> memref<32xf32, #tpu.memory_space<hbm>>
        %dma_start3A_299 = tpu.memref_slice %arg4[%mul3A_297] : memref<524288xf32, #tpu.memory_space<hbm>> -> memref<32xf32, #tpu.memory_space<hbm>>
        tpu.enqueue_dma source(%arg15 : memref<32xf32, #tpu.memory_space<vmem>>) target(%dma_start3A_299 : memref<32xf32, #tpu.memory_space<hbm>>) target_semaphore(%arg14 : memref<!tpu.dma_semaphore, #tpu.memory_space<semaphore_mem>>)
        %slice3A_300 = vector.extract_strided_slice %sub3A_283 {offsets = [1], sizes = [1], strides = [1]} : vector<16xi32> to vector<1xi32>
        %squeeze3A_301 = vector.extract %slice3A_300[0] : i32 from vector<1xi32>
        %broadcast_in_dim3A_302 = vector.broadcast %squeeze3A_301 : i32 to vector<16xi32>
        %gather3A_303 = tpu.vector_load_idx %arg7[%iota3A, %broadcast_in_dim3A_302] : memref<32x1024xf32, #tpu.memory_space<vmem>>[vector<16xi32>, vector<16xi32>], vector<16xf32>,
        %add3A_304 = arith.constant 16 : i32
        %add3A_305 = vector.broadcast %add3A_304 : i32 to vector<16xi32>
        %add3A_306 = arith.addi %iota3A, %add3A_305 : vector<16xi32>
        %gather3A_307 = tpu.vector_load_idx %arg7[%add3A_306, %broadcast_in_dim3A_302] : memref<32x1024xf32, #tpu.memory_space<vmem>>[vector<16xi32>, vector<16xi32>], vector<16xf32>,
        %swap3A_308 = arith.constant 0 : index
        %swap3A_309 = tpu.vector_load %arg16[%swap3A_308] {strides = array<i32>} : memref<32xf32, #tpu.memory_space<vmem>>, vector<16xf32>,
        tpu.vector_store %arg16[%swap3A_308], %gather3A_303 {strides = array<i32>} : memref<32xf32, #tpu.memory_space<vmem>>, vector<16xf32>,
        %swap3A_310 = arith.constant 16 : index
        %swap3A_311 = tpu.vector_load %arg16[%swap3A_310] {strides = array<i32>} : memref<32xf32, #tpu.memory_space<vmem>>, vector<16xf32>,
        tpu.vector_store %arg16[%swap3A_310], %gather3A_307 {strides = array<i32>} : memref<32xf32, #tpu.memory_space<vmem>>, vector<16xf32>,
        %slice3A_312 = vector.extract_strided_slice %select_n3A_281 {offsets = [1], sizes = [1], strides = [1]} : vector<16xi32> to vector<1xi32>
        %squeeze3A_313 = vector.extract %slice3A_312[0] : i32 from vector<1xi32>
        %mul3A_314 = arith.constant 32 : i32
        %mul3A_315 = arith.muli %squeeze3A_313, %mul3A_314 : i32
        %dma_start3A_316 = tpu.memref_slice %arg4[%mul3A_315] : memref<524288xf32, #tpu.memory_space<hbm>> -> memref<32xf32, #tpu.memory_space<hbm>>
        %dma_start3A_317 = tpu.memref_slice %arg4[%mul3A_315] : memref<524288xf32, #tpu.memory_space<hbm>> -> memref<32xf32, #tpu.memory_space<hbm>>
        tpu.enqueue_dma source(%arg16 : memref<32xf32, #tpu.memory_space<vmem>>) target(%dma_start3A_317 : memref<32xf32, #tpu.memory_space<hbm>>) target_semaphore(%arg14 : memref<!tpu.dma_semaphore, #tpu.memory_space<semaphore_mem>>)
        %slice3A_318 = vector.extract_strided_slice %sub3A_283 {offsets = [2], sizes = [1], strides = [1]} : vector<16xi32> to vector<1xi32>
        %squeeze3A_319 = vector.extract %slice3A_318[0] : i32 from vector<1xi32>
        %broadcast_in_dim3A_320 = vector.broadcast %squeeze3A_319 : i32 to vector<16xi32>
        %gather3A_321 = tpu.vector_load_idx %arg7[%iota3A, %broadcast_in_dim3A_320] : memref<32x1024xf32, #tpu.memory_space<vmem>>[vector<16xi32>, vector<16xi32>], vector<16xf32>,
        %add3A_322 = arith.constant 16 : i32
        %add3A_323 = vector.broadcast %add3A_322 : i32 to vector<16xi32>
        %add3A_324 = arith.addi %iota3A, %add3A_323 : vector<16xi32>
        %gather3A_325 = tpu.vector_load_idx %arg7[%add3A_324, %broadcast_in_dim3A_320] : memref<32x1024xf32, #tpu.memory_space<vmem>>[vector<16xi32>, vector<16xi32>], vector<16xf32>,
        %swap3A_326 = arith.constant 0 : index
        %swap3A_327 = tpu.vector_load %arg17[%swap3A_326] {strides = array<i32>} : memref<32xf32, #tpu.memory_space<vmem>>, vector<16xf32>,
        tpu.vector_store %arg17[%swap3A_326], %gather3A_321 {strides = array<i32>} : memref<32xf32, #tpu.memory_space<vmem>>, vector<16xf32>,
        %swap3A_328 = arith.constant 16 : index
        %swap3A_329 = tpu.vector_load %arg17[%swap3A_328] {strides = array<i32>} : memref<32xf32, #tpu.memory_space<vmem>>, vector<16xf32>,
        tpu.vector_store %arg17[%swap3A_328], %gather3A_325 {strides = array<i32>} : memref<32xf32, #tpu.memory_space<vmem>>, vector<16xf32>,
        %slice3A_330 = vector.extract_strided_slice %select_n3A_281 {offsets = [2], sizes = [1], strides = [1]} : vector<16xi32> to vector<1xi32>
        %squeeze3A_331 = vector.extract %slice3A_330[0] : i32 from vector<1xi32>
        %mul3A_332 = arith.constant 32 : i32
        %mul3A_333 = arith.muli %squeeze3A_331, %mul3A_332 : i32
        %dma_start3A_334 = tpu.memref_slice %arg4[%mul3A_333] : memref<524288xf32, #tpu.memory_space<hbm>> -> memref<32xf32, #tpu.memory_space<hbm>>
        %dma_start3A_335 = tpu.memref_slice %arg4[%mul3A_333] : memref<524288xf32, #tpu.memory_space<hbm>> -> memref<32xf32, #tpu.memory_space<hbm>>
        tpu.enqueue_dma source(%arg17 : memref<32xf32, #tpu.memory_space<vmem>>) target(%dma_start3A_335 : memref<32xf32, #tpu.memory_space<hbm>>) target_semaphore(%arg14 : memref<!tpu.dma_semaphore, #tpu.memory_space<semaphore_mem>>)
        %slice3A_336 = vector.extract_strided_slice %sub3A_283 {offsets = [3], sizes = [1], strides = [1]} : vector<16xi32> to vector<1xi32>
        %squeeze3A_337 = vector.extract %slice3A_336[0] : i32 from vector<1xi32>
        %broadcast_in_dim3A_338 = vector.broadcast %squeeze3A_337 : i32 to vector<16xi32>
        %gather3A_339 = tpu.vector_load_idx %arg7[%iota3A, %broadcast_in_dim3A_338] : memref<32x1024xf32, #tpu.memory_space<vmem>>[vector<16xi32>, vector<16xi32>], vector<16xf32>,
        %add3A_340 = arith.constant 16 : i32
        %add3A_341 = vector.broadcast %add3A_340 : i32 to vector<16xi32>
        %add3A_342 = arith.addi %iota3A, %add3A_341 : vector<16xi32>
        %gather3A_343 = tpu.vector_load_idx %arg7[%add3A_342, %broadcast_in_dim3A_338] : memref<32x1024xf32, #tpu.memory_space<vmem>>[vector<16xi32>, vector<16xi32>], vector<16xf32>,
        %swap3A_344 = arith.constant 0 : index
        %swap3A_345 = tpu.vector_load %arg18[%swap3A_344] {strides = array<i32>} : memref<32xf32, #tpu.memory_space<vmem>>, vector<16xf32>,
        tpu.vector_store %arg18[%swap3A_344], %gather3A_339 {strides = array<i32>} : memref<32xf32, #tpu.memory_space<vmem>>, vector<16xf32>,
        %swap3A_346 = arith.constant 16 : index
        %swap3A_347 = tpu.vector_load %arg18[%swap3A_346] {strides = array<i32>} : memref<32xf32, #tpu.memory_space<vmem>>, vector<16xf32>,
        tpu.vector_store %arg18[%swap3A_346], %gather3A_343 {strides = array<i32>} : memref<32xf32, #tpu.memory_space<vmem>>, vector<16xf32>,
        %slice3A_348 = vector.extract_strided_slice %select_n3A_281 {offsets = [3], sizes = [1], strides = [1]} : vector<16xi32> to vector<1xi32>
        %squeeze3A_349 = vector.extract %slice3A_348[0] : i32 from vector<1xi32>
        %mul3A_350 = arith.constant 32 : i32
        %mul3A_351 = arith.muli %squeeze3A_349, %mul3A_350 : i32
        %dma_start3A_352 = tpu.memref_slice %arg4[%mul3A_351] : memref<524288xf32, #tpu.memory_space<hbm>> -> memref<32xf32, #tpu.memory_space<hbm>>
        %dma_start3A_353 = tpu.memref_slice %arg4[%mul3A_351] : memref<524288xf32, #tpu.memory_space<hbm>> -> memref<32xf32, #tpu.memory_space<hbm>>
        tpu.enqueue_dma source(%arg18 : memref<32xf32, #tpu.memory_space<vmem>>) target(%dma_start3A_353 : memref<32xf32, #tpu.memory_space<hbm>>) target_semaphore(%arg14 : memref<!tpu.dma_semaphore, #tpu.memory_space<semaphore_mem>>)
        %slice3A_354 = vector.extract_strided_slice %sub3A_283 {offsets = [4], sizes = [1], strides = [1]} : vector<16xi32> to vector<1xi32>
        %squeeze3A_355 = vector.extract %slice3A_354[0] : i32 from vector<1xi32>
        %broadcast_in_dim3A_356 = vector.broadcast %squeeze3A_355 : i32 to vector<16xi32>
        %gather3A_357 = tpu.vector_load_idx %arg7[%iota3A, %broadcast_in_dim3A_356] : memref<32x1024xf32, #tpu.memory_space<vmem>>[vector<16xi32>, vector<16xi32>], vector<16xf32>,
        %add3A_358 = arith.constant 16 : i32
        %add3A_359 = vector.broadcast %add3A_358 : i32 to vector<16xi32>
        %add3A_360 = arith.addi %iota3A, %add3A_359 : vector<16xi32>
        %gather3A_361 = tpu.vector_load_idx %arg7[%add3A_360, %broadcast_in_dim3A_356] : memref<32x1024xf32, #tpu.memory_space<vmem>>[vector<16xi32>, vector<16xi32>], vector<16xf32>,
        %swap3A_362 = arith.constant 0 : index
        %swap3A_363 = tpu.vector_load %arg19[%swap3A_362] {strides = array<i32>} : memref<32xf32, #tpu.memory_space<vmem>>, vector<16xf32>,
        tpu.vector_store %arg19[%swap3A_362], %gather3A_357 {strides = array<i32>} : memref<32xf32, #tpu.memory_space<vmem>>, vector<16xf32>,
        %swap3A_364 = arith.constant 16 : index
        %swap3A_365 = tpu.vector_load %arg19[%swap3A_364] {strides = array<i32>} : memref<32xf32, #tpu.memory_space<vmem>>, vector<16xf32>,
        tpu.vector_store %arg19[%swap3A_364], %gather3A_361 {strides = array<i32>} : memref<32xf32, #tpu.memory_space<vmem>>, vector<16xf32>,
        %slice3A_366 = vector.extract_strided_slice %select_n3A_281 {offsets = [4], sizes = [1], strides = [1]} : vector<16xi32> to vector<1xi32>
        %squeeze3A_367 = vector.extract %slice3A_366[0] : i32 from vector<1xi32>
        %mul3A_368 = arith.constant 32 : i32
        %mul3A_369 = arith.muli %squeeze3A_367, %mul3A_368 : i32
        %dma_start3A_370 = tpu.memref_slice %arg4[%mul3A_369] : memref<524288xf32, #tpu.memory_space<hbm>> -> memref<32xf32, #tpu.memory_space<hbm>>
        %dma_start3A_371 = tpu.memref_slice %arg4[%mul3A_369] : memref<524288xf32, #tpu.memory_space<hbm>> -> memref<32xf32, #tpu.memory_space<hbm>>
        tpu.enqueue_dma source(%arg19 : memref<32xf32, #tpu.memory_space<vmem>>) target(%dma_start3A_371 : memref<32xf32, #tpu.memory_space<hbm>>) target_semaphore(%arg14 : memref<!tpu.dma_semaphore, #tpu.memory_space<semaphore_mem>>)
        %slice3A_372 = vector.extract_strided_slice %sub3A_283 {offsets = [5], sizes = [1], strides = [1]} : vector<16xi32> to vector<1xi32>
        %squeeze3A_373 = vector.extract %slice3A_372[0] : i32 from vector<1xi32>
        %broadcast_in_dim3A_374 = vector.broadcast %squeeze3A_373 : i32 to vector<16xi32>
        %gather3A_375 = tpu.vector_load_idx %arg7[%iota3A, %broadcast_in_dim3A_374] : memref<32x1024xf32, #tpu.memory_space<vmem>>[vector<16xi32>, vector<16xi32>], vector<16xf32>,
        %add3A_376 = arith.constant 16 : i32
        %add3A_377 = vector.broadcast %add3A_376 : i32 to vector<16xi32>
        %add3A_378 = arith.addi %iota3A, %add3A_377 : vector<16xi32>
        %gather3A_379 = tpu.vector_load_idx %arg7[%add3A_378, %broadcast_in_dim3A_374] : memref<32x1024xf32, #tpu.memory_space<vmem>>[vector<16xi32>, vector<16xi32>], vector<16xf32>,
        %swap3A_380 = arith.constant 0 : index
        %swap3A_381 = tpu.vector_load %arg20[%swap3A_380] {strides = array<i32>} : memref<32xf32, #tpu.memory_space<vmem>>, vector<16xf32>,
        tpu.vector_store %arg20[%swap3A_380], %gather3A_375 {strides = array<i32>} : memref<32xf32, #tpu.memory_space<vmem>>, vector<16xf32>,
        %swap3A_382 = arith.constant 16 : index
        %swap3A_383 = tpu.vector_load %arg20[%swap3A_382] {strides = array<i32>} : memref<32xf32, #tpu.memory_space<vmem>>, vector<16xf32>,
        tpu.vector_store %arg20[%swap3A_382], %gather3A_379 {strides = array<i32>} : memref<32xf32, #tpu.memory_space<vmem>>, vector<16xf32>,
        %slice3A_384 = vector.extract_strided_slice %select_n3A_281 {offsets = [5], sizes = [1], strides = [1]} : vector<16xi32> to vector<1xi32>
        %squeeze3A_385 = vector.extract %slice3A_384[0] : i32 from vector<1xi32>
        %mul3A_386 = arith.constant 32 : i32
        %mul3A_387 = arith.muli %squeeze3A_385, %mul3A_386 : i32
        %dma_start3A_388 = tpu.memref_slice %arg4[%mul3A_387] : memref<524288xf32, #tpu.memory_space<hbm>> -> memref<32xf32, #tpu.memory_space<hbm>>
        %dma_start3A_389 = tpu.memref_slice %arg4[%mul3A_387] : memref<524288xf32, #tpu.memory_space<hbm>> -> memref<32xf32, #tpu.memory_space<hbm>>
        tpu.enqueue_dma source(%arg20 : memref<32xf32, #tpu.memory_space<vmem>>) target(%dma_start3A_389 : memref<32xf32, #tpu.memory_space<hbm>>) target_semaphore(%arg14 : memref<!tpu.dma_semaphore, #tpu.memory_space<semaphore_mem>>)
        %slice3A_390 = vector.extract_strided_slice %sub3A_283 {offsets = [6], sizes = [1], strides = [1]} : vector<16xi32> to vector<1xi32>
        %squeeze3A_391 = vector.extract %slice3A_390[0] : i32 from vector<1xi32>
        %broadcast_in_dim3A_392 = vector.broadcast %squeeze3A_391 : i32 to vector<16xi32>
        %gather3A_393 = tpu.vector_load_idx %arg7[%iota3A, %broadcast_in_dim3A_392] : memref<32x1024xf32, #tpu.memory_space<vmem>>[vector<16xi32>, vector<16xi32>], vector<16xf32>,
        %add3A_394 = arith.constant 16 : i32
        %add3A_395 = vector.broadcast %add3A_394 : i32 to vector<16xi32>
        %add3A_396 = arith.addi %iota3A, %add3A_395 : vector<16xi32>
        %gather3A_397 = tpu.vector_load_idx %arg7[%add3A_396, %broadcast_in_dim3A_392] : memref<32x1024xf32, #tpu.memory_space<vmem>>[vector<16xi32>, vector<16xi32>], vector<16xf32>,
        %swap3A_398 = arith.constant 0 : index
        %swap3A_399 = tpu.vector_load %arg21[%swap3A_398] {strides = array<i32>} : memref<32xf32, #tpu.memory_space<vmem>>, vector<16xf32>,
        tpu.vector_store %arg21[%swap3A_398], %gather3A_393 {strides = array<i32>} : memref<32xf32, #tpu.memory_space<vmem>>, vector<16xf32>,
        %swap3A_400 = arith.constant 16 : index
        %swap3A_401 = tpu.vector_load %arg21[%swap3A_400] {strides = array<i32>} : memref<32xf32, #tpu.memory_space<vmem>>, vector<16xf32>,
        tpu.vector_store %arg21[%swap3A_400], %gather3A_397 {strides = array<i32>} : memref<32xf32, #tpu.memory_space<vmem>>, vector<16xf32>,
        %slice3A_402 = vector.extract_strided_slice %select_n3A_281 {offsets = [6], sizes = [1], strides = [1]} : vector<16xi32> to vector<1xi32>
        %squeeze3A_403 = vector.extract %slice3A_402[0] : i32 from vector<1xi32>
        %mul3A_404 = arith.constant 32 : i32
        %mul3A_405 = arith.muli %squeeze3A_403, %mul3A_404 : i32
        %dma_start3A_406 = tpu.memref_slice %arg4[%mul3A_405] : memref<524288xf32, #tpu.memory_space<hbm>> -> memref<32xf32, #tpu.memory_space<hbm>>
        %dma_start3A_407 = tpu.memref_slice %arg4[%mul3A_405] : memref<524288xf32, #tpu.memory_space<hbm>> -> memref<32xf32, #tpu.memory_space<hbm>>
        tpu.enqueue_dma source(%arg21 : memref<32xf32, #tpu.memory_space<vmem>>) target(%dma_start3A_407 : memref<32xf32, #tpu.memory_space<hbm>>) target_semaphore(%arg14 : memref<!tpu.dma_semaphore, #tpu.memory_space<semaphore_mem>>)
        %slice3A_408 = vector.extract_strided_slice %sub3A_283 {offsets = [7], sizes = [1], strides = [1]} : vector<16xi32> to vector<1xi32>
        %squeeze3A_409 = vector.extract %slice3A_408[0] : i32 from vector<1xi32>
        %broadcast_in_dim3A_410 = vector.broadcast %squeeze3A_409 : i32 to vector<16xi32>
        %gather3A_411 = tpu.vector_load_idx %arg7[%iota3A, %broadcast_in_dim3A_410] : memref<32x1024xf32, #tpu.memory_space<vmem>>[vector<16xi32>, vector<16xi32>], vector<16xf32>,
        %add3A_412 = arith.constant 16 : i32
        %add3A_413 = vector.broadcast %add3A_412 : i32 to vector<16xi32>
        %add3A_414 = arith.addi %iota3A, %add3A_413 : vector<16xi32>
        %gather3A_415 = tpu.vector_load_idx %arg7[%add3A_414, %broadcast_in_dim3A_410] : memref<32x1024xf32, #tpu.memory_space<vmem>>[vector<16xi32>, vector<16xi32>], vector<16xf32>,
        %swap3A_416 = arith.constant 0 : index
        %swap3A_417 = tpu.vector_load %arg22[%swap3A_416] {strides = array<i32>} : memref<32xf32, #tpu.memory_space<vmem>>, vector<16xf32>,
        tpu.vector_store %arg22[%swap3A_416], %gather3A_411 {strides = array<i32>} : memref<32xf32, #tpu.memory_space<vmem>>, vector<16xf32>,
        %swap3A_418 = arith.constant 16 : index
        %swap3A_419 = tpu.vector_load %arg22[%swap3A_418] {strides = array<i32>} : memref<32xf32, #tpu.memory_space<vmem>>, vector<16xf32>,
        tpu.vector_store %arg22[%swap3A_418], %gather3A_415 {strides = array<i32>} : memref<32xf32, #tpu.memory_space<vmem>>, vector<16xf32>,
        %slice3A_420 = vector.extract_strided_slice %select_n3A_281 {offsets = [7], sizes = [1], strides = [1]} : vector<16xi32> to vector<1xi32>
        %squeeze3A_421 = vector.extract %slice3A_420[0] : i32 from vector<1xi32>
        %mul3A_422 = arith.constant 32 : i32
        %mul3A_423 = arith.muli %squeeze3A_421, %mul3A_422 : i32
        %dma_start3A_424 = tpu.memref_slice %arg4[%mul3A_423] : memref<524288xf32, #tpu.memory_space<hbm>> -> memref<32xf32, #tpu.memory_space<hbm>>
        %dma_start3A_425 = tpu.memref_slice %arg4[%mul3A_423] : memref<524288xf32, #tpu.memory_space<hbm>> -> memref<32xf32, #tpu.memory_space<hbm>>
        tpu.enqueue_dma source(%arg22 : memref<32xf32, #tpu.memory_space<vmem>>) target(%dma_start3A_425 : memref<32xf32, #tpu.memory_space<hbm>>) target_semaphore(%arg14 : memref<!tpu.dma_semaphore, #tpu.memory_space<semaphore_mem>>)
        %slice3A_426 = vector.extract_strided_slice %sub3A_283 {offsets = [8], sizes = [1], strides = [1]} : vector<16xi32> to vector<1xi32>
        %squeeze3A_427 = vector.extract %slice3A_426[0] : i32 from vector<1xi32>
        %broadcast_in_dim3A_428 = vector.broadcast %squeeze3A_427 : i32 to vector<16xi32>
        %gather3A_429 = tpu.vector_load_idx %arg7[%iota3A, %broadcast_in_dim3A_428] : memref<32x1024xf32, #tpu.memory_space<vmem>>[vector<16xi32>, vector<16xi32>], vector<16xf32>,
        %add3A_430 = arith.constant 16 : i32
        %add3A_431 = vector.broadcast %add3A_430 : i32 to vector<16xi32>
        %add3A_432 = arith.addi %iota3A, %add3A_431 : vector<16xi32>
        %gather3A_433 = tpu.vector_load_idx %arg7[%add3A_432, %broadcast_in_dim3A_428] : memref<32x1024xf32, #tpu.memory_space<vmem>>[vector<16xi32>, vector<16xi32>], vector<16xf32>,
        %swap3A_434 = arith.constant 0 : index
        %swap3A_435 = tpu.vector_load %arg23[%swap3A_434] {strides = array<i32>} : memref<32xf32, #tpu.memory_space<vmem>>, vector<16xf32>,
        tpu.vector_store %arg23[%swap3A_434], %gather3A_429 {strides = array<i32>} : memref<32xf32, #tpu.memory_space<vmem>>, vector<16xf32>,
        %swap3A_436 = arith.constant 16 : index
        %swap3A_437 = tpu.vector_load %arg23[%swap3A_436] {strides = array<i32>} : memref<32xf32, #tpu.memory_space<vmem>>, vector<16xf32>,
        tpu.vector_store %arg23[%swap3A_436], %gather3A_433 {strides = array<i32>} : memref<32xf32, #tpu.memory_space<vmem>>, vector<16xf32>,
        %slice3A_438 = vector.extract_strided_slice %select_n3A_281 {offsets = [8], sizes = [1], strides = [1]} : vector<16xi32> to vector<1xi32>
        %squeeze3A_439 = vector.extract %slice3A_438[0] : i32 from vector<1xi32>
        %mul3A_440 = arith.constant 32 : i32
        %mul3A_441 = arith.muli %squeeze3A_439, %mul3A_440 : i32
        %dma_start3A_442 = tpu.memref_slice %arg4[%mul3A_441] : memref<524288xf32, #tpu.memory_space<hbm>> -> memref<32xf32, #tpu.memory_space<hbm>>
        %dma_start3A_443 = tpu.memref_slice %arg4[%mul3A_441] : memref<524288xf32, #tpu.memory_space<hbm>> -> memref<32xf32, #tpu.memory_space<hbm>>
        tpu.enqueue_dma source(%arg23 : memref<32xf32, #tpu.memory_space<vmem>>) target(%dma_start3A_443 : memref<32xf32, #tpu.memory_space<hbm>>) target_semaphore(%arg14 : memref<!tpu.dma_semaphore, #tpu.memory_space<semaphore_mem>>)
        %slice3A_444 = vector.extract_strided_slice %sub3A_283 {offsets = [9], sizes = [1], strides = [1]} : vector<16xi32> to vector<1xi32>
        %squeeze3A_445 = vector.extract %slice3A_444[0] : i32 from vector<1xi32>
        %broadcast_in_dim3A_446 = vector.broadcast %squeeze3A_445 : i32 to vector<16xi32>
        %gather3A_447 = tpu.vector_load_idx %arg7[%iota3A, %broadcast_in_dim3A_446] : memref<32x1024xf32, #tpu.memory_space<vmem>>[vector<16xi32>, vector<16xi32>], vector<16xf32>,
        %add3A_448 = arith.constant 16 : i32
        %add3A_449 = vector.broadcast %add3A_448 : i32 to vector<16xi32>
        %add3A_450 = arith.addi %iota3A, %add3A_449 : vector<16xi32>
        %gather3A_451 = tpu.vector_load_idx %arg7[%add3A_450, %broadcast_in_dim3A_446] : memref<32x1024xf32, #tpu.memory_space<vmem>>[vector<16xi32>, vector<16xi32>], vector<16xf32>,
        %swap3A_452 = arith.constant 0 : index
        %swap3A_453 = tpu.vector_load %arg24[%swap3A_452] {strides = array<i32>} : memref<32xf32, #tpu.memory_space<vmem>>, vector<16xf32>,
        tpu.vector_store %arg24[%swap3A_452], %gather3A_447 {strides = array<i32>} : memref<32xf32, #tpu.memory_space<vmem>>, vector<16xf32>,
        %swap3A_454 = arith.constant 16 : index
        %swap3A_455 = tpu.vector_load %arg24[%swap3A_454] {strides = array<i32>} : memref<32xf32, #tpu.memory_space<vmem>>, vector<16xf32>,
        tpu.vector_store %arg24[%swap3A_454], %gather3A_451 {strides = array<i32>} : memref<32xf32, #tpu.memory_space<vmem>>, vector<16xf32>,
        %slice3A_456 = vector.extract_strided_slice %select_n3A_281 {offsets = [9], sizes = [1], strides = [1]} : vector<16xi32> to vector<1xi32>
        %squeeze3A_457 = vector.extract %slice3A_456[0] : i32 from vector<1xi32>
        %mul3A_458 = arith.constant 32 : i32
        %mul3A_459 = arith.muli %squeeze3A_457, %mul3A_458 : i32
        %dma_start3A_460 = tpu.memref_slice %arg4[%mul3A_459] : memref<524288xf32, #tpu.memory_space<hbm>> -> memref<32xf32, #tpu.memory_space<hbm>>
        %dma_start3A_461 = tpu.memref_slice %arg4[%mul3A_459] : memref<524288xf32, #tpu.memory_space<hbm>> -> memref<32xf32, #tpu.memory_space<hbm>>
        tpu.enqueue_dma source(%arg24 : memref<32xf32, #tpu.memory_space<vmem>>) target(%dma_start3A_461 : memref<32xf32, #tpu.memory_space<hbm>>) target_semaphore(%arg14 : memref<!tpu.dma_semaphore, #tpu.memory_space<semaphore_mem>>)
        %slice3A_462 = vector.extract_strided_slice %sub3A_283 {offsets = [10], sizes = [1], strides = [1]} : vector<16xi32> to vector<1xi32>
        %squeeze3A_463 = vector.extract %slice3A_462[0] : i32 from vector<1xi32>
        %broadcast_in_dim3A_464 = vector.broadcast %squeeze3A_463 : i32 to vector<16xi32>
        %gather3A_465 = tpu.vector_load_idx %arg7[%iota3A, %broadcast_in_dim3A_464] : memref<32x1024xf32, #tpu.memory_space<vmem>>[vector<16xi32>, vector<16xi32>], vector<16xf32>,
        %add3A_466 = arith.constant 16 : i32
        %add3A_467 = vector.broadcast %add3A_466 : i32 to vector<16xi32>
        %add3A_468 = arith.addi %iota3A, %add3A_467 : vector<16xi32>
        %gather3A_469 = tpu.vector_load_idx %arg7[%add3A_468, %broadcast_in_dim3A_464] : memref<32x1024xf32, #tpu.memory_space<vmem>>[vector<16xi32>, vector<16xi32>], vector<16xf32>,
        %swap3A_470 = arith.constant 0 : index
        %swap3A_471 = tpu.vector_load %arg25[%swap3A_470] {strides = array<i32>} : memref<32xf32, #tpu.memory_space<vmem>>, vector<16xf32>,
        tpu.vector_store %arg25[%swap3A_470], %gather3A_465 {strides = array<i32>} : memref<32xf32, #tpu.memory_space<vmem>>, vector<16xf32>,
        %swap3A_472 = arith.constant 16 : index
        %swap3A_473 = tpu.vector_load %arg25[%swap3A_472] {strides = array<i32>} : memref<32xf32, #tpu.memory_space<vmem>>, vector<16xf32>,
        tpu.vector_store %arg25[%swap3A_472], %gather3A_469 {strides = array<i32>} : memref<32xf32, #tpu.memory_space<vmem>>, vector<16xf32>,
        %slice3A_474 = vector.extract_strided_slice %select_n3A_281 {offsets = [10], sizes = [1], strides = [1]} : vector<16xi32> to vector<1xi32>
        %squeeze3A_475 = vector.extract %slice3A_474[0] : i32 from vector<1xi32>
        %mul3A_476 = arith.constant 32 : i32
        %mul3A_477 = arith.muli %squeeze3A_475, %mul3A_476 : i32
        %dma_start3A_478 = tpu.memref_slice %arg4[%mul3A_477] : memref<524288xf32, #tpu.memory_space<hbm>> -> memref<32xf32, #tpu.memory_space<hbm>>
        %dma_start3A_479 = tpu.memref_slice %arg4[%mul3A_477] : memref<524288xf32, #tpu.memory_space<hbm>> -> memref<32xf32, #tpu.memory_space<hbm>>
        tpu.enqueue_dma source(%arg25 : memref<32xf32, #tpu.memory_space<vmem>>) target(%dma_start3A_479 : memref<32xf32, #tpu.memory_space<hbm>>) target_semaphore(%arg14 : memref<!tpu.dma_semaphore, #tpu.memory_space<semaphore_mem>>)
        %slice3A_480 = vector.extract_strided_slice %sub3A_283 {offsets = [11], sizes = [1], strides = [1]} : vector<16xi32> to vector<1xi32>
        %squeeze3A_481 = vector.extract %slice3A_480[0] : i32 from vector<1xi32>
        %broadcast_in_dim3A_482 = vector.broadcast %squeeze3A_481 : i32 to vector<16xi32>
        %gather3A_483 = tpu.vector_load_idx %arg7[%iota3A, %broadcast_in_dim3A_482] : memref<32x1024xf32, #tpu.memory_space<vmem>>[vector<16xi32>, vector<16xi32>], vector<16xf32>,
        %add3A_484 = arith.constant 16 : i32
        %add3A_485 = vector.broadcast %add3A_484 : i32 to vector<16xi32>
        %add3A_486 = arith.addi %iota3A, %add3A_485 : vector<16xi32>
        %gather3A_487 = tpu.vector_load_idx %arg7[%add3A_486, %broadcast_in_dim3A_482] : memref<32x1024xf32, #tpu.memory_space<vmem>>[vector<16xi32>, vector<16xi32>], vector<16xf32>,
        %swap3A_488 = arith.constant 0 : index
        %swap3A_489 = tpu.vector_load %arg26[%swap3A_488] {strides = array<i32>} : memref<32xf32, #tpu.memory_space<vmem>>, vector<16xf32>,
        tpu.vector_store %arg26[%swap3A_488], %gather3A_483 {strides = array<i32>} : memref<32xf32, #tpu.memory_space<vmem>>, vector<16xf32>,
        %swap3A_490 = arith.constant 16 : index
        %swap3A_491 = tpu.vector_load %arg26[%swap3A_490] {strides = array<i32>} : memref<32xf32, #tpu.memory_space<vmem>>, vector<16xf32>,
        tpu.vector_store %arg26[%swap3A_490], %gather3A_487 {strides = array<i32>} : memref<32xf32, #tpu.memory_space<vmem>>, vector<16xf32>,
        %slice3A_492 = vector.extract_strided_slice %select_n3A_281 {offsets = [11], sizes = [1], strides = [1]} : vector<16xi32> to vector<1xi32>
        %squeeze3A_493 = vector.extract %slice3A_492[0] : i32 from vector<1xi32>
        %mul3A_494 = arith.constant 32 : i32
        %mul3A_495 = arith.muli %squeeze3A_493, %mul3A_494 : i32
        %dma_start3A_496 = tpu.memref_slice %arg4[%mul3A_495] : memref<524288xf32, #tpu.memory_space<hbm>> -> memref<32xf32, #tpu.memory_space<hbm>>
        %dma_start3A_497 = tpu.memref_slice %arg4[%mul3A_495] : memref<524288xf32, #tpu.memory_space<hbm>> -> memref<32xf32, #tpu.memory_space<hbm>>
        tpu.enqueue_dma source(%arg26 : memref<32xf32, #tpu.memory_space<vmem>>) target(%dma_start3A_497 : memref<32xf32, #tpu.memory_space<hbm>>) target_semaphore(%arg14 : memref<!tpu.dma_semaphore, #tpu.memory_space<semaphore_mem>>)
        %slice3A_498 = vector.extract_strided_slice %sub3A_283 {offsets = [12], sizes = [1], strides = [1]} : vector<16xi32> to vector<1xi32>
        %squeeze3A_499 = vector.extract %slice3A_498[0] : i32 from vector<1xi32>
        %broadcast_in_dim3A_500 = vector.broadcast %squeeze3A_499 : i32 to vector<16xi32>
        %gather3A_501 = tpu.vector_load_idx %arg7[%iota3A, %broadcast_in_dim3A_500] : memref<32x1024xf32, #tpu.memory_space<vmem>>[vector<16xi32>, vector<16xi32>], vector<16xf32>,
        %add3A_502 = arith.constant 16 : i32
        %add3A_503 = vector.broadcast %add3A_502 : i32 to vector<16xi32>
        %add3A_504 = arith.addi %iota3A, %add3A_503 : vector<16xi32>
        %gather3A_505 = tpu.vector_load_idx %arg7[%add3A_504, %broadcast_in_dim3A_500] : memref<32x1024xf32, #tpu.memory_space<vmem>>[vector<16xi32>, vector<16xi32>], vector<16xf32>,
        %swap3A_506 = arith.constant 0 : index
        %swap3A_507 = tpu.vector_load %arg27[%swap3A_506] {strides = array<i32>} : memref<32xf32, #tpu.memory_space<vmem>>, vector<16xf32>,
        tpu.vector_store %arg27[%swap3A_506], %gather3A_501 {strides = array<i32>} : memref<32xf32, #tpu.memory_space<vmem>>, vector<16xf32>,
        %swap3A_508 = arith.constant 16 : index
        %swap3A_509 = tpu.vector_load %arg27[%swap3A_508] {strides = array<i32>} : memref<32xf32, #tpu.memory_space<vmem>>, vector<16xf32>,
        tpu.vector_store %arg27[%swap3A_508], %gather3A_505 {strides = array<i32>} : memref<32xf32, #tpu.memory_space<vmem>>, vector<16xf32>,
        %slice3A_510 = vector.extract_strided_slice %select_n3A_281 {offsets = [12], sizes = [1], strides = [1]} : vector<16xi32> to vector<1xi32>
        %squeeze3A_511 = vector.extract %slice3A_510[0] : i32 from vector<1xi32>
        %mul3A_512 = arith.constant 32 : i32
        %mul3A_513 = arith.muli %squeeze3A_511, %mul3A_512 : i32
        %dma_start3A_514 = tpu.memref_slice %arg4[%mul3A_513] : memref<524288xf32, #tpu.memory_space<hbm>> -> memref<32xf32, #tpu.memory_space<hbm>>
        %dma_start3A_515 = tpu.memref_slice %arg4[%mul3A_513] : memref<524288xf32, #tpu.memory_space<hbm>> -> memref<32xf32, #tpu.memory_space<hbm>>
        tpu.enqueue_dma source(%arg27 : memref<32xf32, #tpu.memory_space<vmem>>) target(%dma_start3A_515 : memref<32xf32, #tpu.memory_space<hbm>>) target_semaphore(%arg14 : memref<!tpu.dma_semaphore, #tpu.memory_space<semaphore_mem>>)
        %slice3A_516 = vector.extract_strided_slice %sub3A_283 {offsets = [13], sizes = [1], strides = [1]} : vector<16xi32> to vector<1xi32>
        %squeeze3A_517 = vector.extract %slice3A_516[0] : i32 from vector<1xi32>
        %broadcast_in_dim3A_518 = vector.broadcast %squeeze3A_517 : i32 to vector<16xi32>
        %gather3A_519 = tpu.vector_load_idx %arg7[%iota3A, %broadcast_in_dim3A_518] : memref<32x1024xf32, #tpu.memory_space<vmem>>[vector<16xi32>, vector<16xi32>], vector<16xf32>,
        %add3A_520 = arith.constant 16 : i32
        %add3A_521 = vector.broadcast %add3A_520 : i32 to vector<16xi32>
        %add3A_522 = arith.addi %iota3A, %add3A_521 : vector<16xi32>
        %gather3A_523 = tpu.vector_load_idx %arg7[%add3A_522, %broadcast_in_dim3A_518] : memref<32x1024xf32, #tpu.memory_space<vmem>>[vector<16xi32>, vector<16xi32>], vector<16xf32>,
        %swap3A_524 = arith.constant 0 : index
        %swap3A_525 = tpu.vector_load %arg28[%swap3A_524] {strides = array<i32>} : memref<32xf32, #tpu.memory_space<vmem>>, vector<16xf32>,
        tpu.vector_store %arg28[%swap3A_524], %gather3A_519 {strides = array<i32>} : memref<32xf32, #tpu.memory_space<vmem>>, vector<16xf32>,
        %swap3A_526 = arith.constant 16 : index
        %swap3A_527 = tpu.vector_load %arg28[%swap3A_526] {strides = array<i32>} : memref<32xf32, #tpu.memory_space<vmem>>, vector<16xf32>,
        tpu.vector_store %arg28[%swap3A_526], %gather3A_523 {strides = array<i32>} : memref<32xf32, #tpu.memory_space<vmem>>, vector<16xf32>,
        %slice3A_528 = vector.extract_strided_slice %select_n3A_281 {offsets = [13], sizes = [1], strides = [1]} : vector<16xi32> to vector<1xi32>
        %squeeze3A_529 = vector.extract %slice3A_528[0] : i32 from vector<1xi32>
        %mul3A_530 = arith.constant 32 : i32
        %mul3A_531 = arith.muli %squeeze3A_529, %mul3A_530 : i32
        %dma_start3A_532 = tpu.memref_slice %arg4[%mul3A_531] : memref<524288xf32, #tpu.memory_space<hbm>> -> memref<32xf32, #tpu.memory_space<hbm>>
        %dma_start3A_533 = tpu.memref_slice %arg4[%mul3A_531] : memref<524288xf32, #tpu.memory_space<hbm>> -> memref<32xf32, #tpu.memory_space<hbm>>
        tpu.enqueue_dma source(%arg28 : memref<32xf32, #tpu.memory_space<vmem>>) target(%dma_start3A_533 : memref<32xf32, #tpu.memory_space<hbm>>) target_semaphore(%arg14 : memref<!tpu.dma_semaphore, #tpu.memory_space<semaphore_mem>>)
        %slice3A_534 = vector.extract_strided_slice %sub3A_283 {offsets = [14], sizes = [1], strides = [1]} : vector<16xi32> to vector<1xi32>
        %squeeze3A_535 = vector.extract %slice3A_534[0] : i32 from vector<1xi32>
        %broadcast_in_dim3A_536 = vector.broadcast %squeeze3A_535 : i32 to vector<16xi32>
        %gather3A_537 = tpu.vector_load_idx %arg7[%iota3A, %broadcast_in_dim3A_536] : memref<32x1024xf32, #tpu.memory_space<vmem>>[vector<16xi32>, vector<16xi32>], vector<16xf32>,
        %add3A_538 = arith.constant 16 : i32
        %add3A_539 = vector.broadcast %add3A_538 : i32 to vector<16xi32>
        %add3A_540 = arith.addi %iota3A, %add3A_539 : vector<16xi32>
        %gather3A_541 = tpu.vector_load_idx %arg7[%add3A_540, %broadcast_in_dim3A_536] : memref<32x1024xf32, #tpu.memory_space<vmem>>[vector<16xi32>, vector<16xi32>], vector<16xf32>,
        %swap3A_542 = arith.constant 0 : index
        %swap3A_543 = tpu.vector_load %arg29[%swap3A_542] {strides = array<i32>} : memref<32xf32, #tpu.memory_space<vmem>>, vector<16xf32>,
        tpu.vector_store %arg29[%swap3A_542], %gather3A_537 {strides = array<i32>} : memref<32xf32, #tpu.memory_space<vmem>>, vector<16xf32>,
        %swap3A_544 = arith.constant 16 : index
        %swap3A_545 = tpu.vector_load %arg29[%swap3A_544] {strides = array<i32>} : memref<32xf32, #tpu.memory_space<vmem>>, vector<16xf32>,
        tpu.vector_store %arg29[%swap3A_544], %gather3A_541 {strides = array<i32>} : memref<32xf32, #tpu.memory_space<vmem>>, vector<16xf32>,
        %slice3A_546 = vector.extract_strided_slice %select_n3A_281 {offsets = [14], sizes = [1], strides = [1]} : vector<16xi32> to vector<1xi32>
        %squeeze3A_547 = vector.extract %slice3A_546[0] : i32 from vector<1xi32>
        %mul3A_548 = arith.constant 32 : i32
        %mul3A_549 = arith.muli %squeeze3A_547, %mul3A_548 : i32
        %dma_start3A_550 = tpu.memref_slice %arg4[%mul3A_549] : memref<524288xf32, #tpu.memory_space<hbm>> -> memref<32xf32, #tpu.memory_space<hbm>>
        %dma_start3A_551 = tpu.memref_slice %arg4[%mul3A_549] : memref<524288xf32, #tpu.memory_space<hbm>> -> memref<32xf32, #tpu.memory_space<hbm>>
        tpu.enqueue_dma source(%arg29 : memref<32xf32, #tpu.memory_space<vmem>>) target(%dma_start3A_551 : memref<32xf32, #tpu.memory_space<hbm>>) target_semaphore(%arg14 : memref<!tpu.dma_semaphore, #tpu.memory_space<semaphore_mem>>)
        %slice3A_552 = vector.extract_strided_slice %sub3A_283 {offsets = [15], sizes = [1], strides = [1]} : vector<16xi32> to vector<1xi32>
        %squeeze3A_553 = vector.extract %slice3A_552[0] : i32 from vector<1xi32>
        %broadcast_in_dim3A_554 = vector.broadcast %squeeze3A_553 : i32 to vector<16xi32>
        %gather3A_555 = tpu.vector_load_idx %arg7[%iota3A, %broadcast_in_dim3A_554] : memref<32x1024xf32, #tpu.memory_space<vmem>>[vector<16xi32>, vector<16xi32>], vector<16xf32>,
        %add3A_556 = arith.constant 16 : i32
        %add3A_557 = vector.broadcast %add3A_556 : i32 to vector<16xi32>
        %add3A_558 = arith.addi %iota3A, %add3A_557 : vector<16xi32>
        %gather3A_559 = tpu.vector_load_idx %arg7[%add3A_558, %broadcast_in_dim3A_554] : memref<32x1024xf32, #tpu.memory_space<vmem>>[vector<16xi32>, vector<16xi32>], vector<16xf32>,
        %swap3A_560 = arith.constant 0 : index
        %swap3A_561 = tpu.vector_load %arg30[%swap3A_560] {strides = array<i32>} : memref<32xf32, #tpu.memory_space<vmem>>, vector<16xf32>,
        tpu.vector_store %arg30[%swap3A_560], %gather3A_555 {strides = array<i32>} : memref<32xf32, #tpu.memory_space<vmem>>, vector<16xf32>,
        %swap3A_562 = arith.constant 16 : index
        %swap3A_563 = tpu.vector_load %arg30[%swap3A_562] {strides = array<i32>} : memref<32xf32, #tpu.memory_space<vmem>>, vector<16xf32>,
        tpu.vector_store %arg30[%swap3A_562], %gather3A_559 {strides = array<i32>} : memref<32xf32, #tpu.memory_space<vmem>>, vector<16xf32>,
        %slice3A_564 = vector.extract_strided_slice %select_n3A_281 {offsets = [15], sizes = [1], strides = [1]} : vector<16xi32> to vector<1xi32>
        %squeeze3A_565 = vector.extract %slice3A_564[0] : i32 from vector<1xi32>
        %mul3A_566 = arith.constant 32 : i32
        %mul3A_567 = arith.muli %squeeze3A_565, %mul3A_566 : i32
        %dma_start3A_568 = tpu.memref_slice %arg4[%mul3A_567] : memref<524288xf32, #tpu.memory_space<hbm>> -> memref<32xf32, #tpu.memory_space<hbm>>
        %dma_start3A_569 = tpu.memref_slice %arg4[%mul3A_567] : memref<524288xf32, #tpu.memory_space<hbm>> -> memref<32xf32, #tpu.memory_space<hbm>>
        tpu.enqueue_dma source(%arg30 : memref<32xf32, #tpu.memory_space<vmem>>) target(%dma_start3A_569 : memref<32xf32, #tpu.memory_space<hbm>>) target_semaphore(%arg14 : memref<!tpu.dma_semaphore, #tpu.memory_space<semaphore_mem>>)
        %dma_wait3A_570 = tpu.memref_slice %arg4[%mul3A_297] : memref<524288xf32, #tpu.memory_space<hbm>> -> memref<32xf32, #tpu.memory_space<hbm>>
        %dma_wait3A_571 = tpu.memref_slice %arg4[%mul3A_297] : memref<524288xf32, #tpu.memory_space<hbm>> -> memref<32xf32, #tpu.memory_space<hbm>>
        tpu.wait_dma2 semaphore(%arg14 : memref<!tpu.dma_semaphore, #tpu.memory_space<semaphore_mem>>) src(%arg15 : memref<32xf32, #tpu.memory_space<vmem>>) dst(%dma_wait3A_571 : memref<32xf32, #tpu.memory_space<hbm>>)
        %dma_wait3A_572 = tpu.memref_slice %arg4[%mul3A_315] : memref<524288xf32, #tpu.memory_space<hbm>> -> memref<32xf32, #tpu.memory_space<hbm>>
        %dma_wait3A_573 = tpu.memref_slice %arg4[%mul3A_315] : memref<524288xf32, #tpu.memory_space<hbm>> -> memref<32xf32, #tpu.memory_space<hbm>>
        tpu.wait_dma2 semaphore(%arg14 : memref<!tpu.dma_semaphore, #tpu.memory_space<semaphore_mem>>) src(%arg16 : memref<32xf32, #tpu.memory_space<vmem>>) dst(%dma_wait3A_573 : memref<32xf32, #tpu.memory_space<hbm>>)
        %dma_wait3A_574 = tpu.memref_slice %arg4[%mul3A_333] : memref<524288xf32, #tpu.memory_space<hbm>> -> memref<32xf32, #tpu.memory_space<hbm>>
        %dma_wait3A_575 = tpu.memref_slice %arg4[%mul3A_333] : memref<524288xf32, #tpu.memory_space<hbm>> -> memref<32xf32, #tpu.memory_space<hbm>>
        tpu.wait_dma2 semaphore(%arg14 : memref<!tpu.dma_semaphore, #tpu.memory_space<semaphore_mem>>) src(%arg17 : memref<32xf32, #tpu.memory_space<vmem>>) dst(%dma_wait3A_575 : memref<32xf32, #tpu.memory_space<hbm>>)
        %dma_wait3A_576 = tpu.memref_slice %arg4[%mul3A_351] : memref<524288xf32, #tpu.memory_space<hbm>> -> memref<32xf32, #tpu.memory_space<hbm>>
        %dma_wait3A_577 = tpu.memref_slice %arg4[%mul3A_351] : memref<524288xf32, #tpu.memory_space<hbm>> -> memref<32xf32, #tpu.memory_space<hbm>>
        tpu.wait_dma2 semaphore(%arg14 : memref<!tpu.dma_semaphore, #tpu.memory_space<semaphore_mem>>) src(%arg18 : memref<32xf32, #tpu.memory_space<vmem>>) dst(%dma_wait3A_577 : memref<32xf32, #tpu.memory_space<hbm>>)
        %dma_wait3A_578 = tpu.memref_slice %arg4[%mul3A_369] : memref<524288xf32, #tpu.memory_space<hbm>> -> memref<32xf32, #tpu.memory_space<hbm>>
        %dma_wait3A_579 = tpu.memref_slice %arg4[%mul3A_369] : memref<524288xf32, #tpu.memory_space<hbm>> -> memref<32xf32, #tpu.memory_space<hbm>>
        tpu.wait_dma2 semaphore(%arg14 : memref<!tpu.dma_semaphore, #tpu.memory_space<semaphore_mem>>) src(%arg19 : memref<32xf32, #tpu.memory_space<vmem>>) dst(%dma_wait3A_579 : memref<32xf32, #tpu.memory_space<hbm>>)
        %dma_wait3A_580 = tpu.memref_slice %arg4[%mul3A_387] : memref<524288xf32, #tpu.memory_space<hbm>> -> memref<32xf32, #tpu.memory_space<hbm>>
        %dma_wait3A_581 = tpu.memref_slice %arg4[%mul3A_387] : memref<524288xf32, #tpu.memory_space<hbm>> -> memref<32xf32, #tpu.memory_space<hbm>>
        tpu.wait_dma2 semaphore(%arg14 : memref<!tpu.dma_semaphore, #tpu.memory_space<semaphore_mem>>) src(%arg20 : memref<32xf32, #tpu.memory_space<vmem>>) dst(%dma_wait3A_581 : memref<32xf32, #tpu.memory_space<hbm>>)
        %dma_wait3A_582 = tpu.memref_slice %arg4[%mul3A_405] : memref<524288xf32, #tpu.memory_space<hbm>> -> memref<32xf32, #tpu.memory_space<hbm>>
        %dma_wait3A_583 = tpu.memref_slice %arg4[%mul3A_405] : memref<524288xf32, #tpu.memory_space<hbm>> -> memref<32xf32, #tpu.memory_space<hbm>>
        tpu.wait_dma2 semaphore(%arg14 : memref<!tpu.dma_semaphore, #tpu.memory_space<semaphore_mem>>) src(%arg21 : memref<32xf32, #tpu.memory_space<vmem>>) dst(%dma_wait3A_583 : memref<32xf32, #tpu.memory_space<hbm>>)
        %dma_wait3A_584 = tpu.memref_slice %arg4[%mul3A_423] : memref<524288xf32, #tpu.memory_space<hbm>> -> memref<32xf32, #tpu.memory_space<hbm>>
        %dma_wait3A_585 = tpu.memref_slice %arg4[%mul3A_423] : memref<524288xf32, #tpu.memory_space<hbm>> -> memref<32xf32, #tpu.memory_space<hbm>>
        tpu.wait_dma2 semaphore(%arg14 : memref<!tpu.dma_semaphore, #tpu.memory_space<semaphore_mem>>) src(%arg22 : memref<32xf32, #tpu.memory_space<vmem>>) dst(%dma_wait3A_585 : memref<32xf32, #tpu.memory_space<hbm>>)
        %dma_wait3A_586 = tpu.memref_slice %arg4[%mul3A_441] : memref<524288xf32, #tpu.memory_space<hbm>> -> memref<32xf32, #tpu.memory_space<hbm>>
        %dma_wait3A_587 = tpu.memref_slice %arg4[%mul3A_441] : memref<524288xf32, #tpu.memory_space<hbm>> -> memref<32xf32, #tpu.memory_space<hbm>>
        tpu.wait_dma2 semaphore(%arg14 : memref<!tpu.dma_semaphore, #tpu.memory_space<semaphore_mem>>) src(%arg23 : memref<32xf32, #tpu.memory_space<vmem>>) dst(%dma_wait3A_587 : memref<32xf32, #tpu.memory_space<hbm>>)
        %dma_wait3A_588 = tpu.memref_slice %arg4[%mul3A_459] : memref<524288xf32, #tpu.memory_space<hbm>> -> memref<32xf32, #tpu.memory_space<hbm>>
        %dma_wait3A_589 = tpu.memref_slice %arg4[%mul3A_459] : memref<524288xf32, #tpu.memory_space<hbm>> -> memref<32xf32, #tpu.memory_space<hbm>>
        tpu.wait_dma2 semaphore(%arg14 : memref<!tpu.dma_semaphore, #tpu.memory_space<semaphore_mem>>) src(%arg24 : memref<32xf32, #tpu.memory_space<vmem>>) dst(%dma_wait3A_589 : memref<32xf32, #tpu.memory_space<hbm>>)
        %dma_wait3A_590 = tpu.memref_slice %arg4[%mul3A_477] : memref<524288xf32, #tpu.memory_space<hbm>> -> memref<32xf32, #tpu.memory_space<hbm>>
        %dma_wait3A_591 = tpu.memref_slice %arg4[%mul3A_477] : memref<524288xf32, #tpu.memory_space<hbm>> -> memref<32xf32, #tpu.memory_space<hbm>>
        tpu.wait_dma2 semaphore(%arg14 : memref<!tpu.dma_semaphore, #tpu.memory_space<semaphore_mem>>) src(%arg25 : memref<32xf32, #tpu.memory_space<vmem>>) dst(%dma_wait3A_591 : memref<32xf32, #tpu.memory_space<hbm>>)
        %dma_wait3A_592 = tpu.memref_slice %arg4[%mul3A_495] : memref<524288xf32, #tpu.memory_space<hbm>> -> memref<32xf32, #tpu.memory_space<hbm>>
        %dma_wait3A_593 = tpu.memref_slice %arg4[%mul3A_495] : memref<524288xf32, #tpu.memory_space<hbm>> -> memref<32xf32, #tpu.memory_space<hbm>>
        tpu.wait_dma2 semaphore(%arg14 : memref<!tpu.dma_semaphore, #tpu.memory_space<semaphore_mem>>) src(%arg26 : memref<32xf32, #tpu.memory_space<vmem>>) dst(%dma_wait3A_593 : memref<32xf32, #tpu.memory_space<hbm>>)
        %dma_wait3A_594 = tpu.memref_slice %arg4[%mul3A_513] : memref<524288xf32, #tpu.memory_space<hbm>> -> memref<32xf32, #tpu.memory_space<hbm>>
        %dma_wait3A_595 = tpu.memref_slice %arg4[%mul3A_513] : memref<524288xf32, #tpu.memory_space<hbm>> -> memref<32xf32, #tpu.memory_space<hbm>>
        tpu.wait_dma2 semaphore(%arg14 : memref<!tpu.dma_semaphore, #tpu.memory_space<semaphore_mem>>) src(%arg27 : memref<32xf32, #tpu.memory_space<vmem>>) dst(%dma_wait3A_595 : memref<32xf32, #tpu.memory_space<hbm>>)
        %dma_wait3A_596 = tpu.memref_slice %arg4[%mul3A_531] : memref<524288xf32, #tpu.memory_space<hbm>> -> memref<32xf32, #tpu.memory_space<hbm>>
        %dma_wait3A_597 = tpu.memref_slice %arg4[%mul3A_531] : memref<524288xf32, #tpu.memory_space<hbm>> -> memref<32xf32, #tpu.memory_space<hbm>>
        tpu.wait_dma2 semaphore(%arg14 : memref<!tpu.dma_semaphore, #tpu.memory_space<semaphore_mem>>) src(%arg28 : memref<32xf32, #tpu.memory_space<vmem>>) dst(%dma_wait3A_597 : memref<32xf32, #tpu.memory_space<hbm>>)
        %dma_wait3A_598 = tpu.memref_slice %arg4[%mul3A_549] : memref<524288xf32, #tpu.memory_space<hbm>> -> memref<32xf32, #tpu.memory_space<hbm>>
        %dma_wait3A_599 = tpu.memref_slice %arg4[%mul3A_549] : memref<524288xf32, #tpu.memory_space<hbm>> -> memref<32xf32, #tpu.memory_space<hbm>>
        tpu.wait_dma2 semaphore(%arg14 : memref<!tpu.dma_semaphore, #tpu.memory_space<semaphore_mem>>) src(%arg29 : memref<32xf32, #tpu.memory_space<vmem>>) dst(%dma_wait3A_599 : memref<32xf32, #tpu.memory_space<hbm>>)
        %dma_wait3A_600 = tpu.memref_slice %arg4[%mul3A_567] : memref<524288xf32, #tpu.memory_space<hbm>> -> memref<32xf32, #tpu.memory_space<hbm>>
        %dma_wait3A_601 = tpu.memref_slice %arg4[%mul3A_567] : memref<524288xf32, #tpu.memory_space<hbm>> -> memref<32xf32, #tpu.memory_space<hbm>>
        tpu.wait_dma2 semaphore(%arg14 : memref<!tpu.dma_semaphore, #tpu.memory_space<semaphore_mem>>) src(%arg30 : memref<32xf32, #tpu.memory_space<vmem>>) dst(%dma_wait3A_601 : memref<32xf32, #tpu.memory_space<hbm>>)
      }
      %while3A_263 = arith.constant 1 : i32
      scf.for %while3A_264 = %while3A_261 to %while3A_257 step %while3A_263  : i32 {
        %mul3A_265 = arith.constant 16 : i32
        %mul3A_266 = arith.muli %while3A_264, %mul3A_265 : i32
        %get3A = arith.index_cast %mul3A_266 : i32 to index
        %get3A_267 = tpu.vector_load %arg10[%get3A] {strides = array<i32>} : memref<2064xi32, #tpu.memory_space<vmem>>, vector<16xi32>,
        %mul3A_268 = arith.constant 16 : i32
        %mul3A_269 = arith.muli %while3A_264, %mul3A_268 : i32
        %get3A_270 = arith.index_cast %mul3A_269 : i32 to index
        %get3A_271 = tpu.vector_load %arg11[%get3A_270] {strides = array<i32>} : memref<2064xi32, #tpu.memory_space<vmem>>, vector<16xi32>,
        %mul3A_272 = arith.constant 16 : i32
        %mul3A_273 = arith.muli %while3A_264, %mul3A_272 : i32
        %add3A_274 = vector.broadcast %mul3A_273 : i32 to vector<16xi32>
        %add3A_275 = arith.addi %iota3A, %add3A_274 : vector<16xi32>
        %lt3A = vector.broadcast %while3A_227 : i32 to vector<16xi32>
        %lt3A_276 = arith.cmpi slt, %add3A_275, %lt3A : vector<16xi32>
        %slice3A = vector.extract_strided_slice %get3A_267 {offsets = [0], sizes = [1], strides = [1]} : vector<16xi32> to vector<1xi32>
        %squeeze3A = vector.extract %slice3A[0] : i32 from vector<1xi32>
        %broadcast_in_dim3A = vector.broadcast %squeeze3A : i32 to vector<16xi32>
        %select_n3A_277 = arith.select %lt3A_276, %get3A_267, %broadcast_in_dim3A : vector<16xi1>, vector<16xi32>
        %slice3A_278 = vector.extract_strided_slice %get3A_271 {offsets = [0], sizes = [1], strides = [1]} : vector<16xi32> to vector<1xi32>
        %squeeze3A_279 = vector.extract %slice3A_278[0] : i32 from vector<1xi32>
        %broadcast_in_dim3A_280 = vector.broadcast %squeeze3A_279 : i32 to vector<16xi32>
        %select_n3A_281 = arith.select %lt3A_276, %get3A_271, %broadcast_in_dim3A_280 : vector<16xi1>, vector<16xi32>
        %sub3A_282 = vector.broadcast %multiple_of3A_183 : i32 to vector<16xi32>
        %sub3A_283 = arith.subi %select_n3A_277, %sub3A_282 : vector<16xi32>
        %slice3A_284 = vector.extract_strided_slice %sub3A_283 {offsets = [0], sizes = [1], strides = [1]} : vector<16xi32> to vector<1xi32>
        %squeeze3A_285 = vector.extract %slice3A_284[0] : i32 from vector<1xi32>
        %broadcast_in_dim3A_286 = vector.broadcast %squeeze3A_285 : i32 to vector<16xi32>
        %gather3A = tpu.vector_load_idx %arg7[%iota3A, %broadcast_in_dim3A_286] : memref<32x1024xf32, #tpu.memory_space<vmem>>[vector<16xi32>, vector<16xi32>], vector<16xf32>,
        %add3A_287 = arith.constant 16 : i32
        %add3A_288 = vector.broadcast %add3A_287 : i32 to vector<16xi32>
        %add3A_289 = arith.addi %iota3A, %add3A_288 : vector<16xi32>
        %gather3A_290 = tpu.vector_load_idx %arg7[%add3A_289, %broadcast_in_dim3A_286] : memref<32x1024xf32, #tpu.memory_space<vmem>>[vector<16xi32>, vector<16xi32>], vector<16xf32>,
        %swap3A = arith.constant 0 : index
        %swap3A_291 = tpu.vector_load %arg15[%swap3A] {strides = array<i32>} : memref<32xf32, #tpu.memory_space<vmem>>, vector<16xf32>,
        tpu.vector_store %arg15[%swap3A], %gather3A {strides = array<i32>} : memref<32xf32, #tpu.memory_space<vmem>>, vector<16xf32>,
        %swap3A_292 = arith.constant 16 : index
        %swap3A_293 = tpu.vector_load %arg15[%swap3A_292] {strides = array<i32>} : memref<32xf32, #tpu.memory_space<vmem>>, vector<16xf32>,
        tpu.vector_store %arg15[%swap3A_292], %gather3A_290 {strides = array<i32>} : memref<32xf32, #tpu.memory_space<vmem>>, vector<16xf32>,
        %slice3A_294 = vector.extract_strided_slice %select_n3A_281 {offsets = [0], sizes = [1], strides = [1]} : vector<16xi32> to vector<1xi32>
        %squeeze3A_295 = vector.extract %slice3A_294[0] : i32 from vector<1xi32>
        %mul3A_296 = arith.constant 32 : i32
        %mul3A_297 = arith.muli %squeeze3A_295, %mul3A_296 : i32
        %dma_start3A_298 = tpu.memref_slice %arg4[%mul3A_297] : memref<524288xf32, #tpu.memory_space<hbm>> -> memref<32xf32, #tpu.memory_space<hbm>>
        %dma_start3A_299 = tpu.memref_slice %arg4[%mul3A_297] : memref<524288xf32, #tpu.memory_space<hbm>> -> memref<32xf32, #tpu.memory_space<hbm>>
        tpu.enqueue_dma source(%arg15 : memref<32xf32, #tpu.memory_space<vmem>>) target(%dma_start3A_299 : memref<32xf32, #tpu.memory_space<hbm>>) target_semaphore(%arg14 : memref<!tpu.dma_semaphore, #tpu.memory_space<semaphore_mem>>)
        %slice3A_300 = vector.extract_strided_slice %sub3A_283 {offsets = [1], sizes = [1], strides = [1]} : vector<16xi32> to vector<1xi32>
        %squeeze3A_301 = vector.extract %slice3A_300[0] : i32 from vector<1xi32>
        %broadcast_in_dim3A_302 = vector.broadcast %squeeze3A_301 : i32 to vector<16xi32>
        %gather3A_303 = tpu.vector_load_idx %arg7[%iota3A, %broadcast_in_dim3A_302] : memref<32x1024xf32, #tpu.memory_space<vmem>>[vector<16xi32>, vector<16xi32>], vector<16xf32>,
        %add3A_304 = arith.constant 16 : i32
        %add3A_305 = vector.broadcast %add3A_304 : i32 to vector<16xi32>
        %add3A_306 = arith.addi %iota3A, %add3A_305 : vector<16xi32>
        %gather3A_307 = tpu.vector_load_idx %arg7[%add3A_306, %broadcast_in_dim3A_302] : memref<32x1024xf32, #tpu.memory_space<vmem>>[vector<16xi32>, vector<16xi32>], vector<16xf32>,
        %swap3A_308 = arith.constant 0 : index
        %swap3A_309 = tpu.vector_load %arg16[%swap3A_308] {strides = array<i32>} : memref<32xf32, #tpu.memory_space<vmem>>, vector<16xf32>,
        tpu.vector_store %arg16[%swap3A_308], %gather3A_303 {strides = array<i32>} : memref<32xf32, #tpu.memory_space<vmem>>, vector<16xf32>,
        %swap3A_310 = arith.constant 16 : index
        %swap3A_311 = tpu.vector_load %arg16[%swap3A_310] {strides = array<i32>} : memref<32xf32, #tpu.memory_space<vmem>>, vector<16xf32>,
        tpu.vector_store %arg16[%swap3A_310], %gather3A_307 {strides = array<i32>} : memref<32xf32, #tpu.memory_space<vmem>>, vector<16xf32>,
        %slice3A_312 = vector.extract_strided_slice %select_n3A_281 {offsets = [1], sizes = [1], strides = [1]} : vector<16xi32> to vector<1xi32>
        %squeeze3A_313 = vector.extract %slice3A_312[0] : i32 from vector<1xi32>
        %mul3A_314 = arith.constant 32 : i32
        %mul3A_315 = arith.muli %squeeze3A_313, %mul3A_314 : i32
        %dma_start3A_316 = tpu.memref_slice %arg4[%mul3A_315] : memref<524288xf32, #tpu.memory_space<hbm>> -> memref<32xf32, #tpu.memory_space<hbm>>
        %dma_start3A_317 = tpu.memref_slice %arg4[%mul3A_315] : memref<524288xf32, #tpu.memory_space<hbm>> -> memref<32xf32, #tpu.memory_space<hbm>>
        tpu.enqueue_dma source(%arg16 : memref<32xf32, #tpu.memory_space<vmem>>) target(%dma_start3A_317 : memref<32xf32, #tpu.memory_space<hbm>>) target_semaphore(%arg14 : memref<!tpu.dma_semaphore, #tpu.memory_space<semaphore_mem>>)
        %slice3A_318 = vector.extract_strided_slice %sub3A_283 {offsets = [2], sizes = [1], strides = [1]} : vector<16xi32> to vector<1xi32>
        %squeeze3A_319 = vector.extract %slice3A_318[0] : i32 from vector<1xi32>
        %broadcast_in_dim3A_320 = vector.broadcast %squeeze3A_319 : i32 to vector<16xi32>
        %gather3A_321 = tpu.vector_load_idx %arg7[%iota3A, %broadcast_in_dim3A_320] : memref<32x1024xf32, #tpu.memory_space<vmem>>[vector<16xi32>, vector<16xi32>], vector<16xf32>,
        %add3A_322 = arith.constant 16 : i32
        %add3A_323 = vector.broadcast %add3A_322 : i32 to vector<16xi32>
        %add3A_324 = arith.addi %iota3A, %add3A_323 : vector<16xi32>
        %gather3A_325 = tpu.vector_load_idx %arg7[%add3A_324, %broadcast_in_dim3A_320] : memref<32x1024xf32, #tpu.memory_space<vmem>>[vector<16xi32>, vector<16xi32>], vector<16xf32>,
        %swap3A_326 = arith.constant 0 : index
        %swap3A_327 = tpu.vector_load %arg17[%swap3A_326] {strides = array<i32>} : memref<32xf32, #tpu.memory_space<vmem>>, vector<16xf32>,
        tpu.vector_store %arg17[%swap3A_326], %gather3A_321 {strides = array<i32>} : memref<32xf32, #tpu.memory_space<vmem>>, vector<16xf32>,
        %swap3A_328 = arith.constant 16 : index
        %swap3A_329 = tpu.vector_load %arg17[%swap3A_328] {strides = array<i32>} : memref<32xf32, #tpu.memory_space<vmem>>, vector<16xf32>,
        tpu.vector_store %arg17[%swap3A_328], %gather3A_325 {strides = array<i32>} : memref<32xf32, #tpu.memory_space<vmem>>, vector<16xf32>,
        %slice3A_330 = vector.extract_strided_slice %select_n3A_281 {offsets = [2], sizes = [1], strides = [1]} : vector<16xi32> to vector<1xi32>
        %squeeze3A_331 = vector.extract %slice3A_330[0] : i32 from vector<1xi32>
        %mul3A_332 = arith.constant 32 : i32
        %mul3A_333 = arith.muli %squeeze3A_331, %mul3A_332 : i32
        %dma_start3A_334 = tpu.memref_slice %arg4[%mul3A_333] : memref<524288xf32, #tpu.memory_space<hbm>> -> memref<32xf32, #tpu.memory_space<hbm>>
        %dma_start3A_335 = tpu.memref_slice %arg4[%mul3A_333] : memref<524288xf32, #tpu.memory_space<hbm>> -> memref<32xf32, #tpu.memory_space<hbm>>
        tpu.enqueue_dma source(%arg17 : memref<32xf32, #tpu.memory_space<vmem>>) target(%dma_start3A_335 : memref<32xf32, #tpu.memory_space<hbm>>) target_semaphore(%arg14 : memref<!tpu.dma_semaphore, #tpu.memory_space<semaphore_mem>>)
        %slice3A_336 = vector.extract_strided_slice %sub3A_283 {offsets = [3], sizes = [1], strides = [1]} : vector<16xi32> to vector<1xi32>
        %squeeze3A_337 = vector.extract %slice3A_336[0] : i32 from vector<1xi32>
        %broadcast_in_dim3A_338 = vector.broadcast %squeeze3A_337 : i32 to vector<16xi32>
        %gather3A_339 = tpu.vector_load_idx %arg7[%iota3A, %broadcast_in_dim3A_338] : memref<32x1024xf32, #tpu.memory_space<vmem>>[vector<16xi32>, vector<16xi32>], vector<16xf32>,
        %add3A_340 = arith.constant 16 : i32
        %add3A_341 = vector.broadcast %add3A_340 : i32 to vector<16xi32>
        %add3A_342 = arith.addi %iota3A, %add3A_341 : vector<16xi32>
        %gather3A_343 = tpu.vector_load_idx %arg7[%add3A_342, %broadcast_in_dim3A_338] : memref<32x1024xf32, #tpu.memory_space<vmem>>[vector<16xi32>, vector<16xi32>], vector<16xf32>,
        %swap3A_344 = arith.constant 0 : index
        %swap3A_345 = tpu.vector_load %arg18[%swap3A_344] {strides = array<i32>} : memref<32xf32, #tpu.memory_space<vmem>>, vector<16xf32>,
        tpu.vector_store %arg18[%swap3A_344], %gather3A_339 {strides = array<i32>} : memref<32xf32, #tpu.memory_space<vmem>>, vector<16xf32>,
        %swap3A_346 = arith.constant 16 : index
        %swap3A_347 = tpu.vector_load %arg18[%swap3A_346] {strides = array<i32>} : memref<32xf32, #tpu.memory_space<vmem>>, vector<16xf32>,
        tpu.vector_store %arg18[%swap3A_346], %gather3A_343 {strides = array<i32>} : memref<32xf32, #tpu.memory_space<vmem>>, vector<16xf32>,
        %slice3A_348 = vector.extract_strided_slice %select_n3A_281 {offsets = [3], sizes = [1], strides = [1]} : vector<16xi32> to vector<1xi32>
        %squeeze3A_349 = vector.extract %slice3A_348[0] : i32 from vector<1xi32>
        %mul3A_350 = arith.constant 32 : i32
        %mul3A_351 = arith.muli %squeeze3A_349, %mul3A_350 : i32
        %dma_start3A_352 = tpu.memref_slice %arg4[%mul3A_351] : memref<524288xf32, #tpu.memory_space<hbm>> -> memref<32xf32, #tpu.memory_space<hbm>>
        %dma_start3A_353 = tpu.memref_slice %arg4[%mul3A_351] : memref<524288xf32, #tpu.memory_space<hbm>> -> memref<32xf32, #tpu.memory_space<hbm>>
        tpu.enqueue_dma source(%arg18 : memref<32xf32, #tpu.memory_space<vmem>>) target(%dma_start3A_353 : memref<32xf32, #tpu.memory_space<hbm>>) target_semaphore(%arg14 : memref<!tpu.dma_semaphore, #tpu.memory_space<semaphore_mem>>)
        %slice3A_354 = vector.extract_strided_slice %sub3A_283 {offsets = [4], sizes = [1], strides = [1]} : vector<16xi32> to vector<1xi32>
        %squeeze3A_355 = vector.extract %slice3A_354[0] : i32 from vector<1xi32>
        %broadcast_in_dim3A_356 = vector.broadcast %squeeze3A_355 : i32 to vector<16xi32>
        %gather3A_357 = tpu.vector_load_idx %arg7[%iota3A, %broadcast_in_dim3A_356] : memref<32x1024xf32, #tpu.memory_space<vmem>>[vector<16xi32>, vector<16xi32>], vector<16xf32>,
        %add3A_358 = arith.constant 16 : i32
        %add3A_359 = vector.broadcast %add3A_358 : i32 to vector<16xi32>
        %add3A_360 = arith.addi %iota3A, %add3A_359 : vector<16xi32>
        %gather3A_361 = tpu.vector_load_idx %arg7[%add3A_360, %broadcast_in_dim3A_356] : memref<32x1024xf32, #tpu.memory_space<vmem>>[vector<16xi32>, vector<16xi32>], vector<16xf32>,
        %swap3A_362 = arith.constant 0 : index
        %swap3A_363 = tpu.vector_load %arg19[%swap3A_362] {strides = array<i32>} : memref<32xf32, #tpu.memory_space<vmem>>, vector<16xf32>,
        tpu.vector_store %arg19[%swap3A_362], %gather3A_357 {strides = array<i32>} : memref<32xf32, #tpu.memory_space<vmem>>, vector<16xf32>,
        %swap3A_364 = arith.constant 16 : index
        %swap3A_365 = tpu.vector_load %arg19[%swap3A_364] {strides = array<i32>} : memref<32xf32, #tpu.memory_space<vmem>>, vector<16xf32>,
        tpu.vector_store %arg19[%swap3A_364], %gather3A_361 {strides = array<i32>} : memref<32xf32, #tpu.memory_space<vmem>>, vector<16xf32>,
        %slice3A_366 = vector.extract_strided_slice %select_n3A_281 {offsets = [4], sizes = [1], strides = [1]} : vector<16xi32> to vector<1xi32>
        %squeeze3A_367 = vector.extract %slice3A_366[0] : i32 from vector<1xi32>
        %mul3A_368 = arith.constant 32 : i32
        %mul3A_369 = arith.muli %squeeze3A_367, %mul3A_368 : i32
        %dma_start3A_370 = tpu.memref_slice %arg4[%mul3A_369] : memref<524288xf32, #tpu.memory_space<hbm>> -> memref<32xf32, #tpu.memory_space<hbm>>
        %dma_start3A_371 = tpu.memref_slice %arg4[%mul3A_369] : memref<524288xf32, #tpu.memory_space<hbm>> -> memref<32xf32, #tpu.memory_space<hbm>>
        tpu.enqueue_dma source(%arg19 : memref<32xf32, #tpu.memory_space<vmem>>) target(%dma_start3A_371 : memref<32xf32, #tpu.memory_space<hbm>>) target_semaphore(%arg14 : memref<!tpu.dma_semaphore, #tpu.memory_space<semaphore_mem>>)
        %slice3A_372 = vector.extract_strided_slice %sub3A_283 {offsets = [5], sizes = [1], strides = [1]} : vector<16xi32> to vector<1xi32>
        %squeeze3A_373 = vector.extract %slice3A_372[0] : i32 from vector<1xi32>
        %broadcast_in_dim3A_374 = vector.broadcast %squeeze3A_373 : i32 to vector<16xi32>
        %gather3A_375 = tpu.vector_load_idx %arg7[%iota3A, %broadcast_in_dim3A_374] : memref<32x1024xf32, #tpu.memory_space<vmem>>[vector<16xi32>, vector<16xi32>], vector<16xf32>,
        %add3A_376 = arith.constant 16 : i32
        %add3A_377 = vector.broadcast %add3A_376 : i32 to vector<16xi32>
        %add3A_378 = arith.addi %iota3A, %add3A_377 : vector<16xi32>
        %gather3A_379 = tpu.vector_load_idx %arg7[%add3A_378, %broadcast_in_dim3A_374] : memref<32x1024xf32, #tpu.memory_space<vmem>>[vector<16xi32>, vector<16xi32>], vector<16xf32>,
        %swap3A_380 = arith.constant 0 : index
        %swap3A_381 = tpu.vector_load %arg20[%swap3A_380] {strides = array<i32>} : memref<32xf32, #tpu.memory_space<vmem>>, vector<16xf32>,
        tpu.vector_store %arg20[%swap3A_380], %gather3A_375 {strides = array<i32>} : memref<32xf32, #tpu.memory_space<vmem>>, vector<16xf32>,
        %swap3A_382 = arith.constant 16 : index
        %swap3A_383 = tpu.vector_load %arg20[%swap3A_382] {strides = array<i32>} : memref<32xf32, #tpu.memory_space<vmem>>, vector<16xf32>,
        tpu.vector_store %arg20[%swap3A_382], %gather3A_379 {strides = array<i32>} : memref<32xf32, #tpu.memory_space<vmem>>, vector<16xf32>,
        %slice3A_384 = vector.extract_strided_slice %select_n3A_281 {offsets = [5], sizes = [1], strides = [1]} : vector<16xi32> to vector<1xi32>
        %squeeze3A_385 = vector.extract %slice3A_384[0] : i32 from vector<1xi32>
        %mul3A_386 = arith.constant 32 : i32
        %mul3A_387 = arith.muli %squeeze3A_385, %mul3A_386 : i32
        %dma_start3A_388 = tpu.memref_slice %arg4[%mul3A_387] : memref<524288xf32, #tpu.memory_space<hbm>> -> memref<32xf32, #tpu.memory_space<hbm>>
        %dma_start3A_389 = tpu.memref_slice %arg4[%mul3A_387] : memref<524288xf32, #tpu.memory_space<hbm>> -> memref<32xf32, #tpu.memory_space<hbm>>
        tpu.enqueue_dma source(%arg20 : memref<32xf32, #tpu.memory_space<vmem>>) target(%dma_start3A_389 : memref<32xf32, #tpu.memory_space<hbm>>) target_semaphore(%arg14 : memref<!tpu.dma_semaphore, #tpu.memory_space<semaphore_mem>>)
        %slice3A_390 = vector.extract_strided_slice %sub3A_283 {offsets = [6], sizes = [1], strides = [1]} : vector<16xi32> to vector<1xi32>
        %squeeze3A_391 = vector.extract %slice3A_390[0] : i32 from vector<1xi32>
        %broadcast_in_dim3A_392 = vector.broadcast %squeeze3A_391 : i32 to vector<16xi32>
        %gather3A_393 = tpu.vector_load_idx %arg7[%iota3A, %broadcast_in_dim3A_392] : memref<32x1024xf32, #tpu.memory_space<vmem>>[vector<16xi32>, vector<16xi32>], vector<16xf32>,
        %add3A_394 = arith.constant 16 : i32
        %add3A_395 = vector.broadcast %add3A_394 : i32 to vector<16xi32>
        %add3A_396 = arith.addi %iota3A, %add3A_395 : vector<16xi32>
        %gather3A_397 = tpu.vector_load_idx %arg7[%add3A_396, %broadcast_in_dim3A_392] : memref<32x1024xf32, #tpu.memory_space<vmem>>[vector<16xi32>, vector<16xi32>], vector<16xf32>,
        %swap3A_398 = arith.constant 0 : index
        %swap3A_399 = tpu.vector_load %arg21[%swap3A_398] {strides = array<i32>} : memref<32xf32, #tpu.memory_space<vmem>>, vector<16xf32>,
        tpu.vector_store %arg21[%swap3A_398], %gather3A_393 {strides = array<i32>} : memref<32xf32, #tpu.memory_space<vmem>>, vector<16xf32>,
        %swap3A_400 = arith.constant 16 : index
        %swap3A_401 = tpu.vector_load %arg21[%swap3A_400] {strides = array<i32>} : memref<32xf32, #tpu.memory_space<vmem>>, vector<16xf32>,
        tpu.vector_store %arg21[%swap3A_400], %gather3A_397 {strides = array<i32>} : memref<32xf32, #tpu.memory_space<vmem>>, vector<16xf32>,
        %slice3A_402 = vector.extract_strided_slice %select_n3A_281 {offsets = [6], sizes = [1], strides = [1]} : vector<16xi32> to vector<1xi32>
        %squeeze3A_403 = vector.extract %slice3A_402[0] : i32 from vector<1xi32>
        %mul3A_404 = arith.constant 32 : i32
        %mul3A_405 = arith.muli %squeeze3A_403, %mul3A_404 : i32
        %dma_start3A_406 = tpu.memref_slice %arg4[%mul3A_405] : memref<524288xf32, #tpu.memory_space<hbm>> -> memref<32xf32, #tpu.memory_space<hbm>>
        %dma_start3A_407 = tpu.memref_slice %arg4[%mul3A_405] : memref<524288xf32, #tpu.memory_space<hbm>> -> memref<32xf32, #tpu.memory_space<hbm>>
        tpu.enqueue_dma source(%arg21 : memref<32xf32, #tpu.memory_space<vmem>>) target(%dma_start3A_407 : memref<32xf32, #tpu.memory_space<hbm>>) target_semaphore(%arg14 : memref<!tpu.dma_semaphore, #tpu.memory_space<semaphore_mem>>)
        %slice3A_408 = vector.extract_strided_slice %sub3A_283 {offsets = [7], sizes = [1], strides = [1]} : vector<16xi32> to vector<1xi32>
        %squeeze3A_409 = vector.extract %slice3A_408[0] : i32 from vector<1xi32>
        %broadcast_in_dim3A_410 = vector.broadcast %squeeze3A_409 : i32 to vector<16xi32>
        %gather3A_411 = tpu.vector_load_idx %arg7[%iota3A, %broadcast_in_dim3A_410] : memref<32x1024xf32, #tpu.memory_space<vmem>>[vector<16xi32>, vector<16xi32>], vector<16xf32>,
        %add3A_412 = arith.constant 16 : i32
        %add3A_413 = vector.broadcast %add3A_412 : i32 to vector<16xi32>
        %add3A_414 = arith.addi %iota3A, %add3A_413 : vector<16xi32>
        %gather3A_415 = tpu.vector_load_idx %arg7[%add3A_414, %broadcast_in_dim3A_410] : memref<32x1024xf32, #tpu.memory_space<vmem>>[vector<16xi32>, vector<16xi32>], vector<16xf32>,
        %swap3A_416 = arith.constant 0 : index
        %swap3A_417 = tpu.vector_load %arg22[%swap3A_416] {strides = array<i32>} : memref<32xf32, #tpu.memory_space<vmem>>, vector<16xf32>,
        tpu.vector_store %arg22[%swap3A_416], %gather3A_411 {strides = array<i32>} : memref<32xf32, #tpu.memory_space<vmem>>, vector<16xf32>,
        %swap3A_418 = arith.constant 16 : index
        %swap3A_419 = tpu.vector_load %arg22[%swap3A_418] {strides = array<i32>} : memref<32xf32, #tpu.memory_space<vmem>>, vector<16xf32>,
        tpu.vector_store %arg22[%swap3A_418], %gather3A_415 {strides = array<i32>} : memref<32xf32, #tpu.memory_space<vmem>>, vector<16xf32>,
        %slice3A_420 = vector.extract_strided_slice %select_n3A_281 {offsets = [7], sizes = [1], strides = [1]} : vector<16xi32> to vector<1xi32>
        %squeeze3A_421 = vector.extract %slice3A_420[0] : i32 from vector<1xi32>
        %mul3A_422 = arith.constant 32 : i32
        %mul3A_423 = arith.muli %squeeze3A_421, %mul3A_422 : i32
        %dma_start3A_424 = tpu.memref_slice %arg4[%mul3A_423] : memref<524288xf32, #tpu.memory_space<hbm>> -> memref<32xf32, #tpu.memory_space<hbm>>
        %dma_start3A_425 = tpu.memref_slice %arg4[%mul3A_423] : memref<524288xf32, #tpu.memory_space<hbm>> -> memref<32xf32, #tpu.memory_space<hbm>>
        tpu.enqueue_dma source(%arg22 : memref<32xf32, #tpu.memory_space<vmem>>) target(%dma_start3A_425 : memref<32xf32, #tpu.memory_space<hbm>>) target_semaphore(%arg14 : memref<!tpu.dma_semaphore, #tpu.memory_space<semaphore_mem>>)
        %slice3A_426 = vector.extract_strided_slice %sub3A_283 {offsets = [8], sizes = [1], strides = [1]} : vector<16xi32> to vector<1xi32>
        %squeeze3A_427 = vector.extract %slice3A_426[0] : i32 from vector<1xi32>
        %broadcast_in_dim3A_428 = vector.broadcast %squeeze3A_427 : i32 to vector<16xi32>
        %gather3A_429 = tpu.vector_load_idx %arg7[%iota3A, %broadcast_in_dim3A_428] : memref<32x1024xf32, #tpu.memory_space<vmem>>[vector<16xi32>, vector<16xi32>], vector<16xf32>,
        %add3A_430 = arith.constant 16 : i32
        %add3A_431 = vector.broadcast %add3A_430 : i32 to vector<16xi32>
        %add3A_432 = arith.addi %iota3A, %add3A_431 : vector<16xi32>
        %gather3A_433 = tpu.vector_load_idx %arg7[%add3A_432, %broadcast_in_dim3A_428] : memref<32x1024xf32, #tpu.memory_space<vmem>>[vector<16xi32>, vector<16xi32>], vector<16xf32>,
        %swap3A_434 = arith.constant 0 : index
        %swap3A_435 = tpu.vector_load %arg23[%swap3A_434] {strides = array<i32>} : memref<32xf32, #tpu.memory_space<vmem>>, vector<16xf32>,
        tpu.vector_store %arg23[%swap3A_434], %gather3A_429 {strides = array<i32>} : memref<32xf32, #tpu.memory_space<vmem>>, vector<16xf32>,
        %swap3A_436 = arith.constant 16 : index
        %swap3A_437 = tpu.vector_load %arg23[%swap3A_436] {strides = array<i32>} : memref<32xf32, #tpu.memory_space<vmem>>, vector<16xf32>,
        tpu.vector_store %arg23[%swap3A_436], %gather3A_433 {strides = array<i32>} : memref<32xf32, #tpu.memory_space<vmem>>, vector<16xf32>,
        %slice3A_438 = vector.extract_strided_slice %select_n3A_281 {offsets = [8], sizes = [1], strides = [1]} : vector<16xi32> to vector<1xi32>
        %squeeze3A_439 = vector.extract %slice3A_438[0] : i32 from vector<1xi32>
        %mul3A_440 = arith.constant 32 : i32
        %mul3A_441 = arith.muli %squeeze3A_439, %mul3A_440 : i32
        %dma_start3A_442 = tpu.memref_slice %arg4[%mul3A_441] : memref<524288xf32, #tpu.memory_space<hbm>> -> memref<32xf32, #tpu.memory_space<hbm>>
        %dma_start3A_443 = tpu.memref_slice %arg4[%mul3A_441] : memref<524288xf32, #tpu.memory_space<hbm>> -> memref<32xf32, #tpu.memory_space<hbm>>
        tpu.enqueue_dma source(%arg23 : memref<32xf32, #tpu.memory_space<vmem>>) target(%dma_start3A_443 : memref<32xf32, #tpu.memory_space<hbm>>) target_semaphore(%arg14 : memref<!tpu.dma_semaphore, #tpu.memory_space<semaphore_mem>>)
        %slice3A_444 = vector.extract_strided_slice %sub3A_283 {offsets = [9], sizes = [1], strides = [1]} : vector<16xi32> to vector<1xi32>
        %squeeze3A_445 = vector.extract %slice3A_444[0] : i32 from vector<1xi32>
        %broadcast_in_dim3A_446 = vector.broadcast %squeeze3A_445 : i32 to vector<16xi32>
        %gather3A_447 = tpu.vector_load_idx %arg7[%iota3A, %broadcast_in_dim3A_446] : memref<32x1024xf32, #tpu.memory_space<vmem>>[vector<16xi32>, vector<16xi32>], vector<16xf32>,
        %add3A_448 = arith.constant 16 : i32
        %add3A_449 = vector.broadcast %add3A_448 : i32 to vector<16xi32>
        %add3A_450 = arith.addi %iota3A, %add3A_449 : vector<16xi32>
        %gather3A_451 = tpu.vector_load_idx %arg7[%add3A_450, %broadcast_in_dim3A_446] : memref<32x1024xf32, #tpu.memory_space<vmem>>[vector<16xi32>, vector<16xi32>], vector<16xf32>,
        %swap3A_452 = arith.constant 0 : index
        %swap3A_453 = tpu.vector_load %arg24[%swap3A_452] {strides = array<i32>} : memref<32xf32, #tpu.memory_space<vmem>>, vector<16xf32>,
        tpu.vector_store %arg24[%swap3A_452], %gather3A_447 {strides = array<i32>} : memref<32xf32, #tpu.memory_space<vmem>>, vector<16xf32>,
        %swap3A_454 = arith.constant 16 : index
        %swap3A_455 = tpu.vector_load %arg24[%swap3A_454] {strides = array<i32>} : memref<32xf32, #tpu.memory_space<vmem>>, vector<16xf32>,
        tpu.vector_store %arg24[%swap3A_454], %gather3A_451 {strides = array<i32>} : memref<32xf32, #tpu.memory_space<vmem>>, vector<16xf32>,
        %slice3A_456 = vector.extract_strided_slice %select_n3A_281 {offsets = [9], sizes = [1], strides = [1]} : vector<16xi32> to vector<1xi32>
        %squeeze3A_457 = vector.extract %slice3A_456[0] : i32 from vector<1xi32>
        %mul3A_458 = arith.constant 32 : i32
        %mul3A_459 = arith.muli %squeeze3A_457, %mul3A_458 : i32
        %dma_start3A_460 = tpu.memref_slice %arg4[%mul3A_459] : memref<524288xf32, #tpu.memory_space<hbm>> -> memref<32xf32, #tpu.memory_space<hbm>>
        %dma_start3A_461 = tpu.memref_slice %arg4[%mul3A_459] : memref<524288xf32, #tpu.memory_space<hbm>> -> memref<32xf32, #tpu.memory_space<hbm>>
        tpu.enqueue_dma source(%arg24 : memref<32xf32, #tpu.memory_space<vmem>>) target(%dma_start3A_461 : memref<32xf32, #tpu.memory_space<hbm>>) target_semaphore(%arg14 : memref<!tpu.dma_semaphore, #tpu.memory_space<semaphore_mem>>)
        %slice3A_462 = vector.extract_strided_slice %sub3A_283 {offsets = [10], sizes = [1], strides = [1]} : vector<16xi32> to vector<1xi32>
        %squeeze3A_463 = vector.extract %slice3A_462[0] : i32 from vector<1xi32>
        %broadcast_in_dim3A_464 = vector.broadcast %squeeze3A_463 : i32 to vector<16xi32>
        %gather3A_465 = tpu.vector_load_idx %arg7[%iota3A, %broadcast_in_dim3A_464] : memref<32x1024xf32, #tpu.memory_space<vmem>>[vector<16xi32>, vector<16xi32>], vector<16xf32>,
        %add3A_466 = arith.constant 16 : i32
        %add3A_467 = vector.broadcast %add3A_466 : i32 to vector<16xi32>
        %add3A_468 = arith.addi %iota3A, %add3A_467 : vector<16xi32>
        %gather3A_469 = tpu.vector_load_idx %arg7[%add3A_468, %broadcast_in_dim3A_464] : memref<32x1024xf32, #tpu.memory_space<vmem>>[vector<16xi32>, vector<16xi32>], vector<16xf32>,
        %swap3A_470 = arith.constant 0 : index
        %swap3A_471 = tpu.vector_load %arg25[%swap3A_470] {strides = array<i32>} : memref<32xf32, #tpu.memory_space<vmem>>, vector<16xf32>,
        tpu.vector_store %arg25[%swap3A_470], %gather3A_465 {strides = array<i32>} : memref<32xf32, #tpu.memory_space<vmem>>, vector<16xf32>,
        %swap3A_472 = arith.constant 16 : index
        %swap3A_473 = tpu.vector_load %arg25[%swap3A_472] {strides = array<i32>} : memref<32xf32, #tpu.memory_space<vmem>>, vector<16xf32>,
        tpu.vector_store %arg25[%swap3A_472], %gather3A_469 {strides = array<i32>} : memref<32xf32, #tpu.memory_space<vmem>>, vector<16xf32>,
        %slice3A_474 = vector.extract_strided_slice %select_n3A_281 {offsets = [10], sizes = [1], strides = [1]} : vector<16xi32> to vector<1xi32>
        %squeeze3A_475 = vector.extract %slice3A_474[0] : i32 from vector<1xi32>
        %mul3A_476 = arith.constant 32 : i32
        %mul3A_477 = arith.muli %squeeze3A_475, %mul3A_476 : i32
        %dma_start3A_478 = tpu.memref_slice %arg4[%mul3A_477] : memref<524288xf32, #tpu.memory_space<hbm>> -> memref<32xf32, #tpu.memory_space<hbm>>
        %dma_start3A_479 = tpu.memref_slice %arg4[%mul3A_477] : memref<524288xf32, #tpu.memory_space<hbm>> -> memref<32xf32, #tpu.memory_space<hbm>>
        tpu.enqueue_dma source(%arg25 : memref<32xf32, #tpu.memory_space<vmem>>) target(%dma_start3A_479 : memref<32xf32, #tpu.memory_space<hbm>>) target_semaphore(%arg14 : memref<!tpu.dma_semaphore, #tpu.memory_space<semaphore_mem>>)
        %slice3A_480 = vector.extract_strided_slice %sub3A_283 {offsets = [11], sizes = [1], strides = [1]} : vector<16xi32> to vector<1xi32>
        %squeeze3A_481 = vector.extract %slice3A_480[0] : i32 from vector<1xi32>
        %broadcast_in_dim3A_482 = vector.broadcast %squeeze3A_481 : i32 to vector<16xi32>
        %gather3A_483 = tpu.vector_load_idx %arg7[%iota3A, %broadcast_in_dim3A_482] : memref<32x1024xf32, #tpu.memory_space<vmem>>[vector<16xi32>, vector<16xi32>], vector<16xf32>,
        %add3A_484 = arith.constant 16 : i32
        %add3A_485 = vector.broadcast %add3A_484 : i32 to vector<16xi32>
        %add3A_486 = arith.addi %iota3A, %add3A_485 : vector<16xi32>
        %gather3A_487 = tpu.vector_load_idx %arg7[%add3A_486, %broadcast_in_dim3A_482] : memref<32x1024xf32, #tpu.memory_space<vmem>>[vector<16xi32>, vector<16xi32>], vector<16xf32>,
        %swap3A_488 = arith.constant 0 : index
        %swap3A_489 = tpu.vector_load %arg26[%swap3A_488] {strides = array<i32>} : memref<32xf32, #tpu.memory_space<vmem>>, vector<16xf32>,
        tpu.vector_store %arg26[%swap3A_488], %gather3A_483 {strides = array<i32>} : memref<32xf32, #tpu.memory_space<vmem>>, vector<16xf32>,
        %swap3A_490 = arith.constant 16 : index
        %swap3A_491 = tpu.vector_load %arg26[%swap3A_490] {strides = array<i32>} : memref<32xf32, #tpu.memory_space<vmem>>, vector<16xf32>,
        tpu.vector_store %arg26[%swap3A_490], %gather3A_487 {strides = array<i32>} : memref<32xf32, #tpu.memory_space<vmem>>, vector<16xf32>,
        %slice3A_492 = vector.extract_strided_slice %select_n3A_281 {offsets = [11], sizes = [1], strides = [1]} : vector<16xi32> to vector<1xi32>
        %squeeze3A_493 = vector.extract %slice3A_492[0] : i32 from vector<1xi32>
        %mul3A_494 = arith.constant 32 : i32
        %mul3A_495 = arith.muli %squeeze3A_493, %mul3A_494 : i32
        %dma_start3A_496 = tpu.memref_slice %arg4[%mul3A_495] : memref<524288xf32, #tpu.memory_space<hbm>> -> memref<32xf32, #tpu.memory_space<hbm>>
        %dma_start3A_497 = tpu.memref_slice %arg4[%mul3A_495] : memref<524288xf32, #tpu.memory_space<hbm>> -> memref<32xf32, #tpu.memory_space<hbm>>
        tpu.enqueue_dma source(%arg26 : memref<32xf32, #tpu.memory_space<vmem>>) target(%dma_start3A_497 : memref<32xf32, #tpu.memory_space<hbm>>) target_semaphore(%arg14 : memref<!tpu.dma_semaphore, #tpu.memory_space<semaphore_mem>>)
        %slice3A_498 = vector.extract_strided_slice %sub3A_283 {offsets = [12], sizes = [1], strides = [1]} : vector<16xi32> to vector<1xi32>
        %squeeze3A_499 = vector.extract %slice3A_498[0] : i32 from vector<1xi32>
        %broadcast_in_dim3A_500 = vector.broadcast %squeeze3A_499 : i32 to vector<16xi32>
        %gather3A_501 = tpu.vector_load_idx %arg7[%iota3A, %broadcast_in_dim3A_500] : memref<32x1024xf32, #tpu.memory_space<vmem>>[vector<16xi32>, vector<16xi32>], vector<16xf32>,
        %add3A_502 = arith.constant 16 : i32
        %add3A_503 = vector.broadcast %add3A_502 : i32 to vector<16xi32>
        %add3A_504 = arith.addi %iota3A, %add3A_503 : vector<16xi32>
        %gather3A_505 = tpu.vector_load_idx %arg7[%add3A_504, %broadcast_in_dim3A_500] : memref<32x1024xf32, #tpu.memory_space<vmem>>[vector<16xi32>, vector<16xi32>], vector<16xf32>,
        %swap3A_506 = arith.constant 0 : index
        %swap3A_507 = tpu.vector_load %arg27[%swap3A_506] {strides = array<i32>} : memref<32xf32, #tpu.memory_space<vmem>>, vector<16xf32>,
        tpu.vector_store %arg27[%swap3A_506], %gather3A_501 {strides = array<i32>} : memref<32xf32, #tpu.memory_space<vmem>>, vector<16xf32>,
        %swap3A_508 = arith.constant 16 : index
        %swap3A_509 = tpu.vector_load %arg27[%swap3A_508] {strides = array<i32>} : memref<32xf32, #tpu.memory_space<vmem>>, vector<16xf32>,
        tpu.vector_store %arg27[%swap3A_508], %gather3A_505 {strides = array<i32>} : memref<32xf32, #tpu.memory_space<vmem>>, vector<16xf32>,
        %slice3A_510 = vector.extract_strided_slice %select_n3A_281 {offsets = [12], sizes = [1], strides = [1]} : vector<16xi32> to vector<1xi32>
        %squeeze3A_511 = vector.extract %slice3A_510[0] : i32 from vector<1xi32>
        %mul3A_512 = arith.constant 32 : i32
        %mul3A_513 = arith.muli %squeeze3A_511, %mul3A_512 : i32
        %dma_start3A_514 = tpu.memref_slice %arg4[%mul3A_513] : memref<524288xf32, #tpu.memory_space<hbm>> -> memref<32xf32, #tpu.memory_space<hbm>>
        %dma_start3A_515 = tpu.memref_slice %arg4[%mul3A_513] : memref<524288xf32, #tpu.memory_space<hbm>> -> memref<32xf32, #tpu.memory_space<hbm>>
        tpu.enqueue_dma source(%arg27 : memref<32xf32, #tpu.memory_space<vmem>>) target(%dma_start3A_515 : memref<32xf32, #tpu.memory_space<hbm>>) target_semaphore(%arg14 : memref<!tpu.dma_semaphore, #tpu.memory_space<semaphore_mem>>)
        %slice3A_516 = vector.extract_strided_slice %sub3A_283 {offsets = [13], sizes = [1], strides = [1]} : vector<16xi32> to vector<1xi32>
        %squeeze3A_517 = vector.extract %slice3A_516[0] : i32 from vector<1xi32>
        %broadcast_in_dim3A_518 = vector.broadcast %squeeze3A_517 : i32 to vector<16xi32>
        %gather3A_519 = tpu.vector_load_idx %arg7[%iota3A, %broadcast_in_dim3A_518] : memref<32x1024xf32, #tpu.memory_space<vmem>>[vector<16xi32>, vector<16xi32>], vector<16xf32>,
        %add3A_520 = arith.constant 16 : i32
        %add3A_521 = vector.broadcast %add3A_520 : i32 to vector<16xi32>
        %add3A_522 = arith.addi %iota3A, %add3A_521 : vector<16xi32>
        %gather3A_523 = tpu.vector_load_idx %arg7[%add3A_522, %broadcast_in_dim3A_518] : memref<32x1024xf32, #tpu.memory_space<vmem>>[vector<16xi32>, vector<16xi32>], vector<16xf32>,
        %swap3A_524 = arith.constant 0 : index
        %swap3A_525 = tpu.vector_load %arg28[%swap3A_524] {strides = array<i32>} : memref<32xf32, #tpu.memory_space<vmem>>, vector<16xf32>,
        tpu.vector_store %arg28[%swap3A_524], %gather3A_519 {strides = array<i32>} : memref<32xf32, #tpu.memory_space<vmem>>, vector<16xf32>,
        %swap3A_526 = arith.constant 16 : index
        %swap3A_527 = tpu.vector_load %arg28[%swap3A_526] {strides = array<i32>} : memref<32xf32, #tpu.memory_space<vmem>>, vector<16xf32>,
        tpu.vector_store %arg28[%swap3A_526], %gather3A_523 {strides = array<i32>} : memref<32xf32, #tpu.memory_space<vmem>>, vector<16xf32>,
        %slice3A_528 = vector.extract_strided_slice %select_n3A_281 {offsets = [13], sizes = [1], strides = [1]} : vector<16xi32> to vector<1xi32>
        %squeeze3A_529 = vector.extract %slice3A_528[0] : i32 from vector<1xi32>
        %mul3A_530 = arith.constant 32 : i32
        %mul3A_531 = arith.muli %squeeze3A_529, %mul3A_530 : i32
        %dma_start3A_532 = tpu.memref_slice %arg4[%mul3A_531] : memref<524288xf32, #tpu.memory_space<hbm>> -> memref<32xf32, #tpu.memory_space<hbm>>
        %dma_start3A_533 = tpu.memref_slice %arg4[%mul3A_531] : memref<524288xf32, #tpu.memory_space<hbm>> -> memref<32xf32, #tpu.memory_space<hbm>>
        tpu.enqueue_dma source(%arg28 : memref<32xf32, #tpu.memory_space<vmem>>) target(%dma_start3A_533 : memref<32xf32, #tpu.memory_space<hbm>>) target_semaphore(%arg14 : memref<!tpu.dma_semaphore, #tpu.memory_space<semaphore_mem>>)
        %slice3A_534 = vector.extract_strided_slice %sub3A_283 {offsets = [14], sizes = [1], strides = [1]} : vector<16xi32> to vector<1xi32>
        %squeeze3A_535 = vector.extract %slice3A_534[0] : i32 from vector<1xi32>
        %broadcast_in_dim3A_536 = vector.broadcast %squeeze3A_535 : i32 to vector<16xi32>
        %gather3A_537 = tpu.vector_load_idx %arg7[%iota3A, %broadcast_in_dim3A_536] : memref<32x1024xf32, #tpu.memory_space<vmem>>[vector<16xi32>, vector<16xi32>], vector<16xf32>,
        %add3A_538 = arith.constant 16 : i32
        %add3A_539 = vector.broadcast %add3A_538 : i32 to vector<16xi32>
        %add3A_540 = arith.addi %iota3A, %add3A_539 : vector<16xi32>
        %gather3A_541 = tpu.vector_load_idx %arg7[%add3A_540, %broadcast_in_dim3A_536] : memref<32x1024xf32, #tpu.memory_space<vmem>>[vector<16xi32>, vector<16xi32>], vector<16xf32>,
        %swap3A_542 = arith.constant 0 : index
        %swap3A_543 = tpu.vector_load %arg29[%swap3A_542] {strides = array<i32>} : memref<32xf32, #tpu.memory_space<vmem>>, vector<16xf32>,
        tpu.vector_store %arg29[%swap3A_542], %gather3A_537 {strides = array<i32>} : memref<32xf32, #tpu.memory_space<vmem>>, vector<16xf32>,
        %swap3A_544 = arith.constant 16 : index
        %swap3A_545 = tpu.vector_load %arg29[%swap3A_544] {strides = array<i32>} : memref<32xf32, #tpu.memory_space<vmem>>, vector<16xf32>,
        tpu.vector_store %arg29[%swap3A_544], %gather3A_541 {strides = array<i32>} : memref<32xf32, #tpu.memory_space<vmem>>, vector<16xf32>,
        %slice3A_546 = vector.extract_strided_slice %select_n3A_281 {offsets = [14], sizes = [1], strides = [1]} : vector<16xi32> to vector<1xi32>
        %squeeze3A_547 = vector.extract %slice3A_546[0] : i32 from vector<1xi32>
        %mul3A_548 = arith.constant 32 : i32
        %mul3A_549 = arith.muli %squeeze3A_547, %mul3A_548 : i32
        %dma_start3A_550 = tpu.memref_slice %arg4[%mul3A_549] : memref<524288xf32, #tpu.memory_space<hbm>> -> memref<32xf32, #tpu.memory_space<hbm>>
        %dma_start3A_551 = tpu.memref_slice %arg4[%mul3A_549] : memref<524288xf32, #tpu.memory_space<hbm>> -> memref<32xf32, #tpu.memory_space<hbm>>
        tpu.enqueue_dma source(%arg29 : memref<32xf32, #tpu.memory_space<vmem>>) target(%dma_start3A_551 : memref<32xf32, #tpu.memory_space<hbm>>) target_semaphore(%arg14 : memref<!tpu.dma_semaphore, #tpu.memory_space<semaphore_mem>>)
        %slice3A_552 = vector.extract_strided_slice %sub3A_283 {offsets = [15], sizes = [1], strides = [1]} : vector<16xi32> to vector<1xi32>
        %squeeze3A_553 = vector.extract %slice3A_552[0] : i32 from vector<1xi32>
        %broadcast_in_dim3A_554 = vector.broadcast %squeeze3A_553 : i32 to vector<16xi32>
        %gather3A_555 = tpu.vector_load_idx %arg7[%iota3A, %broadcast_in_dim3A_554] : memref<32x1024xf32, #tpu.memory_space<vmem>>[vector<16xi32>, vector<16xi32>], vector<16xf32>,
        %add3A_556 = arith.constant 16 : i32
        %add3A_557 = vector.broadcast %add3A_556 : i32 to vector<16xi32>
        %add3A_558 = arith.addi %iota3A, %add3A_557 : vector<16xi32>
        %gather3A_559 = tpu.vector_load_idx %arg7[%add3A_558, %broadcast_in_dim3A_554] : memref<32x1024xf32, #tpu.memory_space<vmem>>[vector<16xi32>, vector<16xi32>], vector<16xf32>,
        %swap3A_560 = arith.constant 0 : index
        %swap3A_561 = tpu.vector_load %arg30[%swap3A_560] {strides = array<i32>} : memref<32xf32, #tpu.memory_space<vmem>>, vector<16xf32>,
        tpu.vector_store %arg30[%swap3A_560], %gather3A_555 {strides = array<i32>} : memref<32xf32, #tpu.memory_space<vmem>>, vector<16xf32>,
        %swap3A_562 = arith.constant 16 : index
        %swap3A_563 = tpu.vector_load %arg30[%swap3A_562] {strides = array<i32>} : memref<32xf32, #tpu.memory_space<vmem>>, vector<16xf32>,
        tpu.vector_store %arg30[%swap3A_562], %gather3A_559 {strides = array<i32>} : memref<32xf32, #tpu.memory_space<vmem>>, vector<16xf32>,
        %slice3A_564 = vector.extract_strided_slice %select_n3A_281 {offsets = [15], sizes = [1], strides = [1]} : vector<16xi32> to vector<1xi32>
        %squeeze3A_565 = vector.extract %slice3A_564[0] : i32 from vector<1xi32>
        %mul3A_566 = arith.constant 32 : i32
        %mul3A_567 = arith.muli %squeeze3A_565, %mul3A_566 : i32
        %dma_start3A_568 = tpu.memref_slice %arg4[%mul3A_567] : memref<524288xf32, #tpu.memory_space<hbm>> -> memref<32xf32, #tpu.memory_space<hbm>>
        %dma_start3A_569 = tpu.memref_slice %arg4[%mul3A_567] : memref<524288xf32, #tpu.memory_space<hbm>> -> memref<32xf32, #tpu.memory_space<hbm>>
        tpu.enqueue_dma source(%arg30 : memref<32xf32, #tpu.memory_space<vmem>>) target(%dma_start3A_569 : memref<32xf32, #tpu.memory_space<hbm>>) target_semaphore(%arg14 : memref<!tpu.dma_semaphore, #tpu.memory_space<semaphore_mem>>)
        %dma_wait3A_570 = tpu.memref_slice %arg4[%mul3A_297] : memref<524288xf32, #tpu.memory_space<hbm>> -> memref<32xf32, #tpu.memory_space<hbm>>
        %dma_wait3A_571 = tpu.memref_slice %arg4[%mul3A_297] : memref<524288xf32, #tpu.memory_space<hbm>> -> memref<32xf32, #tpu.memory_space<hbm>>
        tpu.wait_dma2 semaphore(%arg14 : memref<!tpu.dma_semaphore, #tpu.memory_space<semaphore_mem>>) src(%arg15 : memref<32xf32, #tpu.memory_space<vmem>>) dst(%dma_wait3A_571 : memref<32xf32, #tpu.memory_space<hbm>>)
        %dma_wait3A_572 = tpu.memref_slice %arg4[%mul3A_315] : memref<524288xf32, #tpu.memory_space<hbm>> -> memref<32xf32, #tpu.memory_space<hbm>>
        %dma_wait3A_573 = tpu.memref_slice %arg4[%mul3A_315] : memref<524288xf32, #tpu.memory_space<hbm>> -> memref<32xf32, #tpu.memory_space<hbm>>
        tpu.wait_dma2 semaphore(%arg14 : memref<!tpu.dma_semaphore, #tpu.memory_space<semaphore_mem>>) src(%arg16 : memref<32xf32, #tpu.memory_space<vmem>>) dst(%dma_wait3A_573 : memref<32xf32, #tpu.memory_space<hbm>>)
        %dma_wait3A_574 = tpu.memref_slice %arg4[%mul3A_333] : memref<524288xf32, #tpu.memory_space<hbm>> -> memref<32xf32, #tpu.memory_space<hbm>>
        %dma_wait3A_575 = tpu.memref_slice %arg4[%mul3A_333] : memref<524288xf32, #tpu.memory_space<hbm>> -> memref<32xf32, #tpu.memory_space<hbm>>
        tpu.wait_dma2 semaphore(%arg14 : memref<!tpu.dma_semaphore, #tpu.memory_space<semaphore_mem>>) src(%arg17 : memref<32xf32, #tpu.memory_space<vmem>>) dst(%dma_wait3A_575 : memref<32xf32, #tpu.memory_space<hbm>>)
        %dma_wait3A_576 = tpu.memref_slice %arg4[%mul3A_351] : memref<524288xf32, #tpu.memory_space<hbm>> -> memref<32xf32, #tpu.memory_space<hbm>>
        %dma_wait3A_577 = tpu.memref_slice %arg4[%mul3A_351] : memref<524288xf32, #tpu.memory_space<hbm>> -> memref<32xf32, #tpu.memory_space<hbm>>
        tpu.wait_dma2 semaphore(%arg14 : memref<!tpu.dma_semaphore, #tpu.memory_space<semaphore_mem>>) src(%arg18 : memref<32xf32, #tpu.memory_space<vmem>>) dst(%dma_wait3A_577 : memref<32xf32, #tpu.memory_space<hbm>>)
        %dma_wait3A_578 = tpu.memref_slice %arg4[%mul3A_369] : memref<524288xf32, #tpu.memory_space<hbm>> -> memref<32xf32, #tpu.memory_space<hbm>>
        %dma_wait3A_579 = tpu.memref_slice %arg4[%mul3A_369] : memref<524288xf32, #tpu.memory_space<hbm>> -> memref<32xf32, #tpu.memory_space<hbm>>
        tpu.wait_dma2 semaphore(%arg14 : memref<!tpu.dma_semaphore, #tpu.memory_space<semaphore_mem>>) src(%arg19 : memref<32xf32, #tpu.memory_space<vmem>>) dst(%dma_wait3A_579 : memref<32xf32, #tpu.memory_space<hbm>>)
        %dma_wait3A_580 = tpu.memref_slice %arg4[%mul3A_387] : memref<524288xf32, #tpu.memory_space<hbm>> -> memref<32xf32, #tpu.memory_space<hbm>>
        %dma_wait3A_581 = tpu.memref_slice %arg4[%mul3A_387] : memref<524288xf32, #tpu.memory_space<hbm>> -> memref<32xf32, #tpu.memory_space<hbm>>
        tpu.wait_dma2 semaphore(%arg14 : memref<!tpu.dma_semaphore, #tpu.memory_space<semaphore_mem>>) src(%arg20 : memref<32xf32, #tpu.memory_space<vmem>>) dst(%dma_wait3A_581 : memref<32xf32, #tpu.memory_space<hbm>>)
        %dma_wait3A_582 = tpu.memref_slice %arg4[%mul3A_405] : memref<524288xf32, #tpu.memory_space<hbm>> -> memref<32xf32, #tpu.memory_space<hbm>>
        %dma_wait3A_583 = tpu.memref_slice %arg4[%mul3A_405] : memref<524288xf32, #tpu.memory_space<hbm>> -> memref<32xf32, #tpu.memory_space<hbm>>
        tpu.wait_dma2 semaphore(%arg14 : memref<!tpu.dma_semaphore, #tpu.memory_space<semaphore_mem>>) src(%arg21 : memref<32xf32, #tpu.memory_space<vmem>>) dst(%dma_wait3A_583 : memref<32xf32, #tpu.memory_space<hbm>>)
        %dma_wait3A_584 = tpu.memref_slice %arg4[%mul3A_423] : memref<524288xf32, #tpu.memory_space<hbm>> -> memref<32xf32, #tpu.memory_space<hbm>>
        %dma_wait3A_585 = tpu.memref_slice %arg4[%mul3A_423] : memref<524288xf32, #tpu.memory_space<hbm>> -> memref<32xf32, #tpu.memory_space<hbm>>
        tpu.wait_dma2 semaphore(%arg14 : memref<!tpu.dma_semaphore, #tpu.memory_space<semaphore_mem>>) src(%arg22 : memref<32xf32, #tpu.memory_space<vmem>>) dst(%dma_wait3A_585 : memref<32xf32, #tpu.memory_space<hbm>>)
        %dma_wait3A_586 = tpu.memref_slice %arg4[%mul3A_441] : memref<524288xf32, #tpu.memory_space<hbm>> -> memref<32xf32, #tpu.memory_space<hbm>>
        %dma_wait3A_587 = tpu.memref_slice %arg4[%mul3A_441] : memref<524288xf32, #tpu.memory_space<hbm>> -> memref<32xf32, #tpu.memory_space<hbm>>
        tpu.wait_dma2 semaphore(%arg14 : memref<!tpu.dma_semaphore, #tpu.memory_space<semaphore_mem>>) src(%arg23 : memref<32xf32, #tpu.memory_space<vmem>>) dst(%dma_wait3A_587 : memref<32xf32, #tpu.memory_space<hbm>>)
        %dma_wait3A_588 = tpu.memref_slice %arg4[%mul3A_459] : memref<524288xf32, #tpu.memory_space<hbm>> -> memref<32xf32, #tpu.memory_space<hbm>>
        %dma_wait3A_589 = tpu.memref_slice %arg4[%mul3A_459] : memref<524288xf32, #tpu.memory_space<hbm>> -> memref<32xf32, #tpu.memory_space<hbm>>
        tpu.wait_dma2 semaphore(%arg14 : memref<!tpu.dma_semaphore, #tpu.memory_space<semaphore_mem>>) src(%arg24 : memref<32xf32, #tpu.memory_space<vmem>>) dst(%dma_wait3A_589 : memref<32xf32, #tpu.memory_space<hbm>>)
        %dma_wait3A_590 = tpu.memref_slice %arg4[%mul3A_477] : memref<524288xf32, #tpu.memory_space<hbm>> -> memref<32xf32, #tpu.memory_space<hbm>>
        %dma_wait3A_591 = tpu.memref_slice %arg4[%mul3A_477] : memref<524288xf32, #tpu.memory_space<hbm>> -> memref<32xf32, #tpu.memory_space<hbm>>
        tpu.wait_dma2 semaphore(%arg14 : memref<!tpu.dma_semaphore, #tpu.memory_space<semaphore_mem>>) src(%arg25 : memref<32xf32, #tpu.memory_space<vmem>>) dst(%dma_wait3A_591 : memref<32xf32, #tpu.memory_space<hbm>>)
        %dma_wait3A_592 = tpu.memref_slice %arg4[%mul3A_495] : memref<524288xf32, #tpu.memory_space<hbm>> -> memref<32xf32, #tpu.memory_space<hbm>>
        %dma_wait3A_593 = tpu.memref_slice %arg4[%mul3A_495] : memref<524288xf32, #tpu.memory_space<hbm>> -> memref<32xf32, #tpu.memory_space<hbm>>
        tpu.wait_dma2 semaphore(%arg14 : memref<!tpu.dma_semaphore, #tpu.memory_space<semaphore_mem>>) src(%arg26 : memref<32xf32, #tpu.memory_space<vmem>>) dst(%dma_wait3A_593 : memref<32xf32, #tpu.memory_space<hbm>>)
        %dma_wait3A_594 = tpu.memref_slice %arg4[%mul3A_513] : memref<524288xf32, #tpu.memory_space<hbm>> -> memref<32xf32, #tpu.memory_space<hbm>>
        %dma_wait3A_595 = tpu.memref_slice %arg4[%mul3A_513] : memref<524288xf32, #tpu.memory_space<hbm>> -> memref<32xf32, #tpu.memory_space<hbm>>
        tpu.wait_dma2 semaphore(%arg14 : memref<!tpu.dma_semaphore, #tpu.memory_space<semaphore_mem>>) src(%arg27 : memref<32xf32, #tpu.memory_space<vmem>>) dst(%dma_wait3A_595 : memref<32xf32, #tpu.memory_space<hbm>>)
        %dma_wait3A_596 = tpu.memref_slice %arg4[%mul3A_531] : memref<524288xf32, #tpu.memory_space<hbm>> -> memref<32xf32, #tpu.memory_space<hbm>>
        %dma_wait3A_597 = tpu.memref_slice %arg4[%mul3A_531] : memref<524288xf32, #tpu.memory_space<hbm>> -> memref<32xf32, #tpu.memory_space<hbm>>
        tpu.wait_dma2 semaphore(%arg14 : memref<!tpu.dma_semaphore, #tpu.memory_space<semaphore_mem>>) src(%arg28 : memref<32xf32, #tpu.memory_space<vmem>>) dst(%dma_wait3A_597 : memref<32xf32, #tpu.memory_space<hbm>>)
        %dma_wait3A_598 = tpu.memref_slice %arg4[%mul3A_549] : memref<524288xf32, #tpu.memory_space<hbm>> -> memref<32xf32, #tpu.memory_space<hbm>>
        %dma_wait3A_599 = tpu.memref_slice %arg4[%mul3A_549] : memref<524288xf32, #tpu.memory_space<hbm>> -> memref<32xf32, #tpu.memory_space<hbm>>
        tpu.wait_dma2 semaphore(%arg14 : memref<!tpu.dma_semaphore, #tpu.memory_space<semaphore_mem>>) src(%arg29 : memref<32xf32, #tpu.memory_space<vmem>>) dst(%dma_wait3A_599 : memref<32xf32, #tpu.memory_space<hbm>>)
        %dma_wait3A_600 = tpu.memref_slice %arg4[%mul3A_567] : memref<524288xf32, #tpu.memory_space<hbm>> -> memref<32xf32, #tpu.memory_space<hbm>>
        %dma_wait3A_601 = tpu.memref_slice %arg4[%mul3A_567] : memref<524288xf32, #tpu.memory_space<hbm>> -> memref<32xf32, #tpu.memory_space<hbm>>
        tpu.wait_dma2 semaphore(%arg14 : memref<!tpu.dma_semaphore, #tpu.memory_space<semaphore_mem>>) src(%arg30 : memref<32xf32, #tpu.memory_space<vmem>>) dst(%dma_wait3A_601 : memref<32xf32, #tpu.memory_space<hbm>>)
      }
    }
    %scan3A_32 = arith.constant 16 : i32
    %dma_wait3A = arith.constant 0 : i32
    %dma_wait3A_33 = arith.constant 0 : i32
    %dma_wait3A_34 = tpu.memref_slice %arg3[%dma_wait3A, %dma_wait3A_33] : memref<32x1000001xf32, #tpu.memory_space<hbm>> -> memref<32x1024xf32, #tpu.memory_space<hbm>>
    %dma_wait3A_35 = arith.constant 0 : i32
    %dma_wait3A_36 = arith.constant 0 : i32
    %dma_wait3A_37 = tpu.memref_slice %arg3[%dma_wait3A_35, %dma_wait3A_36] : memref<32x1000001xf32, #tpu.memory_space<hbm>> -> memref<32x1024xf32, #tpu.memory_space<hbm>>
    tpu.wait_dma2 semaphore(%arg12 : memref<!tpu.dma_semaphore, #tpu.memory_space<semaphore_mem>>) src(%dma_wait3A_37 : memref<32x1024xf32, #tpu.memory_space<hbm>>) dst(%arg6 : memref<32x1024xf32, #tpu.memory_space<vmem>>)
    return
  }
}

</mosaic_0001>

<sc_bundles>
// kernel: kernel.3.cloned.1.call-start
scs
__scs_entry_jumppad:
0x0: {  	(pc) =	sbr.rel $0x88, $3  }
0x1: {  	(tag) =	ssettag $0x0;
	lr =	simm.s32 $0x1  }
0x2: {  	[smem:$0x3F9F] =	sst lr;
	_ =	strace $0xD0000000  }
0x3: {  	_ = 	snop  }
0x4: {  	_ = 	snop  }
0x5: {  	_ = 	snop  }
0x6: {  	_ = 	snop  }
0x7: {  	_ = 	snop  }
__scs_overlays_trampoline_lowered:
0x8: {  	[smem:$0x3FAE] =	sst s0  }
0x9: {  	[smem:$0x3FAF] =	sst s1  }
0xa: {  	[smem:$0x3FB0] =	sst s2  }
0xb: {  	[smem:$0x3FB1] =	sst s3  }
0xc: {  	[smem:$0x3FB2] =	sst s4  }
0xd: {  	[smem:$0x3FB3] =	sst s5  }
0xe: {  	[smem:$0x3FB4] =	sst s6  }
0xf: {  	[smem:$0x3FB5] =	sst s7  }
0x10: {  	[smem:$0x3FB6] =	sst s8  }
0x11: {  	[smem:$0x3FB7] =	sst s9;
	s0 =	simm.s32 @!p0 $0x0  }
0x12: {  	s1 =	sld [smem:$0x3F9D];
	s0 =	simm.s32 @p0 $0x1  }
0x13: {  	[smem:$0x3FB8] =	sst s0;
	s0 =	simm.s32 @!p1 $0x0  }
0x14: {  	s2 =	sld [smem:$0x3F9C];
	s0 =	simm.s32 @p1 $0x1  }
0x15: {  	[smem:$0x3FB9] =	sst s0;
	s0 =	simm.s32 @!p2 $0x0  }
0x16: {  	s3 =	sld [smem:$0x3FDB];
	s0 =	simm.s32 @p2 $0x1  }
0x17: {  	s4 =	simm.s32 $0x1BF5;
	[smem:$0x3FBB] =	sst s0  }
0x18: {  	s0 =	sld [smem:$0x3F9E];
	_ =	swait.ge [sflag:s4], $0x0  }
0x19: {  	s7 =	sld [smem:$0x3F9F]  }
0x1a: {  	s8 =	sadd.s32 $0xFFFFE003, lr  }
0x1b: {  	s9 =	sadd.s32 $0xFFFFFEF7, lr;
	s5 =	simm.s32 $0xFFFFFFFF;
	p2 =	slt.u32 s8, $0xFFFFF086  }
0x1c: {  	p1 =	slt.u32 s9, $0xF7A;
	s5 =	simm.s32 @!p2 $0x0  }
0x1d: {  	s5 =	simm.s32 @p1 $0x1;
	p0 =	seq.s32 s7, s2  }
0x1e: {  	s7 =	smul.u32 @!p0 $0xF7A, s2;
	p2 =	seq.s32 @!p0 s5, $0x0  }
0x1f: {  	s9 =	smul.u32 $0xF7A, s1;
	s8 =	simm.s32 @!p0 $0x1BF5;
	p2 =	por !p2, p0  }
0x20: {  	[sflag:s8] =	ssyncset.s32 @!p0 $0xFFFFF086;
	s6 =	sadd.s32 @!p0 s3, s7;
	s7 =	simm.s32 @!p0 $0x108  }
0x21: {  	s3 =	sadd.s32 s3, s9;
	s6 =	sadd.s32 @!p0 $0x88, s6;
	s7 =	simm.s32 @p2 $0x1082  }
0x22: {  	[simem:s7], [sflag:s8] =	dma.local @!p0 [hbm:s6], $0xF7A  }
0x23: {  	s9 =	sor.u32 $0xD0000000, s2;
	s6 =	simm.s32 $0x108;
	_ =	swait.ge @!p0 [sflag:s8], $0x0  }
0x24: {  	s3 =	sadd.s32 $0x88, s3;
	s6 =	simm.s32 @!p1 $0x1082;
	[sflag:s4] =	ssyncset.s32 $0xFFFFF086  }
0x25: {  	[simem:s6], [sflag:s4] =	dma.local [hbm:s3], $0xF7A  }
0x26: {  	[smem:$0x3F9F] =	sst s1;
	(tag) =	ssettag s2;
	_ =	strace s9  }
0x27: {  	s1 =	sld [smem:$0x3FAF]  }
0x28: {  	s2 =	sld [smem:$0x3FB0]  }
0x29: {  	s4 =	sld [smem:$0x3FB2]  }
0x2a: {  	p0 =	seq.s32 s5, $0x0;
	s5 =	sld [smem:$0x3FB3]  }
0x2b: {  	s6 =	sld [smem:$0x3FB4]  }
0x2c: {  	s7 =	sld [smem:$0x3FB5]  }
0x2d: {  	s3 =	simm.s32 $0x108;
	s8 =	sld [smem:$0x3FB6]  }
0x2e: {  	s3 =	simm.s32 @!p0 $0x1082;
	s9 =	sld [smem:$0x3FB7]  }
0x2f: {  	lr =	sadd.s32 s0, s3;
	s0 =	sld [smem:$0x3FAE]  }
0x30: {  	s3 =	sld [smem:$0x3FB1]  }
0x31: {  	[smem:$0x3FBA] =	sst s10  }
0x32: {  	s10 =	sld [smem:$0x3FB8];
	_ =	sdelay $0x3  }
0x33: {  	p0 =	seq.s32 s10, $0x1;
	s10 =	sld [smem:$0x3FBA];
	_ =	sdelay $0x3  }
0x34: {  	[smem:$0x3FBA] =	sst s10  }
0x35: {  	s10 =	sld [smem:$0x3FB9];
	_ =	sdelay $0x3  }
0x36: {  	p1 =	seq.s32 s10, $0x1;
	s10 =	sld [smem:$0x3FBA];
	_ =	sdelay $0x3  }
0x37: {  	[smem:$0x3FBA] =	sst s10  }
0x38: {  	s10 =	sld [smem:$0x3FBB]  }
0x39: {  	_ = 	snop;
	(pc) =	sbr.ind lr, $3  }
0x3a: {  	_ = 	snop  }
0x3b: {  	_ = 	snop  }
0x3c: {  	p2 =	seq.s32 s10, $0x1;
	s10 =	sld [smem:$0x3FBA]  }
0x3d: {  	_ =	shalt  }
0x3e: {  	_ =	shalt  }
0x3f: {  	_ =	shalt  }
0x40: {  	_ =	shalt  }
0x41: {  	_ =	shalt  }
0x42: {  	_ =	shalt  }
0x43: {  	_ =	shalt  }
0x44: {  	_ =	shalt  }
0x45: {  	_ =	shalt  }
0x46: {  	_ =	shalt  }
0x47: {  	_ =	shalt  }
0x48: {  	_ =	shalt  }
0x49: {  	_ =	shalt  }
0x4a: {  	_ =	shalt  }
0x4b: {  	_ =	shalt  }
0x4c: {  	_ =	shalt  }
0x4d: {  	_ =	shalt  }
0x4e: {  	_ =	shalt  }
0x4f: {  	_ =	shalt  }
0x50: {  	_ =	shalt  }
0x51: {  	_ =	shalt  }
0x52: {  	_ =	shalt  }
0x53: {  	_ =	shalt  }
0x54: {  	_ =	shalt  }
0x55: {  	_ =	shalt  }
0x56: {  	_ =	shalt  }
0x57: {  	_ =	shalt  }
0x58: {  	_ =	shalt  }
0x59: {  	_ =	shalt  }
0x5a: {  	_ =	shalt  }
0x5b: {  	_ =	shalt  }
0x5c: {  	_ =	shalt  }
0x5d: {  	_ =	shalt  }
0x5e: {  	_ =	shalt  }
0x5f: {  	_ =	shalt  }
0x60: {  	_ =	shalt  }
0x61: {  	_ =	shalt  }
0x62: {  	_ =	shalt  }
0x63: {  	_ =	shalt  }
0x64: {  	_ =	shalt  }
0x65: {  	_ =	shalt  }
0x66: {  	_ =	shalt  }
0x67: {  	_ =	shalt  }
0x68: {  	_ =	shalt  }
0x69: {  	_ =	shalt  }
0x6a: {  	_ =	shalt  }
0x6b: {  	_ =	shalt  }
0x6c: {  	_ =	shalt  }
0x6d: {  	_ =	shalt  }
0x6e: {  	_ =	shalt  }
0x6f: {  	_ =	shalt  }
0x70: {  	_ =	shalt  }
0x71: {  	_ =	shalt  }
0x72: {  	_ =	shalt  }
0x73: {  	_ =	shalt  }
0x74: {  	_ =	shalt  }
0x75: {  	_ =	shalt  }
0x76: {  	_ =	shalt  }
0x77: {  	_ =	shalt  }
0x78: {  	_ =	shalt  }
0x79: {  	_ =	shalt  }
0x7a: {  	_ =	shalt  }
0x7b: {  	_ =	shalt  }
0x7c: {  	_ =	shalt  }
0x7d: {  	_ =	shalt  }
0x7e: {  	_ =	shalt  }
0x7f: {  	_ =	shalt  }
0x80: {  	_ =	shalt  }
0x81: {  	_ =	shalt  }
0x82: {  	_ =	shalt  }
0x83: {  	_ =	shalt  }
0x84: {  	_ =	shalt  }
0x85: {  	_ =	shalt  }
0x86: {  	_ =	shalt  }
0x87: {  	_ =	shalt  }
.Lfunc_end0:
.L_simem_size_0:
called_computation_lowered:
.L_overlay_start_0:
0x88: {  	s2 =	sld [smem:$0x3FD9]  }
0x89: {  	s3 =	sld [smem:$0x3FFE];
	_ =	sdelay $0x1  }
0x8a: {  	s1 =	srdreg.scid  }
0x8b: {  	s0 =	sand.u32 $0x1, s1  }
0x8c: {  	s18 =	sshll.u32 s0, $0xA;
	s2 =	sadd.s32 s3, s2  }
0x8d: {  	s2 =	sadd.s32 s2, s18  }
0x8e: {  	[smem:$0x3FC6] =	sst s2  }
0x8f: {  	_ = 	snop  }
0x90: {  	s2 =	sld [smem:$0x3FC9]  }
0x91: {  	s19 =	sld [smem:$0x3FC8]  }
0x92: {  	s4 =	sld [smem:$0x3FD0];
	(tm) =	ssettm $0x1  }
0x93: {  	s5 =	sld [smem:$0x3FFB];
	_ =	sdelay $0x3  }
0x94: {  	_ =	strace s5  }
0x95: {  	s5 =	sld [smem:$0x3FFC];
	_ =	sdelay $0x3  }
0x96: {  	_ =	strace s5  }
0x97: {  	s5 =	sld [smem:$0x3FFD];
	_ =	sdelay $0x3  }
0x98: {  	_ =	strace s5  }
0x99: {  	_ =	strace $0x8FFFFFFF  }
0x9a: {  	s20 =	sld [smem:$0x3FDB];
	_ =	sdelay $0x1  }
0x9b: {  	s6 =	simm.s32 $_scs_section_size  }
0x9c: {  	s7 =	simm.s32 $_size__tile_overlayer_lowered;
	s8 =	simm.s32 $_tile_overlayer_lowered  }
0x9d: {  	s23 =	simm.s32 $0x1BFF;
	s22 =	sshll.u32 s8, $0x1;
	s5 =	sadd.s32 s6, s20  }
0x9e: {  	s9 =	simm.s32 $0x0;
	s21 =	sshll.u32 s7, $0x1;
	s7 =	sadd.s32 s22, s5  }
0x9f: {  	[timem:s9], [sflag:s23] =	dma.local [hbm:s7], s21  }
0xa0: {  	_ =	swait.ge [sflag:s23], s21  }
0xa1: {  	s6 =	ssub.s32 $0x0, s21;
	[sflag:s23] =	ssyncset.done $0x0  }
0xa2: {  	[sflag:s23] =	ssyncadd.s32 s6;
	_ =	sdelay $0x1  }
0xa3: {  	s24 =	simm.s32 $0x1B8B  }
0xa4: {  	_ =	swait.ge [sflag:s24], $0x1  }
0xa5: {  	[sflag:s24] =	ssyncset.done $0x0  }
0xa6: {  	s25 =	simm.s32 $0x1B8E;
	[sflag:s24] =	ssyncadd.s32 $0xFFFFFFFF  }
0xa7: {  	s26 =	simm.s32 $execute0_lowered;
	[smem:$0x3FD2] =	sst s25  }
0xa8: {  	s6 =	sshll.u32 s26, $0x1;
	_ =	strace $0x80000046;
	[dreg:$0x1] =	wrdreg $0xFFFFFFFF  }
0xa9: {  	s28 =	simm.s32 $_size_execute0_lowered;
	s5 =	sadd.s32 s5, s6;
	[dreg:$0x0] =	wrdreg $0x0  }
0xaa: {  	s6 =	sshll.u32 s28, $0x1;
	[dreg:$0x2] =	wrdreg s5  }
0xab: {  	[dreg:$0x3] =	wrdreg s6  }
0xac: {  	[dreg:$0x4] =	wrdreg $0xC0  }
0xad: {  	_ =	task [dreg:s9], $0x5FFFF  }
0xae: {  	[dreg:$0x1] =	wrdreg $0xFFFFFFFF  }
0xaf: {  	[dreg:$0x0] =	wrdreg $0x60  }
0xb0: {  	[dreg:$0x2] =	wrdreg s2  }
0xb1: {  	[dreg:$0x3] =	wrdreg s19  }
0xb2: {  	[dreg:$0x4] =	wrdreg s4  }
0xb3: {  	[dreg:$0x5] =	wrdreg $0x9  }
0xb4: {  	_ =	task.clear_ibuf [dreg:s9], $0x6FFFF;
	_ =	strace $0x90000046  }
0xb5: {  	s29 =	simm.s32 $0x9;
	_ =	strace $0x80000048  }
0xb6: {  	_ =	swait.ge [sflag:s29], $0x1  }
0xb7: {  	[sflag:s29] =	ssyncadd.s32 $0xFFFFFFFF  }
0xb8: {  	_ =	strace $0x90000048  }
0xb9: {  	_ =	sfence  }
0xba: {  	s30 =	sld [smem:$0x0];
	_ =	sdelay $0x2  }
0xbb: {  	s31 =	sshll.u32 s1, $0xD;
	s1 =	sshrl.u32 s1, $0x2  }
0xbc: {  	s3 =	sand.u32 $0x4000, s31;
	s1 =	sadd.s32 s1, s30  }
0xbd: {  	s0 =	sor.u32 s3, s0;
	s1 =	sshll.u32 s1, $0x11  }
0xbe: {  	s0 =	sor.u32 s1, s0  }
0xbf: {  	s0 =	sadd.s32 $0x8F2B, s0  }
0xc0: {  	[sflag:s0] =	ssyncadd.remote.s32 $0x1  }
0xc1: {  	_ =	sfence.sel $0xFFFF  }
0xc2: {  	[dreg:$0x0] =	wrdreg $0xFFFFFFFF;
	(pc) =	sbr.abs _section_cstart, $3  }
0xc3: {  	[dreg:$0x1] =	wrdreg $0xFFFFFFFF  }
0xc4: {  	_ =	task.clear_ibuf [dreg:s9], $0x2FFFF;
	_ =	strace $0x9FFFFFFF  }
0xc5: {  	(tm) =	ssettm $0x7FFFFFFF  }
tec
execute0_lowered:
.L_overlay_start_1:
0x0: {  	(tag) =	ssettag $0x1  }
0x1: {  	v2 =	vimm.s32 $0x2380;
	vm0 =	vcmask $0x300  }
0x2: {  	s0 =	srdreg.scid;
	v3 =	vimm.s32 $0x6380;
	s22 =	rddreg [dreg:$0x1];
	vm1 =	vcmask $0x704;
	vm15 =	vcmask $0xB08  }
0x3: {  	s1 =	stileid.u32;
	s4 =	rddreg [dreg:$0x2];
	s5 =	simm.s32 $0x0;
	vm4 =	vcmask $0xF0C;
	v2 =	vsel vm0, $0x0, v2;
	v3 =	vsel vm0, $0x4000, v3  }
0x4: {  	vm5 =	vcmask $0x1310;
	s14 =	simm.s32 $0x4000;
	s16 =	simm.s32 $0xC000;
	s15 =	simm.s32 $0x16200;
	v2 =	vsel vm1, $0x80, v2;
	v3 =	vsel vm1, $0x4080, v3  }
0x5: {  	vm6 =	vcmask $0x1714;
	s18 =	simm.s32 $0x16280;
	s13 =	simm.s32 $0x16300;
	s28 =	simm.s32 $0x16580;
	v2 =	vsel vm15, $0x100, v2;
	v3 =	vsel vm15, $0x4100, v3  }
0x6: {  	vm7 =	vcmask $0x1B18;
	s29 =	simm.s32 $0x16600;
	s30 =	simm.s32 $0x16680;
	s31 =	simm.s32 $0x16700;
	v2 =	vsel vm4, $0x180, v2;
	v3 =	vsel vm4, $0x4180, v3  }
0x7: {  	vm8 =	vcmask $0x1F1C;
	s17 =	simm.s32 $0x16880;
	s0 =	sand.u32 $0x1, s0;
	s1 =	sshll.u32 s1, $0x1;
	v2 =	vsel vm5, $0x200, v2;
	v3 =	vsel vm5, $0x4200, v3  }
0x8: {  	vm9 =	vcmask $0x2320;
	s19 =	simm.s32 $0x16900;
	s20 =	simm.s32 $0x16980;
	s1 =	sor.u32 s0, s1;
	v2 =	vsel vm6, $0x280, v2;
	v3 =	vsel vm6, $0x4280, v3  }
0x9: {  	vm10 =	vcmask $0x2724;
	s7 =	simm.s32 $0x0;
	s0 =	ssub.s32 $0x2, s0;
	s2 =	smul.u32 $0x7C00, s1;
	v2 =	vsel vm7, $0x300, v2;
	v3 =	vsel vm7, $0x4300, v3  }
0xa: {  	vm11 =	vcmask $0x2B28;
	[smem:$0x7FF] =	sst s5;
	s6 =	smul.u32 $0x1F, s1;
	s23 =	sshrl.u32 s0, $0x1;
	v2 =	vsel vm8, $0x380, v2;
	v3 =	vsel vm8, $0x4380, v3  }
0xb: {  	vm12 =	vcmask $0x2F2C;
	_ =	strace $0x80000047;
	s1 =	simm.s32 $0x3;
	s0 =	ssub.s32 s0, s23;
	v2 =	vsel vm9, $0x2000, v2;
	v3 =	vsel vm9, $0x6000, v3  }
0xc: {  	vm13 =	vcmask $0x3330;
	s23 =	simm.s32 $0x16380;
	s24 =	sadd.s32 s22, s2;
	[dreg:$0x4] =	wrdreg s6;
	v2 =	vsel vm10, $0x2080, v2;
	v3 =	vsel vm10, $0x6080, v3  }
.Ltmp0:
0xd: {  	vm14 =	vcmask $0x3734;
	s25 =	sadd.s32 $0x1, s6;
	[dreg:$0x5] =	wrdreg s24;
	v2 =	vsel vm11, $0x2100, v2;
	v3 =	vsel vm11, $0x6100, v3;
	(pc) =	sbr.rel .LBB2_1-.Ltmp0, $4  }
0xe: {  	vm15 =	vcmask $0x3B38;
	s3 =	smin.u32 s2, $0xEC641;
	s26 =	sadd.s32 $0x2, s6;
	[dreg:$0x6] =	wrdreg s25;
	v2 =	vsel vm12, $0x2180, v2;
	v3 =	vsel vm12, $0x6180, v3  }
0xf: {  	v0 =	vmov s2;
	s0 =	smax.u32 s0, $0x1;
	s3 =	sadd.s32 $0x7C00, s3;
	[dreg:$0x7] =	wrdreg s26;
	v2 =	vsel vm13, $0x2200, v2;
	v3 =	vsel vm13, $0x6200, v3  }
0x10: {  	[dreg:$0x8] =	wrdreg s0;
	s24 =	simm.s32 $0x16400;
	s25 =	simm.s32 $0x16480;
	v1 =	vmov s3;
	v4 =	vsel vm14, $0x2280, v2;
	v5 =	vsel vm14, $0x6280, v3  }
0x11: {  	s26 =	simm.s32 $0x16500;
	s0 =	simm.s32 $0x16800;
	s3 =	simm.s32 $0x16780;
	v2 =	vlaneseq.u32;
	v3 =	vsel vm15, $0x2300, v4;
	v4 =	vsel vm15, $0x6300, v5  }
.LBB2_29:
0x12: {  	s6 =	simm.s32 $0x1  }
0x13: {  	_ =	swait.ge [sflag:s6], $0x8000  }
0x14: {  	s7 =	rddreg [dreg:$0x9]  }
0x15: {  	s2 =	rddreg [dreg:$0x8];
	s7 =	sadd.s32 $0x1, s7  }
0x16: {  	p0 =	sne.s32 s7, s2  }
.Ltmp1:
0x17: {  	_ = 	snop;
	(pc) =	sbr.rel @!p0 .LBB2_30-.Ltmp1, $3  }
0x18: {  	_ =	sdelay $0x1  }
0x19: {  	[sflag:s6] =	ssyncset.done $0x0  }
0x1a: {  	[sflag:s6] =	ssyncadd.s32 $0xFFFF8000  }
.LBB2_1:
0x1b: {  	[dreg:$0x9] =	wrdreg s7  }
0x1c: {  	s2 =	rddreg [dreg:$0x0];
	s22 =	simm.s32 $0x4  }
0x1d: {  	[tilespmem:s5], [sflag:$0x4] =	stream.linear.gather [hbm4b:s2+s5], $0x4000, $0x38;
	[tilespmem:$0x16A00] =	vst v63  }
0x1e: {  	_ =	swait.ge [sflag:s22], $0x4000  }
0x1f: {  	[sflag:s22] =	ssyncset.done $0x0  }
0x20: {  	[sflag:s22] =	ssyncadd.s32 $0xFFFFC000  }
0x21: {  	v5 =	vld [tilespmem:s5+$0x0];
	_ =	sdelay $0x4  }
0x22: {  	vm0 =	veq.s32 v5, $0xFFFFFFFF  }
0x23: {  	v5 =	vsel vm0, $0xF4240, v5  }
0x24: {  	vm0 =	vge.s32 v5, v0;
	vm1 =	vlt.s32 v5, v1  }
0x25: {  	vm0 =	vmand vm0, vm1  }
0x26: {  	v6 =	vmpcnt.ones.xlane vm0;
	_ =	sdelay $0x1  }
0x27: {  	(v2sf) =	vpush v6, $0x0;
	_ =	sdelay $0x2  }
0x28: {  	[tilespmem:s5+$0x14000] =	vst.msk vm0, v5;
	v5 =	vor.u32 s5, v2  }
0x29: {  	s2 =	simm.s32 $0x10;
	[tilespmem:s5+$0x14880] =	vst.msk vm0, v5  }
0x2a: {  	s7 =	simm.s32 $0x20;
	s6 =	simm.s32 $0x0;
	s8 =	simm.s32 $0x10;
	v5 =	vld [tilespmem:s2+$0x0]  }
.LBB2_2:
0x2b: {  	p0 =	sne.s32 s7, $0x3FF0;
	_ =	sdelay $0x3  }
0x2c: {  	vm0 =	veq.s32 v5, $0xFFFFFFFF  }
0x2d: {  	v5 =	vsel vm0, $0xF4240, v5  }
0x2e: {  	vm0 =	vge.s32 v5, v0;
	vm1 =	vlt.s32 v5, v1  }
0x2f: {  	vm0 =	vmand vm0, vm1  }
0x30: {  	v6 =	vmpcnt.ones.xlane vm0  }
0x31: {  	s9 =	spop (v2sf)  }
0x32: {  	(v2sf) =	vpush v6, $0x0;
	s6 =	sadd.s32 s6, s9  }
.Ltmp2:
0x33: {  	[tilespmem:s6+$0x14000] =	vst.msk vm0, v5;
	v5 =	vor.u32 s2, v2;
	s2 =	smov.u32 s7;
	(pc) =	sbr.rel @p0 .LBB2_2-.Ltmp2, $3  }
0x34: {  	[tilespmem:s6+$0x14880] =	vst.msk vm0, v5;
	_ =	sdelay $0x1  }
0x35: {  	s8 =	sadd.s32 $0x10, s8  }
0x36: {  	s7 =	sadd.s32 $0x10, s7;
	v5 =	vld [tilespmem:s8+$0x0]  }
0x37: {  	_ =	sdelay $0x3  }
0x38: {  	vm0 =	veq.s32 v5, $0xFFFFFFFF  }
0x39: {  	v5 =	vsel vm0, $0xF4240, v5  }
0x3a: {  	vm0 =	vge.s32 v5, v0;
	vm1 =	vlt.s32 v5, v1  }
0x3b: {  	vm0 =	vmand vm0, vm1  }
0x3c: {  	v6 =	vmpcnt.ones.xlane vm0;
	_ =	sdelay $0x1  }
0x3d: {  	(v2sf) =	vpush v6, $0x0;
	_ =	sdelay $0x9  }
0x3e: {  	s7 =	spop (v2sf)  }
0x3f: {  	s6 =	sadd.s32 s6, s7  }
0x40: {  	[tilespmem:s6+$0x14000] =	vst.msk vm0, v5;
	v5 =	vor.u32 s2, v2  }
0x41: {  	s10 =	rddreg [dreg:$0x5];
	s11 =	simm.s32 $0x2000;
	s8 =	simm.s32 $0x7A1400;
	[tilespmem:s6+$0x14880] =	vst.msk vm0, v5  }
0x42: {  	[tilespmem:s14], [sflag:$0x1] =	stream.strided.gather [hbm4b:s10+s11], $0x8000, s8, s11, $0x38;
	[tilespmem:$0x16A00] =	vst v63  }
0x43: {  	s9 =	spop (v2sf)  }
0x44: {  	s2 =	sadd.s32 s6, s9  }
0x45: {  	s12 =	sadd.s32 $0xF, s2  }
0x46: {  	s21 =	sand.u32 $0xF, s12  }
0x47: {  	s22 =	sshra.s32 s12, $0x1F;
	p1 =	slt.s32 s12, $0x1;
	p0 =	sne.s32 s21, $0x0  }
.Ltmp3:
0x48: {  	s7 =	sshrl.u32 s22, $0x1C;
	p0 =	por !p1, !p0;
	(pc) =	sbr.rel .LBB2_4-.Ltmp3, $4  }
0x49: {  	s6 =	sadd.s32 s7, s12;
	s7 =	simm.s32 $0x1;
	p0 =	por !p0, !p0  }
0x4a: {  	s6 =	sshra.s32 s6, $0x4;
	s7 =	simm.s32 @!p0 $0x0  }
0x4b: {  	s6 =	ssub.s32 s6, s7  }
0x4c: {  	v5 =	vmov s2;
	s2 =	simm.s32 $0x0;
	[dreg:$0xa] =	wrdreg s6;
	p0 =	slt.s32 s6, $0x1  }
.LBB2_27:
0x4d: {  	[sflag:s1] =	ssyncset.done $0x0  }
0x4e: {  	[sflag:s1] =	ssyncadd.s32 $0xFFFFFFE0  }
0x4f: {  	_ =	swait.ge [sflag:s1], $0x20  }
0x50: {  	[sflag:s1] =	ssyncset.done $0x0  }
0x51: {  	[sflag:s1] =	ssyncadd.s32 $0xFFFFFFE0  }
0x52: {  	_ =	swait.ge [sflag:s1], $0x20  }
0x53: {  	[sflag:s1] =	ssyncset.done $0x0  }
0x54: {  	[sflag:s1] =	ssyncadd.s32 $0xFFFFFFE0  }
0x55: {  	_ =	swait.ge [sflag:s1], $0x20  }
0x56: {  	[sflag:s1] =	ssyncset.done $0x0  }
0x57: {  	[sflag:s1] =	ssyncadd.s32 $0xFFFFFFE0  }
0x58: {  	_ =	swait.ge [sflag:s1], $0x20  }
0x59: {  	[sflag:s1] =	ssyncset.done $0x0  }
0x5a: {  	[sflag:s1] =	ssyncadd.s32 $0xFFFFFFE0  }
0x5b: {  	_ =	swait.ge [sflag:s1], $0x20  }
0x5c: {  	[sflag:s1] =	ssyncset.done $0x0  }
0x5d: {  	[sflag:s1] =	ssyncadd.s32 $0xFFFFFFE0  }
0x5e: {  	_ =	swait.ge [sflag:s1], $0x20  }
0x5f: {  	[sflag:s1] =	ssyncset.done $0x0  }
0x60: {  	[sflag:s1] =	ssyncadd.s32 $0xFFFFFFE0  }
.LBB2_28:
0x61: {  	s2 =	rddreg [dreg:$0xb]  }
0x62: {  	s2 =	sadd.s32 $0x1, s2  }
0x63: {  	p1 =	sne.s32 s2, $0x10  }
.Ltmp4:
0x64: {  	_ = 	snop;
	(pc) =	sbr.rel @!p1 .LBB2_29-.Ltmp4, $1  }
0x65: {  	_ =	sdelay $0x3  }
.LBB2_4:
0x66: {  	s8 =	sshll.u32 s2, $0x1;
	s9 =	rddreg [dreg:$0x6]  }
0x67: {  	[dreg:$0xb] =	wrdreg s2;
	s2 =	sadd.s32 s8, s9  }
0x68: {  	s2 =	smin.u32 s2, $0x3D0  }
0x69: {  	s22 =	sshll.u32 s2, $0xA  }
0x6a: {  	s10 =	rddreg [dreg:$0x1];
	s6 =	simm.s32 $0x2000;
	s21 =	smin.u32 s22, $0xF3E80  }
0x6b: {  	s7 =	simm.s32 $0x7A1400;
	s11 =	simm.s32 $0x1;
	s2 =	sadd.s32 s10, s21  }
0x6c: {  	[tilespmem:s16], [sflag:$0x2] =	stream.strided.gather [hbm4b:s2+s6], $0x8000, s7, s6, $0x38;
	[tilespmem:$0x16A00] =	vst v63  }
.Ltmp5:
0x6d: {  	_ =	swait.ge [sflag:s11], $0x8000;
	(pc) =	sbr.rel @p0 .LBB2_12-.Ltmp5, $4  }
0x6e: {  	s12 =	rddreg [dreg:$0x4]  }
0x6f: {  	s2 =	sadd.s32 s12, s8  }
0x70: {  	s6 =	simm.s32 $0x0;
	[sflag:s11] =	ssyncset.done $0x0;
	s2 =	smin.u32 s2, $0x3D0  }
0x71: {  	[dreg:$0xe] =	wrdreg s8;
	[sflag:s11] =	ssyncadd.s32 $0xFFFF8000;
	s2 =	sshll.u32 s2, $0xA  }
0x72: {  	s9 =	rddreg [dreg:$0xa]  }
0x73: {  	p2 =	sne.s32 s9, $0x1  }
.Ltmp6:
0x74: {  	_ = 	snop;
	(pc) =	sbr.rel @!p2 .LBB2_6-.Ltmp6, $4  }
0x75: {  	_ = 	snop  }
0x76: {  	s6 =	smin.u32 s2, $0xF3E41  }
0x77: {  	s8 =	simm.s32 $0x14000;
	s7 =	simm.s32 $0x14880;
	s6 =	sadd.s32 $0x400, s6  }
0x78: {  	v6 =	vmov s2;
	p1 =	por $0x0, $0x0;
	v8 =	vld [tilespmem:s8+$0x0];
	s8 =	sadd.s32 $0xFFFFFFFF, s9;
	v7 =	vmov s6;
	s6 =	simm.s32 $0x0  }
0x79: {  	_ =	sdelay $0x2  }
0x7a: {  	v9 =	vor.u32 s6, v2  }
0x7b: {  	vm0 =	vlt.s32 v9, v5;
	vm1 =	vlt.s32 v8, v7  }
0x7c: {  	vm15 =	vge.s32 v8, v6;
	vm0 =	vmand vm0, vm1  }
0x7d: {  	vm0 =	vmand vm0, vm15  }
0x7e: {  	v9 =	vmpcnt.ones.xlane vm0;
	_ =	sdelay $0x1  }
0x7f: {  	v10 =	vld [tilespmem:s7+$0x0];
	(v2sf) =	vpush v9, $0x0  }
0x80: {  	p2 =	sne.s32 s8, $0x1  }
.Ltmp7:
0x81: {  	_ = 	snop;
	(pc) =	sbr.rel @!p2 .LBB2_8-.Ltmp7, $4  }
0x82: {  	_ = 	snop  }
0x83: {  	[tilespmem:s6+$0x15100] =	vst.msk vm0, v8  }
0x84: {  	s11 =	simm.s32 $0x14010;
	s12 =	sadd.s32 $0xFFFFFFFF, s8;
	p1 =	por $0x1, $0x1;
	[tilespmem:s6+$0x15980] =	vst.msk vm0, v10  }
0x85: {  	s10 =	simm.s32 $0x0;
	s8 =	simm.s32 $0x14880;
	s9 =	simm.s32 $0x0;
	v8 =	vld [tilespmem:s11+$0x0]  }
.LBB2_9:
0x86: {  	p2 =	sne.s32 s12, $0x1;
	_ =	sdelay $0x1  }
0x87: {  	s10 =	sadd.s32 $0x10, s10  }
0x88: {  	v9 =	vor.u32 s10, v2  }
0x89: {  	vm0 =	vlt.s32 v9, v5;
	vm1 =	vlt.s32 v8, v7  }
0x8a: {  	s8 =	sadd.s32 $0x10, s8;
	vm2 =	vge.s32 v8, v6;
	vm0 =	vmand vm0, vm1  }
0x8b: {  	v9 =	vld [tilespmem:s8+$0x0];
	vm0 =	vmand vm0, vm2  }
0x8c: {  	v10 =	vmpcnt.ones.xlane vm0  }
0x8d: {  	s13 =	spop (v2sf)  }
0x8e: {  	(v2sf) =	vpush v10, $0x0;
	s9 =	sadd.s32 s9, s13  }
0x8f: {  	[tilespmem:s9+$0x15100] =	vst.msk vm0, v8  }
.Ltmp8:
0x90: {  	[tilespmem:s9+$0x15980] =	vst.msk vm0, v9;
	(pc) =	sbr.rel @p2 .LBB2_9-.Ltmp8, $3  }
0x91: {  	_ =	sdelay $0x1  }
0x92: {  	s11 =	sadd.s32 $0x10, s11  }
0x93: {  	s12 =	sadd.s32 $0xFFFFFFFF, s12;
	v8 =	vld [tilespmem:s11+$0x0]  }
0x94: {  	s13 =	simm.s32 $0x16300  }
.LBB2_11:
0x95: {  	s10 =	sadd.s32 @p1 $0x10, s10;
	s11 =	simm.s32 $0x0  }
0x96: {  	s11 =	smov.u32 @p1 s10  }
0x97: {  	v9 =	vor.u32 s11, v2  }
0x98: {  	vm0 =	vlt.s32 v9, v5;
	vm1 =	vlt.s32 v8, v7  }
0x99: {  	vm2 =	vge.s32 v8, v6;
	vm0 =	vmand vm0, vm1  }
0x9a: {  	vm0 =	vmand vm0, vm2  }
0x9b: {  	v6 =	vmpcnt.ones.xlane vm0;
	_ =	sdelay $0x1  }
0x9c: {  	(v2sf) =	vpush v6, $0x0;
	_ =	sdelay $0x8  }
0x9d: {  	s8 =	sadd.s32 @p1 $0x10, s8  }
0x9e: {  	s7 =	smov.u32 @p1 s8  }
0x9f: {  	v6 =	vld [tilespmem:s7+$0x0]  }
0xa0: {  	s7 =	spop @p1 (v2sf)  }
0xa1: {  	s7 =	sadd.s32 @p1 s9, s7  }
0xa2: {  	s6 =	smov.u32 @p1 s7  }
0xa3: {  	[tilespmem:s6+$0x15100] =	vst.msk vm0, v8;
	s12 =	spop (v2sf)  }
0xa4: {  	[tilespmem:s6+$0x15980] =	vst.msk vm0, v6;
	s6 =	sadd.s32 s6, s12  }
.LBB2_12:
0xa5: {  	s7 =	sadd.s32 $0xF, s6  }
0xa6: {  	s8 =	sand.u32 $0xF, s7  }
0xa7: {  	s9 =	sshra.s32 s7, $0x1F;
	p1 =	slt.s32 s7, $0x1;
	p2 =	sne.s32 s8, $0x0  }
0xa8: {  	s12 =	sshrl.u32 s9, $0x1C;
	p1 =	por !p1, !p2  }
0xa9: {  	s8 =	simm.s32 $0x1;
	s7 =	sadd.s32 s12, s7;
	p1 =	por !p1, !p1  }
0xaa: {  	s7 =	sshra.s32 s7, $0x4;
	s8 =	simm.s32 @!p1 $0x0  }
0xab: {  	s7 =	ssub.s32 s7, s8  }
0xac: {  	p1 =	slt.s32 s7, $0x1  }
.Ltmp9:
0xad: {  	_ = 	snop;
	(pc) =	sbr.rel @p1 .LBB2_16-.Ltmp9, $1  }
0xae: {  	_ =	sdelay $0x3  }
0xaf: {  	s9 =	simm.s32 $0x15980  }
0xb0: {  	s11 =	simm.s32 $0x15100;
	v7 =	vld [tilespmem:s9+$0x0]  }
0xb1: {  	v8 =	vld [tilespmem:s11+$0x0];
	_ =	sdelay $0x2  }
0xb2: {  	s8 =	simm.s32 $0x0  }
0xb3: {  	v6 =	vmov s6;
	v9 =	vor.u32 s8, v2;
	v10 =	vbroadcast v7, $0x0  }
0xb4: {  	vm0 =	vlt.s32 v9, v6;
	v11 =	vbroadcast v8, $0x0  }
0xb5: {  	s2 =	smin.u32 s2, $0xF3E80;
	v9 =	vsel vm0, v7, v10  }
0xb6: {  	v7 =	vmov s2;
	v8 =	vsel vm0, v8, v11;
	v9 =	vshll.u32 v9, $0x2  }
0xb7: {  	v8 =	vsub.s32 v8, v7;
	(v2sf) =	vpush v9, $0x0  }
0xb8: {  	v35 =	vbroadcast v8, $0x0;
	_ =	sdelay $0x1  }
0xb9: {  	v36 =	vshll.u32 v35, $0x3  }
0xba: {  	v10 =	vand.u32 $0x7F, v35;
	v11 =	vand.u32 $0xFFFFFC00, v36  }
0xbb: {  	v10 =	vor.u32 v10, v11  }
0xbc: {  	v11 =	vadd.s32 v4, v10  }
0xbd: {  	v10 =	vadd.s32 v3, v10  }
0xbe: {  	(v2sf) =	vpush v9, $0x1  }
0xbf: {  	v12 =	vbroadcast v8, $0x1;
	_ =	sdelay $0x1  }
0xc0: {  	v13 =	vshll.u32 v12, $0x3;
	v11 =	vld.idx.msk [tilespmem:v11+s14+$0x0], $0xffff  }
0xc1: {  	v12 =	vand.u32 $0x7F, v12;
	v13 =	vand.u32 $0xFFFFFC00, v13;
	v10 =	vld.idx.msk [tilespmem:v10+s14+$0x0], $0xffff  }
0xc2: {  	v12 =	vor.u32 v12, v13  }
0xc3: {  	v13 =	vadd.s32 v3, v12  }
0xc4: {  	v12 =	vadd.s32 v4, v12;
	s10 =	spop (v2sf)  }
0xc5: {  	(v2sf) =	vpush v9, $0x2;
	[tilespmem:$0x16210] =	vst v11;
	s2 =	sand.u32 $0x1FFFFFFC, s10  }
0xc6: {  	v37 =	vbroadcast v8, $0x2;
	[tilespmem:$0x16200] =	vst v10;
	s2 =	sadd.s32 s4, s2  }
0xc7: {  	[hbm4b:s2+s5] =	stream.linear.scatter [tilespmem:s15], [sflag:$0x3], $0x20, $0x38;
	[tilespmem:$0x16A00] =	vst v63  }
0xc8: {  	v38 =	vshll.u32 v37, $0x3;
	v13 =	vld.idx.msk [tilespmem:v13+s14+$0x0], $0xffff  }
0xc9: {  	v11 =	vand.u32 $0x7F, v37;
	v10 =	vand.u32 $0xFFFFFC00, v38;
	v12 =	vld.idx.msk [tilespmem:v12+s14+$0x0], $0xffff  }
0xca: {  	v10 =	vor.u32 v11, v10  }
0xcb: {  	v11 =	vadd.s32 v3, v10  }
0xcc: {  	s12 =	spop (v2sf);
	v10 =	vadd.s32 v4, v10  }
0xcd: {  	(v2sf) =	vpush v9, $0x3;
	s2 =	sand.u32 $0x1FFFFFFC, s12;
	[tilespmem:$0x16280] =	vst v13  }
0xce: {  	v39 =	vbroadcast v8, $0x3;
	s2 =	sadd.s32 s4, s2;
	[tilespmem:$0x16290] =	vst v12  }
0xcf: {  	[hbm4b:s2+s5] =	stream.linear.scatter [tilespmem:s18], [sflag:$0x3], $0x20, $0x38;
	[tilespmem:$0x16A00] =	vst v63  }
0xd0: {  	v40 =	vshll.u32 v39, $0x3;
	v11 =	vld.idx.msk [tilespmem:v11+s14+$0x0], $0xffff  }
0xd1: {  	v13 =	vand.u32 $0x7F, v39;
	v12 =	vand.u32 $0xFFFFFC00, v40;
	v10 =	vld.idx.msk [tilespmem:v10+s14+$0x0], $0xffff  }
0xd2: {  	v12 =	vor.u32 v13, v12  }
0xd3: {  	v13 =	vadd.s32 v3, v12  }
0xd4: {  	[dreg:$0xc] =	wrdreg s21;
	v12 =	vadd.s32 v4, v12;
	s21 =	spop (v2sf)  }
0xd5: {  	(v2sf) =	vpush v9, $0x4;
	s2 =	sand.u32 $0x1FFFFFFC, s21;
	[tilespmem:$0x16300] =	vst v11  }
0xd6: {  	v41 =	vbroadcast v8, $0x4;
	[tilespmem:$0x16310] =	vst v10;
	s2 =	sadd.s32 s4, s2  }
0xd7: {  	[hbm4b:s2+s5] =	stream.linear.scatter [tilespmem:s13], [sflag:$0x3], $0x20, $0x38;
	[tilespmem:$0x16A00] =	vst v63  }
0xd8: {  	v42 =	vshll.u32 v41, $0x3;
	v13 =	vld.idx.msk [tilespmem:v13+s14+$0x0], $0xffff  }
0xd9: {  	v11 =	vand.u32 $0x7F, v41;
	v10 =	vand.u32 $0xFFFFFC00, v42;
	v12 =	vld.idx.msk [tilespmem:v12+s14+$0x0], $0xffff  }
0xda: {  	v10 =	vor.u32 v11, v10  }
0xdb: {  	v11 =	vadd.s32 v3, v10  }
0xdc: {  	[dreg:$0xd] =	wrdreg s22;
	s22 =	spop (v2sf);
	v10 =	vadd.s32 v4, v10  }
0xdd: {  	(v2sf) =	vpush v9, $0x5;
	s2 =	sand.u32 $0x1FFFFFFC, s22;
	[tilespmem:$0x16380] =	vst v13  }
0xde: {  	v43 =	vbroadcast v8, $0x5;
	s2 =	sadd.s32 s4, s2;
	[tilespmem:$0x16390] =	vst v12  }
0xdf: {  	[hbm4b:s2+s5] =	stream.linear.scatter [tilespmem:s23], [sflag:$0x3], $0x20, $0x38;
	[tilespmem:$0x16A00] =	vst v63  }
0xe0: {  	v44 =	vshll.u32 v43, $0x3;
	v11 =	vld.idx.msk [tilespmem:v11+s14+$0x0], $0xffff  }
0xe1: {  	v13 =	vand.u32 $0x7F, v43;
	v12 =	vand.u32 $0xFFFFFC00, v44;
	v10 =	vld.idx.msk [tilespmem:v10+s14+$0x0], $0xffff  }
0xe2: {  	v12 =	vor.u32 v13, v12  }
0xe3: {  	v13 =	vadd.s32 v3, v12  }
0xe4: {  	v12 =	vadd.s32 v4, v12;
	s23 =	spop (v2sf)  }
0xe5: {  	(v2sf) =	vpush v9, $0x6;
	s2 =	sand.u32 $0x1FFFFFFC, s23;
	[tilespmem:$0x16400] =	vst v11  }
0xe6: {  	v45 =	vbroadcast v8, $0x6;
	[tilespmem:$0x16410] =	vst v10;
	s2 =	sadd.s32 s4, s2  }
0xe7: {  	[hbm4b:s2+s5] =	stream.linear.scatter [tilespmem:s24], [sflag:$0x3], $0x20, $0x38;
	[tilespmem:$0x16A00] =	vst v63  }
0xe8: {  	v46 =	vshll.u32 v45, $0x3;
	v13 =	vld.idx.msk [tilespmem:v13+s14+$0x0], $0xffff  }
0xe9: {  	v11 =	vand.u32 $0x7F, v45;
	v10 =	vand.u32 $0xFFFFFC00, v46;
	v12 =	vld.idx.msk [tilespmem:v12+s14+$0x0], $0xffff  }
0xea: {  	v10 =	vor.u32 v11, v10  }
0xeb: {  	v11 =	vadd.s32 v3, v10  }
0xec: {  	s6 =	spop (v2sf);
	v10 =	vadd.s32 v4, v10  }
0xed: {  	(v2sf) =	vpush v9, $0x7;
	s2 =	sand.u32 $0x1FFFFFFC, s6;
	[tilespmem:$0x16480] =	vst v13  }
0xee: {  	v47 =	vbroadcast v8, $0x7;
	s2 =	sadd.s32 s4, s2;
	[tilespmem:$0x16490] =	vst v12  }
0xef: {  	[hbm4b:s2+s5] =	stream.linear.scatter [tilespmem:s25], [sflag:$0x3], $0x20, $0x38;
	[tilespmem:$0x16A00] =	vst v63  }
0xf0: {  	v48 =	vshll.u32 v47, $0x3;
	v11 =	vld.idx.msk [tilespmem:v11+s14+$0x0], $0xffff  }
0xf1: {  	v13 =	vand.u32 $0x7F, v47;
	v12 =	vand.u32 $0xFFFFFC00, v48;
	v10 =	vld.idx.msk [tilespmem:v10+s14+$0x0], $0xffff  }
0xf2: {  	v12 =	vor.u32 v13, v12  }
0xf3: {  	v13 =	vadd.s32 v3, v12  }
0xf4: {  	v12 =	vadd.s32 v4, v12;
	s8 =	spop (v2sf)  }
0xf5: {  	(v2sf) =	vpush v9, $0x8;
	s2 =	sand.u32 $0x1FFFFFFC, s8;
	[tilespmem:$0x16500] =	vst v11  }
0xf6: {  	v49 =	vbroadcast v8, $0x8;
	[tilespmem:$0x16510] =	vst v10;
	s2 =	sadd.s32 s4, s2  }
0xf7: {  	[hbm4b:s2+s5] =	stream.linear.scatter [tilespmem:s26], [sflag:$0x3], $0x20, $0x38;
	[tilespmem:$0x16A00] =	vst v63  }
0xf8: {  	v50 =	vshll.u32 v49, $0x3;
	v13 =	vld.idx.msk [tilespmem:v13+s14+$0x0], $0xffff  }
0xf9: {  	v11 =	vand.u32 $0x7F, v49;
	v10 =	vand.u32 $0xFFFFFC00, v50;
	v12 =	vld.idx.msk [tilespmem:v12+s14+$0x0], $0xffff  }
0xfa: {  	v10 =	vor.u32 v11, v10  }
0xfb: {  	v11 =	vadd.s32 v3, v10  }
0xfc: {  	s10 =	spop (v2sf);
	v10 =	vadd.s32 v4, v10  }
0xfd: {  	(v2sf) =	vpush v9, $0x9;
	s2 =	sand.u32 $0x1FFFFFFC, s10;
	[tilespmem:$0x16580] =	vst v13  }
0xfe: {  	v51 =	vbroadcast v8, $0x9;
	s2 =	sadd.s32 s4, s2;
	[tilespmem:$0x16590] =	vst v12  }
0xff: {  	[hbm4b:s2+s5] =	stream.linear.scatter [tilespmem:s28], [sflag:$0x3], $0x20, $0x38;
	[tilespmem:$0x16A00] =	vst v63  }
0x100: {  	v52 =	vshll.u32 v51, $0x3;
	v11 =	vld.idx.msk [tilespmem:v11+s14+$0x0], $0xffff  }
0x101: {  	v13 =	vand.u32 $0x7F, v51;
	v12 =	vand.u32 $0xFFFFFC00, v52;
	v10 =	vld.idx.msk [tilespmem:v10+s14+$0x0], $0xffff  }
0x102: {  	v12 =	vor.u32 v13, v12  }
0x103: {  	v13 =	vadd.s32 v3, v12  }
0x104: {  	v12 =	vadd.s32 v4, v12;
	s12 =	spop (v2sf)  }
0x105: {  	(v2sf) =	vpush v9, $0xA;
	s2 =	sand.u32 $0x1FFFFFFC, s12;
	[tilespmem:$0x16600] =	vst v11  }
0x106: {  	v53 =	vbroadcast v8, $0xA;
	[tilespmem:$0x16610] =	vst v10;
	s2 =	sadd.s32 s4, s2  }
0x107: {  	[hbm4b:s2+s5] =	stream.linear.scatter [tilespmem:s29], [sflag:$0x3], $0x20, $0x38;
	[tilespmem:$0x16A00] =	vst v63  }
0x108: {  	v54 =	vshll.u32 v53, $0x3;
	v13 =	vld.idx.msk [tilespmem:v13+s14+$0x0], $0xffff  }
0x109: {  	v11 =	vand.u32 $0x7F, v53;
	v10 =	vand.u32 $0xFFFFFC00, v54;
	v12 =	vld.idx.msk [tilespmem:v12+s14+$0x0], $0xffff  }
0x10a: {  	v10 =	vor.u32 v11, v10  }
0x10b: {  	v11 =	vadd.s32 v3, v10  }
0x10c: {  	s13 =	spop (v2sf);
	v10 =	vadd.s32 v4, v10  }
0x10d: {  	(v2sf) =	vpush v9, $0xB;
	s2 =	sand.u32 $0x1FFFFFFC, s13;
	[tilespmem:$0x16680] =	vst v13  }
0x10e: {  	v55 =	vbroadcast v8, $0xB;
	s2 =	sadd.s32 s4, s2;
	[tilespmem:$0x16690] =	vst v12  }
0x10f: {  	[hbm4b:s2+s5] =	stream.linear.scatter [tilespmem:s30], [sflag:$0x3], $0x20, $0x38;
	[tilespmem:$0x16A00] =	vst v63  }
0x110: {  	v56 =	vshll.u32 v55, $0x3;
	v11 =	vld.idx.msk [tilespmem:v11+s14+$0x0], $0xffff  }
0x111: {  	v13 =	vand.u32 $0x7F, v55;
	v12 =	vand.u32 $0xFFFFFC00, v56;
	v10 =	vld.idx.msk [tilespmem:v10+s14+$0x0], $0xffff  }
0x112: {  	v12 =	vor.u32 v13, v12  }
0x113: {  	v13 =	vadd.s32 v3, v12  }
0x114: {  	v12 =	vadd.s32 v4, v12;
	s21 =	spop (v2sf)  }
0x115: {  	(v2sf) =	vpush v9, $0xC;
	s2 =	sand.u32 $0x1FFFFFFC, s21;
	[tilespmem:$0x16700] =	vst v11  }
0x116: {  	v57 =	vbroadcast v8, $0xC;
	[tilespmem:$0x16710] =	vst v10;
	s2 =	sadd.s32 s4, s2  }
0x117: {  	[hbm4b:s2+s5] =	stream.linear.scatter [tilespmem:s31], [sflag:$0x3], $0x20, $0x38;
	[tilespmem:$0x16A00] =	vst v63  }
0x118: {  	v58 =	vshll.u32 v57, $0x3;
	v13 =	vld.idx.msk [tilespmem:v13+s14+$0x0], $0xffff  }
0x119: {  	v11 =	vand.u32 $0x7F, v57;
	v10 =	vand.u32 $0xFFFFFC00, v58;
	v12 =	vld.idx.msk [tilespmem:v12+s14+$0x0], $0xffff  }
0x11a: {  	v10 =	vor.u32 v11, v10  }
0x11b: {  	v11 =	vadd.s32 v3, v10  }
0x11c: {  	s22 =	spop (v2sf);
	v10 =	vadd.s32 v4, v10  }
0x11d: {  	(v2sf) =	vpush v9, $0xD;
	s2 =	sand.u32 $0x1FFFFFFC, s22;
	[tilespmem:$0x16780] =	vst v13  }
0x11e: {  	v59 =	vbroadcast v8, $0xD;
	s2 =	sadd.s32 s4, s2;
	[tilespmem:$0x16790] =	vst v12  }
0x11f: {  	[hbm4b:s2+s5] =	stream.linear.scatter [tilespmem:s3], [sflag:$0x3], $0x20, $0x38;
	[tilespmem:$0x16A00] =	vst v63  }
0x120: {  	v60 =	vshll.u32 v59, $0x3;
	v11 =	vld.idx.msk [tilespmem:v11+s14+$0x0], $0xffff  }
0x121: {  	v12 =	vand.u32 $0xFFFFFC00, v60;
	v13 =	vand.u32 $0x7F, v59;
	v10 =	vld.idx.msk [tilespmem:v10+s14+$0x0], $0xffff  }
0x122: {  	v12 =	vor.u32 v13, v12  }
0x123: {  	v13 =	vadd.s32 v3, v12  }
0x124: {  	v12 =	vadd.s32 v4, v12;
	s23 =	spop (v2sf)  }
0x125: {  	(v2sf) =	vpush v9, $0xE;
	s2 =	sand.u32 $0x1FFFFFFC, s23;
	[tilespmem:$0x16800] =	vst v11  }
0x126: {  	v61 =	vbroadcast v8, $0xE;
	[tilespmem:$0x16810] =	vst v10;
	s2 =	sadd.s32 s4, s2  }
0x127: {  	[hbm4b:s2+s5] =	stream.linear.scatter [tilespmem:s0], [sflag:$0x3], $0x20, $0x38;
	[tilespmem:$0x16A00] =	vst v63  }
0x128: {  	v62 =	vshll.u32 v61, $0x3;
	v13 =	vld.idx.msk [tilespmem:v13+s14+$0x0], $0xffff  }
0x129: {  	v11 =	vand.u32 $0x7F, v61;
	v10 =	vand.u32 $0xFFFFFC00, v62;
	v12 =	vld.idx.msk [tilespmem:v12+s14+$0x0], $0xffff  }
0x12a: {  	v10 =	vor.u32 v11, v10  }
0x12b: {  	v11 =	vadd.s32 v3, v10  }
0x12c: {  	s24 =	spop (v2sf);
	v10 =	vadd.s32 v4, v10  }
0x12d: {  	(v2sf) =	vpush v9, $0xF;
	s2 =	sand.u32 $0x1FFFFFFC, s24;
	[tilespmem:$0x16880] =	vst v13  }
0x12e: {  	v8 =	vbroadcast v8, $0xF;
	s2 =	sadd.s32 s4, s2;
	[tilespmem:$0x16890] =	vst v12  }
0x12f: {  	[hbm4b:s2+s5] =	stream.linear.scatter [tilespmem:s17], [sflag:$0x3], $0x20, $0x38;
	[tilespmem:$0x16A00] =	vst v63  }
0x130: {  	v63 =	vshll.u32 v8, $0x3;
	v11 =	vld.idx.msk [tilespmem:v11+s14+$0x0], $0xffff  }
0x131: {  	v8 =	vand.u32 $0x7F, v8;
	v9 =	vand.u32 $0xFFFFFC00, v63;
	v10 =	vld.idx.msk [tilespmem:v10+s14+$0x0], $0xffff  }
0x132: {  	v8 =	vor.u32 v8, v9  }
0x133: {  	v9 =	vadd.s32 v3, v8  }
0x134: {  	v8 =	vadd.s32 v4, v8;
	s25 =	spop (v2sf)  }
0x135: {  	s2 =	sand.u32 $0x1FFFFFFC, s25;
	[tilespmem:$0x16900] =	vst v11  }
0x136: {  	[tilespmem:$0x16910] =	vst v10;
	s2 =	sadd.s32 s4, s2  }
0x137: {  	[hbm4b:s2+s5] =	stream.linear.scatter [tilespmem:s19], [sflag:$0x3], $0x20, $0x38;
	[tilespmem:$0x16A00] =	vst v63  }
0x138: {  	v9 =	vld.idx.msk [tilespmem:v9+s14+$0x0], $0xffff  }
0x139: {  	v8 =	vld.idx.msk [tilespmem:v8+s14+$0x0], $0xffff;
	_ =	sdelay $0x2  }
0x13a: {  	s26 =	spop (v2sf)  }
0x13b: {  	s2 =	sand.u32 $0x1FFFFFFC, s26;
	[tilespmem:$0x16980] =	vst v9  }
0x13c: {  	s2 =	sadd.s32 s4, s2;
	[tilespmem:$0x16990] =	vst v8  }
0x13d: {  	[hbm4b:s2+s5] =	stream.linear.scatter [tilespmem:s20], [sflag:$0x3], $0x20, $0x38;
	[tilespmem:$0x16A00] =	vst v63  }
0x13e: {  	_ =	swait.ge [sflag:s1], $0x20  }
0x13f: {  	[sflag:s1] =	ssyncset.done $0x0  }
0x140: {  	[sflag:s1] =	ssyncadd.s32 $0xFFFFFFE0  }
0x141: {  	_ =	swait.ge [sflag:s1], $0x20  }
0x142: {  	[sflag:s1] =	ssyncset.done $0x0  }
0x143: {  	[sflag:s1] =	ssyncadd.s32 $0xFFFFFFE0  }
0x144: {  	_ =	swait.ge [sflag:s1], $0x20  }
0x145: {  	[sflag:s1] =	ssyncset.done $0x0  }
0x146: {  	[sflag:s1] =	ssyncadd.s32 $0xFFFFFFE0  }
0x147: {  	_ =	swait.ge [sflag:s1], $0x20  }
0x148: {  	[sflag:s1] =	ssyncset.done $0x0  }
0x149: {  	[sflag:s1] =	ssyncadd.s32 $0xFFFFFFE0  }
0x14a: {  	_ =	swait.ge [sflag:s1], $0x20  }
0x14b: {  	[sflag:s1] =	ssyncset.done $0x0  }
0x14c: {  	[sflag:s1] =	ssyncadd.s32 $0xFFFFFFE0  }
0x14d: {  	_ =	swait.ge [sflag:s1], $0x20  }
0x14e: {  	[sflag:s1] =	ssyncset.done $0x0  }
0x14f: {  	[sflag:s1] =	ssyncadd.s32 $0xFFFFFFE0  }
0x150: {  	_ =	swait.ge [sflag:s1], $0x20  }
0x151: {  	[sflag:s1] =	ssyncset.done $0x0  }
0x152: {  	[sflag:s1] =	ssyncadd.s32 $0xFFFFFFE0  }
0x153: {  	p1 =	sne.s32 s7, $0x1;
	s28 =	simm.s32 $0x16500;
	_ =	swait.ge [sflag:s1], $0x20  }
0x154: {  	s29 =	simm.s32 $0x16580;
	s13 =	sadd.s32 $0xFFFFFFFF, s7;
	[sflag:s1] =	ssyncset.done $0x0  }
.Ltmp10:
0x155: {  	s7 =	simm.s32 $0x10;
	[sflag:s1] =	ssyncadd.s32 $0xFFFFFFE0;
	(pc) =	sbr.rel @!p1 .LBB2_15-.Ltmp10, $4  }
0x156: {  	s30 =	simm.s32 $0x16600;
	s31 =	simm.s32 $0x16680;
	_ =	swait.ge [sflag:s1], $0x20  }
0x157: {  	s3 =	simm.s32 $0x16700;
	s23 =	simm.s32 $0x16300;
	[sflag:s1] =	ssyncset.done $0x0  }
0x158: {  	s0 =	simm.s32 $0x16800;
	s24 =	simm.s32 $0x16380;
	[sflag:s1] =	ssyncadd.s32 $0xFFFFFFE0  }
0x159: {  	s25 =	simm.s32 $0x16400;
	s26 =	simm.s32 $0x16480;
	_ =	swait.ge [sflag:s1], $0x20  }
.LBB2_14:
0x15a: {  	[sflag:s1] =	ssyncset.done $0x0;
	s11 =	sadd.s32 $0x10, s11;
	s9 =	sadd.s32 $0x10, s9  }
0x15b: {  	p1 =	sne.s32 s13, $0x1;
	s13 =	sadd.s32 $0xFFFFFFFF, s13;
	[sflag:s1] =	ssyncadd.s32 $0xFFFFFFE0  }
0x15c: {  	_ =	swait.ge [sflag:s1], $0x20  }
0x15d: {  	[sflag:s1] =	ssyncset.done $0x0  }
0x15e: {  	[sflag:s1] =	ssyncadd.s32 $0xFFFFFFE0  }
0x15f: {  	_ =	swait.ge [sflag:s1], $0x20  }
0x160: {  	[sflag:s1] =	ssyncset.done $0x0  }
0x161: {  	[sflag:s1] =	ssyncadd.s32 $0xFFFFFFE0  }
0x162: {  	_ =	swait.ge [sflag:s1], $0x20  }
0x163: {  	[sflag:s1] =	ssyncset.done $0x0  }
0x164: {  	[sflag:s1] =	ssyncadd.s32 $0xFFFFFFE0  }
0x165: {  	_ =	swait.ge [sflag:s1], $0x20  }
0x166: {  	[sflag:s1] =	ssyncset.done $0x0  }
0x167: {  	[sflag:s1] =	ssyncadd.s32 $0xFFFFFFE0  }
0x168: {  	_ =	swait.ge [sflag:s1], $0x20  }
0x169: {  	[sflag:s1] =	ssyncset.done $0x0  }
0x16a: {  	[sflag:s1] =	ssyncadd.s32 $0xFFFFFFE0  }
0x16b: {  	_ =	swait.ge [sflag:s1], $0x20  }
0x16c: {  	[sflag:s1] =	ssyncset.done $0x0  }
0x16d: {  	[sflag:s1] =	ssyncadd.s32 $0xFFFFFFE0  }
0x16e: {  	v8 =	vld [tilespmem:s11+$0x0]  }
0x16f: {  	v9 =	vld [tilespmem:s9+$0x0];
	_ =	sdelay $0x3  }
0x170: {  	v10 =	vor.u32 s7, v2;
	v11 =	vbroadcast v8, $0x0  }
0x171: {  	vm0 =	vlt.s32 v10, v6;
	v10 =	vbroadcast v9, $0x0  }
0x172: {  	v8 =	vsel vm0, v8, v11  }
0x173: {  	v10 =	vsel vm0, v9, v10;
	v9 =	vsub.s32 v8, v7  }
0x174: {  	v11 =	vbroadcast v9, $0x0;
	v8 =	vshll.u32 v10, $0x2;
	v10 =	vbroadcast v9, $0x1  }
0x175: {  	v12 =	vbroadcast v9, $0x2;
	v13 =	vbroadcast v9, $0x3;
	(v2sf) =	vpush v8, $0x0  }
0x176: {  	v14 =	vshll.u32 v11, $0x3;
	v15 =	vshll.u32 v10, $0x3;
	(v2sf) =	vpush v8, $0x1  }
0x177: {  	v11 =	vand.u32 $0x7F, v11;
	v14 =	vand.u32 $0xFFFFFC00, v14;
	v15 =	vand.u32 $0xFFFFFC00, v15  }
0x178: {  	v10 =	vand.u32 $0x7F, v10;
	v11 =	vor.u32 v11, v14;
	v14 =	vshll.u32 v12, $0x3  }
0x179: {  	v10 =	vor.u32 v10, v15;
	v16 =	vadd.s32 v3, v11;
	v11 =	vadd.s32 v4, v11  }
0x17a: {  	v12 =	vand.u32 $0x7F, v12;
	v14 =	vand.u32 $0xFFFFFC00, v14;
	(v2sf) =	vpush v8, $0x2  }
0x17b: {  	v12 =	vor.u32 v12, v14;
	v14 =	vshll.u32 v13, $0x3;
	(v2sf) =	vpush v8, $0x3  }
0x17c: {  	v13 =	vand.u32 $0x7F, v13;
	v14 =	vand.u32 $0xFFFFFC00, v14;
	(v2sf) =	vpush v8, $0x4  }
0x17d: {  	v14 =	vor.u32 v13, v14;
	v13 =	vbroadcast v9, $0x4;
	(v2sf) =	vpush v8, $0x5  }
0x17e: {  	v17 =	vbroadcast v9, $0x6;
	v15 =	vbroadcast v9, $0x5;
	(v2sf) =	vpush v8, $0x6  }
0x17f: {  	v20 =	vbroadcast v9, $0x7;
	v18 =	vshll.u32 v13, $0x3;
	v11 =	vld.idx.msk [tilespmem:v11+s14+$0x0], $0xffff;
	(v2sf) =	vpush v8, $0x7  }
0x180: {  	v21 =	vshll.u32 v15, $0x3;
	v13 =	vand.u32 $0x7F, v13;
	v18 =	vand.u32 $0xFFFFFC00, v18;
	v16 =	vld.idx.msk [tilespmem:v16+s14+$0x0], $0xffff  }
0x181: {  	v19 =	vor.u32 v13, v18;
	v13 =	vand.u32 $0x7F, v15;
	v15 =	vand.u32 $0xFFFFFC00, v21  }
0x182: {  	v21 =	vadd.s32 v3, v10;
	v18 =	vor.u32 v13, v15;
	v13 =	vshll.u32 v17, $0x3  }
0x183: {  	v10 =	vadd.s32 v4, v10;
	v15 =	vand.u32 $0x7F, v17;
	v13 =	vand.u32 $0xFFFFFC00, v13  }
0x184: {  	v17 =	vor.u32 v15, v13;
	v13 =	vshll.u32 v20, $0x3;
	s2 =	spop (v2sf);
	(v2sf) =	vpush v8, $0x8  }
0x185: {  	v15 =	vbroadcast v9, $0x8;
	v13 =	vand.u32 $0xFFFFFC00, v13;
	[tilespmem:$0x16210] =	vst v11;
	s2 =	sand.u32 $0x1FFFFFFC, s2;
	v11 =	vand.u32 $0x7F, v20;
	s6 =	spop (v2sf)  }
0x186: {  	[tilespmem:$0x16200] =	vst v16;
	s2 =	sadd.s32 s4, s2;
	s6 =	sand.u32 $0x1FFFFFFC, s6;
	v16 =	vor.u32 v11, v13;
	v11 =	vbroadcast v9, $0x9;
	(v2sf) =	vpush v8, $0x9  }
0x187: {  	v20 =	vbroadcast v9, $0xA;
	v13 =	vshll.u32 v15, $0x3;
	[hbm4b:s2+s5] =	stream.linear.scatter [tilespmem:s15], [sflag:$0x3], $0x20, $0x38;
	(v2sf) =	vpush v8, $0xA;
	[tilespmem:$0x16A00] =	vst v63  }
0x188: {  	v15 =	vand.u32 $0x7F, v15;
	v13 =	vand.u32 $0xFFFFFC00, v13;
	v21 =	vld.idx.msk [tilespmem:v21+s14+$0x0], $0xffff;
	v22 =	vshll.u32 v11, $0x3  }
0x189: {  	v15 =	vor.u32 v15, v13;
	v23 =	vld.idx.msk [tilespmem:v10+s14+$0x0], $0xffff;
	v10 =	vand.u32 $0x7F, v11;
	v11 =	vand.u32 $0xFFFFFC00, v22;
	s2 =	spop (v2sf)  }
0x18a: {  	v22 =	vbroadcast v9, $0xB;
	s2 =	sand.u32 $0x1FFFFFFC, s2;
	v13 =	vor.u32 v10, v11;
	v10 =	vshll.u32 v20, $0x3;
	s8 =	spop (v2sf)  }
0x18b: {  	v11 =	vand.u32 $0x7F, v20;
	s15 =	sand.u32 $0x1FFFFFFC, s8;
	v10 =	vand.u32 $0xFFFFFC00, v10;
	s8 =	spop (v2sf);
	(v2sf) =	vpush v8, $0xB  }
0x18c: {  	v20 =	vadd.s32 v3, v12;
	s22 =	sand.u32 $0x1FFFFFFC, s8;
	v11 =	vor.u32 v11, v10;
	v10 =	vshll.u32 v22, $0x3;
	s8 =	spop (v2sf)  }
0x18d: {  	v12 =	vadd.s32 v4, v12;
	v22 =	vand.u32 $0x7F, v22;
	s21 =	sand.u32 $0x1FFFFFFC, s8;
	v10 =	vand.u32 $0xFFFFFC00, v10;
	s8 =	spop (v2sf)  }
0x18e: {  	[tilespmem:$0x16280] =	vst v21;
	s20 =	sand.u32 $0x1FFFFFFC, s8;
	v10 =	vor.u32 v22, v10;
	v21 =	vbroadcast v9, $0xC;
	s8 =	spop (v2sf);
	(v2sf) =	vpush v8, $0xC  }
0x18f: {  	s6 =	sadd.s32 s4, s6;
	v22 =	vbroadcast v9, $0xD;
	[tilespmem:$0x16290] =	vst v23;
	s17 =	sand.u32 $0x1FFFFFFC, s8;
	v23 =	vbroadcast v9, $0xE;
	(v2sf) =	vpush v8, $0xD  }
0x190: {  	v9 =	vbroadcast v9, $0xF;
	[hbm4b:s6+s5] =	stream.linear.scatter [tilespmem:s18], [sflag:$0x3], $0x20, $0x38;
	v24 =	vshll.u32 v21, $0x3;
	(v2sf) =	vpush v8, $0xE;
	[tilespmem:$0x16A00] =	vst v63  }
0x191: {  	v21 =	vand.u32 $0x7F, v21;
	v25 =	vshll.u32 v22, $0x3;
	v20 =	vld.idx.msk [tilespmem:v20+s14+$0x0], $0xffff;
	v24 =	vand.u32 $0xFFFFFC00, v24  }
0x192: {  	v26 =	vld.idx.msk [tilespmem:v12+s14+$0x0], $0xffff;
	v12 =	vor.u32 v21, v24;
	v21 =	vand.u32 $0xFFFFFC00, v25;
	v24 =	vshll.u32 v9, $0x3  }
0x193: {  	v22 =	vand.u32 $0x7F, v22;
	v27 =	vand.u32 $0x7F, v9;
	v25 =	vshll.u32 v23, $0x3;
	s6 =	spop (v2sf)  }
0x194: {  	v9 =	vand.u32 $0x7F, v23;
	v23 =	vand.u32 $0xFFFFFC00, v25;
	s19 =	sand.u32 $0x1FFFFFFC, s6;
	(v2sf) =	vpush v8, $0xF  }
0x195: {  	v25 =	vadd.s32 v3, v14;
	v9 =	vor.u32 v9, v23;
	v8 =	vand.u32 $0xFFFFFC00, v24;
	s6 =	spop (v2sf)  }
0x196: {  	v23 =	vadd.s32 v4, v14;
	v14 =	vor.u32 v22, v21;
	v8 =	vor.u32 v27, v8;
	s18 =	sand.u32 $0x1FFFFFFC, s6;
	s6 =	spop (v2sf)  }
0x197: {  	[tilespmem:$0x16300] =	vst v20;
	s10 =	sand.u32 $0x1FFFFFFC, s6  }
0x198: {  	s2 =	sadd.s32 s4, s2;
	[tilespmem:$0x16310] =	vst v26  }
0x199: {  	[hbm4b:s2+s5] =	stream.linear.scatter [tilespmem:s23], [sflag:$0x3], $0x20, $0x38;
	[tilespmem:$0x16A00] =	vst v63  }
0x19a: {  	v20 =	vld.idx.msk [tilespmem:v25+s14+$0x0], $0xffff;
	s2 =	spop (v2sf)  }
0x19b: {  	v21 =	vld.idx.msk [tilespmem:v23+s14+$0x0], $0xffff;
	s8 =	sand.u32 $0x1FFFFFFC, s2;
	_ =	sdelay $0x1  }
0x19c: {  	s2 =	spop (v2sf)  }
0x19d: {  	v22 =	vadd.s32 v3, v19;
	s6 =	sand.u32 $0x1FFFFFFC, s2;
	s2 =	spop (v2sf)  }
0x19e: {  	v19 =	vadd.s32 v4, v19;
	s2 =	sand.u32 $0x1FFFFFFC, s2;
	s12 =	spop (v2sf)  }
0x19f: {  	[tilespmem:$0x16380] =	vst v20;
	s12 =	sand.u32 $0x1FFFFFFC, s12  }
0x1a0: {  	s15 =	sadd.s32 s4, s15;
	[tilespmem:$0x16390] =	vst v21  }
0x1a1: {  	[hbm4b:s15+s5] =	stream.linear.scatter [tilespmem:s24], [sflag:$0x3], $0x20, $0x38;
	[tilespmem:$0x16A00] =	vst v63  }
0x1a2: {  	v20 =	vld.idx.msk [tilespmem:v22+s14+$0x0], $0xffff;
	s15 =	spop (v2sf)  }
0x1a3: {  	v19 =	vld.idx.msk [tilespmem:v19+s14+$0x0], $0xffff;
	s15 =	sand.u32 $0x1FFFFFFC, s15;
	_ =	sdelay $0x2  }
0x1a4: {  	v21 =	vadd.s32 v3, v18  }
0x1a5: {  	v18 =	vadd.s32 v4, v18  }
0x1a6: {  	[tilespmem:$0x16400] =	vst v20  }
0x1a7: {  	s22 =	sadd.s32 s4, s22;
	[tilespmem:$0x16410] =	vst v19  }
0x1a8: {  	[hbm4b:s22+s5] =	stream.linear.scatter [tilespmem:s25], [sflag:$0x3], $0x20, $0x38;
	[tilespmem:$0x16A00] =	vst v63  }
0x1a9: {  	v19 =	vld.idx.msk [tilespmem:v21+s14+$0x0], $0xffff  }
0x1aa: {  	v18 =	vld.idx.msk [tilespmem:v18+s14+$0x0], $0xffff;
	_ =	sdelay $0x2  }
0x1ab: {  	v20 =	vadd.s32 v3, v17  }
0x1ac: {  	v17 =	vadd.s32 v4, v17  }
0x1ad: {  	[tilespmem:$0x16480] =	vst v19  }
0x1ae: {  	s21 =	sadd.s32 s4, s21;
	[tilespmem:$0x16490] =	vst v18  }
0x1af: {  	[hbm4b:s21+s5] =	stream.linear.scatter [tilespmem:s26], [sflag:$0x3], $0x20, $0x38;
	[tilespmem:$0x16A00] =	vst v63  }
0x1b0: {  	v18 =	vld.idx.msk [tilespmem:v20+s14+$0x0], $0xffff  }
0x1b1: {  	v17 =	vld.idx.msk [tilespmem:v17+s14+$0x0], $0xffff;
	_ =	sdelay $0x2  }
0x1b2: {  	v19 =	vadd.s32 v3, v16  }
0x1b3: {  	v16 =	vadd.s32 v4, v16  }
0x1b4: {  	[tilespmem:$0x16500] =	vst v18  }
0x1b5: {  	s20 =	sadd.s32 s4, s20;
	[tilespmem:$0x16510] =	vst v17  }
0x1b6: {  	[hbm4b:s20+s5] =	stream.linear.scatter [tilespmem:s28], [sflag:$0x3], $0x20, $0x38;
	[tilespmem:$0x16A00] =	vst v63  }
0x1b7: {  	s20 =	simm.s32 $0x16980  }
0x1b8: {  	v17 =	vld.idx.msk [tilespmem:v19+s14+$0x0], $0xffff  }
0x1b9: {  	v16 =	vld.idx.msk [tilespmem:v16+s14+$0x0], $0xffff;
	_ =	sdelay $0x2  }
0x1ba: {  	v18 =	vadd.s32 v3, v15  }
0x1bb: {  	v15 =	vadd.s32 v4, v15  }
0x1bc: {  	[tilespmem:$0x16580] =	vst v17  }
0x1bd: {  	s17 =	sadd.s32 s4, s17;
	[tilespmem:$0x16590] =	vst v16  }
0x1be: {  	[hbm4b:s17+s5] =	stream.linear.scatter [tilespmem:s29], [sflag:$0x3], $0x20, $0x38;
	[tilespmem:$0x16A00] =	vst v63  }
0x1bf: {  	v16 =	vld.idx.msk [tilespmem:v18+s14+$0x0], $0xffff  }
0x1c0: {  	v15 =	vld.idx.msk [tilespmem:v15+s14+$0x0], $0xffff;
	_ =	sdelay $0x2  }
0x1c1: {  	v17 =	vadd.s32 v3, v13  }
0x1c2: {  	v13 =	vadd.s32 v4, v13  }
0x1c3: {  	[tilespmem:$0x16600] =	vst v16  }
0x1c4: {  	s17 =	sadd.s32 s4, s19;
	s19 =	simm.s32 $0x16900;
	[tilespmem:$0x16610] =	vst v15  }
0x1c5: {  	[hbm4b:s17+s5] =	stream.linear.scatter [tilespmem:s30], [sflag:$0x3], $0x20, $0x38;
	[tilespmem:$0x16A00] =	vst v63  }
0x1c6: {  	v15 =	vld.idx.msk [tilespmem:v17+s14+$0x0], $0xffff  }
0x1c7: {  	v13 =	vld.idx.msk [tilespmem:v13+s14+$0x0], $0xffff;
	_ =	sdelay $0x2  }
0x1c8: {  	v16 =	vadd.s32 v3, v11  }
0x1c9: {  	v11 =	vadd.s32 v4, v11  }
0x1ca: {  	[tilespmem:$0x16680] =	vst v15  }
0x1cb: {  	s17 =	sadd.s32 s4, s18;
	s18 =	simm.s32 $0x16280;
	[tilespmem:$0x16690] =	vst v13  }
0x1cc: {  	[hbm4b:s17+s5] =	stream.linear.scatter [tilespmem:s31], [sflag:$0x3], $0x20, $0x38;
	[tilespmem:$0x16A00] =	vst v63  }
0x1cd: {  	s17 =	simm.s32 $0x16880  }
0x1ce: {  	v13 =	vld.idx.msk [tilespmem:v16+s14+$0x0], $0xffff  }
0x1cf: {  	v11 =	vld.idx.msk [tilespmem:v11+s14+$0x0], $0xffff;
	_ =	sdelay $0x2  }
0x1d0: {  	v15 =	vadd.s32 v3, v10  }
0x1d1: {  	v10 =	vadd.s32 v4, v10  }
0x1d2: {  	[tilespmem:$0x16700] =	vst v13  }
0x1d3: {  	s10 =	sadd.s32 s4, s10;
	[tilespmem:$0x16710] =	vst v11  }
0x1d4: {  	[hbm4b:s10+s5] =	stream.linear.scatter [tilespmem:s3], [sflag:$0x3], $0x20, $0x38;
	[tilespmem:$0x16A00] =	vst v63  }
0x1d5: {  	v11 =	vld.idx.msk [tilespmem:v15+s14+$0x0], $0xffff  }
0x1d6: {  	v10 =	vld.idx.msk [tilespmem:v10+s14+$0x0], $0xffff;
	_ =	sdelay $0x2  }
0x1d7: {  	v13 =	vadd.s32 v3, v12  }
0x1d8: {  	v12 =	vadd.s32 v4, v12  }
0x1d9: {  	[tilespmem:$0x16780] =	vst v11  }
0x1da: {  	s8 =	sadd.s32 s4, s8;
	s10 =	simm.s32 $0x16780;
	[tilespmem:$0x16790] =	vst v10  }
0x1db: {  	[hbm4b:s8+s5] =	stream.linear.scatter [tilespmem:s10], [sflag:$0x3], $0x20, $0x38;
	[tilespmem:$0x16A00] =	vst v63  }
0x1dc: {  	v10 =	vld.idx.msk [tilespmem:v13+s14+$0x0], $0xffff  }
0x1dd: {  	v11 =	vld.idx.msk [tilespmem:v12+s14+$0x0], $0xffff;
	_ =	sdelay $0x2  }
0x1de: {  	v12 =	vadd.s32 v3, v14  }
0x1df: {  	v13 =	vadd.s32 v4, v14  }
0x1e0: {  	[tilespmem:$0x16800] =	vst v10  }
0x1e1: {  	s6 =	sadd.s32 s4, s6;
	[tilespmem:$0x16810] =	vst v11  }
0x1e2: {  	[hbm4b:s6+s5] =	stream.linear.scatter [tilespmem:s0], [sflag:$0x3], $0x20, $0x38;
	[tilespmem:$0x16A00] =	vst v63  }
0x1e3: {  	v10 =	vld.idx.msk [tilespmem:v12+s14+$0x0], $0xffff  }
0x1e4: {  	v11 =	vld.idx.msk [tilespmem:v13+s14+$0x0], $0xffff;
	_ =	sdelay $0x2  }
0x1e5: {  	v12 =	vadd.s32 v3, v9  }
0x1e6: {  	v9 =	vadd.s32 v4, v9  }
0x1e7: {  	[tilespmem:$0x16880] =	vst v10  }
0x1e8: {  	s2 =	sadd.s32 s4, s2;
	[tilespmem:$0x16890] =	vst v11  }
0x1e9: {  	[hbm4b:s2+s5] =	stream.linear.scatter [tilespmem:s17], [sflag:$0x3], $0x20, $0x38;
	[tilespmem:$0x16A00] =	vst v63  }
0x1ea: {  	v10 =	vld.idx.msk [tilespmem:v12+s14+$0x0], $0xffff  }
0x1eb: {  	v9 =	vld.idx.msk [tilespmem:v9+s14+$0x0], $0xffff;
	_ =	sdelay $0x2  }
0x1ec: {  	v11 =	vadd.s32 v3, v8  }
0x1ed: {  	v8 =	vadd.s32 v4, v8  }
0x1ee: {  	[tilespmem:$0x16900] =	vst v10  }
0x1ef: {  	s2 =	sadd.s32 s4, s12;
	[tilespmem:$0x16910] =	vst v9  }
0x1f0: {  	[hbm4b:s2+s5] =	stream.linear.scatter [tilespmem:s19], [sflag:$0x3], $0x20, $0x38;
	[tilespmem:$0x16A00] =	vst v63  }
0x1f1: {  	v9 =	vld.idx.msk [tilespmem:v11+s14+$0x0], $0xffff  }
0x1f2: {  	v8 =	vld.idx.msk [tilespmem:v8+s14+$0x0], $0xffff;
	_ =	sdelay $0x4  }
0x1f3: {  	s2 =	sadd.s32 s4, s15;
	s15 =	simm.s32 $0x16200;
	[tilespmem:$0x16980] =	vst v9  }
0x1f4: {  	[tilespmem:$0x16990] =	vst v8  }
0x1f5: {  	[hbm4b:s2+s5] =	stream.linear.scatter [tilespmem:s20], [sflag:$0x3], $0x20, $0x38;
	[tilespmem:$0x16A00] =	vst v63  }
0x1f6: {  	_ =	swait.ge [sflag:s1], $0x20  }
0x1f7: {  	[sflag:s1] =	ssyncset.done $0x0  }
0x1f8: {  	[sflag:s1] =	ssyncadd.s32 $0xFFFFFFE0  }
0x1f9: {  	_ =	swait.ge [sflag:s1], $0x20  }
0x1fa: {  	[sflag:s1] =	ssyncset.done $0x0  }
0x1fb: {  	[sflag:s1] =	ssyncadd.s32 $0xFFFFFFE0  }
0x1fc: {  	_ =	swait.ge [sflag:s1], $0x20  }
0x1fd: {  	[sflag:s1] =	ssyncset.done $0x0  }
0x1fe: {  	[sflag:s1] =	ssyncadd.s32 $0xFFFFFFE0  }
0x1ff: {  	_ =	swait.ge [sflag:s1], $0x20  }
0x200: {  	[sflag:s1] =	ssyncset.done $0x0  }
0x201: {  	[sflag:s1] =	ssyncadd.s32 $0xFFFFFFE0  }
0x202: {  	_ =	swait.ge [sflag:s1], $0x20  }
0x203: {  	[sflag:s1] =	ssyncset.done $0x0  }
0x204: {  	[sflag:s1] =	ssyncadd.s32 $0xFFFFFFE0  }
0x205: {  	_ =	swait.ge [sflag:s1], $0x20  }
0x206: {  	[sflag:s1] =	ssyncset.done $0x0  }
0x207: {  	[sflag:s1] =	ssyncadd.s32 $0xFFFFFFE0  }
0x208: {  	_ =	swait.ge [sflag:s1], $0x20  }
0x209: {  	[sflag:s1] =	ssyncset.done $0x0  }
0x20a: {  	[sflag:s1] =	ssyncadd.s32 $0xFFFFFFE0  }
0x20b: {  	_ =	swait.ge [sflag:s1], $0x20  }
0x20c: {  	[sflag:s1] =	ssyncset.done $0x0  }
.Ltmp11:
0x20d: {  	[sflag:s1] =	ssyncadd.s32 $0xFFFFFFE0;
	(pc) =	sbr.rel @p1 .LBB2_14-.Ltmp11, $4  }
0x20e: {  	_ =	swait.ge [sflag:s1], $0x20  }
0x20f: {  	[sflag:s1] =	ssyncset.done $0x0  }
0x210: {  	[sflag:s1] =	ssyncadd.s32 $0xFFFFFFE0  }
0x211: {  	s7 =	sadd.s32 $0x10, s7;
	_ =	swait.ge [sflag:s1], $0x20  }
.LBB2_15:
0x212: {  	[sflag:s1] =	ssyncset.done $0x0  }
0x213: {  	[sflag:s1] =	ssyncadd.s32 $0xFFFFFFE0  }
0x214: {  	_ =	swait.ge [sflag:s1], $0x20  }
0x215: {  	[sflag:s1] =	ssyncset.done $0x0  }
0x216: {  	[sflag:s1] =	ssyncadd.s32 $0xFFFFFFE0  }
0x217: {  	_ =	swait.ge [sflag:s1], $0x20  }
0x218: {  	[sflag:s1] =	ssyncset.done $0x0  }
0x219: {  	[sflag:s1] =	ssyncadd.s32 $0xFFFFFFE0  }
0x21a: {  	_ =	swait.ge [sflag:s1], $0x20  }
0x21b: {  	[sflag:s1] =	ssyncset.done $0x0  }
0x21c: {  	[sflag:s1] =	ssyncadd.s32 $0xFFFFFFE0  }
0x21d: {  	_ =	swait.ge [sflag:s1], $0x20  }
0x21e: {  	[sflag:s1] =	ssyncset.done $0x0  }
0x21f: {  	s13 =	simm.s32 $0x16300;
	[sflag:s1] =	ssyncadd.s32 $0xFFFFFFE0  }
0x220: {  	s23 =	simm.s32 $0x16380;
	s24 =	simm.s32 $0x16400;
	_ =	swait.ge [sflag:s1], $0x20  }
0x221: {  	s25 =	simm.s32 $0x16480;
	s26 =	simm.s32 $0x16500;
	[sflag:s1] =	ssyncset.done $0x0  }
0x222: {  	s28 =	simm.s32 $0x16580;
	s29 =	simm.s32 $0x16600;
	[sflag:s1] =	ssyncadd.s32 $0xFFFFFFE0  }
0x223: {  	s30 =	simm.s32 $0x16680;
	s31 =	simm.s32 $0x16700;
	_ =	swait.ge [sflag:s1], $0x20  }
0x224: {  	s3 =	simm.s32 $0x16780;
	[sflag:s1] =	ssyncset.done $0x0;
	s21 =	rddreg [dreg:$0xc]  }
0x225: {  	s0 =	simm.s32 $0x16800;
	s22 =	rddreg [dreg:$0xd];
	[sflag:s1] =	ssyncadd.s32 $0xFFFFFFE0  }
.LBB2_16:
0x226: {  	s2 =	rddreg [dreg:$0x7]  }
0x227: {  	s6 =	rddreg [dreg:$0xe]  }
0x228: {  	s2 =	sadd.s32 s6, s2  }
0x229: {  	s2 =	smin.u32 s2, $0x3D0  }
0x22a: {  	s10 =	rddreg [dreg:$0x1];
	s2 =	sshll.u32 s2, $0xA  }
0x22b: {  	s11 =	simm.s32 $0x2000;
	s7 =	simm.s32 $0x7A1400;
	s2 =	smin.u32 s2, $0xF3E80  }
.Ltmp12:
0x22c: {  	s12 =	simm.s32 $0x2;
	s2 =	sadd.s32 s10, s2;
	(pc) =	sbr.rel @p0 .LBB2_17-.Ltmp12, $4  }
0x22d: {  	[tilespmem:s14], [sflag:$0x1] =	stream.strided.gather [hbm4b:s2+s11], $0x8000, s7, s11, $0x38;
	[tilespmem:$0x16A00] =	vst v63  }
0x22e: {  	_ =	swait.ge [sflag:s12], $0x8000  }
0x22f: {  	[sflag:s12] =	ssyncset.done $0x0  }
0x230: {  	[sflag:s12] =	ssyncadd.s32 $0xFFFF8000  }
0x231: {  	s8 =	rddreg [dreg:$0xa]  }
0x232: {  	p2 =	sne.s32 s8, $0x1  }
.Ltmp13:
0x233: {  	_ = 	snop;
	(pc) =	sbr.rel @!p2 .LBB2_19-.Ltmp13, $4  }
0x234: {  	_ = 	snop  }
0x235: {  	s2 =	smin.u32 s22, $0xF3E41  }
0x236: {  	s7 =	simm.s32 $0x14000;
	s6 =	simm.s32 $0x14880;
	s2 =	sadd.s32 $0x400, s2  }
0x237: {  	v6 =	vmov s22;
	p1 =	por $0x0, $0x0;
	v8 =	vld [tilespmem:s7+$0x0];
	s7 =	sadd.s32 $0xFFFFFFFF, s8;
	v7 =	vmov s2;
	s2 =	simm.s32 $0x0  }
0x238: {  	_ =	sdelay $0x2  }
0x239: {  	v9 =	vor.u32 s2, v2  }
0x23a: {  	vm0 =	vlt.s32 v9, v5;
	vm1 =	vlt.s32 v8, v7  }
0x23b: {  	vm15 =	vge.s32 v8, v6;
	vm0 =	vmand vm0, vm1  }
0x23c: {  	vm0 =	vmand vm0, vm15  }
0x23d: {  	v9 =	vmpcnt.ones.xlane vm0;
	_ =	sdelay $0x1  }
0x23e: {  	v10 =	vld [tilespmem:s6+$0x0];
	(v2sf) =	vpush v9, $0x0  }
0x23f: {  	p2 =	sne.s32 s7, $0x1  }
.Ltmp14:
0x240: {  	_ = 	snop;
	(pc) =	sbr.rel @!p2 .LBB2_21-.Ltmp14, $4  }
0x241: {  	_ = 	snop  }
0x242: {  	[tilespmem:s2+$0x15100] =	vst.msk vm0, v8  }
0x243: {  	s10 =	simm.s32 $0x14010;
	s11 =	sadd.s32 $0xFFFFFFFF, s7;
	p1 =	por $0x1, $0x1;
	[tilespmem:s2+$0x15980] =	vst.msk vm0, v10  }
0x244: {  	s9 =	simm.s32 $0x0;
	s7 =	simm.s32 $0x14880;
	s8 =	simm.s32 $0x0;
	v8 =	vld [tilespmem:s10+$0x0]  }
.LBB2_22:
0x245: {  	p2 =	sne.s32 s11, $0x1;
	_ =	sdelay $0x1  }
0x246: {  	s9 =	sadd.s32 $0x10, s9  }
0x247: {  	v9 =	vor.u32 s9, v2  }
0x248: {  	vm0 =	vlt.s32 v9, v5;
	vm1 =	vlt.s32 v8, v7  }
0x249: {  	s7 =	sadd.s32 $0x10, s7;
	vm2 =	vge.s32 v8, v6;
	vm0 =	vmand vm0, vm1  }
0x24a: {  	v9 =	vld [tilespmem:s7+$0x0];
	vm0 =	vmand vm0, vm2  }
0x24b: {  	v10 =	vmpcnt.ones.xlane vm0  }
0x24c: {  	s12 =	spop (v2sf)  }
0x24d: {  	(v2sf) =	vpush v10, $0x0;
	s8 =	sadd.s32 s8, s12  }
0x24e: {  	[tilespmem:s8+$0x15100] =	vst.msk vm0, v8  }
.Ltmp15:
0x24f: {  	[tilespmem:s8+$0x15980] =	vst.msk vm0, v9;
	(pc) =	sbr.rel @p2 .LBB2_22-.Ltmp15, $3  }
0x250: {  	_ =	sdelay $0x1  }
0x251: {  	s10 =	sadd.s32 $0x10, s10  }
0x252: {  	s11 =	sadd.s32 $0xFFFFFFFF, s11;
	v8 =	vld [tilespmem:s10+$0x0]  }
.LBB2_23:
0x253: {  	_ = 	snop  }
0x254: {  	s9 =	sadd.s32 @p1 $0x10, s9;
	s10 =	simm.s32 $0x0  }
0x255: {  	s10 =	smov.u32 @p1 s9  }
0x256: {  	v9 =	vor.u32 s10, v2  }
0x257: {  	vm0 =	vlt.s32 v9, v5;
	vm1 =	vlt.s32 v8, v7  }
0x258: {  	vm2 =	vge.s32 v8, v6;
	vm0 =	vmand vm0, vm1  }
0x259: {  	vm0 =	vmand vm0, vm2  }
0x25a: {  	v6 =	vmpcnt.ones.xlane vm0;
	_ =	sdelay $0x1  }
0x25b: {  	(v2sf) =	vpush v6, $0x0;
	_ =	sdelay $0x8  }
0x25c: {  	s7 =	sadd.s32 @p1 $0x10, s7  }
0x25d: {  	s6 =	smov.u32 @p1 s7  }
0x25e: {  	v6 =	vld [tilespmem:s6+$0x0]  }
.Ltmp16:
0x25f: {  	s6 =	spop @p1 (v2sf);
	(pc) =	sbr.rel .LBB2_24-.Ltmp16, $4  }
0x260: {  	s6 =	sadd.s32 @p1 s8, s6  }
0x261: {  	s2 =	smov.u32 @p1 s6  }
0x262: {  	[tilespmem:s2+$0x15100] =	vst.msk vm0, v8;
	s22 =	spop (v2sf)  }
0x263: {  	[tilespmem:s2+$0x15980] =	vst.msk vm0, v6;
	s2 =	sadd.s32 s2, s22  }
.LBB2_17:
0x264: {  	s2 =	simm.s32 $0x0  }
.LBB2_24:
0x265: {  	s6 =	sadd.s32 $0xF, s2  }
0x266: {  	s7 =	sand.u32 $0xF, s6  }
0x267: {  	s8 =	sshra.s32 s6, $0x1F;
	p1 =	slt.s32 s6, $0x1;
	p2 =	sne.s32 s7, $0x0  }
0x268: {  	s22 =	sshrl.u32 s8, $0x1C;
	p1 =	por !p1, !p2  }
0x269: {  	s7 =	simm.s32 $0x1;
	s6 =	sadd.s32 s22, s6;
	p1 =	por !p1, !p1  }
0x26a: {  	s6 =	sshra.s32 s6, $0x4;
	s7 =	simm.s32 @!p1 $0x0  }
0x26b: {  	s7 =	ssub.s32 s6, s7  }
0x26c: {  	p1 =	slt.s32 s7, $0x1  }
.Ltmp17:
0x26d: {  	_ = 	snop;
	(pc) =	sbr.rel @p1 .LBB2_28-.Ltmp17, $1  }
0x26e: {  	_ =	sdelay $0x3  }
0x26f: {  	s6 =	simm.s32 $0x15980  }
0x270: {  	s8 =	simm.s32 $0x15100;
	v7 =	vld [tilespmem:s6+$0x0]  }
0x271: {  	v8 =	vld [tilespmem:s8+$0x0];
	_ =	sdelay $0x2  }
0x272: {  	s9 =	simm.s32 $0x0  }
0x273: {  	v6 =	vmov s2;
	v9 =	vor.u32 s9, v2;
	v10 =	vbroadcast v7, $0x0  }
0x274: {  	vm0 =	vlt.s32 v9, v6;
	v11 =	vbroadcast v8, $0x0  }
0x275: {  	v9 =	vsel vm0, v7, v10  }
0x276: {  	v7 =	vmov s21;
	v8 =	vsel vm0, v8, v11;
	v9 =	vshll.u32 v9, $0x2  }
0x277: {  	v8 =	vsub.s32 v8, v7;
	(v2sf) =	vpush v9, $0x0  }
0x278: {  	v35 =	vbroadcast v8, $0x0;
	_ =	sdelay $0x1  }
0x279: {  	v36 =	vshll.u32 v35, $0x3  }
0x27a: {  	v10 =	vand.u32 $0x7F, v35;
	v11 =	vand.u32 $0xFFFFFC00, v36  }
0x27b: {  	v10 =	vor.u32 v10, v11  }
0x27c: {  	v11 =	vadd.s32 v4, v10  }
0x27d: {  	v10 =	vadd.s32 v3, v10  }
0x27e: {  	(v2sf) =	vpush v9, $0x1  }
0x27f: {  	v12 =	vbroadcast v8, $0x1;
	_ =	sdelay $0x1  }
0x280: {  	v13 =	vshll.u32 v12, $0x3;
	v11 =	vld.idx.msk [tilespmem:v11+s16+$0x0], $0xffff  }
0x281: {  	v12 =	vand.u32 $0x7F, v12;
	v13 =	vand.u32 $0xFFFFFC00, v13;
	v10 =	vld.idx.msk [tilespmem:v10+s16+$0x0], $0xffff  }
0x282: {  	v12 =	vor.u32 v12, v13  }
0x283: {  	v13 =	vadd.s32 v3, v12  }
0x284: {  	v12 =	vadd.s32 v4, v12;
	s11 =	spop (v2sf)  }
0x285: {  	(v2sf) =	vpush v9, $0x2;
	[tilespmem:$0x16210] =	vst v11;
	s2 =	sand.u32 $0x1FFFFFFC, s11  }
0x286: {  	v37 =	vbroadcast v8, $0x2;
	[tilespmem:$0x16200] =	vst v10;
	s2 =	sadd.s32 s4, s2  }
0x287: {  	[hbm4b:s2+s5] =	stream.linear.scatter [tilespmem:s15], [sflag:$0x3], $0x20, $0x38;
	[tilespmem:$0x16A00] =	vst v63  }
0x288: {  	v38 =	vshll.u32 v37, $0x3;
	v13 =	vld.idx.msk [tilespmem:v13+s16+$0x0], $0xffff  }
0x289: {  	v11 =	vand.u32 $0x7F, v37;
	v10 =	vand.u32 $0xFFFFFC00, v38;
	v12 =	vld.idx.msk [tilespmem:v12+s16+$0x0], $0xffff  }
0x28a: {  	v10 =	vor.u32 v11, v10  }
0x28b: {  	v11 =	vadd.s32 v3, v10  }
0x28c: {  	s12 =	spop (v2sf);
	v10 =	vadd.s32 v4, v10  }
0x28d: {  	(v2sf) =	vpush v9, $0x3;
	s2 =	sand.u32 $0x1FFFFFFC, s12;
	[tilespmem:$0x16280] =	vst v13  }
0x28e: {  	v39 =	vbroadcast v8, $0x3;
	s2 =	sadd.s32 s4, s2;
	[tilespmem:$0x16290] =	vst v12  }
0x28f: {  	[hbm4b:s2+s5] =	stream.linear.scatter [tilespmem:s18], [sflag:$0x3], $0x20, $0x38;
	[tilespmem:$0x16A00] =	vst v63  }
0x290: {  	v40 =	vshll.u32 v39, $0x3;
	v11 =	vld.idx.msk [tilespmem:v11+s16+$0x0], $0xffff  }
0x291: {  	v13 =	vand.u32 $0x7F, v39;
	v12 =	vand.u32 $0xFFFFFC00, v40;
	v10 =	vld.idx.msk [tilespmem:v10+s16+$0x0], $0xffff  }
0x292: {  	v12 =	vor.u32 v13, v12  }
0x293: {  	v13 =	vadd.s32 v3, v12  }
0x294: {  	v12 =	vadd.s32 v4, v12;
	s21 =	spop (v2sf)  }
0x295: {  	(v2sf) =	vpush v9, $0x4;
	s2 =	sand.u32 $0x1FFFFFFC, s21;
	[tilespmem:$0x16300] =	vst v11  }
0x296: {  	v41 =	vbroadcast v8, $0x4;
	[tilespmem:$0x16310] =	vst v10;
	s2 =	sadd.s32 s4, s2  }
0x297: {  	[hbm4b:s2+s5] =	stream.linear.scatter [tilespmem:s13], [sflag:$0x3], $0x20, $0x38;
	[tilespmem:$0x16A00] =	vst v63  }
0x298: {  	v42 =	vshll.u32 v41, $0x3;
	v13 =	vld.idx.msk [tilespmem:v13+s16+$0x0], $0xffff  }
0x299: {  	v11 =	vand.u32 $0x7F, v41;
	v10 =	vand.u32 $0xFFFFFC00, v42;
	v12 =	vld.idx.msk [tilespmem:v12+s16+$0x0], $0xffff  }
0x29a: {  	v10 =	vor.u32 v11, v10  }
0x29b: {  	v11 =	vadd.s32 v3, v10  }
0x29c: {  	s22 =	spop (v2sf);
	v10 =	vadd.s32 v4, v10  }
0x29d: {  	(v2sf) =	vpush v9, $0x5;
	s2 =	sand.u32 $0x1FFFFFFC, s22;
	[tilespmem:$0x16380] =	vst v13  }
0x29e: {  	v43 =	vbroadcast v8, $0x5;
	s2 =	sadd.s32 s4, s2;
	[tilespmem:$0x16390] =	vst v12  }
0x29f: {  	[hbm4b:s2+s5] =	stream.linear.scatter [tilespmem:s23], [sflag:$0x3], $0x20, $0x38;
	[tilespmem:$0x16A00] =	vst v63  }
0x2a0: {  	v44 =	vshll.u32 v43, $0x3;
	v11 =	vld.idx.msk [tilespmem:v11+s16+$0x0], $0xffff  }
0x2a1: {  	v13 =	vand.u32 $0x7F, v43;
	v12 =	vand.u32 $0xFFFFFC00, v44;
	v10 =	vld.idx.msk [tilespmem:v10+s16+$0x0], $0xffff  }
0x2a2: {  	v12 =	vor.u32 v13, v12  }
0x2a3: {  	v13 =	vadd.s32 v3, v12  }
0x2a4: {  	v12 =	vadd.s32 v4, v12;
	s9 =	spop (v2sf)  }
0x2a5: {  	(v2sf) =	vpush v9, $0x6;
	s2 =	sand.u32 $0x1FFFFFFC, s9;
	[tilespmem:$0x16400] =	vst v11  }
0x2a6: {  	v45 =	vbroadcast v8, $0x6;
	[tilespmem:$0x16410] =	vst v10;
	s2 =	sadd.s32 s4, s2  }
0x2a7: {  	[hbm4b:s2+s5] =	stream.linear.scatter [tilespmem:s24], [sflag:$0x3], $0x20, $0x38;
	[tilespmem:$0x16A00] =	vst v63  }
0x2a8: {  	v46 =	vshll.u32 v45, $0x3;
	v13 =	vld.idx.msk [tilespmem:v13+s16+$0x0], $0xffff  }
0x2a9: {  	v11 =	vand.u32 $0x7F, v45;
	v10 =	vand.u32 $0xFFFFFC00, v46;
	v12 =	vld.idx.msk [tilespmem:v12+s16+$0x0], $0xffff  }
0x2aa: {  	v10 =	vor.u32 v11, v10  }
0x2ab: {  	v11 =	vadd.s32 v3, v10  }
0x2ac: {  	s10 =	spop (v2sf);
	v10 =	vadd.s32 v4, v10  }
0x2ad: {  	(v2sf) =	vpush v9, $0x7;
	s2 =	sand.u32 $0x1FFFFFFC, s10;
	[tilespmem:$0x16480] =	vst v13  }
0x2ae: {  	v47 =	vbroadcast v8, $0x7;
	s2 =	sadd.s32 s4, s2;
	[tilespmem:$0x16490] =	vst v12  }
0x2af: {  	[hbm4b:s2+s5] =	stream.linear.scatter [tilespmem:s25], [sflag:$0x3], $0x20, $0x38;
	[tilespmem:$0x16A00] =	vst v63  }
0x2b0: {  	v48 =	vshll.u32 v47, $0x3;
	v11 =	vld.idx.msk [tilespmem:v11+s16+$0x0], $0xffff  }
0x2b1: {  	v13 =	vand.u32 $0x7F, v47;
	v12 =	vand.u32 $0xFFFFFC00, v48;
	v10 =	vld.idx.msk [tilespmem:v10+s16+$0x0], $0xffff  }
0x2b2: {  	v12 =	vor.u32 v13, v12  }
0x2b3: {  	v13 =	vadd.s32 v3, v12  }
0x2b4: {  	v12 =	vadd.s32 v4, v12;
	s11 =	spop (v2sf)  }
0x2b5: {  	(v2sf) =	vpush v9, $0x8;
	s2 =	sand.u32 $0x1FFFFFFC, s11;
	[tilespmem:$0x16500] =	vst v11  }
0x2b6: {  	v49 =	vbroadcast v8, $0x8;
	[tilespmem:$0x16510] =	vst v10;
	s2 =	sadd.s32 s4, s2  }
0x2b7: {  	[hbm4b:s2+s5] =	stream.linear.scatter [tilespmem:s26], [sflag:$0x3], $0x20, $0x38;
	[tilespmem:$0x16A00] =	vst v63  }
0x2b8: {  	v50 =	vshll.u32 v49, $0x3;
	v13 =	vld.idx.msk [tilespmem:v13+s16+$0x0], $0xffff  }
0x2b9: {  	v11 =	vand.u32 $0x7F, v49;
	v10 =	vand.u32 $0xFFFFFC00, v50;
	v12 =	vld.idx.msk [tilespmem:v12+s16+$0x0], $0xffff  }
0x2ba: {  	v10 =	vor.u32 v11, v10  }
0x2bb: {  	v11 =	vadd.s32 v3, v10  }
0x2bc: {  	s12 =	spop (v2sf);
	v10 =	vadd.s32 v4, v10  }
0x2bd: {  	(v2sf) =	vpush v9, $0x9;
	s2 =	sand.u32 $0x1FFFFFFC, s12;
	[tilespmem:$0x16580] =	vst v13  }
0x2be: {  	v51 =	vbroadcast v8, $0x9;
	s2 =	sadd.s32 s4, s2;
	[tilespmem:$0x16590] =	vst v12  }
0x2bf: {  	[hbm4b:s2+s5] =	stream.linear.scatter [tilespmem:s28], [sflag:$0x3], $0x20, $0x38;
	[tilespmem:$0x16A00] =	vst v63  }
0x2c0: {  	v52 =	vshll.u32 v51, $0x3;
	v11 =	vld.idx.msk [tilespmem:v11+s16+$0x0], $0xffff  }
0x2c1: {  	v13 =	vand.u32 $0x7F, v51;
	v12 =	vand.u32 $0xFFFFFC00, v52;
	v10 =	vld.idx.msk [tilespmem:v10+s16+$0x0], $0xffff  }
0x2c2: {  	v12 =	vor.u32 v13, v12  }
0x2c3: {  	v13 =	vadd.s32 v3, v12  }
0x2c4: {  	v12 =	vadd.s32 v4, v12;
	s21 =	spop (v2sf)  }
0x2c5: {  	(v2sf) =	vpush v9, $0xA;
	s2 =	sand.u32 $0x1FFFFFFC, s21;
	[tilespmem:$0x16600] =	vst v11  }
0x2c6: {  	v53 =	vbroadcast v8, $0xA;
	[tilespmem:$0x16610] =	vst v10;
	s2 =	sadd.s32 s4, s2  }
0x2c7: {  	[hbm4b:s2+s5] =	stream.linear.scatter [tilespmem:s29], [sflag:$0x3], $0x20, $0x38;
	[tilespmem:$0x16A00] =	vst v63  }
0x2c8: {  	v54 =	vshll.u32 v53, $0x3;
	v13 =	vld.idx.msk [tilespmem:v13+s16+$0x0], $0xffff  }
0x2c9: {  	v11 =	vand.u32 $0x7F, v53;
	v10 =	vand.u32 $0xFFFFFC00, v54;
	v12 =	vld.idx.msk [tilespmem:v12+s16+$0x0], $0xffff  }
0x2ca: {  	v10 =	vor.u32 v11, v10  }
0x2cb: {  	v11 =	vadd.s32 v3, v10  }
0x2cc: {  	s22 =	spop (v2sf);
	v10 =	vadd.s32 v4, v10  }
0x2cd: {  	(v2sf) =	vpush v9, $0xB;
	s2 =	sand.u32 $0x1FFFFFFC, s22;
	[tilespmem:$0x16680] =	vst v13  }
0x2ce: {  	v55 =	vbroadcast v8, $0xB;
	s2 =	sadd.s32 s4, s2;
	[tilespmem:$0x16690] =	vst v12  }
0x2cf: {  	[hbm4b:s2+s5] =	stream.linear.scatter [tilespmem:s30], [sflag:$0x3], $0x20, $0x38;
	[tilespmem:$0x16A00] =	vst v63  }
0x2d0: {  	v56 =	vshll.u32 v55, $0x3;
	v11 =	vld.idx.msk [tilespmem:v11+s16+$0x0], $0xffff  }
0x2d1: {  	v13 =	vand.u32 $0x7F, v55;
	v12 =	vand.u32 $0xFFFFFC00, v56;
	v10 =	vld.idx.msk [tilespmem:v10+s16+$0x0], $0xffff  }
0x2d2: {  	v12 =	vor.u32 v13, v12  }
0x2d3: {  	v13 =	vadd.s32 v3, v12  }
0x2d4: {  	v12 =	vadd.s32 v4, v12;
	s9 =	spop (v2sf)  }
0x2d5: {  	(v2sf) =	vpush v9, $0xC;
	s2 =	sand.u32 $0x1FFFFFFC, s9;
	[tilespmem:$0x16700] =	vst v11  }
0x2d6: {  	v57 =	vbroadcast v8, $0xC;
	[tilespmem:$0x16710] =	vst v10;
	s2 =	sadd.s32 s4, s2  }
0x2d7: {  	[hbm4b:s2+s5] =	stream.linear.scatter [tilespmem:s31], [sflag:$0x3], $0x20, $0x38;
	[tilespmem:$0x16A00] =	vst v63  }
0x2d8: {  	v58 =	vshll.u32 v57, $0x3;
	v13 =	vld.idx.msk [tilespmem:v13+s16+$0x0], $0xffff  }
0x2d9: {  	v11 =	vand.u32 $0x7F, v57;
	v10 =	vand.u32 $0xFFFFFC00, v58;
	v12 =	vld.idx.msk [tilespmem:v12+s16+$0x0], $0xffff  }
0x2da: {  	v10 =	vor.u32 v11, v10  }
0x2db: {  	v11 =	vadd.s32 v3, v10  }
0x2dc: {  	s10 =	spop (v2sf);
	v10 =	vadd.s32 v4, v10  }
0x2dd: {  	(v2sf) =	vpush v9, $0xD;
	s2 =	sand.u32 $0x1FFFFFFC, s10;
	[tilespmem:$0x16780] =	vst v13  }
0x2de: {  	v59 =	vbroadcast v8, $0xD;
	s2 =	sadd.s32 s4, s2;
	[tilespmem:$0x16790] =	vst v12  }
0x2df: {  	[hbm4b:s2+s5] =	stream.linear.scatter [tilespmem:s3], [sflag:$0x3], $0x20, $0x38;
	[tilespmem:$0x16A00] =	vst v63  }
0x2e0: {  	v60 =	vshll.u32 v59, $0x3;
	v11 =	vld.idx.msk [tilespmem:v11+s16+$0x0], $0xffff  }
0x2e1: {  	v12 =	vand.u32 $0xFFFFFC00, v60;
	v13 =	vand.u32 $0x7F, v59;
	v10 =	vld.idx.msk [tilespmem:v10+s16+$0x0], $0xffff  }
0x2e2: {  	v12 =	vor.u32 v13, v12  }
0x2e3: {  	v13 =	vadd.s32 v3, v12  }
0x2e4: {  	v12 =	vadd.s32 v4, v12;
	s11 =	spop (v2sf)  }
0x2e5: {  	(v2sf) =	vpush v9, $0xE;
	s2 =	sand.u32 $0x1FFFFFFC, s11;
	[tilespmem:$0x16800] =	vst v11  }
0x2e6: {  	v61 =	vbroadcast v8, $0xE;
	[tilespmem:$0x16810] =	vst v10;
	s2 =	sadd.s32 s4, s2  }
0x2e7: {  	[hbm4b:s2+s5] =	stream.linear.scatter [tilespmem:s0], [sflag:$0x3], $0x20, $0x38;
	[tilespmem:$0x16A00] =	vst v63  }
0x2e8: {  	v62 =	vshll.u32 v61, $0x3;
	v13 =	vld.idx.msk [tilespmem:v13+s16+$0x0], $0xffff  }
0x2e9: {  	v11 =	vand.u32 $0x7F, v61;
	v10 =	vand.u32 $0xFFFFFC00, v62;
	v12 =	vld.idx.msk [tilespmem:v12+s16+$0x0], $0xffff  }
0x2ea: {  	v10 =	vor.u32 v11, v10  }
0x2eb: {  	v11 =	vadd.s32 v3, v10  }
0x2ec: {  	s12 =	spop (v2sf);
	v10 =	vadd.s32 v4, v10  }
0x2ed: {  	(v2sf) =	vpush v9, $0xF;
	s2 =	sand.u32 $0x1FFFFFFC, s12;
	[tilespmem:$0x16880] =	vst v13  }
0x2ee: {  	v8 =	vbroadcast v8, $0xF;
	s2 =	sadd.s32 s4, s2;
	[tilespmem:$0x16890] =	vst v12  }
0x2ef: {  	[hbm4b:s2+s5] =	stream.linear.scatter [tilespmem:s17], [sflag:$0x3], $0x20, $0x38;
	[tilespmem:$0x16A00] =	vst v63  }
0x2f0: {  	v63 =	vshll.u32 v8, $0x3;
	v11 =	vld.idx.msk [tilespmem:v11+s16+$0x0], $0xffff  }
0x2f1: {  	v8 =	vand.u32 $0x7F, v8;
	v9 =	vand.u32 $0xFFFFFC00, v63;
	v10 =	vld.idx.msk [tilespmem:v10+s16+$0x0], $0xffff  }
0x2f2: {  	v8 =	vor.u32 v8, v9  }
0x2f3: {  	v9 =	vadd.s32 v3, v8  }
0x2f4: {  	v8 =	vadd.s32 v4, v8;
	s21 =	spop (v2sf)  }
0x2f5: {  	s2 =	sand.u32 $0x1FFFFFFC, s21;
	[tilespmem:$0x16900] =	vst v11  }
0x2f6: {  	[tilespmem:$0x16910] =	vst v10;
	s2 =	sadd.s32 s4, s2  }
0x2f7: {  	[hbm4b:s2+s5] =	stream.linear.scatter [tilespmem:s19], [sflag:$0x3], $0x20, $0x38;
	[tilespmem:$0x16A00] =	vst v63  }
0x2f8: {  	v9 =	vld.idx.msk [tilespmem:v9+s16+$0x0], $0xffff  }
0x2f9: {  	v8 =	vld.idx.msk [tilespmem:v8+s16+$0x0], $0xffff;
	_ =	sdelay $0x2  }
0x2fa: {  	s22 =	spop (v2sf)  }
0x2fb: {  	s2 =	sand.u32 $0x1FFFFFFC, s22;
	[tilespmem:$0x16980] =	vst v9  }
0x2fc: {  	s2 =	sadd.s32 s4, s2;
	[tilespmem:$0x16990] =	vst v8  }
0x2fd: {  	[hbm4b:s2+s5] =	stream.linear.scatter [tilespmem:s20], [sflag:$0x3], $0x20, $0x38;
	[tilespmem:$0x16A00] =	vst v63  }
0x2fe: {  	_ =	swait.ge [sflag:s1], $0x20  }
0x2ff: {  	[sflag:s1] =	ssyncset.done $0x0  }
0x300: {  	[sflag:s1] =	ssyncadd.s32 $0xFFFFFFE0  }
0x301: {  	_ =	swait.ge [sflag:s1], $0x20  }
0x302: {  	[sflag:s1] =	ssyncset.done $0x0  }
0x303: {  	[sflag:s1] =	ssyncadd.s32 $0xFFFFFFE0  }
0x304: {  	_ =	swait.ge [sflag:s1], $0x20  }
0x305: {  	[sflag:s1] =	ssyncset.done $0x0  }
0x306: {  	[sflag:s1] =	ssyncadd.s32 $0xFFFFFFE0  }
0x307: {  	_ =	swait.ge [sflag:s1], $0x20  }
0x308: {  	[sflag:s1] =	ssyncset.done $0x0  }
0x309: {  	[sflag:s1] =	ssyncadd.s32 $0xFFFFFFE0  }
0x30a: {  	_ =	swait.ge [sflag:s1], $0x20  }
0x30b: {  	[sflag:s1] =	ssyncset.done $0x0  }
0x30c: {  	[sflag:s1] =	ssyncadd.s32 $0xFFFFFFE0  }
0x30d: {  	_ =	swait.ge [sflag:s1], $0x20  }
0x30e: {  	[sflag:s1] =	ssyncset.done $0x0  }
0x30f: {  	[sflag:s1] =	ssyncadd.s32 $0xFFFFFFE0  }
0x310: {  	_ =	swait.ge [sflag:s1], $0x20  }
0x311: {  	[sflag:s1] =	ssyncset.done $0x0  }
0x312: {  	[sflag:s1] =	ssyncadd.s32 $0xFFFFFFE0  }
0x313: {  	_ =	swait.ge [sflag:s1], $0x20  }
0x314: {  	p1 =	sne.s32 s7, $0x1;
	[sflag:s1] =	ssyncset.done $0x0  }
.Ltmp18:
0x315: {  	[sflag:s1] =	ssyncadd.s32 $0xFFFFFFE0;
	(pc) =	sbr.rel @!p1 .LBB2_27-.Ltmp18, $4  }
0x316: {  	_ =	swait.ge [sflag:s1], $0x20  }
0x317: {  	[sflag:s1] =	ssyncset.done $0x0  }
0x318: {  	[sflag:s1] =	ssyncadd.s32 $0xFFFFFFE0  }
0x319: {  	s2 =	sadd.s32 $0xFFFFFFFF, s7;
	s7 =	simm.s32 $0x10;
	_ =	swait.ge [sflag:s1], $0x20  }
.LBB2_26:
0x31a: {  	[sflag:s1] =	ssyncset.done $0x0;
	s8 =	sadd.s32 $0x10, s8;
	s6 =	sadd.s32 $0x10, s6  }
0x31b: {  	p1 =	sne.s32 s2, $0x1;
	s2 =	sadd.s32 $0xFFFFFFFF, s2;
	[sflag:s1] =	ssyncadd.s32 $0xFFFFFFE0  }
0x31c: {  	_ =	swait.ge [sflag:s1], $0x20  }
0x31d: {  	[sflag:s1] =	ssyncset.done $0x0  }
0x31e: {  	[sflag:s1] =	ssyncadd.s32 $0xFFFFFFE0  }
0x31f: {  	_ =	swait.ge [sflag:s1], $0x20  }
0x320: {  	[sflag:s1] =	ssyncset.done $0x0  }
0x321: {  	[sflag:s1] =	ssyncadd.s32 $0xFFFFFFE0  }
0x322: {  	_ =	swait.ge [sflag:s1], $0x20  }
0x323: {  	[sflag:s1] =	ssyncset.done $0x0  }
0x324: {  	[sflag:s1] =	ssyncadd.s32 $0xFFFFFFE0  }
0x325: {  	_ =	swait.ge [sflag:s1], $0x20  }
0x326: {  	[sflag:s1] =	ssyncset.done $0x0  }
0x327: {  	[sflag:s1] =	ssyncadd.s32 $0xFFFFFFE0  }
0x328: {  	_ =	swait.ge [sflag:s1], $0x20  }
0x329: {  	[sflag:s1] =	ssyncset.done $0x0  }
0x32a: {  	[sflag:s1] =	ssyncadd.s32 $0xFFFFFFE0  }
0x32b: {  	_ =	swait.ge [sflag:s1], $0x20  }
0x32c: {  	[sflag:s1] =	ssyncset.done $0x0  }
0x32d: {  	[sflag:s1] =	ssyncadd.s32 $0xFFFFFFE0  }
0x32e: {  	v8 =	vld [tilespmem:s8+$0x0]  }
0x32f: {  	v9 =	vld [tilespmem:s6+$0x0];
	_ =	sdelay $0x3  }
0x330: {  	v10 =	vor.u32 s7, v2;
	v11 =	vbroadcast v8, $0x0  }
0x331: {  	vm0 =	vlt.s32 v10, v6;
	v10 =	vbroadcast v9, $0x0  }
0x332: {  	v8 =	vsel vm0, v8, v11  }
0x333: {  	v10 =	vsel vm0, v9, v10;
	v9 =	vsub.s32 v8, v7  }
0x334: {  	v11 =	vbroadcast v9, $0x0;
	v8 =	vshll.u32 v10, $0x2;
	v10 =	vbroadcast v9, $0x1  }
0x335: {  	v12 =	vbroadcast v9, $0x2;
	v13 =	vbroadcast v9, $0x3;
	(v2sf) =	vpush v8, $0x0  }
0x336: {  	v14 =	vshll.u32 v11, $0x3;
	v15 =	vshll.u32 v10, $0x3;
	(v2sf) =	vpush v8, $0x1  }
0x337: {  	v11 =	vand.u32 $0x7F, v11;
	v14 =	vand.u32 $0xFFFFFC00, v14;
	v15 =	vand.u32 $0xFFFFFC00, v15  }
0x338: {  	v10 =	vand.u32 $0x7F, v10;
	v11 =	vor.u32 v11, v14;
	v14 =	vshll.u32 v12, $0x3  }
0x339: {  	v10 =	vor.u32 v10, v15;
	v16 =	vadd.s32 v3, v11;
	v11 =	vadd.s32 v4, v11  }
0x33a: {  	v12 =	vand.u32 $0x7F, v12;
	v14 =	vand.u32 $0xFFFFFC00, v14;
	(v2sf) =	vpush v8, $0x2  }
0x33b: {  	v12 =	vor.u32 v12, v14;
	v14 =	vshll.u32 v13, $0x3;
	(v2sf) =	vpush v8, $0x3  }
0x33c: {  	v13 =	vand.u32 $0x7F, v13;
	v14 =	vand.u32 $0xFFFFFC00, v14;
	(v2sf) =	vpush v8, $0x4  }
0x33d: {  	v14 =	vor.u32 v13, v14;
	v13 =	vbroadcast v9, $0x4;
	(v2sf) =	vpush v8, $0x5  }
0x33e: {  	v17 =	vbroadcast v9, $0x6;
	v15 =	vbroadcast v9, $0x5;
	(v2sf) =	vpush v8, $0x6  }
0x33f: {  	v20 =	vbroadcast v9, $0x7;
	v18 =	vshll.u32 v13, $0x3;
	v11 =	vld.idx.msk [tilespmem:v11+s16+$0x0], $0xffff;
	(v2sf) =	vpush v8, $0x7  }
0x340: {  	v21 =	vshll.u32 v15, $0x3;
	v13 =	vand.u32 $0x7F, v13;
	v18 =	vand.u32 $0xFFFFFC00, v18;
	v16 =	vld.idx.msk [tilespmem:v16+s16+$0x0], $0xffff  }
0x341: {  	v19 =	vor.u32 v13, v18;
	v13 =	vand.u32 $0x7F, v15;
	v15 =	vand.u32 $0xFFFFFC00, v21  }
0x342: {  	v21 =	vadd.s32 v3, v10;
	v18 =	vor.u32 v13, v15;
	v13 =	vshll.u32 v17, $0x3  }
0x343: {  	v10 =	vadd.s32 v4, v10;
	v15 =	vand.u32 $0x7F, v17;
	v13 =	vand.u32 $0xFFFFFC00, v13  }
0x344: {  	v17 =	vor.u32 v15, v13;
	v13 =	vshll.u32 v20, $0x3;
	s9 =	spop (v2sf);
	(v2sf) =	vpush v8, $0x8  }
0x345: {  	v15 =	vbroadcast v9, $0x8;
	v13 =	vand.u32 $0xFFFFFC00, v13;
	[tilespmem:$0x16210] =	vst v11;
	s9 =	sand.u32 $0x1FFFFFFC, s9;
	v11 =	vand.u32 $0x7F, v20;
	s10 =	spop (v2sf)  }
0x346: {  	[tilespmem:$0x16200] =	vst v16;
	s9 =	sadd.s32 s4, s9;
	s10 =	sand.u32 $0x1FFFFFFC, s10;
	v16 =	vor.u32 v11, v13;
	v11 =	vbroadcast v9, $0x9;
	(v2sf) =	vpush v8, $0x9  }
0x347: {  	v20 =	vbroadcast v9, $0xA;
	v13 =	vshll.u32 v15, $0x3;
	[hbm4b:s9+s5] =	stream.linear.scatter [tilespmem:s15], [sflag:$0x3], $0x20, $0x38;
	(v2sf) =	vpush v8, $0xA;
	[tilespmem:$0x16A00] =	vst v63  }
0x348: {  	v15 =	vand.u32 $0x7F, v15;
	v13 =	vand.u32 $0xFFFFFC00, v13;
	v21 =	vld.idx.msk [tilespmem:v21+s16+$0x0], $0xffff;
	v22 =	vshll.u32 v11, $0x3  }
0x349: {  	v15 =	vor.u32 v15, v13;
	v23 =	vld.idx.msk [tilespmem:v10+s16+$0x0], $0xffff;
	v10 =	vand.u32 $0x7F, v11;
	v11 =	vand.u32 $0xFFFFFC00, v22;
	s9 =	spop (v2sf)  }
0x34a: {  	v22 =	vbroadcast v9, $0xB;
	s11 =	sand.u32 $0x1FFFFFFC, s9;
	v13 =	vor.u32 v10, v11;
	v10 =	vshll.u32 v20, $0x3;
	s9 =	spop (v2sf)  }
0x34b: {  	v11 =	vand.u32 $0x7F, v20;
	s9 =	sand.u32 $0x1FFFFFFC, s9;
	v10 =	vand.u32 $0xFFFFFC00, v10;
	s12 =	spop (v2sf);
	(v2sf) =	vpush v8, $0xB  }
0x34c: {  	v20 =	vadd.s32 v3, v12;
	s22 =	sand.u32 $0x1FFFFFFC, s12;
	v11 =	vor.u32 v11, v10;
	v10 =	vshll.u32 v22, $0x3;
	s12 =	spop (v2sf)  }
0x34d: {  	v12 =	vadd.s32 v4, v12;
	v22 =	vand.u32 $0x7F, v22;
	s21 =	sand.u32 $0x1FFFFFFC, s12;
	v10 =	vand.u32 $0xFFFFFC00, v10;
	s12 =	spop (v2sf)  }
0x34e: {  	[tilespmem:$0x16280] =	vst v21;
	s20 =	sand.u32 $0x1FFFFFFC, s12;
	v10 =	vor.u32 v22, v10;
	v21 =	vbroadcast v9, $0xC;
	s12 =	spop (v2sf);
	(v2sf) =	vpush v8, $0xC  }
0x34f: {  	s10 =	sadd.s32 s4, s10;
	v22 =	vbroadcast v9, $0xD;
	[tilespmem:$0x16290] =	vst v23;
	s17 =	sand.u32 $0x1FFFFFFC, s12;
	v23 =	vbroadcast v9, $0xE;
	(v2sf) =	vpush v8, $0xD  }
0x350: {  	v9 =	vbroadcast v9, $0xF;
	[hbm4b:s10+s5] =	stream.linear.scatter [tilespmem:s18], [sflag:$0x3], $0x20, $0x38;
	v24 =	vshll.u32 v21, $0x3;
	(v2sf) =	vpush v8, $0xE;
	[tilespmem:$0x16A00] =	vst v63  }
0x351: {  	v21 =	vand.u32 $0x7F, v21;
	v25 =	vshll.u32 v22, $0x3;
	v20 =	vld.idx.msk [tilespmem:v20+s16+$0x0], $0xffff;
	v24 =	vand.u32 $0xFFFFFC00, v24  }
0x352: {  	v26 =	vld.idx.msk [tilespmem:v12+s16+$0x0], $0xffff;
	v12 =	vor.u32 v21, v24;
	v21 =	vand.u32 $0xFFFFFC00, v25;
	v24 =	vshll.u32 v9, $0x3  }
0x353: {  	v22 =	vand.u32 $0x7F, v22;
	v27 =	vand.u32 $0x7F, v9;
	v25 =	vshll.u32 v23, $0x3;
	s10 =	spop (v2sf)  }
0x354: {  	v9 =	vand.u32 $0x7F, v23;
	v23 =	vand.u32 $0xFFFFFC00, v25;
	s19 =	sand.u32 $0x1FFFFFFC, s10;
	(v2sf) =	vpush v8, $0xF  }
0x355: {  	v25 =	vadd.s32 v3, v14;
	v9 =	vor.u32 v9, v23;
	v8 =	vand.u32 $0xFFFFFC00, v24;
	s10 =	spop (v2sf)  }
0x356: {  	v23 =	vadd.s32 v4, v14;
	v14 =	vor.u32 v22, v21;
	v8 =	vor.u32 v27, v8;
	s18 =	sand.u32 $0x1FFFFFFC, s10;
	s10 =	spop (v2sf)  }
0x357: {  	[tilespmem:$0x16300] =	vst v20;
	s10 =	sand.u32 $0x1FFFFFFC, s10  }
0x358: {  	s11 =	sadd.s32 s4, s11;
	[tilespmem:$0x16310] =	vst v26  }
0x359: {  	[hbm4b:s11+s5] =	stream.linear.scatter [tilespmem:s13], [sflag:$0x3], $0x20, $0x38;
	[tilespmem:$0x16A00] =	vst v63  }
0x35a: {  	v20 =	vld.idx.msk [tilespmem:v25+s16+$0x0], $0xffff;
	s11 =	spop (v2sf)  }
0x35b: {  	v21 =	vld.idx.msk [tilespmem:v23+s16+$0x0], $0xffff;
	s15 =	sand.u32 $0x1FFFFFFC, s11;
	_ =	sdelay $0x1  }
0x35c: {  	s11 =	spop (v2sf)  }
0x35d: {  	v22 =	vadd.s32 v3, v19;
	s13 =	sand.u32 $0x1FFFFFFC, s11;
	s11 =	spop (v2sf)  }
0x35e: {  	v19 =	vadd.s32 v4, v19;
	s12 =	sand.u32 $0x1FFFFFFC, s11;
	s11 =	spop (v2sf)  }
0x35f: {  	[tilespmem:$0x16380] =	vst v20;
	s11 =	sand.u32 $0x1FFFFFFC, s11  }
0x360: {  	s9 =	sadd.s32 s4, s9;
	[tilespmem:$0x16390] =	vst v21  }
0x361: {  	[hbm4b:s9+s5] =	stream.linear.scatter [tilespmem:s23], [sflag:$0x3], $0x20, $0x38;
	[tilespmem:$0x16A00] =	vst v63  }
0x362: {  	v20 =	vld.idx.msk [tilespmem:v22+s16+$0x0], $0xffff;
	s9 =	spop (v2sf)  }
0x363: {  	v19 =	vld.idx.msk [tilespmem:v19+s16+$0x0], $0xffff;
	s9 =	sand.u32 $0x1FFFFFFC, s9;
	_ =	sdelay $0x2  }
0x364: {  	v21 =	vadd.s32 v3, v18  }
0x365: {  	v18 =	vadd.s32 v4, v18  }
0x366: {  	[tilespmem:$0x16400] =	vst v20  }
0x367: {  	s22 =	sadd.s32 s4, s22;
	[tilespmem:$0x16410] =	vst v19  }
0x368: {  	[hbm4b:s22+s5] =	stream.linear.scatter [tilespmem:s24], [sflag:$0x3], $0x20, $0x38;
	[tilespmem:$0x16A00] =	vst v63  }
0x369: {  	v19 =	vld.idx.msk [tilespmem:v21+s16+$0x0], $0xffff  }
0x36a: {  	v18 =	vld.idx.msk [tilespmem:v18+s16+$0x0], $0xffff;
	_ =	sdelay $0x2  }
0x36b: {  	v20 =	vadd.s32 v3, v17  }
0x36c: {  	v17 =	vadd.s32 v4, v17  }
0x36d: {  	[tilespmem:$0x16480] =	vst v19  }
0x36e: {  	s21 =	sadd.s32 s4, s21;
	[tilespmem:$0x16490] =	vst v18  }
0x36f: {  	[hbm4b:s21+s5] =	stream.linear.scatter [tilespmem:s25], [sflag:$0x3], $0x20, $0x38;
	[tilespmem:$0x16A00] =	vst v63  }
0x370: {  	v18 =	vld.idx.msk [tilespmem:v20+s16+$0x0], $0xffff  }
0x371: {  	v17 =	vld.idx.msk [tilespmem:v17+s16+$0x0], $0xffff;
	_ =	sdelay $0x2  }
0x372: {  	v19 =	vadd.s32 v3, v16  }
0x373: {  	v16 =	vadd.s32 v4, v16  }
0x374: {  	[tilespmem:$0x16500] =	vst v18  }
0x375: {  	s20 =	sadd.s32 s4, s20;
	[tilespmem:$0x16510] =	vst v17  }
0x376: {  	[hbm4b:s20+s5] =	stream.linear.scatter [tilespmem:s26], [sflag:$0x3], $0x20, $0x38;
	[tilespmem:$0x16A00] =	vst v63  }
0x377: {  	s20 =	simm.s32 $0x16980  }
0x378: {  	v17 =	vld.idx.msk [tilespmem:v19+s16+$0x0], $0xffff  }
0x379: {  	v16 =	vld.idx.msk [tilespmem:v16+s16+$0x0], $0xffff;
	_ =	sdelay $0x2  }
0x37a: {  	v18 =	vadd.s32 v3, v15  }
0x37b: {  	v15 =	vadd.s32 v4, v15  }
0x37c: {  	[tilespmem:$0x16580] =	vst v17  }
0x37d: {  	s17 =	sadd.s32 s4, s17;
	[tilespmem:$0x16590] =	vst v16  }
0x37e: {  	[hbm4b:s17+s5] =	stream.linear.scatter [tilespmem:s28], [sflag:$0x3], $0x20, $0x38;
	[tilespmem:$0x16A00] =	vst v63  }
0x37f: {  	v16 =	vld.idx.msk [tilespmem:v18+s16+$0x0], $0xffff  }
0x380: {  	v15 =	vld.idx.msk [tilespmem:v15+s16+$0x0], $0xffff;
	_ =	sdelay $0x2  }
0x381: {  	v17 =	vadd.s32 v3, v13  }
0x382: {  	v13 =	vadd.s32 v4, v13  }
0x383: {  	[tilespmem:$0x16600] =	vst v16  }
0x384: {  	s17 =	sadd.s32 s4, s19;
	s19 =	simm.s32 $0x16900;
	[tilespmem:$0x16610] =	vst v15  }
0x385: {  	[hbm4b:s17+s5] =	stream.linear.scatter [tilespmem:s29], [sflag:$0x3], $0x20, $0x38;
	[tilespmem:$0x16A00] =	vst v63  }
0x386: {  	v15 =	vld.idx.msk [tilespmem:v17+s16+$0x0], $0xffff  }
0x387: {  	v13 =	vld.idx.msk [tilespmem:v13+s16+$0x0], $0xffff;
	_ =	sdelay $0x2  }
0x388: {  	v16 =	vadd.s32 v3, v11  }
0x389: {  	v11 =	vadd.s32 v4, v11  }
0x38a: {  	[tilespmem:$0x16680] =	vst v15  }
0x38b: {  	s17 =	sadd.s32 s4, s18;
	s18 =	simm.s32 $0x16280;
	[tilespmem:$0x16690] =	vst v13  }
0x38c: {  	[hbm4b:s17+s5] =	stream.linear.scatter [tilespmem:s30], [sflag:$0x3], $0x20, $0x38;
	[tilespmem:$0x16A00] =	vst v63  }
0x38d: {  	s17 =	simm.s32 $0x16880  }
0x38e: {  	v13 =	vld.idx.msk [tilespmem:v16+s16+$0x0], $0xffff  }
0x38f: {  	v11 =	vld.idx.msk [tilespmem:v11+s16+$0x0], $0xffff;
	_ =	sdelay $0x2  }
0x390: {  	v15 =	vadd.s32 v3, v10  }
0x391: {  	v10 =	vadd.s32 v4, v10  }
0x392: {  	[tilespmem:$0x16700] =	vst v13  }
0x393: {  	s10 =	sadd.s32 s4, s10;
	[tilespmem:$0x16710] =	vst v11  }
0x394: {  	[hbm4b:s10+s5] =	stream.linear.scatter [tilespmem:s31], [sflag:$0x3], $0x20, $0x38;
	[tilespmem:$0x16A00] =	vst v63  }
0x395: {  	v11 =	vld.idx.msk [tilespmem:v15+s16+$0x0], $0xffff  }
0x396: {  	v10 =	vld.idx.msk [tilespmem:v10+s16+$0x0], $0xffff;
	_ =	sdelay $0x2  }
0x397: {  	v13 =	vadd.s32 v3, v12  }
0x398: {  	v12 =	vadd.s32 v4, v12  }
0x399: {  	[tilespmem:$0x16780] =	vst v11  }
0x39a: {  	s10 =	sadd.s32 s4, s15;
	s15 =	simm.s32 $0x16200;
	[tilespmem:$0x16790] =	vst v10  }
0x39b: {  	[hbm4b:s10+s5] =	stream.linear.scatter [tilespmem:s3], [sflag:$0x3], $0x20, $0x38;
	[tilespmem:$0x16A00] =	vst v63  }
0x39c: {  	v10 =	vld.idx.msk [tilespmem:v13+s16+$0x0], $0xffff  }
0x39d: {  	v11 =	vld.idx.msk [tilespmem:v12+s16+$0x0], $0xffff;
	_ =	sdelay $0x2  }
0x39e: {  	v12 =	vadd.s32 v3, v14  }
0x39f: {  	v13 =	vadd.s32 v4, v14  }
0x3a0: {  	[tilespmem:$0x16800] =	vst v10  }
0x3a1: {  	s10 =	sadd.s32 s4, s13;
	s13 =	simm.s32 $0x16300;
	[tilespmem:$0x16810] =	vst v11  }
0x3a2: {  	[hbm4b:s10+s5] =	stream.linear.scatter [tilespmem:s0], [sflag:$0x3], $0x20, $0x38;
	[tilespmem:$0x16A00] =	vst v63  }
0x3a3: {  	v10 =	vld.idx.msk [tilespmem:v12+s16+$0x0], $0xffff  }
0x3a4: {  	v11 =	vld.idx.msk [tilespmem:v13+s16+$0x0], $0xffff;
	_ =	sdelay $0x2  }
0x3a5: {  	v12 =	vadd.s32 v3, v9  }
0x3a6: {  	v9 =	vadd.s32 v4, v9  }
0x3a7: {  	[tilespmem:$0x16880] =	vst v10  }
0x3a8: {  	s10 =	sadd.s32 s4, s12;
	[tilespmem:$0x16890] =	vst v11  }
0x3a9: {  	[hbm4b:s10+s5] =	stream.linear.scatter [tilespmem:s17], [sflag:$0x3], $0x20, $0x38;
	[tilespmem:$0x16A00] =	vst v63  }
0x3aa: {  	v10 =	vld.idx.msk [tilespmem:v12+s16+$0x0], $0xffff  }
0x3ab: {  	v9 =	vld.idx.msk [tilespmem:v9+s16+$0x0], $0xffff;
	_ =	sdelay $0x2  }
0x3ac: {  	v11 =	vadd.s32 v3, v8  }
0x3ad: {  	v8 =	vadd.s32 v4, v8  }
0x3ae: {  	[tilespmem:$0x16900] =	vst v10  }
0x3af: {  	s10 =	sadd.s32 s4, s11;
	[tilespmem:$0x16910] =	vst v9  }
0x3b0: {  	[hbm4b:s10+s5] =	stream.linear.scatter [tilespmem:s19], [sflag:$0x3], $0x20, $0x38;
	[tilespmem:$0x16A00] =	vst v63  }
0x3b1: {  	v9 =	vld.idx.msk [tilespmem:v11+s16+$0x0], $0xffff  }
0x3b2: {  	v8 =	vld.idx.msk [tilespmem:v8+s16+$0x0], $0xffff;
	_ =	sdelay $0x4  }
0x3b3: {  	s9 =	sadd.s32 s4, s9;
	[tilespmem:$0x16980] =	vst v9  }
0x3b4: {  	[tilespmem:$0x16990] =	vst v8  }
0x3b5: {  	[hbm4b:s9+s5] =	stream.linear.scatter [tilespmem:s20], [sflag:$0x3], $0x20, $0x38;
	[tilespmem:$0x16A00] =	vst v63  }
0x3b6: {  	_ =	swait.ge [sflag:s1], $0x20  }
0x3b7: {  	[sflag:s1] =	ssyncset.done $0x0  }
0x3b8: {  	[sflag:s1] =	ssyncadd.s32 $0xFFFFFFE0  }
0x3b9: {  	_ =	swait.ge [sflag:s1], $0x20  }
0x3ba: {  	[sflag:s1] =	ssyncset.done $0x0  }
0x3bb: {  	[sflag:s1] =	ssyncadd.s32 $0xFFFFFFE0  }
0x3bc: {  	_ =	swait.ge [sflag:s1], $0x20  }
0x3bd: {  	[sflag:s1] =	ssyncset.done $0x0  }
0x3be: {  	[sflag:s1] =	ssyncadd.s32 $0xFFFFFFE0  }
0x3bf: {  	_ =	swait.ge [sflag:s1], $0x20  }
0x3c0: {  	[sflag:s1] =	ssyncset.done $0x0  }
0x3c1: {  	[sflag:s1] =	ssyncadd.s32 $0xFFFFFFE0  }
0x3c2: {  	_ =	swait.ge [sflag:s1], $0x20  }
0x3c3: {  	[sflag:s1] =	ssyncset.done $0x0  }
0x3c4: {  	[sflag:s1] =	ssyncadd.s32 $0xFFFFFFE0  }
0x3c5: {  	_ =	swait.ge [sflag:s1], $0x20  }
0x3c6: {  	[sflag:s1] =	ssyncset.done $0x0  }
0x3c7: {  	[sflag:s1] =	ssyncadd.s32 $0xFFFFFFE0  }
0x3c8: {  	_ =	swait.ge [sflag:s1], $0x20  }
0x3c9: {  	[sflag:s1] =	ssyncset.done $0x0  }
0x3ca: {  	[sflag:s1] =	ssyncadd.s32 $0xFFFFFFE0  }
0x3cb: {  	_ =	swait.ge [sflag:s1], $0x20  }
0x3cc: {  	[sflag:s1] =	ssyncset.done $0x0  }
.Ltmp19:
0x3cd: {  	[sflag:s1] =	ssyncadd.s32 $0xFFFFFFE0;
	(pc) =	sbr.rel @p1 .LBB2_26-.Ltmp19, $4  }
0x3ce: {  	_ =	swait.ge [sflag:s1], $0x20  }
0x3cf: {  	[sflag:s1] =	ssyncset.done $0x0  }
0x3d0: {  	[sflag:s1] =	ssyncadd.s32 $0xFFFFFFE0  }
0x3d1: {  	s7 =	sadd.s32 $0x10, s7;
	_ =	swait.ge [sflag:s1], $0x20  }
.Ltmp20:
0x3d2: {  	_ = 	snop;
	(pc) =	sbr.rel .LBB2_27-.Ltmp20, $1  }
0x3d3: {  	_ =	sdelay $0x3  }
.LBB2_6:
.Ltmp21:
0x3d4: {  	(pc) =	sbr.rel .LBB2_11-.Ltmp21, $2  }
0x3d5: {  	_ =	sdelay $0x2  }
0x3d6: {  	s10 =	simm.s32 $0x0;
	s8 =	simm.s32 $0x14880;
	s9 =	simm.s32 $0x0  }
.LBB2_19:
.Ltmp22:
0x3d7: {  	(pc) =	sbr.rel .LBB2_23-.Ltmp22, $2  }
0x3d8: {  	_ =	sdelay $0x2  }
0x3d9: {  	s9 =	simm.s32 $0x0;
	s7 =	simm.s32 $0x14880;
	s8 =	simm.s32 $0x0  }
.LBB2_8:
.Ltmp23:
0x3da: {  	(pc) =	sbr.rel .LBB2_11-.Ltmp23, $3  }
0x3db: {  	_ =	sdelay $0x1  }
0x3dc: {  	s10 =	simm.s32 $0x0  }
0x3dd: {  	s8 =	simm.s32 $0x14880;
	s9 =	simm.s32 $0x0;
	s13 =	simm.s32 $0x16300  }
.LBB2_21:
.Ltmp24:
0x3de: {  	(pc) =	sbr.rel .LBB2_23-.Ltmp24, $2  }
0x3df: {  	_ =	sdelay $0x2  }
0x3e0: {  	s9 =	simm.s32 $0x0;
	s7 =	simm.s32 $0x14880;
	s8 =	simm.s32 $0x0  }
.LBB2_30:
0x3e1: {  	_ =	sfence.sel $0x180000  }
0x3e2: {  	[bflag:$0x0] =	sbarrier.arrive $0xFFFF  }
0x3e3: {  	_ =	strace $0x90000047  }
0x3e4: {  	s0 =	stileid.u32;
	[bflag:$0x2] =	sbarrier.arrive $0xFFFF  }
0x3e5: {  	p0 =	sne.s32 s0, $0x0;
	s0 =	rddreg [dreg:$0x3]  }
0x3e6: {  	s0 =	sadd.s32 @!p0 $0x100000, s0  }
0x3e7: {  	[sflag:s0] =	ssyncadd.tile.s32 @!p0 $0x1;
	_ =	shalt  }
.Lfunc_end2:
_tile_overlayer_lowered:
.L_overlay_start_2:
0x3e8: {  	(tag) =	ssettag $0x2  }
0x3e9: {  	s0 =	rddreg [dreg:$0x0];
	s2 =	stileid.u32  }
0x3ea: {  	s1 =	rddreg [dreg:$0x1];
	p0 =	sne.s32 s2, $0x0  }
0x3eb: {  	s3 =	rddreg [dreg:$0x2];
	[bflag:$0x3] =	sbarrier.arrive $0xFFFF;
	s2 =	simm.s32 @!p0 $0x1C04  }
0x3ec: {  	[timem:s3], [sflag:s2] =	dma.local @!p0 [hbm:s0], s1  }
0x3ed: {  	s0 =	simm.s32 @!p0 $0x4  }
0x3ee: {  	_ =	swait.ge @!p0 [sflag:s0], s1  }
0x3ef: {  	s1 =	ssub.s32 @!p0 $0x0, s1;
	[sflag:s0] =	ssyncset.done @!p0 $0x0  }
0x3f0: {  	[sflag:s0] =	ssyncadd.s32 @!p0 s1  }
0x3f1: {  	[bflag:$0x3] =	sbarrier.arrive $0xFFFF  }
0x3f2: {  	_ =	shalt  }

</sc_bundles>
